<compile_context>
chip_gen: v7x
topology: tpu7x:2x2x1
jax: 0.10.2.dev20260603
libtpu: 0.0.44.dev20260713+nightly
codegen_flags: <defaults>
</compile_context>

<pallas_src>
import functools

import jax
import jax.numpy as jnp
import numpy as np
from jax import lax
from jax.experimental import pallas as pl
from jax.experimental.pallas import tpu as pltpu
from jax.experimental.pallas import tpu_sc as plsc

N = 10000
E = 320000
H = 128
HH = H // 2
NGAUSS = 10
NGRAPH = 64
CUTOFF = 10.0

NC = 2
NS = 16
LANES = 16

_MESH = plsc.VectorSubcoreMesh(
    core_axis_name="c", subcore_axis_name="s", num_cores=NC, num_subcores=NS
)
_SC_PARAMS = pltpu.CompilerParams(needs_layout_passes=False,
                                  use_tc_tiling_on_sc=False)

_STEP = np.float32(CUTOFF / (NGAUSS - 1))
_COEFF = np.float32(-0.5) / _STEP**2
_LOG2 = np.float32(np.log(2.0))


def _ssp(x):
    return jnp.maximum(x, 0.0) + jnp.log1p(jnp.exp(-jnp.abs(x))) - _LOG2



EPW = E // (NC * NS)


def _dist2_body(px_h, py_h, pz_h, src_h, dst_h, out_h, px, py, pz, sv, dv, ov):
    c = lax.axis_index("c")
    s = lax.axis_index("s")
    wid = s * NC + c
    base = wid * EPW
    pltpu.sync_copy(px_h, px)
    pltpu.sync_copy(py_h, py)
    pltpu.sync_copy(pz_h, pz)
    pltpu.sync_copy(src_h.at[pl.ds(base, EPW)], sv)
    pltpu.sync_copy(dst_h.at[pl.ds(base, EPW)], dv)

    def body(i, carry):
        si = sv[pl.ds(i * LANES, LANES)]
        di = dv[pl.ds(i * LANES, LANES)]
        dx = plsc.load_gather(px, [si]) - plsc.load_gather(px, [di])
        dy = plsc.load_gather(py, [si]) - plsc.load_gather(py, [di])
        dz = plsc.load_gather(pz, [si]) - plsc.load_gather(pz, [di])
        ov[pl.ds(i * LANES, LANES)] = dx * dx + dy * dy + dz * dz
        return carry

    lax.fori_loop(0, EPW // LANES, body, 0)
    pltpu.sync_copy(ov, out_h.at[pl.ds(base, EPW)])


_dist2 = pl.kernel(
    _dist2_body,
    out_type=jax.ShapeDtypeStruct((E,), jnp.float32),
    mesh=_MESH,
    compiler_params=_SC_PARAMS,
    scratch_types=[
        pltpu.VMEM((N,), jnp.float32),
        pltpu.VMEM((N,), jnp.float32),
        pltpu.VMEM((N,), jnp.float32),
        pltpu.VMEM((EPW,), jnp.int32),
        pltpu.VMEM((EPW,), jnp.int32),
        pltpu.VMEM((EPW,), jnp.float32),
    ],
)



K = 80
EPT = E // (2 * NS)
NCHUNK = EPT // K
RPT = N // NS
ZR = 25


def _agg_body(xl_h, wf_h, src_h, dst_h, agg0_h, agg1_h,
              agg_s, sv, dv, gv, wv, zv,
              sem_is, sem_id, sem_g, sem_w):
    c = lax.axis_index("c")
    s = lax.axis_index("s")
    row0 = s * RPT
    base = c * (E // 2) + s * EPT

    def zbody(i, carry):
        zero = jnp.zeros((LANES,), jnp.float32)
        for j in range(H // LANES):
            zv[i, pl.ds(j * LANES, LANES)] = zero
        return carry

    lax.fori_loop(0, ZR, zbody, 0)
    for r in range(RPT // ZR):
        pltpu.sync_copy(zv, agg_s.at[pl.ds(row0 + r * ZR, ZR), :])
    plsc.subcore_barrier()

    def issue_idx(t, b):
        e0 = base + t * K
        pltpu.async_copy(src_h.at[pl.ds(e0, K)], sv.at[b], sem_is.at[b])
        pltpu.async_copy(dst_h.at[pl.ds(e0, K)], dv.at[b], sem_id.at[b])

    def wait_idx(t, b):
        e0 = base + t * K
        pltpu.make_async_copy(src_h.at[pl.ds(e0, K)], sv.at[b],
                              sem_is.at[b]).wait()
        pltpu.make_async_copy(dst_h.at[pl.ds(e0, K)], dv.at[b],
                              sem_id.at[b]).wait()

    def issue_fetch(t, b):
        e0 = base + t * K
        pltpu.async_copy(xl_h.at[sv.at[b]], gv.at[b], sem_g.at[b])
        pltpu.async_copy(wf_h.at[pl.ds(e0, K), :], wv.at[b], sem_w.at[b])

    def wait_fetch(t, b):
        e0 = base + t * K
        pltpu.make_async_copy(xl_h.at[sv.at[b]], gv.at[b], sem_g.at[b]).wait()
        pltpu.make_async_copy(wf_h.at[pl.ds(e0, K), :], wv.at[b],
                              sem_w.at[b]).wait()

    def compute_scatter(b):
        def mul(i, c2):
            for j2 in range(H // LANES):
                sl = pl.ds(j2 * LANES, LANES)
                gv[b, i, sl] = gv[b, i, sl] * wv[b, i, sl]
            return c2

        lax.fori_loop(0, K, mul, 0)
        pltpu.sync_copy(gv.at[b], agg_s.at[dv.at[b]], add=True)

    issue_idx(0, 0)
    issue_idx(1, 1)
    wait_idx(0, 0)
    issue_fetch(0, 0)

    def step(u, carry):
        for b, toff in ((0, 0), (1, 1)):
            t = 2 * u + toff
            wait_idx(t + 1, 1 - b)
            issue_fetch(t + 1, 1 - b)
            wait_fetch(t, b)
            compute_scatter(b)
            issue_idx(t + 2, b)
        return carry

    lax.fori_loop(0, NCHUNK // 2, step, 0)
    tlast = NCHUNK - 1
    wait_fetch(tlast, 0)
    compute_scatter(0)
    wait_idx(tlast + 1, 1)

    plsc.subcore_barrier()

    @pl.when(c == 0)
    def _():
        pltpu.sync_copy(agg_s.at[pl.ds(row0, RPT), :],
                        agg0_h.at[pl.ds(row0, RPT), :])

    @pl.when(c == 1)
    def _():
        pltpu.sync_copy(agg_s.at[pl.ds(row0, RPT), :],
                        agg1_h.at[pl.ds(row0, RPT), :])


_agg = pl.kernel(
    _agg_body,
    out_type=(
        jax.ShapeDtypeStruct((N, H), jnp.float32),
        jax.ShapeDtypeStruct((N, H), jnp.float32),
    ),
    mesh=_MESH,
    compiler_params=_SC_PARAMS,
    scratch_types=[
        pltpu.VMEM_SHARED((N, H), jnp.float32),
        pltpu.VMEM((2, K), jnp.int32),
        pltpu.VMEM((2, K), jnp.int32),
        pltpu.VMEM((2, K, H), jnp.float32),
        pltpu.VMEM((2, K, H), jnp.float32),
        pltpu.VMEM((ZR, H), jnp.float32),
        pltpu.SemaphoreType.DMA((2,)),
        pltpu.SemaphoreType.DMA((2,)),
        pltpu.SemaphoreType.DMA((2,)),
        pltpu.SemaphoreType.DMA((2,)),
    ],
)



EP = 327680
TE = 2048
TB = TE // 128
GE = EP // TE
ER = EP // 128
TN = 2000
GN = N // TN


def _filter_body(d2_ref, mw1_ref, mb1_ref, mw2_ref, mb2_ref, wf_ref):
    d2d = d2_ref[...]
    distd = jnp.sqrt(d2d + 1e-12)
    cenvd = 0.5 * (jnp.cos(distd * jnp.pi / CUTOFF) + 1.0)
    offc = (lax.broadcasted_iota(jnp.int32, (NGAUSS, 128), 0)
            .astype(jnp.float32) * _STEP)
    mw1 = mw1_ref[...]
    rows = []
    for r in range(TB):
        distb = jnp.broadcast_to(distd[r:r + 1, :], (NGAUSS, 128))
        rbf_r = jnp.exp(_COEFF * (distb - offc) ** 2)
        t_r = lax.dot_general(rbf_r, mw1, (((0,), (0,)), ((), ())),
                              preferred_element_type=jnp.float32)
        rows.append(t_r[None])
    t = jnp.concatenate(rows, axis=0)
    cenv3 = jnp.broadcast_to(cenvd[:, :, None], (TB, 128, H))
    s = _ssp(t + mb1_ref[...].reshape(1, 1, H)) * cenv3
    wf = jnp.dot(s.reshape(TE, H), mw2_ref[...],
                 preferred_element_type=jnp.float32)
    wf = wf + (cenv3 * mb2_ref[...].reshape(1, 1, H)).reshape(TE, H)
    wf_ref[...] = wf


_filter = pl.pallas_call(
    _filter_body,
    grid=(GE,),
    in_specs=[
        pl.BlockSpec((TB, 128), lambda i: (i, 0)),
        pl.BlockSpec((NGAUSS, H), lambda i: (0, 0)),
        pl.BlockSpec((1, H), lambda i: (0, 0)),
        pl.BlockSpec((H, H), lambda i: (0, 0)),
        pl.BlockSpec((1, H), lambda i: (0, 0)),
    ],
    out_specs=pl.BlockSpec((TE, H), lambda i: (i, 0)),
    out_shape=jax.ShapeDtypeStruct((EP, H), jnp.float32),
)


def _embed_body(z_ref, emb_ref, l1w_ref, h_ref, xl_ref):
    z = z_ref[...]
    oh = (z == lax.broadcasted_iota(jnp.int32, (TN, 100), 1)).astype(jnp.float32)
    h = jnp.dot(oh, emb_ref[...], preferred_element_type=jnp.float32)
    xl = jnp.dot(h, l1w_ref[...], preferred_element_type=jnp.float32)
    h_ref[...] = h
    xl_ref[...] = xl


_embed = pl.pallas_call(
    _embed_body,
    grid=(GN,),
    in_specs=[
        pl.BlockSpec((TN, 1), lambda i: (i, 0)),
        pl.BlockSpec((100, H), lambda i: (0, 0)),
        pl.BlockSpec((H, H), lambda i: (0, 0)),
    ],
    out_specs=[
        pl.BlockSpec((TN, H), lambda i: (i, 0)),
        pl.BlockSpec((TN, H), lambda i: (i, 0)),
    ],
    out_shape=[
        jax.ShapeDtypeStruct((N, H), jnp.float32),
        jax.ShapeDtypeStruct((N, H), jnp.float32),
    ],
)


def _update_body(agga_ref, aggb_ref, h_ref, l2w_ref, l2b_ref, lw_ref, lb_ref,
                 l1wn_ref, hn_ref, xl_ref):
    agg = agga_ref[...] + aggb_ref[...]
    x = jnp.dot(agg, l2w_ref[...], preferred_element_type=jnp.float32)
    x = _ssp(x + l2b_ref[...])
    x = jnp.dot(x, lw_ref[...], preferred_element_type=jnp.float32) + lb_ref[...]
    hn = h_ref[...] + x
    xl = jnp.dot(hn, l1wn_ref[...], preferred_element_type=jnp.float32)
    hn_ref[...] = hn
    xl_ref[...] = xl


_update = pl.pallas_call(
    _update_body,
    grid=(GN,),
    in_specs=[
        pl.BlockSpec((TN, H), lambda i: (i, 0)),
        pl.BlockSpec((TN, H), lambda i: (i, 0)),
        pl.BlockSpec((TN, H), lambda i: (i, 0)),
        pl.BlockSpec((H, H), lambda i: (0, 0)),
        pl.BlockSpec((1, H), lambda i: (0, 0)),
        pl.BlockSpec((H, H), lambda i: (0, 0)),
        pl.BlockSpec((1, H), lambda i: (0, 0)),
        pl.BlockSpec((H, H), lambda i: (0, 0)),
    ],
    out_specs=[
        pl.BlockSpec((TN, H), lambda i: (i, 0)),
        pl.BlockSpec((TN, H), lambda i: (i, 0)),
    ],
    out_shape=[
        jax.ShapeDtypeStruct((N, H), jnp.float32),
        jax.ShapeDtypeStruct((N, H), jnp.float32),
    ],
)


def _final_body(agga_ref, aggb_ref, h_ref, batch_ref, l2w_ref, l2b_ref, lw_ref,
                lb_ref, fl1w_ref, fl1b_ref, fl2w_ref, fl2b_ref, pw_ref, pb_ref,
                out_ref):
    i = pl.program_id(0)
    agg = agga_ref[...] + aggb_ref[...]
    x = jnp.dot(agg, l2w_ref[...], preferred_element_type=jnp.float32)
    x = _ssp(x + l2b_ref[...])
    x = jnp.dot(x, lw_ref[...], preferred_element_type=jnp.float32) + lb_ref[...]
    h2 = h_ref[...] + x
    hf = _ssp(jnp.dot(h2, fl1w_ref[...], preferred_element_type=jnp.float32)
              + fl1b_ref[...])
    hf = jnp.dot(hf, fl2w_ref[...], preferred_element_type=jnp.float32)
    hf = hf + fl2b_ref[...]
    hp = jnp.dot(hf, pw_ref[...], preferred_element_type=jnp.float32)
    oh = (batch_ref[...] == lax.broadcasted_iota(jnp.int32, (TN, NGRAPH), 1))
    part = lax.dot_general(oh.astype(jnp.float32), hp,
                           (((0,), (0,)), ((), ())),
                           preferred_element_type=jnp.float32)

    @pl.when(i == 0)
    def _():
        out_ref[...] = part + pb_ref[...]

    @pl.when(i > 0)
    def _():
        out_ref[...] = out_ref[...] + part


_final = pl.pallas_call(
    _final_body,
    grid=(GN,),
    in_specs=[
        pl.BlockSpec((TN, H), lambda i: (i, 0)),
        pl.BlockSpec((TN, H), lambda i: (i, 0)),
        pl.BlockSpec((TN, H), lambda i: (i, 0)),
        pl.BlockSpec((TN, 1), lambda i: (i, 0)),
        pl.BlockSpec((H, H), lambda i: (0, 0)),
        pl.BlockSpec((1, H), lambda i: (0, 0)),
        pl.BlockSpec((H, H), lambda i: (0, 0)),
        pl.BlockSpec((1, H), lambda i: (0, 0)),
        pl.BlockSpec((H, HH), lambda i: (0, 0)),
        pl.BlockSpec((1, HH), lambda i: (0, 0)),
        pl.BlockSpec((HH, H), lambda i: (0, 0)),
        pl.BlockSpec((1, H), lambda i: (0, 0)),
        pl.BlockSpec((H, 1), lambda i: (0, 0)),
        pl.BlockSpec((1, 1), lambda i: (0, 0)),
    ],
    out_specs=pl.BlockSpec((NGRAPH, 1), lambda i: (0, 0)),
    out_shape=jax.ShapeDtypeStruct((NGRAPH, 1), jnp.float32),
)


def kernel(z, pos, batch, edge_index, emb, mw1_0, mb1_0, mw2_0, mb2_0, l1w_0,
           l2w_0, l2b_0, lw_0, lb_0, mw1_1, mb1_1, mw2_1, mb2_1, l1w_1, l2w_1,
           l2b_1, lw_1, lb_1, fl1w, fl1b, fl2w, fl2b, pw, pb):
    src = edge_index[0]
    dst = edge_index[1]
    srcp = jnp.pad(src, (0, 2 * K))
    dstp = jnp.pad(dst, (0, 2 * K))
    posx = pos[:, 0]
    posy = pos[:, 1]
    posz = pos[:, 2]
    z2 = z.reshape(N, 1).astype(jnp.int32)
    batch2 = batch.reshape(N, 1).astype(jnp.int32)

    d2 = _dist2(posx, posy, posz, src, dst)
    d2r = jnp.pad(d2, (0, EP - E)).reshape(ER, 128)
    wf0 = _filter(d2r, mw1_0, mb1_0.reshape(1, H), mw2_0, mb2_0.reshape(1, H))
    wf1 = _filter(d2r, mw1_1, mb1_1.reshape(1, H), mw2_1, mb2_1.reshape(1, H))
    h0, xl0 = _embed(z2, emb, l1w_0)
    agg0a, agg0b = _agg(xl0, wf0, srcp, dstp)
    h1, xl1 = _update(agg0a, agg0b, h0, l2w_0, l2b_0.reshape(1, H), lw_0,
                      lb_0.reshape(1, H), l1w_1)
    agg1a, agg1b = _agg(xl1, wf1, srcp, dstp)
    out = _final(agg1a, agg1b, h1, batch2, l2w_1, l2b_1.reshape(1, H),
                 lw_1, lb_1.reshape(1, H), fl1w, fl1b.reshape(1, HH), fl2w,
                 fl2b.reshape(1, H), pw, pb.reshape(1, 1))
    return out

# --- scband reference (transcript-rebuilt; emitter-appended) ---
"""Pipeline reference for scband-sch-net-only-model-34866544509062 (READ-ONLY COPY).

The authoritative reference and input builder live on the scoring server;
editing this copy changes nothing except your own understanding.
"""

import jax, jax.numpy as jnp
import numpy as np

N = 10000
E = 320000
H = 128
NGAUSS = 10
NGRAPH = 64
CUTOFF = 10.0


def ssp(x):
    return jax.nn.softplus(x) - jnp.log(2.0)


def setup_inputs(seed: int = 0):
    key = jax.random.key(seed)
    k = lambda i: jax.random.fold_in(key, i)
    w = lambda i, s: jax.random.normal(k(i), s, dtype=jnp.float32) * 0.05
    inp = {}
    inp["z"] = jax.random.randint(k(0), (N,), 0, 100)
    inp["pos"] = jax.random.normal(k(1), (N, 3), dtype=jnp.float32) * 3.0
    inp["batch"] = jnp.sort(jax.random.randint(k(2), (N,), 0, NGRAPH))
    inp["edge_index"] = jax.random.randint(k(3), (2, E), 0, N)
    inp["emb"] = w(4, (100, H))
    i = 5
    for b in range(2):
        inp[f"mw1_{b}"] = w(i, (NGAUSS, H)); i += 1
        inp[f"mb1_{b}"] = jnp.zeros((H,), jnp.float32)
        inp[f"mw2_{b}"] = w(i, (H, H)); i += 1
        inp[f"mb2_{b}"] = jnp.zeros((H,), jnp.float32)
        inp[f"l1w_{b}"] = w(i, (H, H)); i += 1
        inp[f"l2w_{b}"] = w(i, (H, H)); i += 1
        inp[f"l2b_{b}"] = jnp.zeros((H,), jnp.float32)
        inp[f"lw_{b}"] = w(i, (H, H)); i += 1
        inp[f"lb_{b}"] = jnp.zeros((H,), jnp.float32)
    inp["fl1w"] = w(i, (H, H // 2)); i += 1
    inp["fl1b"] = jnp.zeros((H // 2,), jnp.float32)
    inp["fl2w"] = w(i, (H // 2, H)); i += 1
    inp["fl2b"] = jnp.zeros((H,), jnp.float32)
    inp["pw"] = w(i, (H, 1)); i += 1
    inp["pb"] = jnp.zeros((1,), jnp.float32)
    return inp


def _forward(z, batch, edge_index, pos, emb, blocks, fl1w, fl1b, fl2w, fl2b, pw, pb):
    src = edge_index[0]
    dst = edge_index[1]
    d = pos[src] - pos[dst]
    dist = jnp.sqrt(jnp.sum(d * d, axis=1) + 1e-12)
    offset = jnp.linspace(0.0, CUTOFF, NGAUSS)
    coeff = -0.5 / (offset[1] - offset[0]) ** 2
    rbf = jnp.exp(coeff * (dist[:, None] - offset[None, :]) ** 2)
    C = 0.5 * (jnp.cos(dist * jnp.pi / CUTOFF) + 1.0)
    h = emb[z]
    for (mw1, mb1, mw2, mb2, l1w, l2w, l2b, lw, lb) in blocks:
        Wf = ssp(rbf @ mw1 + mb1) @ mw2 + mb2
        Wf = Wf * C[:, None]
        xl = h @ l1w
        msg = xl[src] * Wf
        agg = jax.ops.segment_sum(msg, dst, num_segments=h.shape[0])
        x = agg @ l2w + l2b
        x = ssp(x)
        x = x @ lw + lb
        h = h + x
    h = ssp(h @ fl1w + fl1b)
    h = h @ fl2w + fl2b
    g = jax.ops.segment_sum(h, batch, num_segments=NGRAPH)
    return g @ pw + pb


def reference(z, pos, batch, edge_index, emb, mw1_0, mb1_0, mw2_0, mb2_0, l1w_0, l2w_0, l2b_0, lw_0, lb_0, mw1_1, mb1_1, mw2_1, mb2_1, l1w_1, l2w_1, l2b_1, lw_1, lb_1, fl1w, fl1b, fl2w, fl2b, pw, pb):
    blocks = [
        (mw1_0, mb1_0, mw2_0, mb2_0, l1w_0, l2w_0, l2b_0, lw_0, lb_0),
        (mw1_1, mb1_1, mw2_1, mb2_1, l1w_1, l2w_1, l2b_1, lw_1, lb_1),
    ]
    return _forward(z, batch, edge_index, pos, emb, blocks, fl1w, fl1b, fl2w, fl2b, pw, pb)

if __name__ == "__main__":
    import jax
    _d = setup_inputs()
    print(jax.jit(kernel)(*tuple(_d.values())))

</pallas_src>

<mosaic_0001>
#map = affine_map<(d0, d1) -> (0, 0)>
#map1 = affine_map<(d0, d1) -> (0)>
module attributes {stable_mosaic.version = 14 : i64} {
  func.func @_agg_body(%arg0: i32, %arg1: i32, %arg2: memref<10000x128xf32, #tpu.memory_space<hbm>>, %arg3: memref<327680x128xf32, #tpu.memory_space<hbm>>, %arg4: memref<320160xi32, #tpu.memory_space<hbm>>, %arg5: memref<320160xi32, #tpu.memory_space<hbm>>, %arg6: memref<10000x128xf32, #tpu.memory_space<hbm>>, %arg7: memref<10000x128xf32, #tpu.memory_space<hbm>>, %arg8: memref<10000x128xf32, #tpu.memory_space<vmem_shared>>, %arg9: memref<2x80xi32, #tpu.memory_space<vmem>>, %arg10: memref<2x80xi32, #tpu.memory_space<vmem>>, %arg11: memref<2x80x128xf32, #tpu.memory_space<vmem>>, %arg12: memref<2x80x128xf32, #tpu.memory_space<vmem>>, %arg13: memref<25x128xf32, #tpu.memory_space<vmem>>, %arg14: memref<2x!tpu.dma_semaphore, #tpu.memory_space<semaphore_mem>>, %arg15: memref<2x!tpu.dma_semaphore, #tpu.memory_space<semaphore_mem>>, %arg16: memref<2x!tpu.dma_semaphore, #tpu.memory_space<semaphore_mem>>, %arg17: memref<2x!tpu.dma_semaphore, #tpu.memory_space<semaphore_mem>>) attributes {dimension_semantics = [#tpu.dimension_semantics<core_parallel>, #tpu.dimension_semantics<subcore_parallel>], iteration_bounds = array<i64: 2, 16>, scalar_prefetch = 0 : i64, scratch_operands = 10 : i64, tpu.core_type = #tpu.core_type<sc_vector_subcore>, window_params = [{transform_indices = #map}, {transform_indices = #map}, {transform_indices = #map1}, {transform_indices = #map1}, {transform_indices = #map}, {transform_indices = #map}]} {
    %mul3A = arith.constant 625 : i32
    %mul3A_0 = arith.muli %arg1, %mul3A : i32
    %mul3A_1 = arith.constant 160000 : i32
    %mul3A_2 = arith.muli %arg0, %mul3A_1 : i32
    %mul3A_3 = arith.constant 10000 : i32
    %mul3A_4 = arith.muli %arg1, %mul3A_3 : i32
    %add3A = arith.addi %mul3A_2, %mul3A_4 : i32
    %scan3A = arith.constant 0 : i32
    %scan3A_5 = arith.constant 0 : i32
    %scan3A_6 = arith.constant 25 : i32
    %scan3A_7 = arith.addi %scan3A_5, %scan3A_6 : i32
    %scan3A_8 = arith.constant 1 : i32
    scf.for %scan3A_249 = %scan3A_5 to %scan3A_7 step %scan3A_8  : i32 {
      %broadcast_in_dim3A = arith.constant 0.000000e+00 : f32
      %broadcast_in_dim3A_250 = vector.broadcast %broadcast_in_dim3A : f32 to vector<16xf32>
      %swap3A = arith.index_cast %scan3A_249 : i32 to index
      %swap3A_251 = arith.constant 0 : index
      %swap3A_252 = tpu.vector_load %arg13[%swap3A, %swap3A_251] {strides = array<i32>} : memref<25x128xf32, #tpu.memory_space<vmem>>, vector<16xf32>,
      tpu.vector_store %arg13[%swap3A, %swap3A_251], %broadcast_in_dim3A_250 {strides = array<i32>} : memref<25x128xf32, #tpu.memory_space<vmem>>, vector<16xf32>,
      %swap3A_253 = arith.index_cast %scan3A_249 : i32 to index
      %swap3A_254 = arith.constant 16 : index
      %swap3A_255 = tpu.vector_load %arg13[%swap3A_253, %swap3A_254] {strides = array<i32>} : memref<25x128xf32, #tpu.memory_space<vmem>>, vector<16xf32>,
      tpu.vector_store %arg13[%swap3A_253, %swap3A_254], %broadcast_in_dim3A_250 {strides = array<i32>} : memref<25x128xf32, #tpu.memory_space<vmem>>, vector<16xf32>,
      %swap3A_256 = arith.index_cast %scan3A_249 : i32 to index
      %swap3A_257 = arith.constant 32 : index
      %swap3A_258 = tpu.vector_load %arg13[%swap3A_256, %swap3A_257] {strides = array<i32>} : memref<25x128xf32, #tpu.memory_space<vmem>>, vector<16xf32>,
      tpu.vector_store %arg13[%swap3A_256, %swap3A_257], %broadcast_in_dim3A_250 {strides = array<i32>} : memref<25x128xf32, #tpu.memory_space<vmem>>, vector<16xf32>,
      %swap3A_259 = arith.index_cast %scan3A_249 : i32 to index
      %swap3A_260 = arith.constant 48 : index
      %swap3A_261 = tpu.vector_load %arg13[%swap3A_259, %swap3A_260] {strides = array<i32>} : memref<25x128xf32, #tpu.memory_space<vmem>>, vector<16xf32>,
      tpu.vector_store %arg13[%swap3A_259, %swap3A_260], %broadcast_in_dim3A_250 {strides = array<i32>} : memref<25x128xf32, #tpu.memory_space<vmem>>, vector<16xf32>,
      %swap3A_262 = arith.index_cast %scan3A_249 : i32 to index
      %swap3A_263 = arith.constant 64 : index
      %swap3A_264 = tpu.vector_load %arg13[%swap3A_262, %swap3A_263] {strides = array<i32>} : memref<25x128xf32, #tpu.memory_space<vmem>>, vector<16xf32>,
      tpu.vector_store %arg13[%swap3A_262, %swap3A_263], %broadcast_in_dim3A_250 {strides = array<i32>} : memref<25x128xf32, #tpu.memory_space<vmem>>, vector<16xf32>,
      %swap3A_265 = arith.index_cast %scan3A_249 : i32 to index
      %swap3A_266 = arith.constant 80 : index
      %swap3A_267 = tpu.vector_load %arg13[%swap3A_265, %swap3A_266] {strides = array<i32>} : memref<25x128xf32, #tpu.memory_space<vmem>>, vector<16xf32>,
      tpu.vector_store %arg13[%swap3A_265, %swap3A_266], %broadcast_in_dim3A_250 {strides = array<i32>} : memref<25x128xf32, #tpu.memory_space<vmem>>, vector<16xf32>,
      %swap3A_268 = arith.index_cast %scan3A_249 : i32 to index
      %swap3A_269 = arith.constant 96 : index
      %swap3A_270 = tpu.vector_load %arg13[%swap3A_268, %swap3A_269] {strides = array<i32>} : memref<25x128xf32, #tpu.memory_space<vmem>>, vector<16xf32>,
      tpu.vector_store %arg13[%swap3A_268, %swap3A_269], %broadcast_in_dim3A_250 {strides = array<i32>} : memref<25x128xf32, #tpu.memory_space<vmem>>, vector<16xf32>,
      %swap3A_271 = arith.index_cast %scan3A_249 : i32 to index
      %swap3A_272 = arith.constant 112 : index
      %swap3A_273 = tpu.vector_load %arg13[%swap3A_271, %swap3A_272] {strides = array<i32>} : memref<25x128xf32, #tpu.memory_space<vmem>>, vector<16xf32>,
      tpu.vector_store %arg13[%swap3A_271, %swap3A_272], %broadcast_in_dim3A_250 {strides = array<i32>} : memref<25x128xf32, #tpu.memory_space<vmem>>, vector<16xf32>,
    }
    %scan3A_9 = arith.constant 25 : i32
    %add3A_10 = arith.constant 0 : i32
    %add3A_11 = arith.addi %mul3A_0, %add3A_10 : i32
    "tpu.region"() ({
      %run_scoped3A_249 = tpu.sem_alloc : memref<!tpu.dma_semaphore, #tpu.memory_space<semaphore_mem>>
      %dma_start3A_250 = arith.constant 0 : i32
      %dma_start3A_251 = tpu.memref_slice %arg8[%add3A_11, %dma_start3A_250] : memref<10000x128xf32, #tpu.memory_space<vmem_shared>> -> memref<25x128xf32, #tpu.memory_space<vmem_shared>>
      %dma_start3A_252 = arith.constant 0 : i32
      %dma_start3A_253 = tpu.memref_slice %arg8[%add3A_11, %dma_start3A_252] : memref<10000x128xf32, #tpu.memory_space<vmem_shared>> -> memref<25x128xf32, #tpu.memory_space<vmem_shared>>
      tpu.enqueue_dma source(%arg13 : memref<25x128xf32, #tpu.memory_space<vmem>>) target(%dma_start3A_253 : memref<25x128xf32, #tpu.memory_space<vmem_shared>>) target_semaphore(%run_scoped3A_249 : memref<!tpu.dma_semaphore, #tpu.memory_space<semaphore_mem>>)
      %dma_wait3A_254 = arith.constant 0 : i32
      %dma_wait3A_255 = tpu.memref_slice %arg8[%add3A_11, %dma_wait3A_254] : memref<10000x128xf32, #tpu.memory_space<vmem_shared>> -> memref<25x128xf32, #tpu.memory_space<vmem_shared>>
      %dma_wait3A_256 = arith.constant 0 : i32
      %dma_wait3A_257 = tpu.memref_slice %arg8[%add3A_11, %dma_wait3A_256] : memref<10000x128xf32, #tpu.memory_space<vmem_shared>> -> memref<25x128xf32, #tpu.memory_space<vmem_shared>>
      tpu.wait_dma2 semaphore(%run_scoped3A_249 : memref<!tpu.dma_semaphore, #tpu.memory_space<semaphore_mem>>) src(%arg13 : memref<25x128xf32, #tpu.memory_space<vmem>>) dst(%dma_wait3A_257 : memref<25x128xf32, #tpu.memory_space<vmem_shared>>)
      tpu.yield
    }) : () -> ()
    %add3A_12 = arith.constant 25 : i32
    %add3A_13 = arith.addi %mul3A_0, %add3A_12 : i32
    "tpu.region"() ({
      %run_scoped3A_249 = tpu.sem_alloc : memref<!tpu.dma_semaphore, #tpu.memory_space<semaphore_mem>>
      %dma_start3A_250 = arith.constant 0 : i32
      %dma_start3A_251 = tpu.memref_slice %arg8[%add3A_13, %dma_start3A_250] : memref<10000x128xf32, #tpu.memory_space<vmem_shared>> -> memref<25x128xf32, #tpu.memory_space<vmem_shared>>
      %dma_start3A_252 = arith.constant 0 : i32
      %dma_start3A_253 = tpu.memref_slice %arg8[%add3A_13, %dma_start3A_252] : memref<10000x128xf32, #tpu.memory_space<vmem_shared>> -> memref<25x128xf32, #tpu.memory_space<vmem_shared>>
      tpu.enqueue_dma source(%arg13 : memref<25x128xf32, #tpu.memory_space<vmem>>) target(%dma_start3A_253 : memref<25x128xf32, #tpu.memory_space<vmem_shared>>) target_semaphore(%run_scoped3A_249 : memref<!tpu.dma_semaphore, #tpu.memory_space<semaphore_mem>>)
      %dma_wait3A_254 = arith.constant 0 : i32
      %dma_wait3A_255 = tpu.memref_slice %arg8[%add3A_13, %dma_wait3A_254] : memref<10000x128xf32, #tpu.memory_space<vmem_shared>> -> memref<25x128xf32, #tpu.memory_space<vmem_shared>>
      %dma_wait3A_256 = arith.constant 0 : i32
      %dma_wait3A_257 = tpu.memref_slice %arg8[%add3A_13, %dma_wait3A_256] : memref<10000x128xf32, #tpu.memory_space<vmem_shared>> -> memref<25x128xf32, #tpu.memory_space<vmem_shared>>
      tpu.wait_dma2 semaphore(%run_scoped3A_249 : memref<!tpu.dma_semaphore, #tpu.memory_space<semaphore_mem>>) src(%arg13 : memref<25x128xf32, #tpu.memory_space<vmem>>) dst(%dma_wait3A_257 : memref<25x128xf32, #tpu.memory_space<vmem_shared>>)
      tpu.yield
    }) : () -> ()
    %add3A_14 = arith.constant 50 : i32
    %add3A_15 = arith.addi %mul3A_0, %add3A_14 : i32
    "tpu.region"() ({
      %run_scoped3A_249 = tpu.sem_alloc : memref<!tpu.dma_semaphore, #tpu.memory_space<semaphore_mem>>
      %dma_start3A_250 = arith.constant 0 : i32
      %dma_start3A_251 = tpu.memref_slice %arg8[%add3A_15, %dma_start3A_250] : memref<10000x128xf32, #tpu.memory_space<vmem_shared>> -> memref<25x128xf32, #tpu.memory_space<vmem_shared>>
      %dma_start3A_252 = arith.constant 0 : i32
      %dma_start3A_253 = tpu.memref_slice %arg8[%add3A_15, %dma_start3A_252] : memref<10000x128xf32, #tpu.memory_space<vmem_shared>> -> memref<25x128xf32, #tpu.memory_space<vmem_shared>>
      tpu.enqueue_dma source(%arg13 : memref<25x128xf32, #tpu.memory_space<vmem>>) target(%dma_start3A_253 : memref<25x128xf32, #tpu.memory_space<vmem_shared>>) target_semaphore(%run_scoped3A_249 : memref<!tpu.dma_semaphore, #tpu.memory_space<semaphore_mem>>)
      %dma_wait3A_254 = arith.constant 0 : i32
      %dma_wait3A_255 = tpu.memref_slice %arg8[%add3A_15, %dma_wait3A_254] : memref<10000x128xf32, #tpu.memory_space<vmem_shared>> -> memref<25x128xf32, #tpu.memory_space<vmem_shared>>
      %dma_wait3A_256 = arith.constant 0 : i32
      %dma_wait3A_257 = tpu.memref_slice %arg8[%add3A_15, %dma_wait3A_256] : memref<10000x128xf32, #tpu.memory_space<vmem_shared>> -> memref<25x128xf32, #tpu.memory_space<vmem_shared>>
      tpu.wait_dma2 semaphore(%run_scoped3A_249 : memref<!tpu.dma_semaphore, #tpu.memory_space<semaphore_mem>>) src(%arg13 : memref<25x128xf32, #tpu.memory_space<vmem>>) dst(%dma_wait3A_257 : memref<25x128xf32, #tpu.memory_space<vmem_shared>>)
      tpu.yield
    }) : () -> ()
    %add3A_16 = arith.constant 75 : i32
    %add3A_17 = arith.addi %mul3A_0, %add3A_16 : i32
    "tpu.region"() ({
      %run_scoped3A_249 = tpu.sem_alloc : memref<!tpu.dma_semaphore, #tpu.memory_space<semaphore_mem>>
      %dma_start3A_250 = arith.constant 0 : i32
      %dma_start3A_251 = tpu.memref_slice %arg8[%add3A_17, %dma_start3A_250] : memref<10000x128xf32, #tpu.memory_space<vmem_shared>> -> memref<25x128xf32, #tpu.memory_space<vmem_shared>>
      %dma_start3A_252 = arith.constant 0 : i32
      %dma_start3A_253 = tpu.memref_slice %arg8[%add3A_17, %dma_start3A_252] : memref<10000x128xf32, #tpu.memory_space<vmem_shared>> -> memref<25x128xf32, #tpu.memory_space<vmem_shared>>
      tpu.enqueue_dma source(%arg13 : memref<25x128xf32, #tpu.memory_space<vmem>>) target(%dma_start3A_253 : memref<25x128xf32, #tpu.memory_space<vmem_shared>>) target_semaphore(%run_scoped3A_249 : memref<!tpu.dma_semaphore, #tpu.memory_space<semaphore_mem>>)
      %dma_wait3A_254 = arith.constant 0 : i32
      %dma_wait3A_255 = tpu.memref_slice %arg8[%add3A_17, %dma_wait3A_254] : memref<10000x128xf32, #tpu.memory_space<vmem_shared>> -> memref<25x128xf32, #tpu.memory_space<vmem_shared>>
      %dma_wait3A_256 = arith.constant 0 : i32
      %dma_wait3A_257 = tpu.memref_slice %arg8[%add3A_17, %dma_wait3A_256] : memref<10000x128xf32, #tpu.memory_space<vmem_shared>> -> memref<25x128xf32, #tpu.memory_space<vmem_shared>>
      tpu.wait_dma2 semaphore(%run_scoped3A_249 : memref<!tpu.dma_semaphore, #tpu.memory_space<semaphore_mem>>) src(%arg13 : memref<25x128xf32, #tpu.memory_space<vmem>>) dst(%dma_wait3A_257 : memref<25x128xf32, #tpu.memory_space<vmem_shared>>)
      tpu.yield
    }) : () -> ()
    %add3A_18 = arith.constant 100 : i32
    %add3A_19 = arith.addi %mul3A_0, %add3A_18 : i32
    "tpu.region"() ({
      %run_scoped3A_249 = tpu.sem_alloc : memref<!tpu.dma_semaphore, #tpu.memory_space<semaphore_mem>>
      %dma_start3A_250 = arith.constant 0 : i32
      %dma_start3A_251 = tpu.memref_slice %arg8[%add3A_19, %dma_start3A_250] : memref<10000x128xf32, #tpu.memory_space<vmem_shared>> -> memref<25x128xf32, #tpu.memory_space<vmem_shared>>
      %dma_start3A_252 = arith.constant 0 : i32
      %dma_start3A_253 = tpu.memref_slice %arg8[%add3A_19, %dma_start3A_252] : memref<10000x128xf32, #tpu.memory_space<vmem_shared>> -> memref<25x128xf32, #tpu.memory_space<vmem_shared>>
      tpu.enqueue_dma source(%arg13 : memref<25x128xf32, #tpu.memory_space<vmem>>) target(%dma_start3A_253 : memref<25x128xf32, #tpu.memory_space<vmem_shared>>) target_semaphore(%run_scoped3A_249 : memref<!tpu.dma_semaphore, #tpu.memory_space<semaphore_mem>>)
      %dma_wait3A_254 = arith.constant 0 : i32
      %dma_wait3A_255 = tpu.memref_slice %arg8[%add3A_19, %dma_wait3A_254] : memref<10000x128xf32, #tpu.memory_space<vmem_shared>> -> memref<25x128xf32, #tpu.memory_space<vmem_shared>>
      %dma_wait3A_256 = arith.constant 0 : i32
      %dma_wait3A_257 = tpu.memref_slice %arg8[%add3A_19, %dma_wait3A_256] : memref<10000x128xf32, #tpu.memory_space<vmem_shared>> -> memref<25x128xf32, #tpu.memory_space<vmem_shared>>
      tpu.wait_dma2 semaphore(%run_scoped3A_249 : memref<!tpu.dma_semaphore, #tpu.memory_space<semaphore_mem>>) src(%arg13 : memref<25x128xf32, #tpu.memory_space<vmem>>) dst(%dma_wait3A_257 : memref<25x128xf32, #tpu.memory_space<vmem_shared>>)
      tpu.yield
    }) : () -> ()
    %add3A_20 = arith.constant 125 : i32
    %add3A_21 = arith.addi %mul3A_0, %add3A_20 : i32
    "tpu.region"() ({
      %run_scoped3A_249 = tpu.sem_alloc : memref<!tpu.dma_semaphore, #tpu.memory_space<semaphore_mem>>
      %dma_start3A_250 = arith.constant 0 : i32
      %dma_start3A_251 = tpu.memref_slice %arg8[%add3A_21, %dma_start3A_250] : memref<10000x128xf32, #tpu.memory_space<vmem_shared>> -> memref<25x128xf32, #tpu.memory_space<vmem_shared>>
      %dma_start3A_252 = arith.constant 0 : i32
      %dma_start3A_253 = tpu.memref_slice %arg8[%add3A_21, %dma_start3A_252] : memref<10000x128xf32, #tpu.memory_space<vmem_shared>> -> memref<25x128xf32, #tpu.memory_space<vmem_shared>>
      tpu.enqueue_dma source(%arg13 : memref<25x128xf32, #tpu.memory_space<vmem>>) target(%dma_start3A_253 : memref<25x128xf32, #tpu.memory_space<vmem_shared>>) target_semaphore(%run_scoped3A_249 : memref<!tpu.dma_semaphore, #tpu.memory_space<semaphore_mem>>)
      %dma_wait3A_254 = arith.constant 0 : i32
      %dma_wait3A_255 = tpu.memref_slice %arg8[%add3A_21, %dma_wait3A_254] : memref<10000x128xf32, #tpu.memory_space<vmem_shared>> -> memref<25x128xf32, #tpu.memory_space<vmem_shared>>
      %dma_wait3A_256 = arith.constant 0 : i32
      %dma_wait3A_257 = tpu.memref_slice %arg8[%add3A_21, %dma_wait3A_256] : memref<10000x128xf32, #tpu.memory_space<vmem_shared>> -> memref<25x128xf32, #tpu.memory_space<vmem_shared>>
      tpu.wait_dma2 semaphore(%run_scoped3A_249 : memref<!tpu.dma_semaphore, #tpu.memory_space<semaphore_mem>>) src(%arg13 : memref<25x128xf32, #tpu.memory_space<vmem>>) dst(%dma_wait3A_257 : memref<25x128xf32, #tpu.memory_space<vmem_shared>>)
      tpu.yield
    }) : () -> ()
    %add3A_22 = arith.constant 150 : i32
    %add3A_23 = arith.addi %mul3A_0, %add3A_22 : i32
    "tpu.region"() ({
      %run_scoped3A_249 = tpu.sem_alloc : memref<!tpu.dma_semaphore, #tpu.memory_space<semaphore_mem>>
      %dma_start3A_250 = arith.constant 0 : i32
      %dma_start3A_251 = tpu.memref_slice %arg8[%add3A_23, %dma_start3A_250] : memref<10000x128xf32, #tpu.memory_space<vmem_shared>> -> memref<25x128xf32, #tpu.memory_space<vmem_shared>>
      %dma_start3A_252 = arith.constant 0 : i32
      %dma_start3A_253 = tpu.memref_slice %arg8[%add3A_23, %dma_start3A_252] : memref<10000x128xf32, #tpu.memory_space<vmem_shared>> -> memref<25x128xf32, #tpu.memory_space<vmem_shared>>
      tpu.enqueue_dma source(%arg13 : memref<25x128xf32, #tpu.memory_space<vmem>>) target(%dma_start3A_253 : memref<25x128xf32, #tpu.memory_space<vmem_shared>>) target_semaphore(%run_scoped3A_249 : memref<!tpu.dma_semaphore, #tpu.memory_space<semaphore_mem>>)
      %dma_wait3A_254 = arith.constant 0 : i32
      %dma_wait3A_255 = tpu.memref_slice %arg8[%add3A_23, %dma_wait3A_254] : memref<10000x128xf32, #tpu.memory_space<vmem_shared>> -> memref<25x128xf32, #tpu.memory_space<vmem_shared>>
      %dma_wait3A_256 = arith.constant 0 : i32
      %dma_wait3A_257 = tpu.memref_slice %arg8[%add3A_23, %dma_wait3A_256] : memref<10000x128xf32, #tpu.memory_space<vmem_shared>> -> memref<25x128xf32, #tpu.memory_space<vmem_shared>>
      tpu.wait_dma2 semaphore(%run_scoped3A_249 : memref<!tpu.dma_semaphore, #tpu.memory_space<semaphore_mem>>) src(%arg13 : memref<25x128xf32, #tpu.memory_space<vmem>>) dst(%dma_wait3A_257 : memref<25x128xf32, #tpu.memory_space<vmem_shared>>)
      tpu.yield
    }) : () -> ()
    %add3A_24 = arith.constant 175 : i32
    %add3A_25 = arith.addi %mul3A_0, %add3A_24 : i32
    "tpu.region"() ({
      %run_scoped3A_249 = tpu.sem_alloc : memref<!tpu.dma_semaphore, #tpu.memory_space<semaphore_mem>>
      %dma_start3A_250 = arith.constant 0 : i32
      %dma_start3A_251 = tpu.memref_slice %arg8[%add3A_25, %dma_start3A_250] : memref<10000x128xf32, #tpu.memory_space<vmem_shared>> -> memref<25x128xf32, #tpu.memory_space<vmem_shared>>
      %dma_start3A_252 = arith.constant 0 : i32
      %dma_start3A_253 = tpu.memref_slice %arg8[%add3A_25, %dma_start3A_252] : memref<10000x128xf32, #tpu.memory_space<vmem_shared>> -> memref<25x128xf32, #tpu.memory_space<vmem_shared>>
      tpu.enqueue_dma source(%arg13 : memref<25x128xf32, #tpu.memory_space<vmem>>) target(%dma_start3A_253 : memref<25x128xf32, #tpu.memory_space<vmem_shared>>) target_semaphore(%run_scoped3A_249 : memref<!tpu.dma_semaphore, #tpu.memory_space<semaphore_mem>>)
      %dma_wait3A_254 = arith.constant 0 : i32
      %dma_wait3A_255 = tpu.memref_slice %arg8[%add3A_25, %dma_wait3A_254] : memref<10000x128xf32, #tpu.memory_space<vmem_shared>> -> memref<25x128xf32, #tpu.memory_space<vmem_shared>>
      %dma_wait3A_256 = arith.constant 0 : i32
      %dma_wait3A_257 = tpu.memref_slice %arg8[%add3A_25, %dma_wait3A_256] : memref<10000x128xf32, #tpu.memory_space<vmem_shared>> -> memref<25x128xf32, #tpu.memory_space<vmem_shared>>
      tpu.wait_dma2 semaphore(%run_scoped3A_249 : memref<!tpu.dma_semaphore, #tpu.memory_space<semaphore_mem>>) src(%arg13 : memref<25x128xf32, #tpu.memory_space<vmem>>) dst(%dma_wait3A_257 : memref<25x128xf32, #tpu.memory_space<vmem_shared>>)
      tpu.yield
    }) : () -> ()
    %add3A_26 = arith.constant 200 : i32
    %add3A_27 = arith.addi %mul3A_0, %add3A_26 : i32
    "tpu.region"() ({
      %run_scoped3A_249 = tpu.sem_alloc : memref<!tpu.dma_semaphore, #tpu.memory_space<semaphore_mem>>
      %dma_start3A_250 = arith.constant 0 : i32
      %dma_start3A_251 = tpu.memref_slice %arg8[%add3A_27, %dma_start3A_250] : memref<10000x128xf32, #tpu.memory_space<vmem_shared>> -> memref<25x128xf32, #tpu.memory_space<vmem_shared>>
      %dma_start3A_252 = arith.constant 0 : i32
      %dma_start3A_253 = tpu.memref_slice %arg8[%add3A_27, %dma_start3A_252] : memref<10000x128xf32, #tpu.memory_space<vmem_shared>> -> memref<25x128xf32, #tpu.memory_space<vmem_shared>>
      tpu.enqueue_dma source(%arg13 : memref<25x128xf32, #tpu.memory_space<vmem>>) target(%dma_start3A_253 : memref<25x128xf32, #tpu.memory_space<vmem_shared>>) target_semaphore(%run_scoped3A_249 : memref<!tpu.dma_semaphore, #tpu.memory_space<semaphore_mem>>)
      %dma_wait3A_254 = arith.constant 0 : i32
      %dma_wait3A_255 = tpu.memref_slice %arg8[%add3A_27, %dma_wait3A_254] : memref<10000x128xf32, #tpu.memory_space<vmem_shared>> -> memref<25x128xf32, #tpu.memory_space<vmem_shared>>
      %dma_wait3A_256 = arith.constant 0 : i32
      %dma_wait3A_257 = tpu.memref_slice %arg8[%add3A_27, %dma_wait3A_256] : memref<10000x128xf32, #tpu.memory_space<vmem_shared>> -> memref<25x128xf32, #tpu.memory_space<vmem_shared>>
      tpu.wait_dma2 semaphore(%run_scoped3A_249 : memref<!tpu.dma_semaphore, #tpu.memory_space<semaphore_mem>>) src(%arg13 : memref<25x128xf32, #tpu.memory_space<vmem>>) dst(%dma_wait3A_257 : memref<25x128xf32, #tpu.memory_space<vmem_shared>>)
      tpu.yield
    }) : () -> ()
    %add3A_28 = arith.constant 225 : i32
    %add3A_29 = arith.addi %mul3A_0, %add3A_28 : i32
    "tpu.region"() ({
      %run_scoped3A_249 = tpu.sem_alloc : memref<!tpu.dma_semaphore, #tpu.memory_space<semaphore_mem>>
      %dma_start3A_250 = arith.constant 0 : i32
      %dma_start3A_251 = tpu.memref_slice %arg8[%add3A_29, %dma_start3A_250] : memref<10000x128xf32, #tpu.memory_space<vmem_shared>> -> memref<25x128xf32, #tpu.memory_space<vmem_shared>>
      %dma_start3A_252 = arith.constant 0 : i32
      %dma_start3A_253 = tpu.memref_slice %arg8[%add3A_29, %dma_start3A_252] : memref<10000x128xf32, #tpu.memory_space<vmem_shared>> -> memref<25x128xf32, #tpu.memory_space<vmem_shared>>
      tpu.enqueue_dma source(%arg13 : memref<25x128xf32, #tpu.memory_space<vmem>>) target(%dma_start3A_253 : memref<25x128xf32, #tpu.memory_space<vmem_shared>>) target_semaphore(%run_scoped3A_249 : memref<!tpu.dma_semaphore, #tpu.memory_space<semaphore_mem>>)
      %dma_wait3A_254 = arith.constant 0 : i32
      %dma_wait3A_255 = tpu.memref_slice %arg8[%add3A_29, %dma_wait3A_254] : memref<10000x128xf32, #tpu.memory_space<vmem_shared>> -> memref<25x128xf32, #tpu.memory_space<vmem_shared>>
      %dma_wait3A_256 = arith.constant 0 : i32
      %dma_wait3A_257 = tpu.memref_slice %arg8[%add3A_29, %dma_wait3A_256] : memref<10000x128xf32, #tpu.memory_space<vmem_shared>> -> memref<25x128xf32, #tpu.memory_space<vmem_shared>>
      tpu.wait_dma2 semaphore(%run_scoped3A_249 : memref<!tpu.dma_semaphore, #tpu.memory_space<semaphore_mem>>) src(%arg13 : memref<25x128xf32, #tpu.memory_space<vmem>>) dst(%dma_wait3A_257 : memref<25x128xf32, #tpu.memory_space<vmem_shared>>)
      tpu.yield
    }) : () -> ()
    %add3A_30 = arith.constant 250 : i32
    %add3A_31 = arith.addi %mul3A_0, %add3A_30 : i32
    "tpu.region"() ({
      %run_scoped3A_249 = tpu.sem_alloc : memref<!tpu.dma_semaphore, #tpu.memory_space<semaphore_mem>>
      %dma_start3A_250 = arith.constant 0 : i32
      %dma_start3A_251 = tpu.memref_slice %arg8[%add3A_31, %dma_start3A_250] : memref<10000x128xf32, #tpu.memory_space<vmem_shared>> -> memref<25x128xf32, #tpu.memory_space<vmem_shared>>
      %dma_start3A_252 = arith.constant 0 : i32
      %dma_start3A_253 = tpu.memref_slice %arg8[%add3A_31, %dma_start3A_252] : memref<10000x128xf32, #tpu.memory_space<vmem_shared>> -> memref<25x128xf32, #tpu.memory_space<vmem_shared>>
      tpu.enqueue_dma source(%arg13 : memref<25x128xf32, #tpu.memory_space<vmem>>) target(%dma_start3A_253 : memref<25x128xf32, #tpu.memory_space<vmem_shared>>) target_semaphore(%run_scoped3A_249 : memref<!tpu.dma_semaphore, #tpu.memory_space<semaphore_mem>>)
      %dma_wait3A_254 = arith.constant 0 : i32
      %dma_wait3A_255 = tpu.memref_slice %arg8[%add3A_31, %dma_wait3A_254] : memref<10000x128xf32, #tpu.memory_space<vmem_shared>> -> memref<25x128xf32, #tpu.memory_space<vmem_shared>>
      %dma_wait3A_256 = arith.constant 0 : i32
      %dma_wait3A_257 = tpu.memref_slice %arg8[%add3A_31, %dma_wait3A_256] : memref<10000x128xf32, #tpu.memory_space<vmem_shared>> -> memref<25x128xf32, #tpu.memory_space<vmem_shared>>
      tpu.wait_dma2 semaphore(%run_scoped3A_249 : memref<!tpu.dma_semaphore, #tpu.memory_space<semaphore_mem>>) src(%arg13 : memref<25x128xf32, #tpu.memory_space<vmem>>) dst(%dma_wait3A_257 : memref<25x128xf32, #tpu.memory_space<vmem_shared>>)
      tpu.yield
    }) : () -> ()
    %add3A_32 = arith.constant 275 : i32
    %add3A_33 = arith.addi %mul3A_0, %add3A_32 : i32
    "tpu.region"() ({
      %run_scoped3A_249 = tpu.sem_alloc : memref<!tpu.dma_semaphore, #tpu.memory_space<semaphore_mem>>
      %dma_start3A_250 = arith.constant 0 : i32
      %dma_start3A_251 = tpu.memref_slice %arg8[%add3A_33, %dma_start3A_250] : memref<10000x128xf32, #tpu.memory_space<vmem_shared>> -> memref<25x128xf32, #tpu.memory_space<vmem_shared>>
      %dma_start3A_252 = arith.constant 0 : i32
      %dma_start3A_253 = tpu.memref_slice %arg8[%add3A_33, %dma_start3A_252] : memref<10000x128xf32, #tpu.memory_space<vmem_shared>> -> memref<25x128xf32, #tpu.memory_space<vmem_shared>>
      tpu.enqueue_dma source(%arg13 : memref<25x128xf32, #tpu.memory_space<vmem>>) target(%dma_start3A_253 : memref<25x128xf32, #tpu.memory_space<vmem_shared>>) target_semaphore(%run_scoped3A_249 : memref<!tpu.dma_semaphore, #tpu.memory_space<semaphore_mem>>)
      %dma_wait3A_254 = arith.constant 0 : i32
      %dma_wait3A_255 = tpu.memref_slice %arg8[%add3A_33, %dma_wait3A_254] : memref<10000x128xf32, #tpu.memory_space<vmem_shared>> -> memref<25x128xf32, #tpu.memory_space<vmem_shared>>
      %dma_wait3A_256 = arith.constant 0 : i32
      %dma_wait3A_257 = tpu.memref_slice %arg8[%add3A_33, %dma_wait3A_256] : memref<10000x128xf32, #tpu.memory_space<vmem_shared>> -> memref<25x128xf32, #tpu.memory_space<vmem_shared>>
      tpu.wait_dma2 semaphore(%run_scoped3A_249 : memref<!tpu.dma_semaphore, #tpu.memory_space<semaphore_mem>>) src(%arg13 : memref<25x128xf32, #tpu.memory_space<vmem>>) dst(%dma_wait3A_257 : memref<25x128xf32, #tpu.memory_space<vmem_shared>>)
      tpu.yield
    }) : () -> ()
    %add3A_34 = arith.constant 300 : i32
    %add3A_35 = arith.addi %mul3A_0, %add3A_34 : i32
    "tpu.region"() ({
      %run_scoped3A_249 = tpu.sem_alloc : memref<!tpu.dma_semaphore, #tpu.memory_space<semaphore_mem>>
      %dma_start3A_250 = arith.constant 0 : i32
      %dma_start3A_251 = tpu.memref_slice %arg8[%add3A_35, %dma_start3A_250] : memref<10000x128xf32, #tpu.memory_space<vmem_shared>> -> memref<25x128xf32, #tpu.memory_space<vmem_shared>>
      %dma_start3A_252 = arith.constant 0 : i32
      %dma_start3A_253 = tpu.memref_slice %arg8[%add3A_35, %dma_start3A_252] : memref<10000x128xf32, #tpu.memory_space<vmem_shared>> -> memref<25x128xf32, #tpu.memory_space<vmem_shared>>
      tpu.enqueue_dma source(%arg13 : memref<25x128xf32, #tpu.memory_space<vmem>>) target(%dma_start3A_253 : memref<25x128xf32, #tpu.memory_space<vmem_shared>>) target_semaphore(%run_scoped3A_249 : memref<!tpu.dma_semaphore, #tpu.memory_space<semaphore_mem>>)
      %dma_wait3A_254 = arith.constant 0 : i32
      %dma_wait3A_255 = tpu.memref_slice %arg8[%add3A_35, %dma_wait3A_254] : memref<10000x128xf32, #tpu.memory_space<vmem_shared>> -> memref<25x128xf32, #tpu.memory_space<vmem_shared>>
      %dma_wait3A_256 = arith.constant 0 : i32
      %dma_wait3A_257 = tpu.memref_slice %arg8[%add3A_35, %dma_wait3A_256] : memref<10000x128xf32, #tpu.memory_space<vmem_shared>> -> memref<25x128xf32, #tpu.memory_space<vmem_shared>>
      tpu.wait_dma2 semaphore(%run_scoped3A_249 : memref<!tpu.dma_semaphore, #tpu.memory_space<semaphore_mem>>) src(%arg13 : memref<25x128xf32, #tpu.memory_space<vmem>>) dst(%dma_wait3A_257 : memref<25x128xf32, #tpu.memory_space<vmem_shared>>)
      tpu.yield
    }) : () -> ()
    %add3A_36 = arith.constant 325 : i32
    %add3A_37 = arith.addi %mul3A_0, %add3A_36 : i32
    "tpu.region"() ({
      %run_scoped3A_249 = tpu.sem_alloc : memref<!tpu.dma_semaphore, #tpu.memory_space<semaphore_mem>>
      %dma_start3A_250 = arith.constant 0 : i32
      %dma_start3A_251 = tpu.memref_slice %arg8[%add3A_37, %dma_start3A_250] : memref<10000x128xf32, #tpu.memory_space<vmem_shared>> -> memref<25x128xf32, #tpu.memory_space<vmem_shared>>
      %dma_start3A_252 = arith.constant 0 : i32
      %dma_start3A_253 = tpu.memref_slice %arg8[%add3A_37, %dma_start3A_252] : memref<10000x128xf32, #tpu.memory_space<vmem_shared>> -> memref<25x128xf32, #tpu.memory_space<vmem_shared>>
      tpu.enqueue_dma source(%arg13 : memref<25x128xf32, #tpu.memory_space<vmem>>) target(%dma_start3A_253 : memref<25x128xf32, #tpu.memory_space<vmem_shared>>) target_semaphore(%run_scoped3A_249 : memref<!tpu.dma_semaphore, #tpu.memory_space<semaphore_mem>>)
      %dma_wait3A_254 = arith.constant 0 : i32
      %dma_wait3A_255 = tpu.memref_slice %arg8[%add3A_37, %dma_wait3A_254] : memref<10000x128xf32, #tpu.memory_space<vmem_shared>> -> memref<25x128xf32, #tpu.memory_space<vmem_shared>>
      %dma_wait3A_256 = arith.constant 0 : i32
      %dma_wait3A_257 = tpu.memref_slice %arg8[%add3A_37, %dma_wait3A_256] : memref<10000x128xf32, #tpu.memory_space<vmem_shared>> -> memref<25x128xf32, #tpu.memory_space<vmem_shared>>
      tpu.wait_dma2 semaphore(%run_scoped3A_249 : memref<!tpu.dma_semaphore, #tpu.memory_space<semaphore_mem>>) src(%arg13 : memref<25x128xf32, #tpu.memory_space<vmem>>) dst(%dma_wait3A_257 : memref<25x128xf32, #tpu.memory_space<vmem_shared>>)
      tpu.yield
    }) : () -> ()
    %add3A_38 = arith.constant 350 : i32
    %add3A_39 = arith.addi %mul3A_0, %add3A_38 : i32
    "tpu.region"() ({
      %run_scoped3A_249 = tpu.sem_alloc : memref<!tpu.dma_semaphore, #tpu.memory_space<semaphore_mem>>
      %dma_start3A_250 = arith.constant 0 : i32
      %dma_start3A_251 = tpu.memref_slice %arg8[%add3A_39, %dma_start3A_250] : memref<10000x128xf32, #tpu.memory_space<vmem_shared>> -> memref<25x128xf32, #tpu.memory_space<vmem_shared>>
      %dma_start3A_252 = arith.constant 0 : i32
      %dma_start3A_253 = tpu.memref_slice %arg8[%add3A_39, %dma_start3A_252] : memref<10000x128xf32, #tpu.memory_space<vmem_shared>> -> memref<25x128xf32, #tpu.memory_space<vmem_shared>>
      tpu.enqueue_dma source(%arg13 : memref<25x128xf32, #tpu.memory_space<vmem>>) target(%dma_start3A_253 : memref<25x128xf32, #tpu.memory_space<vmem_shared>>) target_semaphore(%run_scoped3A_249 : memref<!tpu.dma_semaphore, #tpu.memory_space<semaphore_mem>>)
      %dma_wait3A_254 = arith.constant 0 : i32
      %dma_wait3A_255 = tpu.memref_slice %arg8[%add3A_39, %dma_wait3A_254] : memref<10000x128xf32, #tpu.memory_space<vmem_shared>> -> memref<25x128xf32, #tpu.memory_space<vmem_shared>>
      %dma_wait3A_256 = arith.constant 0 : i32
      %dma_wait3A_257 = tpu.memref_slice %arg8[%add3A_39, %dma_wait3A_256] : memref<10000x128xf32, #tpu.memory_space<vmem_shared>> -> memref<25x128xf32, #tpu.memory_space<vmem_shared>>
      tpu.wait_dma2 semaphore(%run_scoped3A_249 : memref<!tpu.dma_semaphore, #tpu.memory_space<semaphore_mem>>) src(%arg13 : memref<25x128xf32, #tpu.memory_space<vmem>>) dst(%dma_wait3A_257 : memref<25x128xf32, #tpu.memory_space<vmem_shared>>)
      tpu.yield
    }) : () -> ()
    %add3A_40 = arith.constant 375 : i32
    %add3A_41 = arith.addi %mul3A_0, %add3A_40 : i32
    "tpu.region"() ({
      %run_scoped3A_249 = tpu.sem_alloc : memref<!tpu.dma_semaphore, #tpu.memory_space<semaphore_mem>>
      %dma_start3A_250 = arith.constant 0 : i32
      %dma_start3A_251 = tpu.memref_slice %arg8[%add3A_41, %dma_start3A_250] : memref<10000x128xf32, #tpu.memory_space<vmem_shared>> -> memref<25x128xf32, #tpu.memory_space<vmem_shared>>
      %dma_start3A_252 = arith.constant 0 : i32
      %dma_start3A_253 = tpu.memref_slice %arg8[%add3A_41, %dma_start3A_252] : memref<10000x128xf32, #tpu.memory_space<vmem_shared>> -> memref<25x128xf32, #tpu.memory_space<vmem_shared>>
      tpu.enqueue_dma source(%arg13 : memref<25x128xf32, #tpu.memory_space<vmem>>) target(%dma_start3A_253 : memref<25x128xf32, #tpu.memory_space<vmem_shared>>) target_semaphore(%run_scoped3A_249 : memref<!tpu.dma_semaphore, #tpu.memory_space<semaphore_mem>>)
      %dma_wait3A_254 = arith.constant 0 : i32
      %dma_wait3A_255 = tpu.memref_slice %arg8[%add3A_41, %dma_wait3A_254] : memref<10000x128xf32, #tpu.memory_space<vmem_shared>> -> memref<25x128xf32, #tpu.memory_space<vmem_shared>>
      %dma_wait3A_256 = arith.constant 0 : i32
      %dma_wait3A_257 = tpu.memref_slice %arg8[%add3A_41, %dma_wait3A_256] : memref<10000x128xf32, #tpu.memory_space<vmem_shared>> -> memref<25x128xf32, #tpu.memory_space<vmem_shared>>
      tpu.wait_dma2 semaphore(%run_scoped3A_249 : memref<!tpu.dma_semaphore, #tpu.memory_space<semaphore_mem>>) src(%arg13 : memref<25x128xf32, #tpu.memory_space<vmem>>) dst(%dma_wait3A_257 : memref<25x128xf32, #tpu.memory_space<vmem_shared>>)
      tpu.yield
    }) : () -> ()
    %add3A_42 = arith.constant 400 : i32
    %add3A_43 = arith.addi %mul3A_0, %add3A_42 : i32
    "tpu.region"() ({
      %run_scoped3A_249 = tpu.sem_alloc : memref<!tpu.dma_semaphore, #tpu.memory_space<semaphore_mem>>
      %dma_start3A_250 = arith.constant 0 : i32
      %dma_start3A_251 = tpu.memref_slice %arg8[%add3A_43, %dma_start3A_250] : memref<10000x128xf32, #tpu.memory_space<vmem_shared>> -> memref<25x128xf32, #tpu.memory_space<vmem_shared>>
      %dma_start3A_252 = arith.constant 0 : i32
      %dma_start3A_253 = tpu.memref_slice %arg8[%add3A_43, %dma_start3A_252] : memref<10000x128xf32, #tpu.memory_space<vmem_shared>> -> memref<25x128xf32, #tpu.memory_space<vmem_shared>>
      tpu.enqueue_dma source(%arg13 : memref<25x128xf32, #tpu.memory_space<vmem>>) target(%dma_start3A_253 : memref<25x128xf32, #tpu.memory_space<vmem_shared>>) target_semaphore(%run_scoped3A_249 : memref<!tpu.dma_semaphore, #tpu.memory_space<semaphore_mem>>)
      %dma_wait3A_254 = arith.constant 0 : i32
      %dma_wait3A_255 = tpu.memref_slice %arg8[%add3A_43, %dma_wait3A_254] : memref<10000x128xf32, #tpu.memory_space<vmem_shared>> -> memref<25x128xf32, #tpu.memory_space<vmem_shared>>
      %dma_wait3A_256 = arith.constant 0 : i32
      %dma_wait3A_257 = tpu.memref_slice %arg8[%add3A_43, %dma_wait3A_256] : memref<10000x128xf32, #tpu.memory_space<vmem_shared>> -> memref<25x128xf32, #tpu.memory_space<vmem_shared>>
      tpu.wait_dma2 semaphore(%run_scoped3A_249 : memref<!tpu.dma_semaphore, #tpu.memory_space<semaphore_mem>>) src(%arg13 : memref<25x128xf32, #tpu.memory_space<vmem>>) dst(%dma_wait3A_257 : memref<25x128xf32, #tpu.memory_space<vmem_shared>>)
      tpu.yield
    }) : () -> ()
    %add3A_44 = arith.constant 425 : i32
    %add3A_45 = arith.addi %mul3A_0, %add3A_44 : i32
    "tpu.region"() ({
      %run_scoped3A_249 = tpu.sem_alloc : memref<!tpu.dma_semaphore, #tpu.memory_space<semaphore_mem>>
      %dma_start3A_250 = arith.constant 0 : i32
      %dma_start3A_251 = tpu.memref_slice %arg8[%add3A_45, %dma_start3A_250] : memref<10000x128xf32, #tpu.memory_space<vmem_shared>> -> memref<25x128xf32, #tpu.memory_space<vmem_shared>>
      %dma_start3A_252 = arith.constant 0 : i32
      %dma_start3A_253 = tpu.memref_slice %arg8[%add3A_45, %dma_start3A_252] : memref<10000x128xf32, #tpu.memory_space<vmem_shared>> -> memref<25x128xf32, #tpu.memory_space<vmem_shared>>
      tpu.enqueue_dma source(%arg13 : memref<25x128xf32, #tpu.memory_space<vmem>>) target(%dma_start3A_253 : memref<25x128xf32, #tpu.memory_space<vmem_shared>>) target_semaphore(%run_scoped3A_249 : memref<!tpu.dma_semaphore, #tpu.memory_space<semaphore_mem>>)
      %dma_wait3A_254 = arith.constant 0 : i32
      %dma_wait3A_255 = tpu.memref_slice %arg8[%add3A_45, %dma_wait3A_254] : memref<10000x128xf32, #tpu.memory_space<vmem_shared>> -> memref<25x128xf32, #tpu.memory_space<vmem_shared>>
      %dma_wait3A_256 = arith.constant 0 : i32
      %dma_wait3A_257 = tpu.memref_slice %arg8[%add3A_45, %dma_wait3A_256] : memref<10000x128xf32, #tpu.memory_space<vmem_shared>> -> memref<25x128xf32, #tpu.memory_space<vmem_shared>>
      tpu.wait_dma2 semaphore(%run_scoped3A_249 : memref<!tpu.dma_semaphore, #tpu.memory_space<semaphore_mem>>) src(%arg13 : memref<25x128xf32, #tpu.memory_space<vmem>>) dst(%dma_wait3A_257 : memref<25x128xf32, #tpu.memory_space<vmem_shared>>)
      tpu.yield
    }) : () -> ()
    %add3A_46 = arith.constant 450 : i32
    %add3A_47 = arith.addi %mul3A_0, %add3A_46 : i32
    "tpu.region"() ({
      %run_scoped3A_249 = tpu.sem_alloc : memref<!tpu.dma_semaphore, #tpu.memory_space<semaphore_mem>>
      %dma_start3A_250 = arith.constant 0 : i32
      %dma_start3A_251 = tpu.memref_slice %arg8[%add3A_47, %dma_start3A_250] : memref<10000x128xf32, #tpu.memory_space<vmem_shared>> -> memref<25x128xf32, #tpu.memory_space<vmem_shared>>
      %dma_start3A_252 = arith.constant 0 : i32
      %dma_start3A_253 = tpu.memref_slice %arg8[%add3A_47, %dma_start3A_252] : memref<10000x128xf32, #tpu.memory_space<vmem_shared>> -> memref<25x128xf32, #tpu.memory_space<vmem_shared>>
      tpu.enqueue_dma source(%arg13 : memref<25x128xf32, #tpu.memory_space<vmem>>) target(%dma_start3A_253 : memref<25x128xf32, #tpu.memory_space<vmem_shared>>) target_semaphore(%run_scoped3A_249 : memref<!tpu.dma_semaphore, #tpu.memory_space<semaphore_mem>>)
      %dma_wait3A_254 = arith.constant 0 : i32
      %dma_wait3A_255 = tpu.memref_slice %arg8[%add3A_47, %dma_wait3A_254] : memref<10000x128xf32, #tpu.memory_space<vmem_shared>> -> memref<25x128xf32, #tpu.memory_space<vmem_shared>>
      %dma_wait3A_256 = arith.constant 0 : i32
      %dma_wait3A_257 = tpu.memref_slice %arg8[%add3A_47, %dma_wait3A_256] : memref<10000x128xf32, #tpu.memory_space<vmem_shared>> -> memref<25x128xf32, #tpu.memory_space<vmem_shared>>
      tpu.wait_dma2 semaphore(%run_scoped3A_249 : memref<!tpu.dma_semaphore, #tpu.memory_space<semaphore_mem>>) src(%arg13 : memref<25x128xf32, #tpu.memory_space<vmem>>) dst(%dma_wait3A_257 : memref<25x128xf32, #tpu.memory_space<vmem_shared>>)
      tpu.yield
    }) : () -> ()
    %add3A_48 = arith.constant 475 : i32
    %add3A_49 = arith.addi %mul3A_0, %add3A_48 : i32
    "tpu.region"() ({
      %run_scoped3A_249 = tpu.sem_alloc : memref<!tpu.dma_semaphore, #tpu.memory_space<semaphore_mem>>
      %dma_start3A_250 = arith.constant 0 : i32
      %dma_start3A_251 = tpu.memref_slice %arg8[%add3A_49, %dma_start3A_250] : memref<10000x128xf32, #tpu.memory_space<vmem_shared>> -> memref<25x128xf32, #tpu.memory_space<vmem_shared>>
      %dma_start3A_252 = arith.constant 0 : i32
      %dma_start3A_253 = tpu.memref_slice %arg8[%add3A_49, %dma_start3A_252] : memref<10000x128xf32, #tpu.memory_space<vmem_shared>> -> memref<25x128xf32, #tpu.memory_space<vmem_shared>>
      tpu.enqueue_dma source(%arg13 : memref<25x128xf32, #tpu.memory_space<vmem>>) target(%dma_start3A_253 : memref<25x128xf32, #tpu.memory_space<vmem_shared>>) target_semaphore(%run_scoped3A_249 : memref<!tpu.dma_semaphore, #tpu.memory_space<semaphore_mem>>)
      %dma_wait3A_254 = arith.constant 0 : i32
      %dma_wait3A_255 = tpu.memref_slice %arg8[%add3A_49, %dma_wait3A_254] : memref<10000x128xf32, #tpu.memory_space<vmem_shared>> -> memref<25x128xf32, #tpu.memory_space<vmem_shared>>
      %dma_wait3A_256 = arith.constant 0 : i32
      %dma_wait3A_257 = tpu.memref_slice %arg8[%add3A_49, %dma_wait3A_256] : memref<10000x128xf32, #tpu.memory_space<vmem_shared>> -> memref<25x128xf32, #tpu.memory_space<vmem_shared>>
      tpu.wait_dma2 semaphore(%run_scoped3A_249 : memref<!tpu.dma_semaphore, #tpu.memory_space<semaphore_mem>>) src(%arg13 : memref<25x128xf32, #tpu.memory_space<vmem>>) dst(%dma_wait3A_257 : memref<25x128xf32, #tpu.memory_space<vmem_shared>>)
      tpu.yield
    }) : () -> ()
    %add3A_50 = arith.constant 500 : i32
    %add3A_51 = arith.addi %mul3A_0, %add3A_50 : i32
    "tpu.region"() ({
      %run_scoped3A_249 = tpu.sem_alloc : memref<!tpu.dma_semaphore, #tpu.memory_space<semaphore_mem>>
      %dma_start3A_250 = arith.constant 0 : i32
      %dma_start3A_251 = tpu.memref_slice %arg8[%add3A_51, %dma_start3A_250] : memref<10000x128xf32, #tpu.memory_space<vmem_shared>> -> memref<25x128xf32, #tpu.memory_space<vmem_shared>>
      %dma_start3A_252 = arith.constant 0 : i32
      %dma_start3A_253 = tpu.memref_slice %arg8[%add3A_51, %dma_start3A_252] : memref<10000x128xf32, #tpu.memory_space<vmem_shared>> -> memref<25x128xf32, #tpu.memory_space<vmem_shared>>
      tpu.enqueue_dma source(%arg13 : memref<25x128xf32, #tpu.memory_space<vmem>>) target(%dma_start3A_253 : memref<25x128xf32, #tpu.memory_space<vmem_shared>>) target_semaphore(%run_scoped3A_249 : memref<!tpu.dma_semaphore, #tpu.memory_space<semaphore_mem>>)
      %dma_wait3A_254 = arith.constant 0 : i32
      %dma_wait3A_255 = tpu.memref_slice %arg8[%add3A_51, %dma_wait3A_254] : memref<10000x128xf32, #tpu.memory_space<vmem_shared>> -> memref<25x128xf32, #tpu.memory_space<vmem_shared>>
      %dma_wait3A_256 = arith.constant 0 : i32
      %dma_wait3A_257 = tpu.memref_slice %arg8[%add3A_51, %dma_wait3A_256] : memref<10000x128xf32, #tpu.memory_space<vmem_shared>> -> memref<25x128xf32, #tpu.memory_space<vmem_shared>>
      tpu.wait_dma2 semaphore(%run_scoped3A_249 : memref<!tpu.dma_semaphore, #tpu.memory_space<semaphore_mem>>) src(%arg13 : memref<25x128xf32, #tpu.memory_space<vmem>>) dst(%dma_wait3A_257 : memref<25x128xf32, #tpu.memory_space<vmem_shared>>)
      tpu.yield
    }) : () -> ()
    %add3A_52 = arith.constant 525 : i32
    %add3A_53 = arith.addi %mul3A_0, %add3A_52 : i32
    "tpu.region"() ({
      %run_scoped3A_249 = tpu.sem_alloc : memref<!tpu.dma_semaphore, #tpu.memory_space<semaphore_mem>>
      %dma_start3A_250 = arith.constant 0 : i32
      %dma_start3A_251 = tpu.memref_slice %arg8[%add3A_53, %dma_start3A_250] : memref<10000x128xf32, #tpu.memory_space<vmem_shared>> -> memref<25x128xf32, #tpu.memory_space<vmem_shared>>
      %dma_start3A_252 = arith.constant 0 : i32
      %dma_start3A_253 = tpu.memref_slice %arg8[%add3A_53, %dma_start3A_252] : memref<10000x128xf32, #tpu.memory_space<vmem_shared>> -> memref<25x128xf32, #tpu.memory_space<vmem_shared>>
      tpu.enqueue_dma source(%arg13 : memref<25x128xf32, #tpu.memory_space<vmem>>) target(%dma_start3A_253 : memref<25x128xf32, #tpu.memory_space<vmem_shared>>) target_semaphore(%run_scoped3A_249 : memref<!tpu.dma_semaphore, #tpu.memory_space<semaphore_mem>>)
      %dma_wait3A_254 = arith.constant 0 : i32
      %dma_wait3A_255 = tpu.memref_slice %arg8[%add3A_53, %dma_wait3A_254] : memref<10000x128xf32, #tpu.memory_space<vmem_shared>> -> memref<25x128xf32, #tpu.memory_space<vmem_shared>>
      %dma_wait3A_256 = arith.constant 0 : i32
      %dma_wait3A_257 = tpu.memref_slice %arg8[%add3A_53, %dma_wait3A_256] : memref<10000x128xf32, #tpu.memory_space<vmem_shared>> -> memref<25x128xf32, #tpu.memory_space<vmem_shared>>
      tpu.wait_dma2 semaphore(%run_scoped3A_249 : memref<!tpu.dma_semaphore, #tpu.memory_space<semaphore_mem>>) src(%arg13 : memref<25x128xf32, #tpu.memory_space<vmem>>) dst(%dma_wait3A_257 : memref<25x128xf32, #tpu.memory_space<vmem_shared>>)
      tpu.yield
    }) : () -> ()
    %add3A_54 = arith.constant 550 : i32
    %add3A_55 = arith.addi %mul3A_0, %add3A_54 : i32
    "tpu.region"() ({
      %run_scoped3A_249 = tpu.sem_alloc : memref<!tpu.dma_semaphore, #tpu.memory_space<semaphore_mem>>
      %dma_start3A_250 = arith.constant 0 : i32
      %dma_start3A_251 = tpu.memref_slice %arg8[%add3A_55, %dma_start3A_250] : memref<10000x128xf32, #tpu.memory_space<vmem_shared>> -> memref<25x128xf32, #tpu.memory_space<vmem_shared>>
      %dma_start3A_252 = arith.constant 0 : i32
      %dma_start3A_253 = tpu.memref_slice %arg8[%add3A_55, %dma_start3A_252] : memref<10000x128xf32, #tpu.memory_space<vmem_shared>> -> memref<25x128xf32, #tpu.memory_space<vmem_shared>>
      tpu.enqueue_dma source(%arg13 : memref<25x128xf32, #tpu.memory_space<vmem>>) target(%dma_start3A_253 : memref<25x128xf32, #tpu.memory_space<vmem_shared>>) target_semaphore(%run_scoped3A_249 : memref<!tpu.dma_semaphore, #tpu.memory_space<semaphore_mem>>)
      %dma_wait3A_254 = arith.constant 0 : i32
      %dma_wait3A_255 = tpu.memref_slice %arg8[%add3A_55, %dma_wait3A_254] : memref<10000x128xf32, #tpu.memory_space<vmem_shared>> -> memref<25x128xf32, #tpu.memory_space<vmem_shared>>
      %dma_wait3A_256 = arith.constant 0 : i32
      %dma_wait3A_257 = tpu.memref_slice %arg8[%add3A_55, %dma_wait3A_256] : memref<10000x128xf32, #tpu.memory_space<vmem_shared>> -> memref<25x128xf32, #tpu.memory_space<vmem_shared>>
      tpu.wait_dma2 semaphore(%run_scoped3A_249 : memref<!tpu.dma_semaphore, #tpu.memory_space<semaphore_mem>>) src(%arg13 : memref<25x128xf32, #tpu.memory_space<vmem>>) dst(%dma_wait3A_257 : memref<25x128xf32, #tpu.memory_space<vmem_shared>>)
      tpu.yield
    }) : () -> ()
    %add3A_56 = arith.constant 575 : i32
    %add3A_57 = arith.addi %mul3A_0, %add3A_56 : i32
    "tpu.region"() ({
      %run_scoped3A_249 = tpu.sem_alloc : memref<!tpu.dma_semaphore, #tpu.memory_space<semaphore_mem>>
      %dma_start3A_250 = arith.constant 0 : i32
      %dma_start3A_251 = tpu.memref_slice %arg8[%add3A_57, %dma_start3A_250] : memref<10000x128xf32, #tpu.memory_space<vmem_shared>> -> memref<25x128xf32, #tpu.memory_space<vmem_shared>>
      %dma_start3A_252 = arith.constant 0 : i32
      %dma_start3A_253 = tpu.memref_slice %arg8[%add3A_57, %dma_start3A_252] : memref<10000x128xf32, #tpu.memory_space<vmem_shared>> -> memref<25x128xf32, #tpu.memory_space<vmem_shared>>
      tpu.enqueue_dma source(%arg13 : memref<25x128xf32, #tpu.memory_space<vmem>>) target(%dma_start3A_253 : memref<25x128xf32, #tpu.memory_space<vmem_shared>>) target_semaphore(%run_scoped3A_249 : memref<!tpu.dma_semaphore, #tpu.memory_space<semaphore_mem>>)
      %dma_wait3A_254 = arith.constant 0 : i32
      %dma_wait3A_255 = tpu.memref_slice %arg8[%add3A_57, %dma_wait3A_254] : memref<10000x128xf32, #tpu.memory_space<vmem_shared>> -> memref<25x128xf32, #tpu.memory_space<vmem_shared>>
      %dma_wait3A_256 = arith.constant 0 : i32
      %dma_wait3A_257 = tpu.memref_slice %arg8[%add3A_57, %dma_wait3A_256] : memref<10000x128xf32, #tpu.memory_space<vmem_shared>> -> memref<25x128xf32, #tpu.memory_space<vmem_shared>>
      tpu.wait_dma2 semaphore(%run_scoped3A_249 : memref<!tpu.dma_semaphore, #tpu.memory_space<semaphore_mem>>) src(%arg13 : memref<25x128xf32, #tpu.memory_space<vmem>>) dst(%dma_wait3A_257 : memref<25x128xf32, #tpu.memory_space<vmem_shared>>)
      tpu.yield
    }) : () -> ()
    %add3A_58 = arith.constant 600 : i32
    %add3A_59 = arith.addi %mul3A_0, %add3A_58 : i32
    "tpu.region"() ({
      %run_scoped3A_249 = tpu.sem_alloc : memref<!tpu.dma_semaphore, #tpu.memory_space<semaphore_mem>>
      %dma_start3A_250 = arith.constant 0 : i32
      %dma_start3A_251 = tpu.memref_slice %arg8[%add3A_59, %dma_start3A_250] : memref<10000x128xf32, #tpu.memory_space<vmem_shared>> -> memref<25x128xf32, #tpu.memory_space<vmem_shared>>
      %dma_start3A_252 = arith.constant 0 : i32
      %dma_start3A_253 = tpu.memref_slice %arg8[%add3A_59, %dma_start3A_252] : memref<10000x128xf32, #tpu.memory_space<vmem_shared>> -> memref<25x128xf32, #tpu.memory_space<vmem_shared>>
      tpu.enqueue_dma source(%arg13 : memref<25x128xf32, #tpu.memory_space<vmem>>) target(%dma_start3A_253 : memref<25x128xf32, #tpu.memory_space<vmem_shared>>) target_semaphore(%run_scoped3A_249 : memref<!tpu.dma_semaphore, #tpu.memory_space<semaphore_mem>>)
      %dma_wait3A_254 = arith.constant 0 : i32
      %dma_wait3A_255 = tpu.memref_slice %arg8[%add3A_59, %dma_wait3A_254] : memref<10000x128xf32, #tpu.memory_space<vmem_shared>> -> memref<25x128xf32, #tpu.memory_space<vmem_shared>>
      %dma_wait3A_256 = arith.constant 0 : i32
      %dma_wait3A_257 = tpu.memref_slice %arg8[%add3A_59, %dma_wait3A_256] : memref<10000x128xf32, #tpu.memory_space<vmem_shared>> -> memref<25x128xf32, #tpu.memory_space<vmem_shared>>
      tpu.wait_dma2 semaphore(%run_scoped3A_249 : memref<!tpu.dma_semaphore, #tpu.memory_space<semaphore_mem>>) src(%arg13 : memref<25x128xf32, #tpu.memory_space<vmem>>) dst(%dma_wait3A_257 : memref<25x128xf32, #tpu.memory_space<vmem_shared>>)
      tpu.yield
    }) : () -> ()
    %barrier3A = arith.constant 0 : index
    tpu.barrier barrier_id(%barrier3A)
    %add3A_60 = arith.constant 0 : i32
    %add3A_61 = arith.addi %add3A, %add3A_60 : i32
    %dma_start3A = arith.constant 0 : i32
    %dma_start3A_62 = arith.constant 0 : i32
    %dma_start3A_63 = arith.constant 0 : i32
    %dma_start3A_64 = tpu.memref_slice %arg9[%dma_start3A, %dma_start3A_63] : memref<2x80xi32, #tpu.memory_space<vmem>> -> memref<1x80xi32, #tpu.memory_space<vmem>>
    %dma_start3A_65 = tpu.memref_squeeze %dma_start3A_64 : memref<1x80xi32, #tpu.memory_space<vmem>> -> memref<80xi32, #tpu.memory_space<vmem>>
    %dma_start3A_66 = tpu.memref_slice %arg4[%add3A_61] : memref<320160xi32, #tpu.memory_space<hbm>> -> memref<80xi32, #tpu.memory_space<hbm>>
    %dma_start3A_67 = tpu.memref_slice %arg14[%dma_start3A_62] : memref<2x!tpu.dma_semaphore, #tpu.memory_space<semaphore_mem>> -> memref<1x!tpu.dma_semaphore, #tpu.memory_space<semaphore_mem>>
    %dma_start3A_68 = tpu.memref_squeeze %dma_start3A_67 : memref<1x!tpu.dma_semaphore, #tpu.memory_space<semaphore_mem>> -> memref<!tpu.dma_semaphore, #tpu.memory_space<semaphore_mem>>
    %dma_start3A_69 = arith.constant 0 : i32
    %dma_start3A_70 = tpu.memref_slice %arg9[%dma_start3A, %dma_start3A_69] : memref<2x80xi32, #tpu.memory_space<vmem>> -> memref<1x80xi32, #tpu.memory_space<vmem>>
    %dma_start3A_71 = tpu.memref_squeeze %dma_start3A_70 : memref<1x80xi32, #tpu.memory_space<vmem>> -> memref<80xi32, #tpu.memory_space<vmem>>
    %dma_start3A_72 = tpu.memref_slice %arg4[%add3A_61] : memref<320160xi32, #tpu.memory_space<hbm>> -> memref<80xi32, #tpu.memory_space<hbm>>
    tpu.enqueue_dma source(%dma_start3A_72 : memref<80xi32, #tpu.memory_space<hbm>>) target(%dma_start3A_71 : memref<80xi32, #tpu.memory_space<vmem>>) target_semaphore(%dma_start3A_68 : memref<!tpu.dma_semaphore, #tpu.memory_space<semaphore_mem>>)
    %dma_start3A_73 = arith.constant 0 : i32
    %dma_start3A_74 = arith.constant 0 : i32
    %dma_start3A_75 = arith.constant 0 : i32
    %dma_start3A_76 = tpu.memref_slice %arg10[%dma_start3A_73, %dma_start3A_75] : memref<2x80xi32, #tpu.memory_space<vmem>> -> memref<1x80xi32, #tpu.memory_space<vmem>>
    %dma_start3A_77 = tpu.memref_squeeze %dma_start3A_76 : memref<1x80xi32, #tpu.memory_space<vmem>> -> memref<80xi32, #tpu.memory_space<vmem>>
    %dma_start3A_78 = tpu.memref_slice %arg5[%add3A_61] : memref<320160xi32, #tpu.memory_space<hbm>> -> memref<80xi32, #tpu.memory_space<hbm>>
    %dma_start3A_79 = tpu.memref_slice %arg15[%dma_start3A_74] : memref<2x!tpu.dma_semaphore, #tpu.memory_space<semaphore_mem>> -> memref<1x!tpu.dma_semaphore, #tpu.memory_space<semaphore_mem>>
    %dma_start3A_80 = tpu.memref_squeeze %dma_start3A_79 : memref<1x!tpu.dma_semaphore, #tpu.memory_space<semaphore_mem>> -> memref<!tpu.dma_semaphore, #tpu.memory_space<semaphore_mem>>
    %dma_start3A_81 = arith.constant 0 : i32
    %dma_start3A_82 = tpu.memref_slice %arg10[%dma_start3A_73, %dma_start3A_81] : memref<2x80xi32, #tpu.memory_space<vmem>> -> memref<1x80xi32, #tpu.memory_space<vmem>>
    %dma_start3A_83 = tpu.memref_squeeze %dma_start3A_82 : memref<1x80xi32, #tpu.memory_space<vmem>> -> memref<80xi32, #tpu.memory_space<vmem>>
    %dma_start3A_84 = tpu.memref_slice %arg5[%add3A_61] : memref<320160xi32, #tpu.memory_space<hbm>> -> memref<80xi32, #tpu.memory_space<hbm>>
    tpu.enqueue_dma source(%dma_start3A_84 : memref<80xi32, #tpu.memory_space<hbm>>) target(%dma_start3A_83 : memref<80xi32, #tpu.memory_space<vmem>>) target_semaphore(%dma_start3A_80 : memref<!tpu.dma_semaphore, #tpu.memory_space<semaphore_mem>>)
    %add3A_85 = arith.constant 80 : i32
    %add3A_86 = arith.addi %add3A, %add3A_85 : i32
    %dma_start3A_87 = arith.constant 1 : i32
    %dma_start3A_88 = arith.constant 1 : i32
    %dma_start3A_89 = arith.constant 0 : i32
    %dma_start3A_90 = tpu.memref_slice %arg9[%dma_start3A_87, %dma_start3A_89] : memref<2x80xi32, #tpu.memory_space<vmem>> -> memref<1x80xi32, #tpu.memory_space<vmem>>
    %dma_start3A_91 = tpu.memref_squeeze %dma_start3A_90 : memref<1x80xi32, #tpu.memory_space<vmem>> -> memref<80xi32, #tpu.memory_space<vmem>>
    %dma_start3A_92 = tpu.memref_slice %arg4[%add3A_86] : memref<320160xi32, #tpu.memory_space<hbm>> -> memref<80xi32, #tpu.memory_space<hbm>>
    %dma_start3A_93 = tpu.memref_slice %arg14[%dma_start3A_88] : memref<2x!tpu.dma_semaphore, #tpu.memory_space<semaphore_mem>> -> memref<1x!tpu.dma_semaphore, #tpu.memory_space<semaphore_mem>>
    %dma_start3A_94 = tpu.memref_squeeze %dma_start3A_93 : memref<1x!tpu.dma_semaphore, #tpu.memory_space<semaphore_mem>> -> memref<!tpu.dma_semaphore, #tpu.memory_space<semaphore_mem>>
    %dma_start3A_95 = arith.constant 0 : i32
    %dma_start3A_96 = tpu.memref_slice %arg9[%dma_start3A_87, %dma_start3A_95] : memref<2x80xi32, #tpu.memory_space<vmem>> -> memref<1x80xi32, #tpu.memory_space<vmem>>
    %dma_start3A_97 = tpu.memref_squeeze %dma_start3A_96 : memref<1x80xi32, #tpu.memory_space<vmem>> -> memref<80xi32, #tpu.memory_space<vmem>>
    %dma_start3A_98 = tpu.memref_slice %arg4[%add3A_86] : memref<320160xi32, #tpu.memory_space<hbm>> -> memref<80xi32, #tpu.memory_space<hbm>>
    tpu.enqueue_dma source(%dma_start3A_98 : memref<80xi32, #tpu.memory_space<hbm>>) target(%dma_start3A_97 : memref<80xi32, #tpu.memory_space<vmem>>) target_semaphore(%dma_start3A_94 : memref<!tpu.dma_semaphore, #tpu.memory_space<semaphore_mem>>)
    %dma_start3A_99 = arith.constant 1 : i32
    %dma_start3A_100 = arith.constant 1 : i32
    %dma_start3A_101 = arith.constant 0 : i32
    %dma_start3A_102 = tpu.memref_slice %arg10[%dma_start3A_99, %dma_start3A_101] : memref<2x80xi32, #tpu.memory_space<vmem>> -> memref<1x80xi32, #tpu.memory_space<vmem>>
    %dma_start3A_103 = tpu.memref_squeeze %dma_start3A_102 : memref<1x80xi32, #tpu.memory_space<vmem>> -> memref<80xi32, #tpu.memory_space<vmem>>
    %dma_start3A_104 = tpu.memref_slice %arg5[%add3A_86] : memref<320160xi32, #tpu.memory_space<hbm>> -> memref<80xi32, #tpu.memory_space<hbm>>
    %dma_start3A_105 = tpu.memref_slice %arg15[%dma_start3A_100] : memref<2x!tpu.dma_semaphore, #tpu.memory_space<semaphore_mem>> -> memref<1x!tpu.dma_semaphore, #tpu.memory_space<semaphore_mem>>
    %dma_start3A_106 = tpu.memref_squeeze %dma_start3A_105 : memref<1x!tpu.dma_semaphore, #tpu.memory_space<semaphore_mem>> -> memref<!tpu.dma_semaphore, #tpu.memory_space<semaphore_mem>>
    %dma_start3A_107 = arith.constant 0 : i32
    %dma_start3A_108 = tpu.memref_slice %arg10[%dma_start3A_99, %dma_start3A_107] : memref<2x80xi32, #tpu.memory_space<vmem>> -> memref<1x80xi32, #tpu.memory_space<vmem>>
    %dma_start3A_109 = tpu.memref_squeeze %dma_start3A_108 : memref<1x80xi32, #tpu.memory_space<vmem>> -> memref<80xi32, #tpu.memory_space<vmem>>
    %dma_start3A_110 = tpu.memref_slice %arg5[%add3A_86] : memref<320160xi32, #tpu.memory_space<hbm>> -> memref<80xi32, #tpu.memory_space<hbm>>
    tpu.enqueue_dma source(%dma_start3A_110 : memref<80xi32, #tpu.memory_space<hbm>>) target(%dma_start3A_109 : memref<80xi32, #tpu.memory_space<vmem>>) target_semaphore(%dma_start3A_106 : memref<!tpu.dma_semaphore, #tpu.memory_space<semaphore_mem>>)
    %add3A_111 = arith.constant 0 : i32
    %add3A_112 = arith.addi %add3A, %add3A_111 : i32
    %dma_wait3A = arith.constant 0 : i32
    %dma_wait3A_113 = arith.constant 0 : i32
    %dma_wait3A_114 = arith.constant 0 : i32
    %dma_wait3A_115 = tpu.memref_slice %arg9[%dma_wait3A, %dma_wait3A_114] : memref<2x80xi32, #tpu.memory_space<vmem>> -> memref<1x80xi32, #tpu.memory_space<vmem>>
    %dma_wait3A_116 = tpu.memref_squeeze %dma_wait3A_115 : memref<1x80xi32, #tpu.memory_space<vmem>> -> memref<80xi32, #tpu.memory_space<vmem>>
    %dma_wait3A_117 = tpu.memref_slice %arg4[%add3A_112] : memref<320160xi32, #tpu.memory_space<hbm>> -> memref<80xi32, #tpu.memory_space<hbm>>
    %dma_wait3A_118 = tpu.memref_slice %arg14[%dma_wait3A_113] : memref<2x!tpu.dma_semaphore, #tpu.memory_space<semaphore_mem>> -> memref<1x!tpu.dma_semaphore, #tpu.memory_space<semaphore_mem>>
    %dma_wait3A_119 = tpu.memref_squeeze %dma_wait3A_118 : memref<1x!tpu.dma_semaphore, #tpu.memory_space<semaphore_mem>> -> memref<!tpu.dma_semaphore, #tpu.memory_space<semaphore_mem>>
    %dma_wait3A_120 = arith.constant 0 : i32
    %dma_wait3A_121 = tpu.memref_slice %arg9[%dma_wait3A, %dma_wait3A_120] : memref<2x80xi32, #tpu.memory_space<vmem>> -> memref<1x80xi32, #tpu.memory_space<vmem>>
    %dma_wait3A_122 = tpu.memref_squeeze %dma_wait3A_121 : memref<1x80xi32, #tpu.memory_space<vmem>> -> memref<80xi32, #tpu.memory_space<vmem>>
    %dma_wait3A_123 = tpu.memref_slice %arg4[%add3A_112] : memref<320160xi32, #tpu.memory_space<hbm>> -> memref<80xi32, #tpu.memory_space<hbm>>
    tpu.wait_dma2 semaphore(%dma_wait3A_119 : memref<!tpu.dma_semaphore, #tpu.memory_space<semaphore_mem>>) src(%dma_wait3A_123 : memref<80xi32, #tpu.memory_space<hbm>>) dst(%dma_wait3A_122 : memref<80xi32, #tpu.memory_space<vmem>>)
    %dma_wait3A_124 = arith.constant 0 : i32
    %dma_wait3A_125 = arith.constant 0 : i32
    %dma_wait3A_126 = arith.constant 0 : i32
    %dma_wait3A_127 = tpu.memref_slice %arg10[%dma_wait3A_124, %dma_wait3A_126] : memref<2x80xi32, #tpu.memory_space<vmem>> -> memref<1x80xi32, #tpu.memory_space<vmem>>
    %dma_wait3A_128 = tpu.memref_squeeze %dma_wait3A_127 : memref<1x80xi32, #tpu.memory_space<vmem>> -> memref<80xi32, #tpu.memory_space<vmem>>
    %dma_wait3A_129 = tpu.memref_slice %arg5[%add3A_112] : memref<320160xi32, #tpu.memory_space<hbm>> -> memref<80xi32, #tpu.memory_space<hbm>>
    %dma_wait3A_130 = tpu.memref_slice %arg15[%dma_wait3A_125] : memref<2x!tpu.dma_semaphore, #tpu.memory_space<semaphore_mem>> -> memref<1x!tpu.dma_semaphore, #tpu.memory_space<semaphore_mem>>
    %dma_wait3A_131 = tpu.memref_squeeze %dma_wait3A_130 : memref<1x!tpu.dma_semaphore, #tpu.memory_space<semaphore_mem>> -> memref<!tpu.dma_semaphore, #tpu.memory_space<semaphore_mem>>
    %dma_wait3A_132 = arith.constant 0 : i32
    %dma_wait3A_133 = tpu.memref_slice %arg10[%dma_wait3A_124, %dma_wait3A_132] : memref<2x80xi32, #tpu.memory_space<vmem>> -> memref<1x80xi32, #tpu.memory_space<vmem>>
    %dma_wait3A_134 = tpu.memref_squeeze %dma_wait3A_133 : memref<1x80xi32, #tpu.memory_space<vmem>> -> memref<80xi32, #tpu.memory_space<vmem>>
    %dma_wait3A_135 = tpu.memref_slice %arg5[%add3A_112] : memref<320160xi32, #tpu.memory_space<hbm>> -> memref<80xi32, #tpu.memory_space<hbm>>
    tpu.wait_dma2 semaphore(%dma_wait3A_131 : memref<!tpu.dma_semaphore, #tpu.memory_space<semaphore_mem>>) src(%dma_wait3A_135 : memref<80xi32, #tpu.memory_space<hbm>>) dst(%dma_wait3A_134 : memref<80xi32, #tpu.memory_space<vmem>>)
    %add3A_136 = arith.constant 0 : i32
    %add3A_137 = arith.addi %add3A, %add3A_136 : i32
    %dma_start3A_138 = arith.constant 0 : i32
    %dma_start3A_139 = arith.constant 0 : i32
    %dma_start3A_140 = arith.constant 0 : i32
    %dma_start3A_141 = arith.constant 0 : i32
    %dma_start3A_142 = arith.constant 0 : i32
    %dma_start3A_143 = tpu.memref_slice %arg11[%dma_start3A_139, %dma_start3A_141, %dma_start3A_142] : memref<2x80x128xf32, #tpu.memory_space<vmem>> -> memref<1x80x128xf32, #tpu.memory_space<vmem>>
    %dma_start3A_144 = tpu.memref_squeeze %dma_start3A_143 : memref<1x80x128xf32, #tpu.memory_space<vmem>> -> memref<80x128xf32, #tpu.memory_space<vmem>>
    %dma_start3A_145 = arith.constant 0 : i32
    %dma_start3A_146 = tpu.memref_slice %arg9[%dma_start3A_138, %dma_start3A_145] : memref<2x80xi32, #tpu.memory_space<vmem>> -> memref<1x80xi32, #tpu.memory_space<vmem>>
    %dma_start3A_147 = tpu.memref_squeeze %dma_start3A_146 : memref<1x80xi32, #tpu.memory_space<vmem>> -> memref<80xi32, #tpu.memory_space<vmem>>
    %dma_start3A_148 = arith.constant 0 : i32
    %dma_start3A_149 = arith.constant 0 : i32
    %dma_start3A_150 = tpu.memref_slice %arg2[%dma_start3A_148, %dma_start3A_149] : memref<10000x128xf32, #tpu.memory_space<hbm>> -> memref<10000x128xf32, #tpu.memory_space<hbm>>
    %dma_start3A_151 = tpu.memref_slice %arg16[%dma_start3A_140] : memref<2x!tpu.dma_semaphore, #tpu.memory_space<semaphore_mem>> -> memref<1x!tpu.dma_semaphore, #tpu.memory_space<semaphore_mem>>
    %dma_start3A_152 = tpu.memref_squeeze %dma_start3A_151 : memref<1x!tpu.dma_semaphore, #tpu.memory_space<semaphore_mem>> -> memref<!tpu.dma_semaphore, #tpu.memory_space<semaphore_mem>>
    tpu.enqueue_indirect_dma source(%dma_start3A_150 : memref<10000x128xf32, #tpu.memory_space<hbm>>) target(%dma_start3A_144 : memref<80x128xf32, #tpu.memory_space<vmem>>) offsets(%dma_start3A_147 : memref<80xi32, #tpu.memory_space<vmem>>) semaphore(%dma_start3A_152 : memref<!tpu.dma_semaphore, #tpu.memory_space<semaphore_mem>>)
    %dma_start3A_153 = arith.constant 0 : i32
    %dma_start3A_154 = arith.constant 0 : i32
    %dma_start3A_155 = arith.constant 0 : i32
    %dma_start3A_156 = arith.constant 0 : i32
    %dma_start3A_157 = tpu.memref_slice %arg12[%dma_start3A_153, %dma_start3A_155, %dma_start3A_156] : memref<2x80x128xf32, #tpu.memory_space<vmem>> -> memref<1x80x128xf32, #tpu.memory_space<vmem>>
    %dma_start3A_158 = tpu.memref_squeeze %dma_start3A_157 : memref<1x80x128xf32, #tpu.memory_space<vmem>> -> memref<80x128xf32, #tpu.memory_space<vmem>>
    %dma_start3A_159 = arith.constant 0 : i32
    %dma_start3A_160 = tpu.memref_slice %arg3[%add3A_137, %dma_start3A_159] : memref<327680x128xf32, #tpu.memory_space<hbm>> -> memref<80x128xf32, #tpu.memory_space<hbm>>
    %dma_start3A_161 = tpu.memref_slice %arg17[%dma_start3A_154] : memref<2x!tpu.dma_semaphore, #tpu.memory_space<semaphore_mem>> -> memref<1x!tpu.dma_semaphore, #tpu.memory_space<semaphore_mem>>
    %dma_start3A_162 = tpu.memref_squeeze %dma_start3A_161 : memref<1x!tpu.dma_semaphore, #tpu.memory_space<semaphore_mem>> -> memref<!tpu.dma_semaphore, #tpu.memory_space<semaphore_mem>>
    %dma_start3A_163 = arith.constant 0 : i32
    %dma_start3A_164 = arith.constant 0 : i32
    %dma_start3A_165 = tpu.memref_slice %arg12[%dma_start3A_153, %dma_start3A_163, %dma_start3A_164] : memref<2x80x128xf32, #tpu.memory_space<vmem>> -> memref<1x80x128xf32, #tpu.memory_space<vmem>>
    %dma_start3A_166 = tpu.memref_squeeze %dma_start3A_165 : memref<1x80x128xf32, #tpu.memory_space<vmem>> -> memref<80x128xf32, #tpu.memory_space<vmem>>
    %dma_start3A_167 = arith.constant 0 : i32
    %dma_start3A_168 = tpu.memref_slice %arg3[%add3A_137, %dma_start3A_167] : memref<327680x128xf32, #tpu.memory_space<hbm>> -> memref<80x128xf32, #tpu.memory_space<hbm>>
    tpu.enqueue_dma source(%dma_start3A_168 : memref<80x128xf32, #tpu.memory_space<hbm>>) target(%dma_start3A_166 : memref<80x128xf32, #tpu.memory_space<vmem>>) target_semaphore(%dma_start3A_162 : memref<!tpu.dma_semaphore, #tpu.memory_space<semaphore_mem>>)
    %scan3A_169 = arith.constant 0 : i32
    %scan3A_170 = arith.constant 0 : i32
    %scan3A_171 = arith.constant 62 : i32
    %scan3A_172 = arith.addi %scan3A_170, %scan3A_171 : i32
    %scan3A_173 = arith.constant 1 : i32
    scf.for %scan3A_249 = %scan3A_170 to %scan3A_172 step %scan3A_173  : i32 {
      %mul3A_250 = arith.constant 2 : i32
      %mul3A_251 = arith.muli %mul3A_250, %scan3A_249 : i32
      %add3A_252 = arith.constant 0 : i32
      %add3A_253 = arith.addi %mul3A_251, %add3A_252 : i32
      %add3A_254 = arith.constant 1 : i32
      %add3A_255 = arith.addi %add3A_253, %add3A_254 : i32
      %mul3A_256 = arith.constant 80 : i32
      %mul3A_257 = arith.muli %add3A_255, %mul3A_256 : i32
      %add3A_258 = arith.addi %add3A, %mul3A_257 : i32
      %dma_wait3A_259 = arith.constant 1 : i32
      %dma_wait3A_260 = arith.constant 1 : i32
      %dma_wait3A_261 = arith.constant 0 : i32
      %dma_wait3A_262 = tpu.memref_slice %arg9[%dma_wait3A_259, %dma_wait3A_261] : memref<2x80xi32, #tpu.memory_space<vmem>> -> memref<1x80xi32, #tpu.memory_space<vmem>>
      %dma_wait3A_263 = tpu.memref_squeeze %dma_wait3A_262 : memref<1x80xi32, #tpu.memory_space<vmem>> -> memref<80xi32, #tpu.memory_space<vmem>>
      %dma_wait3A_264 = tpu.memref_slice %arg4[%add3A_258] : memref<320160xi32, #tpu.memory_space<hbm>> -> memref<80xi32, #tpu.memory_space<hbm>>
      %dma_wait3A_265 = tpu.memref_slice %arg14[%dma_wait3A_260] : memref<2x!tpu.dma_semaphore, #tpu.memory_space<semaphore_mem>> -> memref<1x!tpu.dma_semaphore, #tpu.memory_space<semaphore_mem>>
      %dma_wait3A_266 = tpu.memref_squeeze %dma_wait3A_265 : memref<1x!tpu.dma_semaphore, #tpu.memory_space<semaphore_mem>> -> memref<!tpu.dma_semaphore, #tpu.memory_space<semaphore_mem>>
      %dma_wait3A_267 = arith.constant 0 : i32
      %dma_wait3A_268 = tpu.memref_slice %arg9[%dma_wait3A_259, %dma_wait3A_267] : memref<2x80xi32, #tpu.memory_space<vmem>> -> memref<1x80xi32, #tpu.memory_space<vmem>>
      %dma_wait3A_269 = tpu.memref_squeeze %dma_wait3A_268 : memref<1x80xi32, #tpu.memory_space<vmem>> -> memref<80xi32, #tpu.memory_space<vmem>>
      %dma_wait3A_270 = tpu.memref_slice %arg4[%add3A_258] : memref<320160xi32, #tpu.memory_space<hbm>> -> memref<80xi32, #tpu.memory_space<hbm>>
      tpu.wait_dma2 semaphore(%dma_wait3A_266 : memref<!tpu.dma_semaphore, #tpu.memory_space<semaphore_mem>>) src(%dma_wait3A_270 : memref<80xi32, #tpu.memory_space<hbm>>) dst(%dma_wait3A_269 : memref<80xi32, #tpu.memory_space<vmem>>)
      %dma_wait3A_271 = arith.constant 1 : i32
      %dma_wait3A_272 = arith.constant 1 : i32
      %dma_wait3A_273 = arith.constant 0 : i32
      %dma_wait3A_274 = tpu.memref_slice %arg10[%dma_wait3A_271, %dma_wait3A_273] : memref<2x80xi32, #tpu.memory_space<vmem>> -> memref<1x80xi32, #tpu.memory_space<vmem>>
      %dma_wait3A_275 = tpu.memref_squeeze %dma_wait3A_274 : memref<1x80xi32, #tpu.memory_space<vmem>> -> memref<80xi32, #tpu.memory_space<vmem>>
      %dma_wait3A_276 = tpu.memref_slice %arg5[%add3A_258] : memref<320160xi32, #tpu.memory_space<hbm>> -> memref<80xi32, #tpu.memory_space<hbm>>
      %dma_wait3A_277 = tpu.memref_slice %arg15[%dma_wait3A_272] : memref<2x!tpu.dma_semaphore, #tpu.memory_space<semaphore_mem>> -> memref<1x!tpu.dma_semaphore, #tpu.memory_space<semaphore_mem>>
      %dma_wait3A_278 = tpu.memref_squeeze %dma_wait3A_277 : memref<1x!tpu.dma_semaphore, #tpu.memory_space<semaphore_mem>> -> memref<!tpu.dma_semaphore, #tpu.memory_space<semaphore_mem>>
      %dma_wait3A_279 = arith.constant 0 : i32
      %dma_wait3A_280 = tpu.memref_slice %arg10[%dma_wait3A_271, %dma_wait3A_279] : memref<2x80xi32, #tpu.memory_space<vmem>> -> memref<1x80xi32, #tpu.memory_space<vmem>>
      %dma_wait3A_281 = tpu.memref_squeeze %dma_wait3A_280 : memref<1x80xi32, #tpu.memory_space<vmem>> -> memref<80xi32, #tpu.memory_space<vmem>>
      %dma_wait3A_282 = tpu.memref_slice %arg5[%add3A_258] : memref<320160xi32, #tpu.memory_space<hbm>> -> memref<80xi32, #tpu.memory_space<hbm>>
      tpu.wait_dma2 semaphore(%dma_wait3A_278 : memref<!tpu.dma_semaphore, #tpu.memory_space<semaphore_mem>>) src(%dma_wait3A_282 : memref<80xi32, #tpu.memory_space<hbm>>) dst(%dma_wait3A_281 : memref<80xi32, #tpu.memory_space<vmem>>)
      %add3A_283 = arith.constant 1 : i32
      %add3A_284 = arith.addi %add3A_253, %add3A_283 : i32
      %mul3A_285 = arith.constant 80 : i32
      %mul3A_286 = arith.muli %add3A_284, %mul3A_285 : i32
      %add3A_287 = arith.addi %add3A, %mul3A_286 : i32
      %dma_start3A_288 = arith.constant 1 : i32
      %dma_start3A_289 = arith.constant 1 : i32
      %dma_start3A_290 = arith.constant 1 : i32
      %dma_start3A_291 = arith.constant 0 : i32
      %dma_start3A_292 = arith.constant 0 : i32
      %dma_start3A_293 = tpu.memref_slice %arg11[%dma_start3A_289, %dma_start3A_291, %dma_start3A_292] : memref<2x80x128xf32, #tpu.memory_space<vmem>> -> memref<1x80x128xf32, #tpu.memory_space<vmem>>
      %dma_start3A_294 = tpu.memref_squeeze %dma_start3A_293 : memref<1x80x128xf32, #tpu.memory_space<vmem>> -> memref<80x128xf32, #tpu.memory_space<vmem>>
      %dma_start3A_295 = arith.constant 0 : i32
      %dma_start3A_296 = tpu.memref_slice %arg9[%dma_start3A_288, %dma_start3A_295] : memref<2x80xi32, #tpu.memory_space<vmem>> -> memref<1x80xi32, #tpu.memory_space<vmem>>
      %dma_start3A_297 = tpu.memref_squeeze %dma_start3A_296 : memref<1x80xi32, #tpu.memory_space<vmem>> -> memref<80xi32, #tpu.memory_space<vmem>>
      %dma_start3A_298 = arith.constant 0 : i32
      %dma_start3A_299 = arith.constant 0 : i32
      %dma_start3A_300 = tpu.memref_slice %arg2[%dma_start3A_298, %dma_start3A_299] : memref<10000x128xf32, #tpu.memory_space<hbm>> -> memref<10000x128xf32, #tpu.memory_space<hbm>>
      %dma_start3A_301 = tpu.memref_slice %arg16[%dma_start3A_290] : memref<2x!tpu.dma_semaphore, #tpu.memory_space<semaphore_mem>> -> memref<1x!tpu.dma_semaphore, #tpu.memory_space<semaphore_mem>>
      %dma_start3A_302 = tpu.memref_squeeze %dma_start3A_301 : memref<1x!tpu.dma_semaphore, #tpu.memory_space<semaphore_mem>> -> memref<!tpu.dma_semaphore, #tpu.memory_space<semaphore_mem>>
      tpu.enqueue_indirect_dma source(%dma_start3A_300 : memref<10000x128xf32, #tpu.memory_space<hbm>>) target(%dma_start3A_294 : memref<80x128xf32, #tpu.memory_space<vmem>>) offsets(%dma_start3A_297 : memref<80xi32, #tpu.memory_space<vmem>>) semaphore(%dma_start3A_302 : memref<!tpu.dma_semaphore, #tpu.memory_space<semaphore_mem>>)
      %dma_start3A_303 = arith.constant 1 : i32
      %dma_start3A_304 = arith.constant 1 : i32
      %dma_start3A_305 = arith.constant 0 : i32
      %dma_start3A_306 = arith.constant 0 : i32
      %dma_start3A_307 = tpu.memref_slice %arg12[%dma_start3A_303, %dma_start3A_305, %dma_start3A_306] : memref<2x80x128xf32, #tpu.memory_space<vmem>> -> memref<1x80x128xf32, #tpu.memory_space<vmem>>
      %dma_start3A_308 = tpu.memref_squeeze %dma_start3A_307 : memref<1x80x128xf32, #tpu.memory_space<vmem>> -> memref<80x128xf32, #tpu.memory_space<vmem>>
      %dma_start3A_309 = arith.constant 0 : i32
      %dma_start3A_310 = tpu.memref_slice %arg3[%add3A_287, %dma_start3A_309] : memref<327680x128xf32, #tpu.memory_space<hbm>> -> memref<80x128xf32, #tpu.memory_space<hbm>>
      %dma_start3A_311 = tpu.memref_slice %arg17[%dma_start3A_304] : memref<2x!tpu.dma_semaphore, #tpu.memory_space<semaphore_mem>> -> memref<1x!tpu.dma_semaphore, #tpu.memory_space<semaphore_mem>>
      %dma_start3A_312 = tpu.memref_squeeze %dma_start3A_311 : memref<1x!tpu.dma_semaphore, #tpu.memory_space<semaphore_mem>> -> memref<!tpu.dma_semaphore, #tpu.memory_space<semaphore_mem>>
      %dma_start3A_313 = arith.constant 0 : i32
      %dma_start3A_314 = arith.constant 0 : i32
      %dma_start3A_315 = tpu.memref_slice %arg12[%dma_start3A_303, %dma_start3A_313, %dma_start3A_314] : memref<2x80x128xf32, #tpu.memory_space<vmem>> -> memref<1x80x128xf32, #tpu.memory_space<vmem>>
      %dma_start3A_316 = tpu.memref_squeeze %dma_start3A_315 : memref<1x80x128xf32, #tpu.memory_space<vmem>> -> memref<80x128xf32, #tpu.memory_space<vmem>>
      %dma_start3A_317 = arith.constant 0 : i32
      %dma_start3A_318 = tpu.memref_slice %arg3[%add3A_287, %dma_start3A_317] : memref<327680x128xf32, #tpu.memory_space<hbm>> -> memref<80x128xf32, #tpu.memory_space<hbm>>
      tpu.enqueue_dma source(%dma_start3A_318 : memref<80x128xf32, #tpu.memory_space<hbm>>) target(%dma_start3A_316 : memref<80x128xf32, #tpu.memory_space<vmem>>) target_semaphore(%dma_start3A_312 : memref<!tpu.dma_semaphore, #tpu.memory_space<semaphore_mem>>)
      %mul3A_319 = arith.constant 80 : i32
      %mul3A_320 = arith.muli %add3A_253, %mul3A_319 : i32
      %add3A_321 = arith.addi %add3A, %mul3A_320 : i32
      %dma_wait3A_322 = arith.constant 0 : i32
      %dma_wait3A_323 = arith.constant 0 : i32
      %dma_wait3A_324 = arith.constant 0 : i32
      %dma_wait3A_325 = arith.constant 0 : i32
      %dma_wait3A_326 = arith.constant 0 : i32
      %dma_wait3A_327 = tpu.memref_slice %arg11[%dma_wait3A_323, %dma_wait3A_325, %dma_wait3A_326] : memref<2x80x128xf32, #tpu.memory_space<vmem>> -> memref<1x80x128xf32, #tpu.memory_space<vmem>>
      %dma_wait3A_328 = tpu.memref_squeeze %dma_wait3A_327 : memref<1x80x128xf32, #tpu.memory_space<vmem>> -> memref<80x128xf32, #tpu.memory_space<vmem>>
      %dma_wait3A_329 = arith.constant 0 : i32
      %dma_wait3A_330 = tpu.memref_slice %arg9[%dma_wait3A_322, %dma_wait3A_329] : memref<2x80xi32, #tpu.memory_space<vmem>> -> memref<1x80xi32, #tpu.memory_space<vmem>>
      %dma_wait3A_331 = tpu.memref_squeeze %dma_wait3A_330 : memref<1x80xi32, #tpu.memory_space<vmem>> -> memref<80xi32, #tpu.memory_space<vmem>>
      %dma_wait3A_332 = arith.constant 0 : i32
      %dma_wait3A_333 = arith.constant 0 : i32
      %dma_wait3A_334 = tpu.memref_slice %arg2[%dma_wait3A_332, %dma_wait3A_333] : memref<10000x128xf32, #tpu.memory_space<hbm>> -> memref<10000x128xf32, #tpu.memory_space<hbm>>
      %dma_wait3A_335 = tpu.memref_slice %arg16[%dma_wait3A_324] : memref<2x!tpu.dma_semaphore, #tpu.memory_space<semaphore_mem>> -> memref<1x!tpu.dma_semaphore, #tpu.memory_space<semaphore_mem>>
      %dma_wait3A_336 = tpu.memref_squeeze %dma_wait3A_335 : memref<1x!tpu.dma_semaphore, #tpu.memory_space<semaphore_mem>> -> memref<!tpu.dma_semaphore, #tpu.memory_space<semaphore_mem>>
      tpu.wait_indirect_dma semaphore(%dma_wait3A_336 : memref<!tpu.dma_semaphore, #tpu.memory_space<semaphore_mem>>) src(%dma_wait3A_334 : memref<10000x128xf32, #tpu.memory_space<hbm>>) dst(%dma_wait3A_328 : memref<80x128xf32, #tpu.memory_space<vmem>>)
      %dma_wait3A_337 = arith.constant 0 : i32
      %dma_wait3A_338 = arith.constant 0 : i32
      %dma_wait3A_339 = arith.constant 0 : i32
      %dma_wait3A_340 = arith.constant 0 : i32
      %dma_wait3A_341 = tpu.memref_slice %arg12[%dma_wait3A_337, %dma_wait3A_339, %dma_wait3A_340] : memref<2x80x128xf32, #tpu.memory_space<vmem>> -> memref<1x80x128xf32, #tpu.memory_space<vmem>>
      %dma_wait3A_342 = tpu.memref_squeeze %dma_wait3A_341 : memref<1x80x128xf32, #tpu.memory_space<vmem>> -> memref<80x128xf32, #tpu.memory_space<vmem>>
      %dma_wait3A_343 = arith.constant 0 : i32
      %dma_wait3A_344 = tpu.memref_slice %arg3[%add3A_321, %dma_wait3A_343] : memref<327680x128xf32, #tpu.memory_space<hbm>> -> memref<80x128xf32, #tpu.memory_space<hbm>>
      %dma_wait3A_345 = tpu.memref_slice %arg17[%dma_wait3A_338] : memref<2x!tpu.dma_semaphore, #tpu.memory_space<semaphore_mem>> -> memref<1x!tpu.dma_semaphore, #tpu.memory_space<semaphore_mem>>
      %dma_wait3A_346 = tpu.memref_squeeze %dma_wait3A_345 : memref<1x!tpu.dma_semaphore, #tpu.memory_space<semaphore_mem>> -> memref<!tpu.dma_semaphore, #tpu.memory_space<semaphore_mem>>
      %dma_wait3A_347 = arith.constant 0 : i32
      %dma_wait3A_348 = arith.constant 0 : i32
      %dma_wait3A_349 = tpu.memref_slice %arg12[%dma_wait3A_337, %dma_wait3A_347, %dma_wait3A_348] : memref<2x80x128xf32, #tpu.memory_space<vmem>> -> memref<1x80x128xf32, #tpu.memory_space<vmem>>
      %dma_wait3A_350 = tpu.memref_squeeze %dma_wait3A_349 : memref<1x80x128xf32, #tpu.memory_space<vmem>> -> memref<80x128xf32, #tpu.memory_space<vmem>>
      %dma_wait3A_351 = arith.constant 0 : i32
      %dma_wait3A_352 = tpu.memref_slice %arg3[%add3A_321, %dma_wait3A_351] : memref<327680x128xf32, #tpu.memory_space<hbm>> -> memref<80x128xf32, #tpu.memory_space<hbm>>
      tpu.wait_dma2 semaphore(%dma_wait3A_346 : memref<!tpu.dma_semaphore, #tpu.memory_space<semaphore_mem>>) src(%dma_wait3A_352 : memref<80x128xf32, #tpu.memory_space<hbm>>) dst(%dma_wait3A_350 : memref<80x128xf32, #tpu.memory_space<vmem>>)
      %scan3A_353 = arith.constant 0 : i32
      %scan3A_354 = arith.constant 0 : i32
      %scan3A_355 = arith.constant 80 : i32
      %scan3A_356 = arith.addi %scan3A_354, %scan3A_355 : i32
      %scan3A_357 = arith.constant 1 : i32
      scf.for %scan3A_530 = %scan3A_354 to %scan3A_356 step %scan3A_357  : i32 {
        %get3A = arith.constant 0 : i32
        %get3A_531 = arith.index_cast %get3A : i32 to index
        %get3A_532 = arith.index_cast %scan3A_530 : i32 to index
        %get3A_533 = arith.constant 0 : index
        %get3A_534 = tpu.vector_load %arg11[%get3A_531, %get3A_532, %get3A_533] {strides = array<i32>} : memref<2x80x128xf32, #tpu.memory_space<vmem>>, vector<16xf32>,
        %get3A_535 = arith.constant 0 : i32
        %get3A_536 = arith.index_cast %get3A_535 : i32 to index
        %get3A_537 = arith.index_cast %scan3A_530 : i32 to index
        %get3A_538 = arith.constant 0 : index
        %get3A_539 = tpu.vector_load %arg12[%get3A_536, %get3A_537, %get3A_538] {strides = array<i32>} : memref<2x80x128xf32, #tpu.memory_space<vmem>>, vector<16xf32>,
        %mul3A_540 = arith.mulf %get3A_534, %get3A_539 : vector<16xf32>
        %swap3A = arith.constant 0 : i32
        %swap3A_541 = arith.index_cast %swap3A : i32 to index
        %swap3A_542 = arith.index_cast %scan3A_530 : i32 to index
        %swap3A_543 = arith.constant 0 : index
        %swap3A_544 = tpu.vector_load %arg11[%swap3A_541, %swap3A_542, %swap3A_543] {strides = array<i32>} : memref<2x80x128xf32, #tpu.memory_space<vmem>>, vector<16xf32>,
        tpu.vector_store %arg11[%swap3A_541, %swap3A_542, %swap3A_543], %mul3A_540 {strides = array<i32>} : memref<2x80x128xf32, #tpu.memory_space<vmem>>, vector<16xf32>,
        %get3A_545 = arith.constant 0 : i32
        %get3A_546 = arith.index_cast %get3A_545 : i32 to index
        %get3A_547 = arith.index_cast %scan3A_530 : i32 to index
        %get3A_548 = arith.constant 16 : index
        %get3A_549 = tpu.vector_load %arg11[%get3A_546, %get3A_547, %get3A_548] {strides = array<i32>} : memref<2x80x128xf32, #tpu.memory_space<vmem>>, vector<16xf32>,
        %get3A_550 = arith.constant 0 : i32
        %get3A_551 = arith.index_cast %get3A_550 : i32 to index
        %get3A_552 = arith.index_cast %scan3A_530 : i32 to index
        %get3A_553 = arith.constant 16 : index
        %get3A_554 = tpu.vector_load %arg12[%get3A_551, %get3A_552, %get3A_553] {strides = array<i32>} : memref<2x80x128xf32, #tpu.memory_space<vmem>>, vector<16xf32>,
        %mul3A_555 = arith.mulf %get3A_549, %get3A_554 : vector<16xf32>
        %swap3A_556 = arith.constant 0 : i32
        %swap3A_557 = arith.index_cast %swap3A_556 : i32 to index
        %swap3A_558 = arith.index_cast %scan3A_530 : i32 to index
        %swap3A_559 = arith.constant 16 : index
        %swap3A_560 = tpu.vector_load %arg11[%swap3A_557, %swap3A_558, %swap3A_559] {strides = array<i32>} : memref<2x80x128xf32, #tpu.memory_space<vmem>>, vector<16xf32>,
        tpu.vector_store %arg11[%swap3A_557, %swap3A_558, %swap3A_559], %mul3A_555 {strides = array<i32>} : memref<2x80x128xf32, #tpu.memory_space<vmem>>, vector<16xf32>,
        %get3A_561 = arith.constant 0 : i32
        %get3A_562 = arith.index_cast %get3A_561 : i32 to index
        %get3A_563 = arith.index_cast %scan3A_530 : i32 to index
        %get3A_564 = arith.constant 32 : index
        %get3A_565 = tpu.vector_load %arg11[%get3A_562, %get3A_563, %get3A_564] {strides = array<i32>} : memref<2x80x128xf32, #tpu.memory_space<vmem>>, vector<16xf32>,
        %get3A_566 = arith.constant 0 : i32
        %get3A_567 = arith.index_cast %get3A_566 : i32 to index
        %get3A_568 = arith.index_cast %scan3A_530 : i32 to index
        %get3A_569 = arith.constant 32 : index
        %get3A_570 = tpu.vector_load %arg12[%get3A_567, %get3A_568, %get3A_569] {strides = array<i32>} : memref<2x80x128xf32, #tpu.memory_space<vmem>>, vector<16xf32>,
        %mul3A_571 = arith.mulf %get3A_565, %get3A_570 : vector<16xf32>
        %swap3A_572 = arith.constant 0 : i32
        %swap3A_573 = arith.index_cast %swap3A_572 : i32 to index
        %swap3A_574 = arith.index_cast %scan3A_530 : i32 to index
        %swap3A_575 = arith.constant 32 : index
        %swap3A_576 = tpu.vector_load %arg11[%swap3A_573, %swap3A_574, %swap3A_575] {strides = array<i32>} : memref<2x80x128xf32, #tpu.memory_space<vmem>>, vector<16xf32>,
        tpu.vector_store %arg11[%swap3A_573, %swap3A_574, %swap3A_575], %mul3A_571 {strides = array<i32>} : memref<2x80x128xf32, #tpu.memory_space<vmem>>, vector<16xf32>,
        %get3A_577 = arith.constant 0 : i32
        %get3A_578 = arith.index_cast %get3A_577 : i32 to index
        %get3A_579 = arith.index_cast %scan3A_530 : i32 to index
        %get3A_580 = arith.constant 48 : index
        %get3A_581 = tpu.vector_load %arg11[%get3A_578, %get3A_579, %get3A_580] {strides = array<i32>} : memref<2x80x128xf32, #tpu.memory_space<vmem>>, vector<16xf32>,
        %get3A_582 = arith.constant 0 : i32
        %get3A_583 = arith.index_cast %get3A_582 : i32 to index
        %get3A_584 = arith.index_cast %scan3A_530 : i32 to index
        %get3A_585 = arith.constant 48 : index
        %get3A_586 = tpu.vector_load %arg12[%get3A_583, %get3A_584, %get3A_585] {strides = array<i32>} : memref<2x80x128xf32, #tpu.memory_space<vmem>>, vector<16xf32>,
        %mul3A_587 = arith.mulf %get3A_581, %get3A_586 : vector<16xf32>
        %swap3A_588 = arith.constant 0 : i32
        %swap3A_589 = arith.index_cast %swap3A_588 : i32 to index
        %swap3A_590 = arith.index_cast %scan3A_530 : i32 to index
        %swap3A_591 = arith.constant 48 : index
        %swap3A_592 = tpu.vector_load %arg11[%swap3A_589, %swap3A_590, %swap3A_591] {strides = array<i32>} : memref<2x80x128xf32, #tpu.memory_space<vmem>>, vector<16xf32>,
        tpu.vector_store %arg11[%swap3A_589, %swap3A_590, %swap3A_591], %mul3A_587 {strides = array<i32>} : memref<2x80x128xf32, #tpu.memory_space<vmem>>, vector<16xf32>,
        %get3A_593 = arith.constant 0 : i32
        %get3A_594 = arith.index_cast %get3A_593 : i32 to index
        %get3A_595 = arith.index_cast %scan3A_530 : i32 to index
        %get3A_596 = arith.constant 64 : index
        %get3A_597 = tpu.vector_load %arg11[%get3A_594, %get3A_595, %get3A_596] {strides = array<i32>} : memref<2x80x128xf32, #tpu.memory_space<vmem>>, vector<16xf32>,
        %get3A_598 = arith.constant 0 : i32
        %get3A_599 = arith.index_cast %get3A_598 : i32 to index
        %get3A_600 = arith.index_cast %scan3A_530 : i32 to index
        %get3A_601 = arith.constant 64 : index
        %get3A_602 = tpu.vector_load %arg12[%get3A_599, %get3A_600, %get3A_601] {strides = array<i32>} : memref<2x80x128xf32, #tpu.memory_space<vmem>>, vector<16xf32>,
        %mul3A_603 = arith.mulf %get3A_597, %get3A_602 : vector<16xf32>
        %swap3A_604 = arith.constant 0 : i32
        %swap3A_605 = arith.index_cast %swap3A_604 : i32 to index
        %swap3A_606 = arith.index_cast %scan3A_530 : i32 to index
        %swap3A_607 = arith.constant 64 : index
        %swap3A_608 = tpu.vector_load %arg11[%swap3A_605, %swap3A_606, %swap3A_607] {strides = array<i32>} : memref<2x80x128xf32, #tpu.memory_space<vmem>>, vector<16xf32>,
        tpu.vector_store %arg11[%swap3A_605, %swap3A_606, %swap3A_607], %mul3A_603 {strides = array<i32>} : memref<2x80x128xf32, #tpu.memory_space<vmem>>, vector<16xf32>,
        %get3A_609 = arith.constant 0 : i32
        %get3A_610 = arith.index_cast %get3A_609 : i32 to index
        %get3A_611 = arith.index_cast %scan3A_530 : i32 to index
        %get3A_612 = arith.constant 80 : index
        %get3A_613 = tpu.vector_load %arg11[%get3A_610, %get3A_611, %get3A_612] {strides = array<i32>} : memref<2x80x128xf32, #tpu.memory_space<vmem>>, vector<16xf32>,
        %get3A_614 = arith.constant 0 : i32
        %get3A_615 = arith.index_cast %get3A_614 : i32 to index
        %get3A_616 = arith.index_cast %scan3A_530 : i32 to index
        %get3A_617 = arith.constant 80 : index
        %get3A_618 = tpu.vector_load %arg12[%get3A_615, %get3A_616, %get3A_617] {strides = array<i32>} : memref<2x80x128xf32, #tpu.memory_space<vmem>>, vector<16xf32>,
        %mul3A_619 = arith.mulf %get3A_613, %get3A_618 : vector<16xf32>
        %swap3A_620 = arith.constant 0 : i32
        %swap3A_621 = arith.index_cast %swap3A_620 : i32 to index
        %swap3A_622 = arith.index_cast %scan3A_530 : i32 to index
        %swap3A_623 = arith.constant 80 : index
        %swap3A_624 = tpu.vector_load %arg11[%swap3A_621, %swap3A_622, %swap3A_623] {strides = array<i32>} : memref<2x80x128xf32, #tpu.memory_space<vmem>>, vector<16xf32>,
        tpu.vector_store %arg11[%swap3A_621, %swap3A_622, %swap3A_623], %mul3A_619 {strides = array<i32>} : memref<2x80x128xf32, #tpu.memory_space<vmem>>, vector<16xf32>,
        %get3A_625 = arith.constant 0 : i32
        %get3A_626 = arith.index_cast %get3A_625 : i32 to index
        %get3A_627 = arith.index_cast %scan3A_530 : i32 to index
        %get3A_628 = arith.constant 96 : index
        %get3A_629 = tpu.vector_load %arg11[%get3A_626, %get3A_627, %get3A_628] {strides = array<i32>} : memref<2x80x128xf32, #tpu.memory_space<vmem>>, vector<16xf32>,
        %get3A_630 = arith.constant 0 : i32
        %get3A_631 = arith.index_cast %get3A_630 : i32 to index
        %get3A_632 = arith.index_cast %scan3A_530 : i32 to index
        %get3A_633 = arith.constant 96 : index
        %get3A_634 = tpu.vector_load %arg12[%get3A_631, %get3A_632, %get3A_633] {strides = array<i32>} : memref<2x80x128xf32, #tpu.memory_space<vmem>>, vector<16xf32>,
        %mul3A_635 = arith.mulf %get3A_629, %get3A_634 : vector<16xf32>
        %swap3A_636 = arith.constant 0 : i32
        %swap3A_637 = arith.index_cast %swap3A_636 : i32 to index
        %swap3A_638 = arith.index_cast %scan3A_530 : i32 to index
        %swap3A_639 = arith.constant 96 : index
        %swap3A_640 = tpu.vector_load %arg11[%swap3A_637, %swap3A_638, %swap3A_639] {strides = array<i32>} : memref<2x80x128xf32, #tpu.memory_space<vmem>>, vector<16xf32>,
        tpu.vector_store %arg11[%swap3A_637, %swap3A_638, %swap3A_639], %mul3A_635 {strides = array<i32>} : memref<2x80x128xf32, #tpu.memory_space<vmem>>, vector<16xf32>,
        %get3A_641 = arith.constant 0 : i32
        %get3A_642 = arith.index_cast %get3A_641 : i32 to index
        %get3A_643 = arith.index_cast %scan3A_530 : i32 to index
        %get3A_644 = arith.constant 112 : index
        %get3A_645 = tpu.vector_load %arg11[%get3A_642, %get3A_643, %get3A_644] {strides = array<i32>} : memref<2x80x128xf32, #tpu.memory_space<vmem>>, vector<16xf32>,
        %get3A_646 = arith.constant 0 : i32
        %get3A_647 = arith.index_cast %get3A_646 : i32 to index
        %get3A_648 = arith.index_cast %scan3A_530 : i32 to index
        %get3A_649 = arith.constant 112 : index
        %get3A_650 = tpu.vector_load %arg12[%get3A_647, %get3A_648, %get3A_649] {strides = array<i32>} : memref<2x80x128xf32, #tpu.memory_space<vmem>>, vector<16xf32>,
        %mul3A_651 = arith.mulf %get3A_645, %get3A_650 : vector<16xf32>
        %swap3A_652 = arith.constant 0 : i32
        %swap3A_653 = arith.index_cast %swap3A_652 : i32 to index
        %swap3A_654 = arith.index_cast %scan3A_530 : i32 to index
        %swap3A_655 = arith.constant 112 : index
        %swap3A_656 = tpu.vector_load %arg11[%swap3A_653, %swap3A_654, %swap3A_655] {strides = array<i32>} : memref<2x80x128xf32, #tpu.memory_space<vmem>>, vector<16xf32>,
        tpu.vector_store %arg11[%swap3A_653, %swap3A_654, %swap3A_655], %mul3A_651 {strides = array<i32>} : memref<2x80x128xf32, #tpu.memory_space<vmem>>, vector<16xf32>,
      }
      %scan3A_358 = arith.constant 80 : i32
      %run_scoped3A_359 = arith.constant 0 : i32
      %run_scoped3A_360 = arith.constant 0 : i32
      "tpu.region"() ({
        %run_scoped3A_530 = tpu.sem_alloc : memref<!tpu.dma_semaphore, #tpu.memory_space<semaphore_mem>>
        %dma_start3A_531 = arith.constant 0 : i32
        %dma_start3A_532 = arith.constant 0 : i32
        %dma_start3A_533 = tpu.memref_slice %arg11[%run_scoped3A_359, %dma_start3A_531, %dma_start3A_532] : memref<2x80x128xf32, #tpu.memory_space<vmem>> -> memref<1x80x128xf32, #tpu.memory_space<vmem>>
        %dma_start3A_534 = tpu.memref_squeeze %dma_start3A_533 : memref<1x80x128xf32, #tpu.memory_space<vmem>> -> memref<80x128xf32, #tpu.memory_space<vmem>>
        %dma_start3A_535 = arith.constant 0 : i32
        %dma_start3A_536 = tpu.memref_slice %arg10[%run_scoped3A_360, %dma_start3A_535] : memref<2x80xi32, #tpu.memory_space<vmem>> -> memref<1x80xi32, #tpu.memory_space<vmem>>
        %dma_start3A_537 = tpu.memref_squeeze %dma_start3A_536 : memref<1x80xi32, #tpu.memory_space<vmem>> -> memref<80xi32, #tpu.memory_space<vmem>>
        %dma_start3A_538 = arith.constant 0 : i32
        %dma_start3A_539 = arith.constant 0 : i32
        %dma_start3A_540 = tpu.memref_slice %arg8[%dma_start3A_538, %dma_start3A_539] : memref<10000x128xf32, #tpu.memory_space<vmem_shared>> -> memref<10000x128xf32, #tpu.memory_space<vmem_shared>>
        tpu.enqueue_indirect_dma source(%dma_start3A_534 : memref<80x128xf32, #tpu.memory_space<vmem>>) target(%dma_start3A_540 : memref<10000x128xf32, #tpu.memory_space<vmem_shared>>) offsets(%dma_start3A_537 : memref<80xi32, #tpu.memory_space<vmem>>) semaphore(%run_scoped3A_530 : memref<!tpu.dma_semaphore, #tpu.memory_space<semaphore_mem>>) {add = true}
        %dma_wait3A_541 = arith.constant 0 : i32
        %dma_wait3A_542 = arith.constant 0 : i32
        %dma_wait3A_543 = tpu.memref_slice %arg11[%run_scoped3A_359, %dma_wait3A_541, %dma_wait3A_542] : memref<2x80x128xf32, #tpu.memory_space<vmem>> -> memref<1x80x128xf32, #tpu.memory_space<vmem>>
        %dma_wait3A_544 = tpu.memref_squeeze %dma_wait3A_543 : memref<1x80x128xf32, #tpu.memory_space<vmem>> -> memref<80x128xf32, #tpu.memory_space<vmem>>
        %dma_wait3A_545 = arith.constant 0 : i32
        %dma_wait3A_546 = tpu.memref_slice %arg10[%run_scoped3A_360, %dma_wait3A_545] : memref<2x80xi32, #tpu.memory_space<vmem>> -> memref<1x80xi32, #tpu.memory_space<vmem>>
        %dma_wait3A_547 = tpu.memref_squeeze %dma_wait3A_546 : memref<1x80xi32, #tpu.memory_space<vmem>> -> memref<80xi32, #tpu.memory_space<vmem>>
        %dma_wait3A_548 = arith.constant 0 : i32
        %dma_wait3A_549 = arith.constant 0 : i32
        %dma_wait3A_550 = tpu.memref_slice %arg8[%dma_wait3A_548, %dma_wait3A_549] : memref<10000x128xf32, #tpu.memory_space<vmem_shared>> -> memref<10000x128xf32, #tpu.memory_space<vmem_shared>>
        tpu.wait_indirect_dma semaphore(%run_scoped3A_530 : memref<!tpu.dma_semaphore, #tpu.memory_space<semaphore_mem>>) src(%dma_wait3A_544 : memref<80x128xf32, #tpu.memory_space<vmem>>) dst(%dma_wait3A_550 : memref<10000x128xf32, #tpu.memory_space<vmem_shared>>)
        tpu.yield
      }) : () -> ()
      %add3A_361 = arith.constant 2 : i32
      %add3A_362 = arith.addi %add3A_253, %add3A_361 : i32
      %mul3A_363 = arith.constant 80 : i32
      %mul3A_364 = arith.muli %add3A_362, %mul3A_363 : i32
      %add3A_365 = arith.addi %add3A, %mul3A_364 : i32
      %dma_start3A_366 = arith.constant 0 : i32
      %dma_start3A_367 = arith.constant 0 : i32
      %dma_start3A_368 = arith.constant 0 : i32
      %dma_start3A_369 = tpu.memref_slice %arg9[%dma_start3A_366, %dma_start3A_368] : memref<2x80xi32, #tpu.memory_space<vmem>> -> memref<1x80xi32, #tpu.memory_space<vmem>>
      %dma_start3A_370 = tpu.memref_squeeze %dma_start3A_369 : memref<1x80xi32, #tpu.memory_space<vmem>> -> memref<80xi32, #tpu.memory_space<vmem>>
      %dma_start3A_371 = tpu.memref_slice %arg4[%add3A_365] : memref<320160xi32, #tpu.memory_space<hbm>> -> memref<80xi32, #tpu.memory_space<hbm>>
      %dma_start3A_372 = tpu.memref_slice %arg14[%dma_start3A_367] : memref<2x!tpu.dma_semaphore, #tpu.memory_space<semaphore_mem>> -> memref<1x!tpu.dma_semaphore, #tpu.memory_space<semaphore_mem>>
      %dma_start3A_373 = tpu.memref_squeeze %dma_start3A_372 : memref<1x!tpu.dma_semaphore, #tpu.memory_space<semaphore_mem>> -> memref<!tpu.dma_semaphore, #tpu.memory_space<semaphore_mem>>
      %dma_start3A_374 = arith.constant 0 : i32
      %dma_start3A_375 = tpu.memref_slice %arg9[%dma_start3A_366, %dma_start3A_374] : memref<2x80xi32, #tpu.memory_space<vmem>> -> memref<1x80xi32, #tpu.memory_space<vmem>>
      %dma_start3A_376 = tpu.memref_squeeze %dma_start3A_375 : memref<1x80xi32, #tpu.memory_space<vmem>> -> memref<80xi32, #tpu.memory_space<vmem>>
      %dma_start3A_377 = tpu.memref_slice %arg4[%add3A_365] : memref<320160xi32, #tpu.memory_space<hbm>> -> memref<80xi32, #tpu.memory_space<hbm>>
      tpu.enqueue_dma source(%dma_start3A_377 : memref<80xi32, #tpu.memory_space<hbm>>) target(%dma_start3A_376 : memref<80xi32, #tpu.memory_space<vmem>>) target_semaphore(%dma_start3A_373 : memref<!tpu.dma_semaphore, #tpu.memory_space<semaphore_mem>>)
      %dma_start3A_378 = arith.constant 0 : i32
      %dma_start3A_379 = arith.constant 0 : i32
      %dma_start3A_380 = arith.constant 0 : i32
      %dma_start3A_381 = tpu.memref_slice %arg10[%dma_start3A_378, %dma_start3A_380] : memref<2x80xi32, #tpu.memory_space<vmem>> -> memref<1x80xi32, #tpu.memory_space<vmem>>
      %dma_start3A_382 = tpu.memref_squeeze %dma_start3A_381 : memref<1x80xi32, #tpu.memory_space<vmem>> -> memref<80xi32, #tpu.memory_space<vmem>>
      %dma_start3A_383 = tpu.memref_slice %arg5[%add3A_365] : memref<320160xi32, #tpu.memory_space<hbm>> -> memref<80xi32, #tpu.memory_space<hbm>>
      %dma_start3A_384 = tpu.memref_slice %arg15[%dma_start3A_379] : memref<2x!tpu.dma_semaphore, #tpu.memory_space<semaphore_mem>> -> memref<1x!tpu.dma_semaphore, #tpu.memory_space<semaphore_mem>>
      %dma_start3A_385 = tpu.memref_squeeze %dma_start3A_384 : memref<1x!tpu.dma_semaphore, #tpu.memory_space<semaphore_mem>> -> memref<!tpu.dma_semaphore, #tpu.memory_space<semaphore_mem>>
      %dma_start3A_386 = arith.constant 0 : i32
      %dma_start3A_387 = tpu.memref_slice %arg10[%dma_start3A_378, %dma_start3A_386] : memref<2x80xi32, #tpu.memory_space<vmem>> -> memref<1x80xi32, #tpu.memory_space<vmem>>
      %dma_start3A_388 = tpu.memref_squeeze %dma_start3A_387 : memref<1x80xi32, #tpu.memory_space<vmem>> -> memref<80xi32, #tpu.memory_space<vmem>>
      %dma_start3A_389 = tpu.memref_slice %arg5[%add3A_365] : memref<320160xi32, #tpu.memory_space<hbm>> -> memref<80xi32, #tpu.memory_space<hbm>>
      tpu.enqueue_dma source(%dma_start3A_389 : memref<80xi32, #tpu.memory_space<hbm>>) target(%dma_start3A_388 : memref<80xi32, #tpu.memory_space<vmem>>) target_semaphore(%dma_start3A_385 : memref<!tpu.dma_semaphore, #tpu.memory_space<semaphore_mem>>)
      %mul3A_390 = arith.constant 2 : i32
      %mul3A_391 = arith.muli %mul3A_390, %scan3A_249 : i32
      %add3A_392 = arith.constant 1 : i32
      %add3A_393 = arith.addi %mul3A_391, %add3A_392 : i32
      %add3A_394 = arith.constant 1 : i32
      %add3A_395 = arith.addi %add3A_393, %add3A_394 : i32
      %mul3A_396 = arith.constant 80 : i32
      %mul3A_397 = arith.muli %add3A_395, %mul3A_396 : i32
      %add3A_398 = arith.addi %add3A, %mul3A_397 : i32
      %dma_wait3A_399 = arith.constant 0 : i32
      %dma_wait3A_400 = arith.constant 0 : i32
      %dma_wait3A_401 = arith.constant 0 : i32
      %dma_wait3A_402 = tpu.memref_slice %arg9[%dma_wait3A_399, %dma_wait3A_401] : memref<2x80xi32, #tpu.memory_space<vmem>> -> memref<1x80xi32, #tpu.memory_space<vmem>>
      %dma_wait3A_403 = tpu.memref_squeeze %dma_wait3A_402 : memref<1x80xi32, #tpu.memory_space<vmem>> -> memref<80xi32, #tpu.memory_space<vmem>>
      %dma_wait3A_404 = tpu.memref_slice %arg4[%add3A_398] : memref<320160xi32, #tpu.memory_space<hbm>> -> memref<80xi32, #tpu.memory_space<hbm>>
      %dma_wait3A_405 = tpu.memref_slice %arg14[%dma_wait3A_400] : memref<2x!tpu.dma_semaphore, #tpu.memory_space<semaphore_mem>> -> memref<1x!tpu.dma_semaphore, #tpu.memory_space<semaphore_mem>>
      %dma_wait3A_406 = tpu.memref_squeeze %dma_wait3A_405 : memref<1x!tpu.dma_semaphore, #tpu.memory_space<semaphore_mem>> -> memref<!tpu.dma_semaphore, #tpu.memory_space<semaphore_mem>>
      %dma_wait3A_407 = arith.constant 0 : i32
      %dma_wait3A_408 = tpu.memref_slice %arg9[%dma_wait3A_399, %dma_wait3A_407] : memref<2x80xi32, #tpu.memory_space<vmem>> -> memref<1x80xi32, #tpu.memory_space<vmem>>
      %dma_wait3A_409 = tpu.memref_squeeze %dma_wait3A_408 : memref<1x80xi32, #tpu.memory_space<vmem>> -> memref<80xi32, #tpu.memory_space<vmem>>
      %dma_wait3A_410 = tpu.memref_slice %arg4[%add3A_398] : memref<320160xi32, #tpu.memory_space<hbm>> -> memref<80xi32, #tpu.memory_space<hbm>>
      tpu.wait_dma2 semaphore(%dma_wait3A_406 : memref<!tpu.dma_semaphore, #tpu.memory_space<semaphore_mem>>) src(%dma_wait3A_410 : memref<80xi32, #tpu.memory_space<hbm>>) dst(%dma_wait3A_409 : memref<80xi32, #tpu.memory_space<vmem>>)
      %dma_wait3A_411 = arith.constant 0 : i32
      %dma_wait3A_412 = arith.constant 0 : i32
      %dma_wait3A_413 = arith.constant 0 : i32
      %dma_wait3A_414 = tpu.memref_slice %arg10[%dma_wait3A_411, %dma_wait3A_413] : memref<2x80xi32, #tpu.memory_space<vmem>> -> memref<1x80xi32, #tpu.memory_space<vmem>>
      %dma_wait3A_415 = tpu.memref_squeeze %dma_wait3A_414 : memref<1x80xi32, #tpu.memory_space<vmem>> -> memref<80xi32, #tpu.memory_space<vmem>>
      %dma_wait3A_416 = tpu.memref_slice %arg5[%add3A_398] : memref<320160xi32, #tpu.memory_space<hbm>> -> memref<80xi32, #tpu.memory_space<hbm>>
      %dma_wait3A_417 = tpu.memref_slice %arg15[%dma_wait3A_412] : memref<2x!tpu.dma_semaphore, #tpu.memory_space<semaphore_mem>> -> memref<1x!tpu.dma_semaphore, #tpu.memory_space<semaphore_mem>>
      %dma_wait3A_418 = tpu.memref_squeeze %dma_wait3A_417 : memref<1x!tpu.dma_semaphore, #tpu.memory_space<semaphore_mem>> -> memref<!tpu.dma_semaphore, #tpu.memory_space<semaphore_mem>>
      %dma_wait3A_419 = arith.constant 0 : i32
      %dma_wait3A_420 = tpu.memref_slice %arg10[%dma_wait3A_411, %dma_wait3A_419] : memref<2x80xi32, #tpu.memory_space<vmem>> -> memref<1x80xi32, #tpu.memory_space<vmem>>
      %dma_wait3A_421 = tpu.memref_squeeze %dma_wait3A_420 : memref<1x80xi32, #tpu.memory_space<vmem>> -> memref<80xi32, #tpu.memory_space<vmem>>
      %dma_wait3A_422 = tpu.memref_slice %arg5[%add3A_398] : memref<320160xi32, #tpu.memory_space<hbm>> -> memref<80xi32, #tpu.memory_space<hbm>>
      tpu.wait_dma2 semaphore(%dma_wait3A_418 : memref<!tpu.dma_semaphore, #tpu.memory_space<semaphore_mem>>) src(%dma_wait3A_422 : memref<80xi32, #tpu.memory_space<hbm>>) dst(%dma_wait3A_421 : memref<80xi32, #tpu.memory_space<vmem>>)
      %add3A_423 = arith.constant 1 : i32
      %add3A_424 = arith.addi %add3A_393, %add3A_423 : i32
      %mul3A_425 = arith.constant 80 : i32
      %mul3A_426 = arith.muli %add3A_424, %mul3A_425 : i32
      %add3A_427 = arith.addi %add3A, %mul3A_426 : i32
      %dma_start3A_428 = arith.constant 0 : i32
      %dma_start3A_429 = arith.constant 0 : i32
      %dma_start3A_430 = arith.constant 0 : i32
      %dma_start3A_431 = arith.constant 0 : i32
      %dma_start3A_432 = arith.constant 0 : i32
      %dma_start3A_433 = tpu.memref_slice %arg11[%dma_start3A_429, %dma_start3A_431, %dma_start3A_432] : memref<2x80x128xf32, #tpu.memory_space<vmem>> -> memref<1x80x128xf32, #tpu.memory_space<vmem>>
      %dma_start3A_434 = tpu.memref_squeeze %dma_start3A_433 : memref<1x80x128xf32, #tpu.memory_space<vmem>> -> memref<80x128xf32, #tpu.memory_space<vmem>>
      %dma_start3A_435 = arith.constant 0 : i32
      %dma_start3A_436 = tpu.memref_slice %arg9[%dma_start3A_428, %dma_start3A_435] : memref<2x80xi32, #tpu.memory_space<vmem>> -> memref<1x80xi32, #tpu.memory_space<vmem>>
      %dma_start3A_437 = tpu.memref_squeeze %dma_start3A_436 : memref<1x80xi32, #tpu.memory_space<vmem>> -> memref<80xi32, #tpu.memory_space<vmem>>
      %dma_start3A_438 = arith.constant 0 : i32
      %dma_start3A_439 = arith.constant 0 : i32
      %dma_start3A_440 = tpu.memref_slice %arg2[%dma_start3A_438, %dma_start3A_439] : memref<10000x128xf32, #tpu.memory_space<hbm>> -> memref<10000x128xf32, #tpu.memory_space<hbm>>
      %dma_start3A_441 = tpu.memref_slice %arg16[%dma_start3A_430] : memref<2x!tpu.dma_semaphore, #tpu.memory_space<semaphore_mem>> -> memref<1x!tpu.dma_semaphore, #tpu.memory_space<semaphore_mem>>
      %dma_start3A_442 = tpu.memref_squeeze %dma_start3A_441 : memref<1x!tpu.dma_semaphore, #tpu.memory_space<semaphore_mem>> -> memref<!tpu.dma_semaphore, #tpu.memory_space<semaphore_mem>>
      tpu.enqueue_indirect_dma source(%dma_start3A_440 : memref<10000x128xf32, #tpu.memory_space<hbm>>) target(%dma_start3A_434 : memref<80x128xf32, #tpu.memory_space<vmem>>) offsets(%dma_start3A_437 : memref<80xi32, #tpu.memory_space<vmem>>) semaphore(%dma_start3A_442 : memref<!tpu.dma_semaphore, #tpu.memory_space<semaphore_mem>>)
      %dma_start3A_443 = arith.constant 0 : i32
      %dma_start3A_444 = arith.constant 0 : i32
      %dma_start3A_445 = arith.constant 0 : i32
      %dma_start3A_446 = arith.constant 0 : i32
      %dma_start3A_447 = tpu.memref_slice %arg12[%dma_start3A_443, %dma_start3A_445, %dma_start3A_446] : memref<2x80x128xf32, #tpu.memory_space<vmem>> -> memref<1x80x128xf32, #tpu.memory_space<vmem>>
      %dma_start3A_448 = tpu.memref_squeeze %dma_start3A_447 : memref<1x80x128xf32, #tpu.memory_space<vmem>> -> memref<80x128xf32, #tpu.memory_space<vmem>>
      %dma_start3A_449 = arith.constant 0 : i32
      %dma_start3A_450 = tpu.memref_slice %arg3[%add3A_427, %dma_start3A_449] : memref<327680x128xf32, #tpu.memory_space<hbm>> -> memref<80x128xf32, #tpu.memory_space<hbm>>
      %dma_start3A_451 = tpu.memref_slice %arg17[%dma_start3A_444] : memref<2x!tpu.dma_semaphore, #tpu.memory_space<semaphore_mem>> -> memref<1x!tpu.dma_semaphore, #tpu.memory_space<semaphore_mem>>
      %dma_start3A_452 = tpu.memref_squeeze %dma_start3A_451 : memref<1x!tpu.dma_semaphore, #tpu.memory_space<semaphore_mem>> -> memref<!tpu.dma_semaphore, #tpu.memory_space<semaphore_mem>>
      %dma_start3A_453 = arith.constant 0 : i32
      %dma_start3A_454 = arith.constant 0 : i32
      %dma_start3A_455 = tpu.memref_slice %arg12[%dma_start3A_443, %dma_start3A_453, %dma_start3A_454] : memref<2x80x128xf32, #tpu.memory_space<vmem>> -> memref<1x80x128xf32, #tpu.memory_space<vmem>>
      %dma_start3A_456 = tpu.memref_squeeze %dma_start3A_455 : memref<1x80x128xf32, #tpu.memory_space<vmem>> -> memref<80x128xf32, #tpu.memory_space<vmem>>
      %dma_start3A_457 = arith.constant 0 : i32
      %dma_start3A_458 = tpu.memref_slice %arg3[%add3A_427, %dma_start3A_457] : memref<327680x128xf32, #tpu.memory_space<hbm>> -> memref<80x128xf32, #tpu.memory_space<hbm>>
      tpu.enqueue_dma source(%dma_start3A_458 : memref<80x128xf32, #tpu.memory_space<hbm>>) target(%dma_start3A_456 : memref<80x128xf32, #tpu.memory_space<vmem>>) target_semaphore(%dma_start3A_452 : memref<!tpu.dma_semaphore, #tpu.memory_space<semaphore_mem>>)
      %mul3A_459 = arith.constant 80 : i32
      %mul3A_460 = arith.muli %add3A_393, %mul3A_459 : i32
      %add3A_461 = arith.addi %add3A, %mul3A_460 : i32
      %dma_wait3A_462 = arith.constant 1 : i32
      %dma_wait3A_463 = arith.constant 1 : i32
      %dma_wait3A_464 = arith.constant 1 : i32
      %dma_wait3A_465 = arith.constant 0 : i32
      %dma_wait3A_466 = arith.constant 0 : i32
      %dma_wait3A_467 = tpu.memref_slice %arg11[%dma_wait3A_463, %dma_wait3A_465, %dma_wait3A_466] : memref<2x80x128xf32, #tpu.memory_space<vmem>> -> memref<1x80x128xf32, #tpu.memory_space<vmem>>
      %dma_wait3A_468 = tpu.memref_squeeze %dma_wait3A_467 : memref<1x80x128xf32, #tpu.memory_space<vmem>> -> memref<80x128xf32, #tpu.memory_space<vmem>>
      %dma_wait3A_469 = arith.constant 0 : i32
      %dma_wait3A_470 = tpu.memref_slice %arg9[%dma_wait3A_462, %dma_wait3A_469] : memref<2x80xi32, #tpu.memory_space<vmem>> -> memref<1x80xi32, #tpu.memory_space<vmem>>
      %dma_wait3A_471 = tpu.memref_squeeze %dma_wait3A_470 : memref<1x80xi32, #tpu.memory_space<vmem>> -> memref<80xi32, #tpu.memory_space<vmem>>
      %dma_wait3A_472 = arith.constant 0 : i32
      %dma_wait3A_473 = arith.constant 0 : i32
      %dma_wait3A_474 = tpu.memref_slice %arg2[%dma_wait3A_472, %dma_wait3A_473] : memref<10000x128xf32, #tpu.memory_space<hbm>> -> memref<10000x128xf32, #tpu.memory_space<hbm>>
      %dma_wait3A_475 = tpu.memref_slice %arg16[%dma_wait3A_464] : memref<2x!tpu.dma_semaphore, #tpu.memory_space<semaphore_mem>> -> memref<1x!tpu.dma_semaphore, #tpu.memory_space<semaphore_mem>>
      %dma_wait3A_476 = tpu.memref_squeeze %dma_wait3A_475 : memref<1x!tpu.dma_semaphore, #tpu.memory_space<semaphore_mem>> -> memref<!tpu.dma_semaphore, #tpu.memory_space<semaphore_mem>>
      tpu.wait_indirect_dma semaphore(%dma_wait3A_476 : memref<!tpu.dma_semaphore, #tpu.memory_space<semaphore_mem>>) src(%dma_wait3A_474 : memref<10000x128xf32, #tpu.memory_space<hbm>>) dst(%dma_wait3A_468 : memref<80x128xf32, #tpu.memory_space<vmem>>)
      %dma_wait3A_477 = arith.constant 1 : i32
      %dma_wait3A_478 = arith.constant 1 : i32
      %dma_wait3A_479 = arith.constant 0 : i32
      %dma_wait3A_480 = arith.constant 0 : i32
      %dma_wait3A_481 = tpu.memref_slice %arg12[%dma_wait3A_477, %dma_wait3A_479, %dma_wait3A_480] : memref<2x80x128xf32, #tpu.memory_space<vmem>> -> memref<1x80x128xf32, #tpu.memory_space<vmem>>
      %dma_wait3A_482 = tpu.memref_squeeze %dma_wait3A_481 : memref<1x80x128xf32, #tpu.memory_space<vmem>> -> memref<80x128xf32, #tpu.memory_space<vmem>>
      %dma_wait3A_483 = arith.constant 0 : i32
      %dma_wait3A_484 = tpu.memref_slice %arg3[%add3A_461, %dma_wait3A_483] : memref<327680x128xf32, #tpu.memory_space<hbm>> -> memref<80x128xf32, #tpu.memory_space<hbm>>
      %dma_wait3A_485 = tpu.memref_slice %arg17[%dma_wait3A_478] : memref<2x!tpu.dma_semaphore, #tpu.memory_space<semaphore_mem>> -> memref<1x!tpu.dma_semaphore, #tpu.memory_space<semaphore_mem>>
      %dma_wait3A_486 = tpu.memref_squeeze %dma_wait3A_485 : memref<1x!tpu.dma_semaphore, #tpu.memory_space<semaphore_mem>> -> memref<!tpu.dma_semaphore, #tpu.memory_space<semaphore_mem>>
      %dma_wait3A_487 = arith.constant 0 : i32
      %dma_wait3A_488 = arith.constant 0 : i32
      %dma_wait3A_489 = tpu.memref_slice %arg12[%dma_wait3A_477, %dma_wait3A_487, %dma_wait3A_488] : memref<2x80x128xf32, #tpu.memory_space<vmem>> -> memref<1x80x128xf32, #tpu.memory_space<vmem>>
      %dma_wait3A_490 = tpu.memref_squeeze %dma_wait3A_489 : memref<1x80x128xf32, #tpu.memory_space<vmem>> -> memref<80x128xf32, #tpu.memory_space<vmem>>
      %dma_wait3A_491 = arith.constant 0 : i32
      %dma_wait3A_492 = tpu.memref_slice %arg3[%add3A_461, %dma_wait3A_491] : memref<327680x128xf32, #tpu.memory_space<hbm>> -> memref<80x128xf32, #tpu.memory_space<hbm>>
      tpu.wait_dma2 semaphore(%dma_wait3A_486 : memref<!tpu.dma_semaphore, #tpu.memory_space<semaphore_mem>>) src(%dma_wait3A_492 : memref<80x128xf32, #tpu.memory_space<hbm>>) dst(%dma_wait3A_490 : memref<80x128xf32, #tpu.memory_space<vmem>>)
      %scan3A_493 = arith.constant 0 : i32
      %scan3A_494 = arith.constant 0 : i32
      %scan3A_495 = arith.constant 80 : i32
      %scan3A_496 = arith.addi %scan3A_494, %scan3A_495 : i32
      %scan3A_497 = arith.constant 1 : i32
      scf.for %scan3A_530 = %scan3A_494 to %scan3A_496 step %scan3A_497  : i32 {
        %get3A = arith.constant 1 : i32
        %get3A_531 = arith.index_cast %get3A : i32 to index
        %get3A_532 = arith.index_cast %scan3A_530 : i32 to index
        %get3A_533 = arith.constant 0 : index
        %get3A_534 = tpu.vector_load %arg11[%get3A_531, %get3A_532, %get3A_533] {strides = array<i32>} : memref<2x80x128xf32, #tpu.memory_space<vmem>>, vector<16xf32>,
        %get3A_535 = arith.constant 1 : i32
        %get3A_536 = arith.index_cast %get3A_535 : i32 to index
        %get3A_537 = arith.index_cast %scan3A_530 : i32 to index
        %get3A_538 = arith.constant 0 : index
        %get3A_539 = tpu.vector_load %arg12[%get3A_536, %get3A_537, %get3A_538] {strides = array<i32>} : memref<2x80x128xf32, #tpu.memory_space<vmem>>, vector<16xf32>,
        %mul3A_540 = arith.mulf %get3A_534, %get3A_539 : vector<16xf32>
        %swap3A = arith.constant 1 : i32
        %swap3A_541 = arith.index_cast %swap3A : i32 to index
        %swap3A_542 = arith.index_cast %scan3A_530 : i32 to index
        %swap3A_543 = arith.constant 0 : index
        %swap3A_544 = tpu.vector_load %arg11[%swap3A_541, %swap3A_542, %swap3A_543] {strides = array<i32>} : memref<2x80x128xf32, #tpu.memory_space<vmem>>, vector<16xf32>,
        tpu.vector_store %arg11[%swap3A_541, %swap3A_542, %swap3A_543], %mul3A_540 {strides = array<i32>} : memref<2x80x128xf32, #tpu.memory_space<vmem>>, vector<16xf32>,
        %get3A_545 = arith.constant 1 : i32
        %get3A_546 = arith.index_cast %get3A_545 : i32 to index
        %get3A_547 = arith.index_cast %scan3A_530 : i32 to index
        %get3A_548 = arith.constant 16 : index
        %get3A_549 = tpu.vector_load %arg11[%get3A_546, %get3A_547, %get3A_548] {strides = array<i32>} : memref<2x80x128xf32, #tpu.memory_space<vmem>>, vector<16xf32>,
        %get3A_550 = arith.constant 1 : i32
        %get3A_551 = arith.index_cast %get3A_550 : i32 to index
        %get3A_552 = arith.index_cast %scan3A_530 : i32 to index
        %get3A_553 = arith.constant 16 : index
        %get3A_554 = tpu.vector_load %arg12[%get3A_551, %get3A_552, %get3A_553] {strides = array<i32>} : memref<2x80x128xf32, #tpu.memory_space<vmem>>, vector<16xf32>,
        %mul3A_555 = arith.mulf %get3A_549, %get3A_554 : vector<16xf32>
        %swap3A_556 = arith.constant 1 : i32
        %swap3A_557 = arith.index_cast %swap3A_556 : i32 to index
        %swap3A_558 = arith.index_cast %scan3A_530 : i32 to index
        %swap3A_559 = arith.constant 16 : index
        %swap3A_560 = tpu.vector_load %arg11[%swap3A_557, %swap3A_558, %swap3A_559] {strides = array<i32>} : memref<2x80x128xf32, #tpu.memory_space<vmem>>, vector<16xf32>,
        tpu.vector_store %arg11[%swap3A_557, %swap3A_558, %swap3A_559], %mul3A_555 {strides = array<i32>} : memref<2x80x128xf32, #tpu.memory_space<vmem>>, vector<16xf32>,
        %get3A_561 = arith.constant 1 : i32
        %get3A_562 = arith.index_cast %get3A_561 : i32 to index
        %get3A_563 = arith.index_cast %scan3A_530 : i32 to index
        %get3A_564 = arith.constant 32 : index
        %get3A_565 = tpu.vector_load %arg11[%get3A_562, %get3A_563, %get3A_564] {strides = array<i32>} : memref<2x80x128xf32, #tpu.memory_space<vmem>>, vector<16xf32>,
        %get3A_566 = arith.constant 1 : i32
        %get3A_567 = arith.index_cast %get3A_566 : i32 to index
        %get3A_568 = arith.index_cast %scan3A_530 : i32 to index
        %get3A_569 = arith.constant 32 : index
        %get3A_570 = tpu.vector_load %arg12[%get3A_567, %get3A_568, %get3A_569] {strides = array<i32>} : memref<2x80x128xf32, #tpu.memory_space<vmem>>, vector<16xf32>,
        %mul3A_571 = arith.mulf %get3A_565, %get3A_570 : vector<16xf32>
        %swap3A_572 = arith.constant 1 : i32
        %swap3A_573 = arith.index_cast %swap3A_572 : i32 to index
        %swap3A_574 = arith.index_cast %scan3A_530 : i32 to index
        %swap3A_575 = arith.constant 32 : index
        %swap3A_576 = tpu.vector_load %arg11[%swap3A_573, %swap3A_574, %swap3A_575] {strides = array<i32>} : memref<2x80x128xf32, #tpu.memory_space<vmem>>, vector<16xf32>,
        tpu.vector_store %arg11[%swap3A_573, %swap3A_574, %swap3A_575], %mul3A_571 {strides = array<i32>} : memref<2x80x128xf32, #tpu.memory_space<vmem>>, vector<16xf32>,
        %get3A_577 = arith.constant 1 : i32
        %get3A_578 = arith.index_cast %get3A_577 : i32 to index
        %get3A_579 = arith.index_cast %scan3A_530 : i32 to index
        %get3A_580 = arith.constant 48 : index
        %get3A_581 = tpu.vector_load %arg11[%get3A_578, %get3A_579, %get3A_580] {strides = array<i32>} : memref<2x80x128xf32, #tpu.memory_space<vmem>>, vector<16xf32>,
        %get3A_582 = arith.constant 1 : i32
        %get3A_583 = arith.index_cast %get3A_582 : i32 to index
        %get3A_584 = arith.index_cast %scan3A_530 : i32 to index
        %get3A_585 = arith.constant 48 : index
        %get3A_586 = tpu.vector_load %arg12[%get3A_583, %get3A_584, %get3A_585] {strides = array<i32>} : memref<2x80x128xf32, #tpu.memory_space<vmem>>, vector<16xf32>,
        %mul3A_587 = arith.mulf %get3A_581, %get3A_586 : vector<16xf32>
        %swap3A_588 = arith.constant 1 : i32
        %swap3A_589 = arith.index_cast %swap3A_588 : i32 to index
        %swap3A_590 = arith.index_cast %scan3A_530 : i32 to index
        %swap3A_591 = arith.constant 48 : index
        %swap3A_592 = tpu.vector_load %arg11[%swap3A_589, %swap3A_590, %swap3A_591] {strides = array<i32>} : memref<2x80x128xf32, #tpu.memory_space<vmem>>, vector<16xf32>,
        tpu.vector_store %arg11[%swap3A_589, %swap3A_590, %swap3A_591], %mul3A_587 {strides = array<i32>} : memref<2x80x128xf32, #tpu.memory_space<vmem>>, vector<16xf32>,
        %get3A_593 = arith.constant 1 : i32
        %get3A_594 = arith.index_cast %get3A_593 : i32 to index
        %get3A_595 = arith.index_cast %scan3A_530 : i32 to index
        %get3A_596 = arith.constant 64 : index
        %get3A_597 = tpu.vector_load %arg11[%get3A_594, %get3A_595, %get3A_596] {strides = array<i32>} : memref<2x80x128xf32, #tpu.memory_space<vmem>>, vector<16xf32>,
        %get3A_598 = arith.constant 1 : i32
        %get3A_599 = arith.index_cast %get3A_598 : i32 to index
        %get3A_600 = arith.index_cast %scan3A_530 : i32 to index
        %get3A_601 = arith.constant 64 : index
        %get3A_602 = tpu.vector_load %arg12[%get3A_599, %get3A_600, %get3A_601] {strides = array<i32>} : memref<2x80x128xf32, #tpu.memory_space<vmem>>, vector<16xf32>,
        %mul3A_603 = arith.mulf %get3A_597, %get3A_602 : vector<16xf32>
        %swap3A_604 = arith.constant 1 : i32
        %swap3A_605 = arith.index_cast %swap3A_604 : i32 to index
        %swap3A_606 = arith.index_cast %scan3A_530 : i32 to index
        %swap3A_607 = arith.constant 64 : index
        %swap3A_608 = tpu.vector_load %arg11[%swap3A_605, %swap3A_606, %swap3A_607] {strides = array<i32>} : memref<2x80x128xf32, #tpu.memory_space<vmem>>, vector<16xf32>,
        tpu.vector_store %arg11[%swap3A_605, %swap3A_606, %swap3A_607], %mul3A_603 {strides = array<i32>} : memref<2x80x128xf32, #tpu.memory_space<vmem>>, vector<16xf32>,
        %get3A_609 = arith.constant 1 : i32
        %get3A_610 = arith.index_cast %get3A_609 : i32 to index
        %get3A_611 = arith.index_cast %scan3A_530 : i32 to index
        %get3A_612 = arith.constant 80 : index
        %get3A_613 = tpu.vector_load %arg11[%get3A_610, %get3A_611, %get3A_612] {strides = array<i32>} : memref<2x80x128xf32, #tpu.memory_space<vmem>>, vector<16xf32>,
        %get3A_614 = arith.constant 1 : i32
        %get3A_615 = arith.index_cast %get3A_614 : i32 to index
        %get3A_616 = arith.index_cast %scan3A_530 : i32 to index
        %get3A_617 = arith.constant 80 : index
        %get3A_618 = tpu.vector_load %arg12[%get3A_615, %get3A_616, %get3A_617] {strides = array<i32>} : memref<2x80x128xf32, #tpu.memory_space<vmem>>, vector<16xf32>,
        %mul3A_619 = arith.mulf %get3A_613, %get3A_618 : vector<16xf32>
        %swap3A_620 = arith.constant 1 : i32
        %swap3A_621 = arith.index_cast %swap3A_620 : i32 to index
        %swap3A_622 = arith.index_cast %scan3A_530 : i32 to index
        %swap3A_623 = arith.constant 80 : index
        %swap3A_624 = tpu.vector_load %arg11[%swap3A_621, %swap3A_622, %swap3A_623] {strides = array<i32>} : memref<2x80x128xf32, #tpu.memory_space<vmem>>, vector<16xf32>,
        tpu.vector_store %arg11[%swap3A_621, %swap3A_622, %swap3A_623], %mul3A_619 {strides = array<i32>} : memref<2x80x128xf32, #tpu.memory_space<vmem>>, vector<16xf32>,
        %get3A_625 = arith.constant 1 : i32
        %get3A_626 = arith.index_cast %get3A_625 : i32 to index
        %get3A_627 = arith.index_cast %scan3A_530 : i32 to index
        %get3A_628 = arith.constant 96 : index
        %get3A_629 = tpu.vector_load %arg11[%get3A_626, %get3A_627, %get3A_628] {strides = array<i32>} : memref<2x80x128xf32, #tpu.memory_space<vmem>>, vector<16xf32>,
        %get3A_630 = arith.constant 1 : i32
        %get3A_631 = arith.index_cast %get3A_630 : i32 to index
        %get3A_632 = arith.index_cast %scan3A_530 : i32 to index
        %get3A_633 = arith.constant 96 : index
        %get3A_634 = tpu.vector_load %arg12[%get3A_631, %get3A_632, %get3A_633] {strides = array<i32>} : memref<2x80x128xf32, #tpu.memory_space<vmem>>, vector<16xf32>,
        %mul3A_635 = arith.mulf %get3A_629, %get3A_634 : vector<16xf32>
        %swap3A_636 = arith.constant 1 : i32
        %swap3A_637 = arith.index_cast %swap3A_636 : i32 to index
        %swap3A_638 = arith.index_cast %scan3A_530 : i32 to index
        %swap3A_639 = arith.constant 96 : index
        %swap3A_640 = tpu.vector_load %arg11[%swap3A_637, %swap3A_638, %swap3A_639] {strides = array<i32>} : memref<2x80x128xf32, #tpu.memory_space<vmem>>, vector<16xf32>,
        tpu.vector_store %arg11[%swap3A_637, %swap3A_638, %swap3A_639], %mul3A_635 {strides = array<i32>} : memref<2x80x128xf32, #tpu.memory_space<vmem>>, vector<16xf32>,
        %get3A_641 = arith.constant 1 : i32
        %get3A_642 = arith.index_cast %get3A_641 : i32 to index
        %get3A_643 = arith.index_cast %scan3A_530 : i32 to index
        %get3A_644 = arith.constant 112 : index
        %get3A_645 = tpu.vector_load %arg11[%get3A_642, %get3A_643, %get3A_644] {strides = array<i32>} : memref<2x80x128xf32, #tpu.memory_space<vmem>>, vector<16xf32>,
        %get3A_646 = arith.constant 1 : i32
        %get3A_647 = arith.index_cast %get3A_646 : i32 to index
        %get3A_648 = arith.index_cast %scan3A_530 : i32 to index
        %get3A_649 = arith.constant 112 : index
        %get3A_650 = tpu.vector_load %arg12[%get3A_647, %get3A_648, %get3A_649] {strides = array<i32>} : memref<2x80x128xf32, #tpu.memory_space<vmem>>, vector<16xf32>,
        %mul3A_651 = arith.mulf %get3A_645, %get3A_650 : vector<16xf32>
        %swap3A_652 = arith.constant 1 : i32
        %swap3A_653 = arith.index_cast %swap3A_652 : i32 to index
        %swap3A_654 = arith.index_cast %scan3A_530 : i32 to index
        %swap3A_655 = arith.constant 112 : index
        %swap3A_656 = tpu.vector_load %arg11[%swap3A_653, %swap3A_654, %swap3A_655] {strides = array<i32>} : memref<2x80x128xf32, #tpu.memory_space<vmem>>, vector<16xf32>,
        tpu.vector_store %arg11[%swap3A_653, %swap3A_654, %swap3A_655], %mul3A_651 {strides = array<i32>} : memref<2x80x128xf32, #tpu.memory_space<vmem>>, vector<16xf32>,
      }
      %scan3A_498 = arith.constant 80 : i32
      %run_scoped3A_499 = arith.constant 1 : i32
      %run_scoped3A_500 = arith.constant 1 : i32
      "tpu.region"() ({
        %run_scoped3A_530 = tpu.sem_alloc : memref<!tpu.dma_semaphore, #tpu.memory_space<semaphore_mem>>
        %dma_start3A_531 = arith.constant 0 : i32
        %dma_start3A_532 = arith.constant 0 : i32
        %dma_start3A_533 = tpu.memref_slice %arg11[%run_scoped3A_499, %dma_start3A_531, %dma_start3A_532] : memref<2x80x128xf32, #tpu.memory_space<vmem>> -> memref<1x80x128xf32, #tpu.memory_space<vmem>>
        %dma_start3A_534 = tpu.memref_squeeze %dma_start3A_533 : memref<1x80x128xf32, #tpu.memory_space<vmem>> -> memref<80x128xf32, #tpu.memory_space<vmem>>
        %dma_start3A_535 = arith.constant 0 : i32
        %dma_start3A_536 = tpu.memref_slice %arg10[%run_scoped3A_500, %dma_start3A_535] : memref<2x80xi32, #tpu.memory_space<vmem>> -> memref<1x80xi32, #tpu.memory_space<vmem>>
        %dma_start3A_537 = tpu.memref_squeeze %dma_start3A_536 : memref<1x80xi32, #tpu.memory_space<vmem>> -> memref<80xi32, #tpu.memory_space<vmem>>
        %dma_start3A_538 = arith.constant 0 : i32
        %dma_start3A_539 = arith.constant 0 : i32
        %dma_start3A_540 = tpu.memref_slice %arg8[%dma_start3A_538, %dma_start3A_539] : memref<10000x128xf32, #tpu.memory_space<vmem_shared>> -> memref<10000x128xf32, #tpu.memory_space<vmem_shared>>
        tpu.enqueue_indirect_dma source(%dma_start3A_534 : memref<80x128xf32, #tpu.memory_space<vmem>>) target(%dma_start3A_540 : memref<10000x128xf32, #tpu.memory_space<vmem_shared>>) offsets(%dma_start3A_537 : memref<80xi32, #tpu.memory_space<vmem>>) semaphore(%run_scoped3A_530 : memref<!tpu.dma_semaphore, #tpu.memory_space<semaphore_mem>>) {add = true}
        %dma_wait3A_541 = arith.constant 0 : i32
        %dma_wait3A_542 = arith.constant 0 : i32
        %dma_wait3A_543 = tpu.memref_slice %arg11[%run_scoped3A_499, %dma_wait3A_541, %dma_wait3A_542] : memref<2x80x128xf32, #tpu.memory_space<vmem>> -> memref<1x80x128xf32, #tpu.memory_space<vmem>>
        %dma_wait3A_544 = tpu.memref_squeeze %dma_wait3A_543 : memref<1x80x128xf32, #tpu.memory_space<vmem>> -> memref<80x128xf32, #tpu.memory_space<vmem>>
        %dma_wait3A_545 = arith.constant 0 : i32
        %dma_wait3A_546 = tpu.memref_slice %arg10[%run_scoped3A_500, %dma_wait3A_545] : memref<2x80xi32, #tpu.memory_space<vmem>> -> memref<1x80xi32, #tpu.memory_space<vmem>>
        %dma_wait3A_547 = tpu.memref_squeeze %dma_wait3A_546 : memref<1x80xi32, #tpu.memory_space<vmem>> -> memref<80xi32, #tpu.memory_space<vmem>>
        %dma_wait3A_548 = arith.constant 0 : i32
        %dma_wait3A_549 = arith.constant 0 : i32
        %dma_wait3A_550 = tpu.memref_slice %arg8[%dma_wait3A_548, %dma_wait3A_549] : memref<10000x128xf32, #tpu.memory_space<vmem_shared>> -> memref<10000x128xf32, #tpu.memory_space<vmem_shared>>
        tpu.wait_indirect_dma semaphore(%run_scoped3A_530 : memref<!tpu.dma_semaphore, #tpu.memory_space<semaphore_mem>>) src(%dma_wait3A_544 : memref<80x128xf32, #tpu.memory_space<vmem>>) dst(%dma_wait3A_550 : memref<10000x128xf32, #tpu.memory_space<vmem_shared>>)
        tpu.yield
      }) : () -> ()
      %add3A_501 = arith.constant 2 : i32
      %add3A_502 = arith.addi %add3A_393, %add3A_501 : i32
      %mul3A_503 = arith.constant 80 : i32
      %mul3A_504 = arith.muli %add3A_502, %mul3A_503 : i32
      %add3A_505 = arith.addi %add3A, %mul3A_504 : i32
      %dma_start3A_506 = arith.constant 1 : i32
      %dma_start3A_507 = arith.constant 1 : i32
      %dma_start3A_508 = arith.constant 0 : i32
      %dma_start3A_509 = tpu.memref_slice %arg9[%dma_start3A_506, %dma_start3A_508] : memref<2x80xi32, #tpu.memory_space<vmem>> -> memref<1x80xi32, #tpu.memory_space<vmem>>
      %dma_start3A_510 = tpu.memref_squeeze %dma_start3A_509 : memref<1x80xi32, #tpu.memory_space<vmem>> -> memref<80xi32, #tpu.memory_space<vmem>>
      %dma_start3A_511 = tpu.memref_slice %arg4[%add3A_505] : memref<320160xi32, #tpu.memory_space<hbm>> -> memref<80xi32, #tpu.memory_space<hbm>>
      %dma_start3A_512 = tpu.memref_slice %arg14[%dma_start3A_507] : memref<2x!tpu.dma_semaphore, #tpu.memory_space<semaphore_mem>> -> memref<1x!tpu.dma_semaphore, #tpu.memory_space<semaphore_mem>>
      %dma_start3A_513 = tpu.memref_squeeze %dma_start3A_512 : memref<1x!tpu.dma_semaphore, #tpu.memory_space<semaphore_mem>> -> memref<!tpu.dma_semaphore, #tpu.memory_space<semaphore_mem>>
      %dma_start3A_514 = arith.constant 0 : i32
      %dma_start3A_515 = tpu.memref_slice %arg9[%dma_start3A_506, %dma_start3A_514] : memref<2x80xi32, #tpu.memory_space<vmem>> -> memref<1x80xi32, #tpu.memory_space<vmem>>
      %dma_start3A_516 = tpu.memref_squeeze %dma_start3A_515 : memref<1x80xi32, #tpu.memory_space<vmem>> -> memref<80xi32, #tpu.memory_space<vmem>>
      %dma_start3A_517 = tpu.memref_slice %arg4[%add3A_505] : memref<320160xi32, #tpu.memory_space<hbm>> -> memref<80xi32, #tpu.memory_space<hbm>>
      tpu.enqueue_dma source(%dma_start3A_517 : memref<80xi32, #tpu.memory_space<hbm>>) target(%dma_start3A_516 : memref<80xi32, #tpu.memory_space<vmem>>) target_semaphore(%dma_start3A_513 : memref<!tpu.dma_semaphore, #tpu.memory_space<semaphore_mem>>)
      %dma_start3A_518 = arith.constant 1 : i32
      %dma_start3A_519 = arith.constant 1 : i32
      %dma_start3A_520 = arith.constant 0 : i32
      %dma_start3A_521 = tpu.memref_slice %arg10[%dma_start3A_518, %dma_start3A_520] : memref<2x80xi32, #tpu.memory_space<vmem>> -> memref<1x80xi32, #tpu.memory_space<vmem>>
      %dma_start3A_522 = tpu.memref_squeeze %dma_start3A_521 : memref<1x80xi32, #tpu.memory_space<vmem>> -> memref<80xi32, #tpu.memory_space<vmem>>
      %dma_start3A_523 = tpu.memref_slice %arg5[%add3A_505] : memref<320160xi32, #tpu.memory_space<hbm>> -> memref<80xi32, #tpu.memory_space<hbm>>
      %dma_start3A_524 = tpu.memref_slice %arg15[%dma_start3A_519] : memref<2x!tpu.dma_semaphore, #tpu.memory_space<semaphore_mem>> -> memref<1x!tpu.dma_semaphore, #tpu.memory_space<semaphore_mem>>
      %dma_start3A_525 = tpu.memref_squeeze %dma_start3A_524 : memref<1x!tpu.dma_semaphore, #tpu.memory_space<semaphore_mem>> -> memref<!tpu.dma_semaphore, #tpu.memory_space<semaphore_mem>>
      %dma_start3A_526 = arith.constant 0 : i32
      %dma_start3A_527 = tpu.memref_slice %arg10[%dma_start3A_518, %dma_start3A_526] : memref<2x80xi32, #tpu.memory_space<vmem>> -> memref<1x80xi32, #tpu.memory_space<vmem>>
      %dma_start3A_528 = tpu.memref_squeeze %dma_start3A_527 : memref<1x80xi32, #tpu.memory_space<vmem>> -> memref<80xi32, #tpu.memory_space<vmem>>
      %dma_start3A_529 = tpu.memref_slice %arg5[%add3A_505] : memref<320160xi32, #tpu.memory_space<hbm>> -> memref<80xi32, #tpu.memory_space<hbm>>
      tpu.enqueue_dma source(%dma_start3A_529 : memref<80xi32, #tpu.memory_space<hbm>>) target(%dma_start3A_528 : memref<80xi32, #tpu.memory_space<vmem>>) target_semaphore(%dma_start3A_525 : memref<!tpu.dma_semaphore, #tpu.memory_space<semaphore_mem>>)
    }
    %scan3A_174 = arith.constant 62 : i32
    %add3A_175 = arith.constant 9920 : i32
    %add3A_176 = arith.addi %add3A, %add3A_175 : i32
    %dma_wait3A_177 = arith.constant 0 : i32
    %dma_wait3A_178 = arith.constant 0 : i32
    %dma_wait3A_179 = arith.constant 0 : i32
    %dma_wait3A_180 = arith.constant 0 : i32
    %dma_wait3A_181 = arith.constant 0 : i32
    %dma_wait3A_182 = tpu.memref_slice %arg11[%dma_wait3A_178, %dma_wait3A_180, %dma_wait3A_181] : memref<2x80x128xf32, #tpu.memory_space<vmem>> -> memref<1x80x128xf32, #tpu.memory_space<vmem>>
    %dma_wait3A_183 = tpu.memref_squeeze %dma_wait3A_182 : memref<1x80x128xf32, #tpu.memory_space<vmem>> -> memref<80x128xf32, #tpu.memory_space<vmem>>
    %dma_wait3A_184 = arith.constant 0 : i32
    %dma_wait3A_185 = tpu.memref_slice %arg9[%dma_wait3A_177, %dma_wait3A_184] : memref<2x80xi32, #tpu.memory_space<vmem>> -> memref<1x80xi32, #tpu.memory_space<vmem>>
    %dma_wait3A_186 = tpu.memref_squeeze %dma_wait3A_185 : memref<1x80xi32, #tpu.memory_space<vmem>> -> memref<80xi32, #tpu.memory_space<vmem>>
    %dma_wait3A_187 = arith.constant 0 : i32
    %dma_wait3A_188 = arith.constant 0 : i32
    %dma_wait3A_189 = tpu.memref_slice %arg2[%dma_wait3A_187, %dma_wait3A_188] : memref<10000x128xf32, #tpu.memory_space<hbm>> -> memref<10000x128xf32, #tpu.memory_space<hbm>>
    %dma_wait3A_190 = tpu.memref_slice %arg16[%dma_wait3A_179] : memref<2x!tpu.dma_semaphore, #tpu.memory_space<semaphore_mem>> -> memref<1x!tpu.dma_semaphore, #tpu.memory_space<semaphore_mem>>
    %dma_wait3A_191 = tpu.memref_squeeze %dma_wait3A_190 : memref<1x!tpu.dma_semaphore, #tpu.memory_space<semaphore_mem>> -> memref<!tpu.dma_semaphore, #tpu.memory_space<semaphore_mem>>
    tpu.wait_indirect_dma semaphore(%dma_wait3A_191 : memref<!tpu.dma_semaphore, #tpu.memory_space<semaphore_mem>>) src(%dma_wait3A_189 : memref<10000x128xf32, #tpu.memory_space<hbm>>) dst(%dma_wait3A_183 : memref<80x128xf32, #tpu.memory_space<vmem>>)
    %dma_wait3A_192 = arith.constant 0 : i32
    %dma_wait3A_193 = arith.constant 0 : i32
    %dma_wait3A_194 = arith.constant 0 : i32
    %dma_wait3A_195 = arith.constant 0 : i32
    %dma_wait3A_196 = tpu.memref_slice %arg12[%dma_wait3A_192, %dma_wait3A_194, %dma_wait3A_195] : memref<2x80x128xf32, #tpu.memory_space<vmem>> -> memref<1x80x128xf32, #tpu.memory_space<vmem>>
    %dma_wait3A_197 = tpu.memref_squeeze %dma_wait3A_196 : memref<1x80x128xf32, #tpu.memory_space<vmem>> -> memref<80x128xf32, #tpu.memory_space<vmem>>
    %dma_wait3A_198 = arith.constant 0 : i32
    %dma_wait3A_199 = tpu.memref_slice %arg3[%add3A_176, %dma_wait3A_198] : memref<327680x128xf32, #tpu.memory_space<hbm>> -> memref<80x128xf32, #tpu.memory_space<hbm>>
    %dma_wait3A_200 = tpu.memref_slice %arg17[%dma_wait3A_193] : memref<2x!tpu.dma_semaphore, #tpu.memory_space<semaphore_mem>> -> memref<1x!tpu.dma_semaphore, #tpu.memory_space<semaphore_mem>>
    %dma_wait3A_201 = tpu.memref_squeeze %dma_wait3A_200 : memref<1x!tpu.dma_semaphore, #tpu.memory_space<semaphore_mem>> -> memref<!tpu.dma_semaphore, #tpu.memory_space<semaphore_mem>>
    %dma_wait3A_202 = arith.constant 0 : i32
    %dma_wait3A_203 = arith.constant 0 : i32
    %dma_wait3A_204 = tpu.memref_slice %arg12[%dma_wait3A_192, %dma_wait3A_202, %dma_wait3A_203] : memref<2x80x128xf32, #tpu.memory_space<vmem>> -> memref<1x80x128xf32, #tpu.memory_space<vmem>>
    %dma_wait3A_205 = tpu.memref_squeeze %dma_wait3A_204 : memref<1x80x128xf32, #tpu.memory_space<vmem>> -> memref<80x128xf32, #tpu.memory_space<vmem>>
    %dma_wait3A_206 = arith.constant 0 : i32
    %dma_wait3A_207 = tpu.memref_slice %arg3[%add3A_176, %dma_wait3A_206] : memref<327680x128xf32, #tpu.memory_space<hbm>> -> memref<80x128xf32, #tpu.memory_space<hbm>>
    tpu.wait_dma2 semaphore(%dma_wait3A_201 : memref<!tpu.dma_semaphore, #tpu.memory_space<semaphore_mem>>) src(%dma_wait3A_207 : memref<80x128xf32, #tpu.memory_space<hbm>>) dst(%dma_wait3A_205 : memref<80x128xf32, #tpu.memory_space<vmem>>)
    %scan3A_208 = arith.constant 0 : i32
    %scan3A_209 = arith.constant 0 : i32
    %scan3A_210 = arith.constant 80 : i32
    %scan3A_211 = arith.addi %scan3A_209, %scan3A_210 : i32
    %scan3A_212 = arith.constant 1 : i32
    scf.for %scan3A_249 = %scan3A_209 to %scan3A_211 step %scan3A_212  : i32 {
      %get3A = arith.constant 0 : i32
      %get3A_250 = arith.index_cast %get3A : i32 to index
      %get3A_251 = arith.index_cast %scan3A_249 : i32 to index
      %get3A_252 = arith.constant 0 : index
      %get3A_253 = tpu.vector_load %arg11[%get3A_250, %get3A_251, %get3A_252] {strides = array<i32>} : memref<2x80x128xf32, #tpu.memory_space<vmem>>, vector<16xf32>,
      %get3A_254 = arith.constant 0 : i32
      %get3A_255 = arith.index_cast %get3A_254 : i32 to index
      %get3A_256 = arith.index_cast %scan3A_249 : i32 to index
      %get3A_257 = arith.constant 0 : index
      %get3A_258 = tpu.vector_load %arg12[%get3A_255, %get3A_256, %get3A_257] {strides = array<i32>} : memref<2x80x128xf32, #tpu.memory_space<vmem>>, vector<16xf32>,
      %mul3A_259 = arith.mulf %get3A_253, %get3A_258 : vector<16xf32>
      %swap3A = arith.constant 0 : i32
      %swap3A_260 = arith.index_cast %swap3A : i32 to index
      %swap3A_261 = arith.index_cast %scan3A_249 : i32 to index
      %swap3A_262 = arith.constant 0 : index
      %swap3A_263 = tpu.vector_load %arg11[%swap3A_260, %swap3A_261, %swap3A_262] {strides = array<i32>} : memref<2x80x128xf32, #tpu.memory_space<vmem>>, vector<16xf32>,
      tpu.vector_store %arg11[%swap3A_260, %swap3A_261, %swap3A_262], %mul3A_259 {strides = array<i32>} : memref<2x80x128xf32, #tpu.memory_space<vmem>>, vector<16xf32>,
      %get3A_264 = arith.constant 0 : i32
      %get3A_265 = arith.index_cast %get3A_264 : i32 to index
      %get3A_266 = arith.index_cast %scan3A_249 : i32 to index
      %get3A_267 = arith.constant 16 : index
      %get3A_268 = tpu.vector_load %arg11[%get3A_265, %get3A_266, %get3A_267] {strides = array<i32>} : memref<2x80x128xf32, #tpu.memory_space<vmem>>, vector<16xf32>,
      %get3A_269 = arith.constant 0 : i32
      %get3A_270 = arith.index_cast %get3A_269 : i32 to index
      %get3A_271 = arith.index_cast %scan3A_249 : i32 to index
      %get3A_272 = arith.constant 16 : index
      %get3A_273 = tpu.vector_load %arg12[%get3A_270, %get3A_271, %get3A_272] {strides = array<i32>} : memref<2x80x128xf32, #tpu.memory_space<vmem>>, vector<16xf32>,
      %mul3A_274 = arith.mulf %get3A_268, %get3A_273 : vector<16xf32>
      %swap3A_275 = arith.constant 0 : i32
      %swap3A_276 = arith.index_cast %swap3A_275 : i32 to index
      %swap3A_277 = arith.index_cast %scan3A_249 : i32 to index
      %swap3A_278 = arith.constant 16 : index
      %swap3A_279 = tpu.vector_load %arg11[%swap3A_276, %swap3A_277, %swap3A_278] {strides = array<i32>} : memref<2x80x128xf32, #tpu.memory_space<vmem>>, vector<16xf32>,
      tpu.vector_store %arg11[%swap3A_276, %swap3A_277, %swap3A_278], %mul3A_274 {strides = array<i32>} : memref<2x80x128xf32, #tpu.memory_space<vmem>>, vector<16xf32>,
      %get3A_280 = arith.constant 0 : i32
      %get3A_281 = arith.index_cast %get3A_280 : i32 to index
      %get3A_282 = arith.index_cast %scan3A_249 : i32 to index
      %get3A_283 = arith.constant 32 : index
      %get3A_284 = tpu.vector_load %arg11[%get3A_281, %get3A_282, %get3A_283] {strides = array<i32>} : memref<2x80x128xf32, #tpu.memory_space<vmem>>, vector<16xf32>,
      %get3A_285 = arith.constant 0 : i32
      %get3A_286 = arith.index_cast %get3A_285 : i32 to index
      %get3A_287 = arith.index_cast %scan3A_249 : i32 to index
      %get3A_288 = arith.constant 32 : index
      %get3A_289 = tpu.vector_load %arg12[%get3A_286, %get3A_287, %get3A_288] {strides = array<i32>} : memref<2x80x128xf32, #tpu.memory_space<vmem>>, vector<16xf32>,
      %mul3A_290 = arith.mulf %get3A_284, %get3A_289 : vector<16xf32>
      %swap3A_291 = arith.constant 0 : i32
      %swap3A_292 = arith.index_cast %swap3A_291 : i32 to index
      %swap3A_293 = arith.index_cast %scan3A_249 : i32 to index
      %swap3A_294 = arith.constant 32 : index
      %swap3A_295 = tpu.vector_load %arg11[%swap3A_292, %swap3A_293, %swap3A_294] {strides = array<i32>} : memref<2x80x128xf32, #tpu.memory_space<vmem>>, vector<16xf32>,
      tpu.vector_store %arg11[%swap3A_292, %swap3A_293, %swap3A_294], %mul3A_290 {strides = array<i32>} : memref<2x80x128xf32, #tpu.memory_space<vmem>>, vector<16xf32>,
      %get3A_296 = arith.constant 0 : i32
      %get3A_297 = arith.index_cast %get3A_296 : i32 to index
      %get3A_298 = arith.index_cast %scan3A_249 : i32 to index
      %get3A_299 = arith.constant 48 : index
      %get3A_300 = tpu.vector_load %arg11[%get3A_297, %get3A_298, %get3A_299] {strides = array<i32>} : memref<2x80x128xf32, #tpu.memory_space<vmem>>, vector<16xf32>,
      %get3A_301 = arith.constant 0 : i32
      %get3A_302 = arith.index_cast %get3A_301 : i32 to index
      %get3A_303 = arith.index_cast %scan3A_249 : i32 to index
      %get3A_304 = arith.constant 48 : index
      %get3A_305 = tpu.vector_load %arg12[%get3A_302, %get3A_303, %get3A_304] {strides = array<i32>} : memref<2x80x128xf32, #tpu.memory_space<vmem>>, vector<16xf32>,
      %mul3A_306 = arith.mulf %get3A_300, %get3A_305 : vector<16xf32>
      %swap3A_307 = arith.constant 0 : i32
      %swap3A_308 = arith.index_cast %swap3A_307 : i32 to index
      %swap3A_309 = arith.index_cast %scan3A_249 : i32 to index
      %swap3A_310 = arith.constant 48 : index
      %swap3A_311 = tpu.vector_load %arg11[%swap3A_308, %swap3A_309, %swap3A_310] {strides = array<i32>} : memref<2x80x128xf32, #tpu.memory_space<vmem>>, vector<16xf32>,
      tpu.vector_store %arg11[%swap3A_308, %swap3A_309, %swap3A_310], %mul3A_306 {strides = array<i32>} : memref<2x80x128xf32, #tpu.memory_space<vmem>>, vector<16xf32>,
      %get3A_312 = arith.constant 0 : i32
      %get3A_313 = arith.index_cast %get3A_312 : i32 to index
      %get3A_314 = arith.index_cast %scan3A_249 : i32 to index
      %get3A_315 = arith.constant 64 : index
      %get3A_316 = tpu.vector_load %arg11[%get3A_313, %get3A_314, %get3A_315] {strides = array<i32>} : memref<2x80x128xf32, #tpu.memory_space<vmem>>, vector<16xf32>,
      %get3A_317 = arith.constant 0 : i32
      %get3A_318 = arith.index_cast %get3A_317 : i32 to index
      %get3A_319 = arith.index_cast %scan3A_249 : i32 to index
      %get3A_320 = arith.constant 64 : index
      %get3A_321 = tpu.vector_load %arg12[%get3A_318, %get3A_319, %get3A_320] {strides = array<i32>} : memref<2x80x128xf32, #tpu.memory_space<vmem>>, vector<16xf32>,
      %mul3A_322 = arith.mulf %get3A_316, %get3A_321 : vector<16xf32>
      %swap3A_323 = arith.constant 0 : i32
      %swap3A_324 = arith.index_cast %swap3A_323 : i32 to index
      %swap3A_325 = arith.index_cast %scan3A_249 : i32 to index
      %swap3A_326 = arith.constant 64 : index
      %swap3A_327 = tpu.vector_load %arg11[%swap3A_324, %swap3A_325, %swap3A_326] {strides = array<i32>} : memref<2x80x128xf32, #tpu.memory_space<vmem>>, vector<16xf32>,
      tpu.vector_store %arg11[%swap3A_324, %swap3A_325, %swap3A_326], %mul3A_322 {strides = array<i32>} : memref<2x80x128xf32, #tpu.memory_space<vmem>>, vector<16xf32>,
      %get3A_328 = arith.constant 0 : i32
      %get3A_329 = arith.index_cast %get3A_328 : i32 to index
      %get3A_330 = arith.index_cast %scan3A_249 : i32 to index
      %get3A_331 = arith.constant 80 : index
      %get3A_332 = tpu.vector_load %arg11[%get3A_329, %get3A_330, %get3A_331] {strides = array<i32>} : memref<2x80x128xf32, #tpu.memory_space<vmem>>, vector<16xf32>,
      %get3A_333 = arith.constant 0 : i32
      %get3A_334 = arith.index_cast %get3A_333 : i32 to index
      %get3A_335 = arith.index_cast %scan3A_249 : i32 to index
      %get3A_336 = arith.constant 80 : index
      %get3A_337 = tpu.vector_load %arg12[%get3A_334, %get3A_335, %get3A_336] {strides = array<i32>} : memref<2x80x128xf32, #tpu.memory_space<vmem>>, vector<16xf32>,
      %mul3A_338 = arith.mulf %get3A_332, %get3A_337 : vector<16xf32>
      %swap3A_339 = arith.constant 0 : i32
      %swap3A_340 = arith.index_cast %swap3A_339 : i32 to index
      %swap3A_341 = arith.index_cast %scan3A_249 : i32 to index
      %swap3A_342 = arith.constant 80 : index
      %swap3A_343 = tpu.vector_load %arg11[%swap3A_340, %swap3A_341, %swap3A_342] {strides = array<i32>} : memref<2x80x128xf32, #tpu.memory_space<vmem>>, vector<16xf32>,
      tpu.vector_store %arg11[%swap3A_340, %swap3A_341, %swap3A_342], %mul3A_338 {strides = array<i32>} : memref<2x80x128xf32, #tpu.memory_space<vmem>>, vector<16xf32>,
      %get3A_344 = arith.constant 0 : i32
      %get3A_345 = arith.index_cast %get3A_344 : i32 to index
      %get3A_346 = arith.index_cast %scan3A_249 : i32 to index
      %get3A_347 = arith.constant 96 : index
      %get3A_348 = tpu.vector_load %arg11[%get3A_345, %get3A_346, %get3A_347] {strides = array<i32>} : memref<2x80x128xf32, #tpu.memory_space<vmem>>, vector<16xf32>,
      %get3A_349 = arith.constant 0 : i32
      %get3A_350 = arith.index_cast %get3A_349 : i32 to index
      %get3A_351 = arith.index_cast %scan3A_249 : i32 to index
      %get3A_352 = arith.constant 96 : index
      %get3A_353 = tpu.vector_load %arg12[%get3A_350, %get3A_351, %get3A_352] {strides = array<i32>} : memref<2x80x128xf32, #tpu.memory_space<vmem>>, vector<16xf32>,
      %mul3A_354 = arith.mulf %get3A_348, %get3A_353 : vector<16xf32>
      %swap3A_355 = arith.constant 0 : i32
      %swap3A_356 = arith.index_cast %swap3A_355 : i32 to index
      %swap3A_357 = arith.index_cast %scan3A_249 : i32 to index
      %swap3A_358 = arith.constant 96 : index
      %swap3A_359 = tpu.vector_load %arg11[%swap3A_356, %swap3A_357, %swap3A_358] {strides = array<i32>} : memref<2x80x128xf32, #tpu.memory_space<vmem>>, vector<16xf32>,
      tpu.vector_store %arg11[%swap3A_356, %swap3A_357, %swap3A_358], %mul3A_354 {strides = array<i32>} : memref<2x80x128xf32, #tpu.memory_space<vmem>>, vector<16xf32>,
      %get3A_360 = arith.constant 0 : i32
      %get3A_361 = arith.index_cast %get3A_360 : i32 to index
      %get3A_362 = arith.index_cast %scan3A_249 : i32 to index
      %get3A_363 = arith.constant 112 : index
      %get3A_364 = tpu.vector_load %arg11[%get3A_361, %get3A_362, %get3A_363] {strides = array<i32>} : memref<2x80x128xf32, #tpu.memory_space<vmem>>, vector<16xf32>,
      %get3A_365 = arith.constant 0 : i32
      %get3A_366 = arith.index_cast %get3A_365 : i32 to index
      %get3A_367 = arith.index_cast %scan3A_249 : i32 to index
      %get3A_368 = arith.constant 112 : index
      %get3A_369 = tpu.vector_load %arg12[%get3A_366, %get3A_367, %get3A_368] {strides = array<i32>} : memref<2x80x128xf32, #tpu.memory_space<vmem>>, vector<16xf32>,
      %mul3A_370 = arith.mulf %get3A_364, %get3A_369 : vector<16xf32>
      %swap3A_371 = arith.constant 0 : i32
      %swap3A_372 = arith.index_cast %swap3A_371 : i32 to index
      %swap3A_373 = arith.index_cast %scan3A_249 : i32 to index
      %swap3A_374 = arith.constant 112 : index
      %swap3A_375 = tpu.vector_load %arg11[%swap3A_372, %swap3A_373, %swap3A_374] {strides = array<i32>} : memref<2x80x128xf32, #tpu.memory_space<vmem>>, vector<16xf32>,
      tpu.vector_store %arg11[%swap3A_372, %swap3A_373, %swap3A_374], %mul3A_370 {strides = array<i32>} : memref<2x80x128xf32, #tpu.memory_space<vmem>>, vector<16xf32>,
    }
    %scan3A_213 = arith.constant 80 : i32
    %run_scoped3A = arith.constant 0 : i32
    %run_scoped3A_214 = arith.constant 0 : i32
    "tpu.region"() ({
      %run_scoped3A_249 = tpu.sem_alloc : memref<!tpu.dma_semaphore, #tpu.memory_space<semaphore_mem>>
      %dma_start3A_250 = arith.constant 0 : i32
      %dma_start3A_251 = arith.constant 0 : i32
      %dma_start3A_252 = tpu.memref_slice %arg11[%run_scoped3A, %dma_start3A_250, %dma_start3A_251] : memref<2x80x128xf32, #tpu.memory_space<vmem>> -> memref<1x80x128xf32, #tpu.memory_space<vmem>>
      %dma_start3A_253 = tpu.memref_squeeze %dma_start3A_252 : memref<1x80x128xf32, #tpu.memory_space<vmem>> -> memref<80x128xf32, #tpu.memory_space<vmem>>
      %dma_start3A_254 = arith.constant 0 : i32
      %dma_start3A_255 = tpu.memref_slice %arg10[%run_scoped3A_214, %dma_start3A_254] : memref<2x80xi32, #tpu.memory_space<vmem>> -> memref<1x80xi32, #tpu.memory_space<vmem>>
      %dma_start3A_256 = tpu.memref_squeeze %dma_start3A_255 : memref<1x80xi32, #tpu.memory_space<vmem>> -> memref<80xi32, #tpu.memory_space<vmem>>
      %dma_start3A_257 = arith.constant 0 : i32
      %dma_start3A_258 = arith.constant 0 : i32
      %dma_start3A_259 = tpu.memref_slice %arg8[%dma_start3A_257, %dma_start3A_258] : memref<10000x128xf32, #tpu.memory_space<vmem_shared>> -> memref<10000x128xf32, #tpu.memory_space<vmem_shared>>
      tpu.enqueue_indirect_dma source(%dma_start3A_253 : memref<80x128xf32, #tpu.memory_space<vmem>>) target(%dma_start3A_259 : memref<10000x128xf32, #tpu.memory_space<vmem_shared>>) offsets(%dma_start3A_256 : memref<80xi32, #tpu.memory_space<vmem>>) semaphore(%run_scoped3A_249 : memref<!tpu.dma_semaphore, #tpu.memory_space<semaphore_mem>>) {add = true}
      %dma_wait3A_260 = arith.constant 0 : i32
      %dma_wait3A_261 = arith.constant 0 : i32
      %dma_wait3A_262 = tpu.memref_slice %arg11[%run_scoped3A, %dma_wait3A_260, %dma_wait3A_261] : memref<2x80x128xf32, #tpu.memory_space<vmem>> -> memref<1x80x128xf32, #tpu.memory_space<vmem>>
      %dma_wait3A_263 = tpu.memref_squeeze %dma_wait3A_262 : memref<1x80x128xf32, #tpu.memory_space<vmem>> -> memref<80x128xf32, #tpu.memory_space<vmem>>
      %dma_wait3A_264 = arith.constant 0 : i32
      %dma_wait3A_265 = tpu.memref_slice %arg10[%run_scoped3A_214, %dma_wait3A_264] : memref<2x80xi32, #tpu.memory_space<vmem>> -> memref<1x80xi32, #tpu.memory_space<vmem>>
      %dma_wait3A_266 = tpu.memref_squeeze %dma_wait3A_265 : memref<1x80xi32, #tpu.memory_space<vmem>> -> memref<80xi32, #tpu.memory_space<vmem>>
      %dma_wait3A_267 = arith.constant 0 : i32
      %dma_wait3A_268 = arith.constant 0 : i32
      %dma_wait3A_269 = tpu.memref_slice %arg8[%dma_wait3A_267, %dma_wait3A_268] : memref<10000x128xf32, #tpu.memory_space<vmem_shared>> -> memref<10000x128xf32, #tpu.memory_space<vmem_shared>>
      tpu.wait_indirect_dma semaphore(%run_scoped3A_249 : memref<!tpu.dma_semaphore, #tpu.memory_space<semaphore_mem>>) src(%dma_wait3A_263 : memref<80x128xf32, #tpu.memory_space<vmem>>) dst(%dma_wait3A_269 : memref<10000x128xf32, #tpu.memory_space<vmem_shared>>)
      tpu.yield
    }) : () -> ()
    %add3A_215 = arith.constant 10000 : i32
    %add3A_216 = arith.addi %add3A, %add3A_215 : i32
    %dma_wait3A_217 = arith.constant 1 : i32
    %dma_wait3A_218 = arith.constant 1 : i32
    %dma_wait3A_219 = arith.constant 0 : i32
    %dma_wait3A_220 = tpu.memref_slice %arg9[%dma_wait3A_217, %dma_wait3A_219] : memref<2x80xi32, #tpu.memory_space<vmem>> -> memref<1x80xi32, #tpu.memory_space<vmem>>
    %dma_wait3A_221 = tpu.memref_squeeze %dma_wait3A_220 : memref<1x80xi32, #tpu.memory_space<vmem>> -> memref<80xi32, #tpu.memory_space<vmem>>
    %dma_wait3A_222 = tpu.memref_slice %arg4[%add3A_216] : memref<320160xi32, #tpu.memory_space<hbm>> -> memref<80xi32, #tpu.memory_space<hbm>>
    %dma_wait3A_223 = tpu.memref_slice %arg14[%dma_wait3A_218] : memref<2x!tpu.dma_semaphore, #tpu.memory_space<semaphore_mem>> -> memref<1x!tpu.dma_semaphore, #tpu.memory_space<semaphore_mem>>
    %dma_wait3A_224 = tpu.memref_squeeze %dma_wait3A_223 : memref<1x!tpu.dma_semaphore, #tpu.memory_space<semaphore_mem>> -> memref<!tpu.dma_semaphore, #tpu.memory_space<semaphore_mem>>
    %dma_wait3A_225 = arith.constant 0 : i32
    %dma_wait3A_226 = tpu.memref_slice %arg9[%dma_wait3A_217, %dma_wait3A_225] : memref<2x80xi32, #tpu.memory_space<vmem>> -> memref<1x80xi32, #tpu.memory_space<vmem>>
    %dma_wait3A_227 = tpu.memref_squeeze %dma_wait3A_226 : memref<1x80xi32, #tpu.memory_space<vmem>> -> memref<80xi32, #tpu.memory_space<vmem>>
    %dma_wait3A_228 = tpu.memref_slice %arg4[%add3A_216] : memref<320160xi32, #tpu.memory_space<hbm>> -> memref<80xi32, #tpu.memory_space<hbm>>
    tpu.wait_dma2 semaphore(%dma_wait3A_224 : memref<!tpu.dma_semaphore, #tpu.memory_space<semaphore_mem>>) src(%dma_wait3A_228 : memref<80xi32, #tpu.memory_space<hbm>>) dst(%dma_wait3A_227 : memref<80xi32, #tpu.memory_space<vmem>>)
    %dma_wait3A_229 = arith.constant 1 : i32
    %dma_wait3A_230 = arith.constant 1 : i32
    %dma_wait3A_231 = arith.constant 0 : i32
    %dma_wait3A_232 = tpu.memref_slice %arg10[%dma_wait3A_229, %dma_wait3A_231] : memref<2x80xi32, #tpu.memory_space<vmem>> -> memref<1x80xi32, #tpu.memory_space<vmem>>
    %dma_wait3A_233 = tpu.memref_squeeze %dma_wait3A_232 : memref<1x80xi32, #tpu.memory_space<vmem>> -> memref<80xi32, #tpu.memory_space<vmem>>
    %dma_wait3A_234 = tpu.memref_slice %arg5[%add3A_216] : memref<320160xi32, #tpu.memory_space<hbm>> -> memref<80xi32, #tpu.memory_space<hbm>>
    %dma_wait3A_235 = tpu.memref_slice %arg15[%dma_wait3A_230] : memref<2x!tpu.dma_semaphore, #tpu.memory_space<semaphore_mem>> -> memref<1x!tpu.dma_semaphore, #tpu.memory_space<semaphore_mem>>
    %dma_wait3A_236 = tpu.memref_squeeze %dma_wait3A_235 : memref<1x!tpu.dma_semaphore, #tpu.memory_space<semaphore_mem>> -> memref<!tpu.dma_semaphore, #tpu.memory_space<semaphore_mem>>
    %dma_wait3A_237 = arith.constant 0 : i32
    %dma_wait3A_238 = tpu.memref_slice %arg10[%dma_wait3A_229, %dma_wait3A_237] : memref<2x80xi32, #tpu.memory_space<vmem>> -> memref<1x80xi32, #tpu.memory_space<vmem>>
    %dma_wait3A_239 = tpu.memref_squeeze %dma_wait3A_238 : memref<1x80xi32, #tpu.memory_space<vmem>> -> memref<80xi32, #tpu.memory_space<vmem>>
    %dma_wait3A_240 = tpu.memref_slice %arg5[%add3A_216] : memref<320160xi32, #tpu.memory_space<hbm>> -> memref<80xi32, #tpu.memory_space<hbm>>
    tpu.wait_dma2 semaphore(%dma_wait3A_236 : memref<!tpu.dma_semaphore, #tpu.memory_space<semaphore_mem>>) src(%dma_wait3A_240 : memref<80xi32, #tpu.memory_space<hbm>>) dst(%dma_wait3A_239 : memref<80xi32, #tpu.memory_space<vmem>>)
    %barrier3A_241 = arith.constant 0 : index
    tpu.barrier barrier_id(%barrier3A_241)
    %eq3A = arith.constant 0 : i32
    %eq3A_242 = arith.cmpi eq, %arg0, %eq3A : i32
    %convert_element_type3A = arith.extui %eq3A_242 : i1 to i32
    %cond3A = arith.constant 0 : i32
    %cond3A_243 = arith.cmpi ne, %convert_element_type3A, %cond3A : i32
    scf.if %cond3A_243 {
      "tpu.region"() ({
        %run_scoped3A_249 = tpu.sem_alloc : memref<!tpu.dma_semaphore, #tpu.memory_space<semaphore_mem>>
        %dma_start3A_250 = arith.constant 0 : i32
        %dma_start3A_251 = tpu.memref_slice %arg6[%mul3A_0, %dma_start3A_250] : memref<10000x128xf32, #tpu.memory_space<hbm>> -> memref<625x128xf32, #tpu.memory_space<hbm>>
        %dma_start3A_252 = arith.constant 0 : i32
        %dma_start3A_253 = tpu.memref_slice %arg8[%mul3A_0, %dma_start3A_252] : memref<10000x128xf32, #tpu.memory_space<vmem_shared>> -> memref<625x128xf32, #tpu.memory_space<vmem_shared>>
        tpu.enqueue_dma source(%dma_start3A_253 : memref<625x128xf32, #tpu.memory_space<vmem_shared>>) target(%dma_start3A_251 : memref<625x128xf32, #tpu.memory_space<hbm>>) target_semaphore(%run_scoped3A_249 : memref<!tpu.dma_semaphore, #tpu.memory_space<semaphore_mem>>)
        %dma_wait3A_254 = arith.constant 0 : i32
        %dma_wait3A_255 = tpu.memref_slice %arg6[%mul3A_0, %dma_wait3A_254] : memref<10000x128xf32, #tpu.memory_space<hbm>> -> memref<625x128xf32, #tpu.memory_space<hbm>>
        %dma_wait3A_256 = arith.constant 0 : i32
        %dma_wait3A_257 = tpu.memref_slice %arg8[%mul3A_0, %dma_wait3A_256] : memref<10000x128xf32, #tpu.memory_space<vmem_shared>> -> memref<625x128xf32, #tpu.memory_space<vmem_shared>>
        tpu.wait_dma2 semaphore(%run_scoped3A_249 : memref<!tpu.dma_semaphore, #tpu.memory_space<semaphore_mem>>) src(%dma_wait3A_257 : memref<625x128xf32, #tpu.memory_space<vmem_shared>>) dst(%dma_wait3A_255 : memref<625x128xf32, #tpu.memory_space<hbm>>)
        tpu.yield
      }) : () -> ()
    } else {
    }
    %eq3A_244 = arith.constant 1 : i32
    %eq3A_245 = arith.cmpi eq, %arg0, %eq3A_244 : i32
    %convert_element_type3A_246 = arith.extui %eq3A_245 : i1 to i32
    %cond3A_247 = arith.constant 0 : i32
    %cond3A_248 = arith.cmpi ne, %convert_element_type3A_246, %cond3A_247 : i32
    scf.if %cond3A_248 {
      "tpu.region"() ({
        %run_scoped3A_249 = tpu.sem_alloc : memref<!tpu.dma_semaphore, #tpu.memory_space<semaphore_mem>>
        %dma_start3A_250 = arith.constant 0 : i32
        %dma_start3A_251 = tpu.memref_slice %arg7[%mul3A_0, %dma_start3A_250] : memref<10000x128xf32, #tpu.memory_space<hbm>> -> memref<625x128xf32, #tpu.memory_space<hbm>>
        %dma_start3A_252 = arith.constant 0 : i32
        %dma_start3A_253 = tpu.memref_slice %arg8[%mul3A_0, %dma_start3A_252] : memref<10000x128xf32, #tpu.memory_space<vmem_shared>> -> memref<625x128xf32, #tpu.memory_space<vmem_shared>>
        tpu.enqueue_dma source(%dma_start3A_253 : memref<625x128xf32, #tpu.memory_space<vmem_shared>>) target(%dma_start3A_251 : memref<625x128xf32, #tpu.memory_space<hbm>>) target_semaphore(%run_scoped3A_249 : memref<!tpu.dma_semaphore, #tpu.memory_space<semaphore_mem>>)
        %dma_wait3A_254 = arith.constant 0 : i32
        %dma_wait3A_255 = tpu.memref_slice %arg7[%mul3A_0, %dma_wait3A_254] : memref<10000x128xf32, #tpu.memory_space<hbm>> -> memref<625x128xf32, #tpu.memory_space<hbm>>
        %dma_wait3A_256 = arith.constant 0 : i32
        %dma_wait3A_257 = tpu.memref_slice %arg8[%mul3A_0, %dma_wait3A_256] : memref<10000x128xf32, #tpu.memory_space<vmem_shared>> -> memref<625x128xf32, #tpu.memory_space<vmem_shared>>
        tpu.wait_dma2 semaphore(%run_scoped3A_249 : memref<!tpu.dma_semaphore, #tpu.memory_space<semaphore_mem>>) src(%dma_wait3A_257 : memref<625x128xf32, #tpu.memory_space<vmem_shared>>) dst(%dma_wait3A_255 : memref<625x128xf32, #tpu.memory_space<hbm>>)
        tpu.yield
      }) : () -> ()
    } else {
    }
    return
  }
}

#map = affine_map<(d0, d1) -> (0)>
module attributes {stable_mosaic.version = 14 : i64} {
  func.func @_dist2_body(%arg0: i32, %arg1: i32, %arg2: memref<10000xf32, #tpu.memory_space<hbm>>, %arg3: memref<10000xf32, #tpu.memory_space<hbm>>, %arg4: memref<10000xf32, #tpu.memory_space<hbm>>, %arg5: memref<320000xi32, #tpu.memory_space<hbm>>, %arg6: memref<320000xi32, #tpu.memory_space<hbm>>, %arg7: memref<320000xf32, #tpu.memory_space<hbm>>, %arg8: memref<10000xf32, #tpu.memory_space<vmem>>, %arg9: memref<10000xf32, #tpu.memory_space<vmem>>, %arg10: memref<10000xf32, #tpu.memory_space<vmem>>, %arg11: memref<10000xi32, #tpu.memory_space<vmem>>, %arg12: memref<10000xi32, #tpu.memory_space<vmem>>, %arg13: memref<10000xf32, #tpu.memory_space<vmem>>) attributes {dimension_semantics = [#tpu.dimension_semantics<core_parallel>, #tpu.dimension_semantics<subcore_parallel>], iteration_bounds = array<i64: 2, 16>, scalar_prefetch = 0 : i64, scratch_operands = 6 : i64, tpu.core_type = #tpu.core_type<sc_vector_subcore>, window_params = [{transform_indices = #map}, {transform_indices = #map}, {transform_indices = #map}, {transform_indices = #map}, {transform_indices = #map}, {transform_indices = #map}]} {
    %mul3A = arith.constant 2 : i32
    %mul3A_0 = arith.muli %arg1, %mul3A : i32
    %add3A = arith.addi %mul3A_0, %arg0 : i32
    %mul3A_1 = arith.constant 10000 : i32
    %mul3A_2 = arith.muli %add3A, %mul3A_1 : i32
    "tpu.region"() ({
      %run_scoped3A = tpu.sem_alloc : memref<!tpu.dma_semaphore, #tpu.memory_space<semaphore_mem>>
      tpu.enqueue_dma source(%arg2 : memref<10000xf32, #tpu.memory_space<hbm>>) target(%arg8 : memref<10000xf32, #tpu.memory_space<vmem>>) target_semaphore(%run_scoped3A : memref<!tpu.dma_semaphore, #tpu.memory_space<semaphore_mem>>)
      tpu.wait_dma2 semaphore(%run_scoped3A : memref<!tpu.dma_semaphore, #tpu.memory_space<semaphore_mem>>) src(%arg2 : memref<10000xf32, #tpu.memory_space<hbm>>) dst(%arg8 : memref<10000xf32, #tpu.memory_space<vmem>>)
      tpu.yield
    }) : () -> ()
    "tpu.region"() ({
      %run_scoped3A = tpu.sem_alloc : memref<!tpu.dma_semaphore, #tpu.memory_space<semaphore_mem>>
      tpu.enqueue_dma source(%arg3 : memref<10000xf32, #tpu.memory_space<hbm>>) target(%arg9 : memref<10000xf32, #tpu.memory_space<vmem>>) target_semaphore(%run_scoped3A : memref<!tpu.dma_semaphore, #tpu.memory_space<semaphore_mem>>)
      tpu.wait_dma2 semaphore(%run_scoped3A : memref<!tpu.dma_semaphore, #tpu.memory_space<semaphore_mem>>) src(%arg3 : memref<10000xf32, #tpu.memory_space<hbm>>) dst(%arg9 : memref<10000xf32, #tpu.memory_space<vmem>>)
      tpu.yield
    }) : () -> ()
    "tpu.region"() ({
      %run_scoped3A = tpu.sem_alloc : memref<!tpu.dma_semaphore, #tpu.memory_space<semaphore_mem>>
      tpu.enqueue_dma source(%arg4 : memref<10000xf32, #tpu.memory_space<hbm>>) target(%arg10 : memref<10000xf32, #tpu.memory_space<vmem>>) target_semaphore(%run_scoped3A : memref<!tpu.dma_semaphore, #tpu.memory_space<semaphore_mem>>)
      tpu.wait_dma2 semaphore(%run_scoped3A : memref<!tpu.dma_semaphore, #tpu.memory_space<semaphore_mem>>) src(%arg4 : memref<10000xf32, #tpu.memory_space<hbm>>) dst(%arg10 : memref<10000xf32, #tpu.memory_space<vmem>>)
      tpu.yield
    }) : () -> ()
    "tpu.region"() ({
      %run_scoped3A = tpu.sem_alloc : memref<!tpu.dma_semaphore, #tpu.memory_space<semaphore_mem>>
      %dma_start3A = tpu.memref_slice %arg5[%mul3A_2] : memref<320000xi32, #tpu.memory_space<hbm>> -> memref<10000xi32, #tpu.memory_space<hbm>>
      %dma_start3A_8 = tpu.memref_slice %arg5[%mul3A_2] : memref<320000xi32, #tpu.memory_space<hbm>> -> memref<10000xi32, #tpu.memory_space<hbm>>
      tpu.enqueue_dma source(%dma_start3A_8 : memref<10000xi32, #tpu.memory_space<hbm>>) target(%arg11 : memref<10000xi32, #tpu.memory_space<vmem>>) target_semaphore(%run_scoped3A : memref<!tpu.dma_semaphore, #tpu.memory_space<semaphore_mem>>)
      %dma_wait3A = tpu.memref_slice %arg5[%mul3A_2] : memref<320000xi32, #tpu.memory_space<hbm>> -> memref<10000xi32, #tpu.memory_space<hbm>>
      %dma_wait3A_9 = tpu.memref_slice %arg5[%mul3A_2] : memref<320000xi32, #tpu.memory_space<hbm>> -> memref<10000xi32, #tpu.memory_space<hbm>>
      tpu.wait_dma2 semaphore(%run_scoped3A : memref<!tpu.dma_semaphore, #tpu.memory_space<semaphore_mem>>) src(%dma_wait3A_9 : memref<10000xi32, #tpu.memory_space<hbm>>) dst(%arg11 : memref<10000xi32, #tpu.memory_space<vmem>>)
      tpu.yield
    }) : () -> ()
    "tpu.region"() ({
      %run_scoped3A = tpu.sem_alloc : memref<!tpu.dma_semaphore, #tpu.memory_space<semaphore_mem>>
      %dma_start3A = tpu.memref_slice %arg6[%mul3A_2] : memref<320000xi32, #tpu.memory_space<hbm>> -> memref<10000xi32, #tpu.memory_space<hbm>>
      %dma_start3A_8 = tpu.memref_slice %arg6[%mul3A_2] : memref<320000xi32, #tpu.memory_space<hbm>> -> memref<10000xi32, #tpu.memory_space<hbm>>
      tpu.enqueue_dma source(%dma_start3A_8 : memref<10000xi32, #tpu.memory_space<hbm>>) target(%arg12 : memref<10000xi32, #tpu.memory_space<vmem>>) target_semaphore(%run_scoped3A : memref<!tpu.dma_semaphore, #tpu.memory_space<semaphore_mem>>)
      %dma_wait3A = tpu.memref_slice %arg6[%mul3A_2] : memref<320000xi32, #tpu.memory_space<hbm>> -> memref<10000xi32, #tpu.memory_space<hbm>>
      %dma_wait3A_9 = tpu.memref_slice %arg6[%mul3A_2] : memref<320000xi32, #tpu.memory_space<hbm>> -> memref<10000xi32, #tpu.memory_space<hbm>>
      tpu.wait_dma2 semaphore(%run_scoped3A : memref<!tpu.dma_semaphore, #tpu.memory_space<semaphore_mem>>) src(%dma_wait3A_9 : memref<10000xi32, #tpu.memory_space<hbm>>) dst(%arg12 : memref<10000xi32, #tpu.memory_space<vmem>>)
      tpu.yield
    }) : () -> ()
    %scan3A = arith.constant 0 : i32
    %scan3A_3 = arith.constant 0 : i32
    %scan3A_4 = arith.constant 625 : i32
    %scan3A_5 = arith.addi %scan3A_3, %scan3A_4 : i32
    %scan3A_6 = arith.constant 1 : i32
    scf.for %scan3A_8 = %scan3A_3 to %scan3A_5 step %scan3A_6  : i32 {
      %mul3A_9 = arith.constant 16 : i32
      %mul3A_10 = arith.muli %scan3A_8, %mul3A_9 : i32
      %get3A = arith.index_cast %mul3A_10 : i32 to index
      %get3A_11 = tpu.vector_load %arg11[%get3A] {strides = array<i32>} : memref<10000xi32, #tpu.memory_space<vmem>>, vector<16xi32>,
      %mul3A_12 = arith.constant 16 : i32
      %mul3A_13 = arith.muli %scan3A_8, %mul3A_12 : i32
      %get3A_14 = arith.index_cast %mul3A_13 : i32 to index
      %get3A_15 = tpu.vector_load %arg12[%get3A_14] {strides = array<i32>} : memref<10000xi32, #tpu.memory_space<vmem>>, vector<16xi32>,
      %gather3A = tpu.vector_load_idx %arg8[%get3A_11] : memref<10000xf32, #tpu.memory_space<vmem>>[vector<16xi32>], vector<16xf32>,
      %gather3A_16 = tpu.vector_load_idx %arg8[%get3A_15] : memref<10000xf32, #tpu.memory_space<vmem>>[vector<16xi32>], vector<16xf32>,
      %sub3A = arith.subf %gather3A, %gather3A_16 : vector<16xf32>
      %gather3A_17 = tpu.vector_load_idx %arg9[%get3A_11] : memref<10000xf32, #tpu.memory_space<vmem>>[vector<16xi32>], vector<16xf32>,
      %gather3A_18 = tpu.vector_load_idx %arg9[%get3A_15] : memref<10000xf32, #tpu.memory_space<vmem>>[vector<16xi32>], vector<16xf32>,
      %sub3A_19 = arith.subf %gather3A_17, %gather3A_18 : vector<16xf32>
      %gather3A_20 = tpu.vector_load_idx %arg10[%get3A_11] : memref<10000xf32, #tpu.memory_space<vmem>>[vector<16xi32>], vector<16xf32>,
      %gather3A_21 = tpu.vector_load_idx %arg10[%get3A_15] : memref<10000xf32, #tpu.memory_space<vmem>>[vector<16xi32>], vector<16xf32>,
      %sub3A_22 = arith.subf %gather3A_20, %gather3A_21 : vector<16xf32>
      %mul3A_23 = arith.mulf %sub3A, %sub3A : vector<16xf32>
      %mul3A_24 = arith.mulf %sub3A_19, %sub3A_19 : vector<16xf32>
      %add3A_25 = arith.addf %mul3A_23, %mul3A_24 : vector<16xf32>
      %mul3A_26 = arith.mulf %sub3A_22, %sub3A_22 : vector<16xf32>
      %add3A_27 = arith.addf %add3A_25, %mul3A_26 : vector<16xf32>
      %mul3A_28 = arith.constant 16 : i32
      %mul3A_29 = arith.muli %scan3A_8, %mul3A_28 : i32
      %swap3A = arith.index_cast %mul3A_29 : i32 to index
      %swap3A_30 = tpu.vector_load %arg13[%swap3A] {strides = array<i32>} : memref<10000xf32, #tpu.memory_space<vmem>>, vector<16xf32>,
      tpu.vector_store %arg13[%swap3A], %add3A_27 {strides = array<i32>} : memref<10000xf32, #tpu.memory_space<vmem>>, vector<16xf32>,
    }
    %scan3A_7 = arith.constant 625 : i32
    "tpu.region"() ({
      %run_scoped3A = tpu.sem_alloc : memref<!tpu.dma_semaphore, #tpu.memory_space<semaphore_mem>>
      %dma_start3A = tpu.memref_slice %arg7[%mul3A_2] : memref<320000xf32, #tpu.memory_space<hbm>> -> memref<10000xf32, #tpu.memory_space<hbm>>
      %dma_start3A_8 = tpu.memref_slice %arg7[%mul3A_2] : memref<320000xf32, #tpu.memory_space<hbm>> -> memref<10000xf32, #tpu.memory_space<hbm>>
      tpu.enqueue_dma source(%arg13 : memref<10000xf32, #tpu.memory_space<vmem>>) target(%dma_start3A_8 : memref<10000xf32, #tpu.memory_space<hbm>>) target_semaphore(%run_scoped3A : memref<!tpu.dma_semaphore, #tpu.memory_space<semaphore_mem>>)
      %dma_wait3A = tpu.memref_slice %arg7[%mul3A_2] : memref<320000xf32, #tpu.memory_space<hbm>> -> memref<10000xf32, #tpu.memory_space<hbm>>
      %dma_wait3A_9 = tpu.memref_slice %arg7[%mul3A_2] : memref<320000xf32, #tpu.memory_space<hbm>> -> memref<10000xf32, #tpu.memory_space<hbm>>
      tpu.wait_dma2 semaphore(%run_scoped3A : memref<!tpu.dma_semaphore, #tpu.memory_space<semaphore_mem>>) src(%arg13 : memref<10000xf32, #tpu.memory_space<vmem>>) dst(%dma_wait3A_9 : memref<10000xf32, #tpu.memory_space<hbm>>)
      tpu.yield
    }) : () -> ()
    return
  }
}

#map = affine_map<(d0, d1) -> (0, 0)>
#map1 = affine_map<(d0, d1) -> (0)>
module attributes {stable_mosaic.version = 14 : i64} {
  func.func @_agg_body(%arg0: i32, %arg1: i32, %arg2: memref<10000x128xf32, #tpu.memory_space<hbm>>, %arg3: memref<327680x128xf32, #tpu.memory_space<hbm>>, %arg4: memref<320160xi32, #tpu.memory_space<hbm>>, %arg5: memref<320160xi32, #tpu.memory_space<hbm>>, %arg6: memref<10000x128xf32, #tpu.memory_space<hbm>>, %arg7: memref<10000x128xf32, #tpu.memory_space<hbm>>, %arg8: memref<10000x128xf32, #tpu.memory_space<vmem_shared>>, %arg9: memref<2x80xi32, #tpu.memory_space<vmem>>, %arg10: memref<2x80xi32, #tpu.memory_space<vmem>>, %arg11: memref<2x80x128xf32, #tpu.memory_space<vmem>>, %arg12: memref<2x80x128xf32, #tpu.memory_space<vmem>>, %arg13: memref<25x128xf32, #tpu.memory_space<vmem>>, %arg14: memref<2x!tpu.dma_semaphore, #tpu.memory_space<semaphore_mem>>, %arg15: memref<2x!tpu.dma_semaphore, #tpu.memory_space<semaphore_mem>>, %arg16: memref<2x!tpu.dma_semaphore, #tpu.memory_space<semaphore_mem>>, %arg17: memref<2x!tpu.dma_semaphore, #tpu.memory_space<semaphore_mem>>) attributes {dimension_semantics = [#tpu.dimension_semantics<core_parallel>, #tpu.dimension_semantics<subcore_parallel>], iteration_bounds = array<i64: 2, 16>, scalar_prefetch = 0 : i64, scratch_operands = 10 : i64, tpu.core_type = #tpu.core_type<sc_vector_subcore>, window_params = [{transform_indices = #map}, {transform_indices = #map}, {transform_indices = #map1}, {transform_indices = #map1}, {transform_indices = #map}, {transform_indices = #map}]} {
    %mul3A = arith.constant 625 : i32
    %mul3A_0 = arith.muli %arg1, %mul3A : i32
    %mul3A_1 = arith.constant 160000 : i32
    %mul3A_2 = arith.muli %arg0, %mul3A_1 : i32
    %mul3A_3 = arith.constant 10000 : i32
    %mul3A_4 = arith.muli %arg1, %mul3A_3 : i32
    %add3A = arith.addi %mul3A_2, %mul3A_4 : i32
    %scan3A = arith.constant 0 : i32
    %scan3A_5 = arith.constant 0 : i32
    %scan3A_6 = arith.constant 25 : i32
    %scan3A_7 = arith.addi %scan3A_5, %scan3A_6 : i32
    %scan3A_8 = arith.constant 1 : i32
    scf.for %scan3A_249 = %scan3A_5 to %scan3A_7 step %scan3A_8  : i32 {
      %broadcast_in_dim3A = arith.constant 0.000000e+00 : f32
      %broadcast_in_dim3A_250 = vector.broadcast %broadcast_in_dim3A : f32 to vector<16xf32>
      %swap3A = arith.index_cast %scan3A_249 : i32 to index
      %swap3A_251 = arith.constant 0 : index
      %swap3A_252 = tpu.vector_load %arg13[%swap3A, %swap3A_251] {strides = array<i32>} : memref<25x128xf32, #tpu.memory_space<vmem>>, vector<16xf32>,
      tpu.vector_store %arg13[%swap3A, %swap3A_251], %broadcast_in_dim3A_250 {strides = array<i32>} : memref<25x128xf32, #tpu.memory_space<vmem>>, vector<16xf32>,
      %swap3A_253 = arith.index_cast %scan3A_249 : i32 to index
      %swap3A_254 = arith.constant 16 : index
      %swap3A_255 = tpu.vector_load %arg13[%swap3A_253, %swap3A_254] {strides = array<i32>} : memref<25x128xf32, #tpu.memory_space<vmem>>, vector<16xf32>,
      tpu.vector_store %arg13[%swap3A_253, %swap3A_254], %broadcast_in_dim3A_250 {strides = array<i32>} : memref<25x128xf32, #tpu.memory_space<vmem>>, vector<16xf32>,
      %swap3A_256 = arith.index_cast %scan3A_249 : i32 to index
      %swap3A_257 = arith.constant 32 : index
      %swap3A_258 = tpu.vector_load %arg13[%swap3A_256, %swap3A_257] {strides = array<i32>} : memref<25x128xf32, #tpu.memory_space<vmem>>, vector<16xf32>,
      tpu.vector_store %arg13[%swap3A_256, %swap3A_257], %broadcast_in_dim3A_250 {strides = array<i32>} : memref<25x128xf32, #tpu.memory_space<vmem>>, vector<16xf32>,
      %swap3A_259 = arith.index_cast %scan3A_249 : i32 to index
      %swap3A_260 = arith.constant 48 : index
      %swap3A_261 = tpu.vector_load %arg13[%swap3A_259, %swap3A_260] {strides = array<i32>} : memref<25x128xf32, #tpu.memory_space<vmem>>, vector<16xf32>,
      tpu.vector_store %arg13[%swap3A_259, %swap3A_260], %broadcast_in_dim3A_250 {strides = array<i32>} : memref<25x128xf32, #tpu.memory_space<vmem>>, vector<16xf32>,
      %swap3A_262 = arith.index_cast %scan3A_249 : i32 to index
      %swap3A_263 = arith.constant 64 : index
      %swap3A_264 = tpu.vector_load %arg13[%swap3A_262, %swap3A_263] {strides = array<i32>} : memref<25x128xf32, #tpu.memory_space<vmem>>, vector<16xf32>,
      tpu.vector_store %arg13[%swap3A_262, %swap3A_263], %broadcast_in_dim3A_250 {strides = array<i32>} : memref<25x128xf32, #tpu.memory_space<vmem>>, vector<16xf32>,
      %swap3A_265 = arith.index_cast %scan3A_249 : i32 to index
      %swap3A_266 = arith.constant 80 : index
      %swap3A_267 = tpu.vector_load %arg13[%swap3A_265, %swap3A_266] {strides = array<i32>} : memref<25x128xf32, #tpu.memory_space<vmem>>, vector<16xf32>,
      tpu.vector_store %arg13[%swap3A_265, %swap3A_266], %broadcast_in_dim3A_250 {strides = array<i32>} : memref<25x128xf32, #tpu.memory_space<vmem>>, vector<16xf32>,
      %swap3A_268 = arith.index_cast %scan3A_249 : i32 to index
      %swap3A_269 = arith.constant 96 : index
      %swap3A_270 = tpu.vector_load %arg13[%swap3A_268, %swap3A_269] {strides = array<i32>} : memref<25x128xf32, #tpu.memory_space<vmem>>, vector<16xf32>,
      tpu.vector_store %arg13[%swap3A_268, %swap3A_269], %broadcast_in_dim3A_250 {strides = array<i32>} : memref<25x128xf32, #tpu.memory_space<vmem>>, vector<16xf32>,
      %swap3A_271 = arith.index_cast %scan3A_249 : i32 to index
      %swap3A_272 = arith.constant 112 : index
      %swap3A_273 = tpu.vector_load %arg13[%swap3A_271, %swap3A_272] {strides = array<i32>} : memref<25x128xf32, #tpu.memory_space<vmem>>, vector<16xf32>,
      tpu.vector_store %arg13[%swap3A_271, %swap3A_272], %broadcast_in_dim3A_250 {strides = array<i32>} : memref<25x128xf32, #tpu.memory_space<vmem>>, vector<16xf32>,
    }
    %scan3A_9 = arith.constant 25 : i32
    %add3A_10 = arith.constant 0 : i32
    %add3A_11 = arith.addi %mul3A_0, %add3A_10 : i32
    "tpu.region"() ({
      %run_scoped3A_249 = tpu.sem_alloc : memref<!tpu.dma_semaphore, #tpu.memory_space<semaphore_mem>>
      %dma_start3A_250 = arith.constant 0 : i32
      %dma_start3A_251 = tpu.memref_slice %arg8[%add3A_11, %dma_start3A_250] : memref<10000x128xf32, #tpu.memory_space<vmem_shared>> -> memref<25x128xf32, #tpu.memory_space<vmem_shared>>
      %dma_start3A_252 = arith.constant 0 : i32
      %dma_start3A_253 = tpu.memref_slice %arg8[%add3A_11, %dma_start3A_252] : memref<10000x128xf32, #tpu.memory_space<vmem_shared>> -> memref<25x128xf32, #tpu.memory_space<vmem_shared>>
      tpu.enqueue_dma source(%arg13 : memref<25x128xf32, #tpu.memory_space<vmem>>) target(%dma_start3A_253 : memref<25x128xf32, #tpu.memory_space<vmem_shared>>) target_semaphore(%run_scoped3A_249 : memref<!tpu.dma_semaphore, #tpu.memory_space<semaphore_mem>>)
      %dma_wait3A_254 = arith.constant 0 : i32
      %dma_wait3A_255 = tpu.memref_slice %arg8[%add3A_11, %dma_wait3A_254] : memref<10000x128xf32, #tpu.memory_space<vmem_shared>> -> memref<25x128xf32, #tpu.memory_space<vmem_shared>>
      %dma_wait3A_256 = arith.constant 0 : i32
      %dma_wait3A_257 = tpu.memref_slice %arg8[%add3A_11, %dma_wait3A_256] : memref<10000x128xf32, #tpu.memory_space<vmem_shared>> -> memref<25x128xf32, #tpu.memory_space<vmem_shared>>
      tpu.wait_dma2 semaphore(%run_scoped3A_249 : memref<!tpu.dma_semaphore, #tpu.memory_space<semaphore_mem>>) src(%arg13 : memref<25x128xf32, #tpu.memory_space<vmem>>) dst(%dma_wait3A_257 : memref<25x128xf32, #tpu.memory_space<vmem_shared>>)
      tpu.yield
    }) : () -> ()
    %add3A_12 = arith.constant 25 : i32
    %add3A_13 = arith.addi %mul3A_0, %add3A_12 : i32
    "tpu.region"() ({
      %run_scoped3A_249 = tpu.sem_alloc : memref<!tpu.dma_semaphore, #tpu.memory_space<semaphore_mem>>
      %dma_start3A_250 = arith.constant 0 : i32
      %dma_start3A_251 = tpu.memref_slice %arg8[%add3A_13, %dma_start3A_250] : memref<10000x128xf32, #tpu.memory_space<vmem_shared>> -> memref<25x128xf32, #tpu.memory_space<vmem_shared>>
      %dma_start3A_252 = arith.constant 0 : i32
      %dma_start3A_253 = tpu.memref_slice %arg8[%add3A_13, %dma_start3A_252] : memref<10000x128xf32, #tpu.memory_space<vmem_shared>> -> memref<25x128xf32, #tpu.memory_space<vmem_shared>>
      tpu.enqueue_dma source(%arg13 : memref<25x128xf32, #tpu.memory_space<vmem>>) target(%dma_start3A_253 : memref<25x128xf32, #tpu.memory_space<vmem_shared>>) target_semaphore(%run_scoped3A_249 : memref<!tpu.dma_semaphore, #tpu.memory_space<semaphore_mem>>)
      %dma_wait3A_254 = arith.constant 0 : i32
      %dma_wait3A_255 = tpu.memref_slice %arg8[%add3A_13, %dma_wait3A_254] : memref<10000x128xf32, #tpu.memory_space<vmem_shared>> -> memref<25x128xf32, #tpu.memory_space<vmem_shared>>
      %dma_wait3A_256 = arith.constant 0 : i32
      %dma_wait3A_257 = tpu.memref_slice %arg8[%add3A_13, %dma_wait3A_256] : memref<10000x128xf32, #tpu.memory_space<vmem_shared>> -> memref<25x128xf32, #tpu.memory_space<vmem_shared>>
      tpu.wait_dma2 semaphore(%run_scoped3A_249 : memref<!tpu.dma_semaphore, #tpu.memory_space<semaphore_mem>>) src(%arg13 : memref<25x128xf32, #tpu.memory_space<vmem>>) dst(%dma_wait3A_257 : memref<25x128xf32, #tpu.memory_space<vmem_shared>>)
      tpu.yield
    }) : () -> ()
    %add3A_14 = arith.constant 50 : i32
    %add3A_15 = arith.addi %mul3A_0, %add3A_14 : i32
    "tpu.region"() ({
      %run_scoped3A_249 = tpu.sem_alloc : memref<!tpu.dma_semaphore, #tpu.memory_space<semaphore_mem>>
      %dma_start3A_250 = arith.constant 0 : i32
      %dma_start3A_251 = tpu.memref_slice %arg8[%add3A_15, %dma_start3A_250] : memref<10000x128xf32, #tpu.memory_space<vmem_shared>> -> memref<25x128xf32, #tpu.memory_space<vmem_shared>>
      %dma_start3A_252 = arith.constant 0 : i32
      %dma_start3A_253 = tpu.memref_slice %arg8[%add3A_15, %dma_start3A_252] : memref<10000x128xf32, #tpu.memory_space<vmem_shared>> -> memref<25x128xf32, #tpu.memory_space<vmem_shared>>
      tpu.enqueue_dma source(%arg13 : memref<25x128xf32, #tpu.memory_space<vmem>>) target(%dma_start3A_253 : memref<25x128xf32, #tpu.memory_space<vmem_shared>>) target_semaphore(%run_scoped3A_249 : memref<!tpu.dma_semaphore, #tpu.memory_space<semaphore_mem>>)
      %dma_wait3A_254 = arith.constant 0 : i32
      %dma_wait3A_255 = tpu.memref_slice %arg8[%add3A_15, %dma_wait3A_254] : memref<10000x128xf32, #tpu.memory_space<vmem_shared>> -> memref<25x128xf32, #tpu.memory_space<vmem_shared>>
      %dma_wait3A_256 = arith.constant 0 : i32
      %dma_wait3A_257 = tpu.memref_slice %arg8[%add3A_15, %dma_wait3A_256] : memref<10000x128xf32, #tpu.memory_space<vmem_shared>> -> memref<25x128xf32, #tpu.memory_space<vmem_shared>>
      tpu.wait_dma2 semaphore(%run_scoped3A_249 : memref<!tpu.dma_semaphore, #tpu.memory_space<semaphore_mem>>) src(%arg13 : memref<25x128xf32, #tpu.memory_space<vmem>>) dst(%dma_wait3A_257 : memref<25x128xf32, #tpu.memory_space<vmem_shared>>)
      tpu.yield
    }) : () -> ()
    %add3A_16 = arith.constant 75 : i32
    %add3A_17 = arith.addi %mul3A_0, %add3A_16 : i32
    "tpu.region"() ({
      %run_scoped3A_249 = tpu.sem_alloc : memref<!tpu.dma_semaphore, #tpu.memory_space<semaphore_mem>>
      %dma_start3A_250 = arith.constant 0 : i32
      %dma_start3A_251 = tpu.memref_slice %arg8[%add3A_17, %dma_start3A_250] : memref<10000x128xf32, #tpu.memory_space<vmem_shared>> -> memref<25x128xf32, #tpu.memory_space<vmem_shared>>
      %dma_start3A_252 = arith.constant 0 : i32
      %dma_start3A_253 = tpu.memref_slice %arg8[%add3A_17, %dma_start3A_252] : memref<10000x128xf32, #tpu.memory_space<vmem_shared>> -> memref<25x128xf32, #tpu.memory_space<vmem_shared>>
      tpu.enqueue_dma source(%arg13 : memref<25x128xf32, #tpu.memory_space<vmem>>) target(%dma_start3A_253 : memref<25x128xf32, #tpu.memory_space<vmem_shared>>) target_semaphore(%run_scoped3A_249 : memref<!tpu.dma_semaphore, #tpu.memory_space<semaphore_mem>>)
      %dma_wait3A_254 = arith.constant 0 : i32
      %dma_wait3A_255 = tpu.memref_slice %arg8[%add3A_17, %dma_wait3A_254] : memref<10000x128xf32, #tpu.memory_space<vmem_shared>> -> memref<25x128xf32, #tpu.memory_space<vmem_shared>>
      %dma_wait3A_256 = arith.constant 0 : i32
      %dma_wait3A_257 = tpu.memref_slice %arg8[%add3A_17, %dma_wait3A_256] : memref<10000x128xf32, #tpu.memory_space<vmem_shared>> -> memref<25x128xf32, #tpu.memory_space<vmem_shared>>
      tpu.wait_dma2 semaphore(%run_scoped3A_249 : memref<!tpu.dma_semaphore, #tpu.memory_space<semaphore_mem>>) src(%arg13 : memref<25x128xf32, #tpu.memory_space<vmem>>) dst(%dma_wait3A_257 : memref<25x128xf32, #tpu.memory_space<vmem_shared>>)
      tpu.yield
    }) : () -> ()
    %add3A_18 = arith.constant 100 : i32
    %add3A_19 = arith.addi %mul3A_0, %add3A_18 : i32
    "tpu.region"() ({
      %run_scoped3A_249 = tpu.sem_alloc : memref<!tpu.dma_semaphore, #tpu.memory_space<semaphore_mem>>
      %dma_start3A_250 = arith.constant 0 : i32
      %dma_start3A_251 = tpu.memref_slice %arg8[%add3A_19, %dma_start3A_250] : memref<10000x128xf32, #tpu.memory_space<vmem_shared>> -> memref<25x128xf32, #tpu.memory_space<vmem_shared>>
      %dma_start3A_252 = arith.constant 0 : i32
      %dma_start3A_253 = tpu.memref_slice %arg8[%add3A_19, %dma_start3A_252] : memref<10000x128xf32, #tpu.memory_space<vmem_shared>> -> memref<25x128xf32, #tpu.memory_space<vmem_shared>>
      tpu.enqueue_dma source(%arg13 : memref<25x128xf32, #tpu.memory_space<vmem>>) target(%dma_start3A_253 : memref<25x128xf32, #tpu.memory_space<vmem_shared>>) target_semaphore(%run_scoped3A_249 : memref<!tpu.dma_semaphore, #tpu.memory_space<semaphore_mem>>)
      %dma_wait3A_254 = arith.constant 0 : i32
      %dma_wait3A_255 = tpu.memref_slice %arg8[%add3A_19, %dma_wait3A_254] : memref<10000x128xf32, #tpu.memory_space<vmem_shared>> -> memref<25x128xf32, #tpu.memory_space<vmem_shared>>
      %dma_wait3A_256 = arith.constant 0 : i32
      %dma_wait3A_257 = tpu.memref_slice %arg8[%add3A_19, %dma_wait3A_256] : memref<10000x128xf32, #tpu.memory_space<vmem_shared>> -> memref<25x128xf32, #tpu.memory_space<vmem_shared>>
      tpu.wait_dma2 semaphore(%run_scoped3A_249 : memref<!tpu.dma_semaphore, #tpu.memory_space<semaphore_mem>>) src(%arg13 : memref<25x128xf32, #tpu.memory_space<vmem>>) dst(%dma_wait3A_257 : memref<25x128xf32, #tpu.memory_space<vmem_shared>>)
      tpu.yield
    }) : () -> ()
    %add3A_20 = arith.constant 125 : i32
    %add3A_21 = arith.addi %mul3A_0, %add3A_20 : i32
    "tpu.region"() ({
      %run_scoped3A_249 = tpu.sem_alloc : memref<!tpu.dma_semaphore, #tpu.memory_space<semaphore_mem>>
      %dma_start3A_250 = arith.constant 0 : i32
      %dma_start3A_251 = tpu.memref_slice %arg8[%add3A_21, %dma_start3A_250] : memref<10000x128xf32, #tpu.memory_space<vmem_shared>> -> memref<25x128xf32, #tpu.memory_space<vmem_shared>>
      %dma_start3A_252 = arith.constant 0 : i32
      %dma_start3A_253 = tpu.memref_slice %arg8[%add3A_21, %dma_start3A_252] : memref<10000x128xf32, #tpu.memory_space<vmem_shared>> -> memref<25x128xf32, #tpu.memory_space<vmem_shared>>
      tpu.enqueue_dma source(%arg13 : memref<25x128xf32, #tpu.memory_space<vmem>>) target(%dma_start3A_253 : memref<25x128xf32, #tpu.memory_space<vmem_shared>>) target_semaphore(%run_scoped3A_249 : memref<!tpu.dma_semaphore, #tpu.memory_space<semaphore_mem>>)
      %dma_wait3A_254 = arith.constant 0 : i32
      %dma_wait3A_255 = tpu.memref_slice %arg8[%add3A_21, %dma_wait3A_254] : memref<10000x128xf32, #tpu.memory_space<vmem_shared>> -> memref<25x128xf32, #tpu.memory_space<vmem_shared>>
      %dma_wait3A_256 = arith.constant 0 : i32
      %dma_wait3A_257 = tpu.memref_slice %arg8[%add3A_21, %dma_wait3A_256] : memref<10000x128xf32, #tpu.memory_space<vmem_shared>> -> memref<25x128xf32, #tpu.memory_space<vmem_shared>>
      tpu.wait_dma2 semaphore(%run_scoped3A_249 : memref<!tpu.dma_semaphore, #tpu.memory_space<semaphore_mem>>) src(%arg13 : memref<25x128xf32, #tpu.memory_space<vmem>>) dst(%dma_wait3A_257 : memref<25x128xf32, #tpu.memory_space<vmem_shared>>)
      tpu.yield
    }) : () -> ()
    %add3A_22 = arith.constant 150 : i32
    %add3A_23 = arith.addi %mul3A_0, %add3A_22 : i32
    "tpu.region"() ({
      %run_scoped3A_249 = tpu.sem_alloc : memref<!tpu.dma_semaphore, #tpu.memory_space<semaphore_mem>>
      %dma_start3A_250 = arith.constant 0 : i32
      %dma_start3A_251 = tpu.memref_slice %arg8[%add3A_23, %dma_start3A_250] : memref<10000x128xf32, #tpu.memory_space<vmem_shared>> -> memref<25x128xf32, #tpu.memory_space<vmem_shared>>
      %dma_start3A_252 = arith.constant 0 : i32
      %dma_start3A_253 = tpu.memref_slice %arg8[%add3A_23, %dma_start3A_252] : memref<10000x128xf32, #tpu.memory_space<vmem_shared>> -> memref<25x128xf32, #tpu.memory_space<vmem_shared>>
      tpu.enqueue_dma source(%arg13 : memref<25x128xf32, #tpu.memory_space<vmem>>) target(%dma_start3A_253 : memref<25x128xf32, #tpu.memory_space<vmem_shared>>) target_semaphore(%run_scoped3A_249 : memref<!tpu.dma_semaphore, #tpu.memory_space<semaphore_mem>>)
      %dma_wait3A_254 = arith.constant 0 : i32
      %dma_wait3A_255 = tpu.memref_slice %arg8[%add3A_23, %dma_wait3A_254] : memref<10000x128xf32, #tpu.memory_space<vmem_shared>> -> memref<25x128xf32, #tpu.memory_space<vmem_shared>>
      %dma_wait3A_256 = arith.constant 0 : i32
      %dma_wait3A_257 = tpu.memref_slice %arg8[%add3A_23, %dma_wait3A_256] : memref<10000x128xf32, #tpu.memory_space<vmem_shared>> -> memref<25x128xf32, #tpu.memory_space<vmem_shared>>
      tpu.wait_dma2 semaphore(%run_scoped3A_249 : memref<!tpu.dma_semaphore, #tpu.memory_space<semaphore_mem>>) src(%arg13 : memref<25x128xf32, #tpu.memory_space<vmem>>) dst(%dma_wait3A_257 : memref<25x128xf32, #tpu.memory_space<vmem_shared>>)
      tpu.yield
    }) : () -> ()
    %add3A_24 = arith.constant 175 : i32
    %add3A_25 = arith.addi %mul3A_0, %add3A_24 : i32
    "tpu.region"() ({
      %run_scoped3A_249 = tpu.sem_alloc : memref<!tpu.dma_semaphore, #tpu.memory_space<semaphore_mem>>
      %dma_start3A_250 = arith.constant 0 : i32
      %dma_start3A_251 = tpu.memref_slice %arg8[%add3A_25, %dma_start3A_250] : memref<10000x128xf32, #tpu.memory_space<vmem_shared>> -> memref<25x128xf32, #tpu.memory_space<vmem_shared>>
      %dma_start3A_252 = arith.constant 0 : i32
      %dma_start3A_253 = tpu.memref_slice %arg8[%add3A_25, %dma_start3A_252] : memref<10000x128xf32, #tpu.memory_space<vmem_shared>> -> memref<25x128xf32, #tpu.memory_space<vmem_shared>>
      tpu.enqueue_dma source(%arg13 : memref<25x128xf32, #tpu.memory_space<vmem>>) target(%dma_start3A_253 : memref<25x128xf32, #tpu.memory_space<vmem_shared>>) target_semaphore(%run_scoped3A_249 : memref<!tpu.dma_semaphore, #tpu.memory_space<semaphore_mem>>)
      %dma_wait3A_254 = arith.constant 0 : i32
      %dma_wait3A_255 = tpu.memref_slice %arg8[%add3A_25, %dma_wait3A_254] : memref<10000x128xf32, #tpu.memory_space<vmem_shared>> -> memref<25x128xf32, #tpu.memory_space<vmem_shared>>
      %dma_wait3A_256 = arith.constant 0 : i32
      %dma_wait3A_257 = tpu.memref_slice %arg8[%add3A_25, %dma_wait3A_256] : memref<10000x128xf32, #tpu.memory_space<vmem_shared>> -> memref<25x128xf32, #tpu.memory_space<vmem_shared>>
      tpu.wait_dma2 semaphore(%run_scoped3A_249 : memref<!tpu.dma_semaphore, #tpu.memory_space<semaphore_mem>>) src(%arg13 : memref<25x128xf32, #tpu.memory_space<vmem>>) dst(%dma_wait3A_257 : memref<25x128xf32, #tpu.memory_space<vmem_shared>>)
      tpu.yield
    }) : () -> ()
    %add3A_26 = arith.constant 200 : i32
    %add3A_27 = arith.addi %mul3A_0, %add3A_26 : i32
    "tpu.region"() ({
      %run_scoped3A_249 = tpu.sem_alloc : memref<!tpu.dma_semaphore, #tpu.memory_space<semaphore_mem>>
      %dma_start3A_250 = arith.constant 0 : i32
      %dma_start3A_251 = tpu.memref_slice %arg8[%add3A_27, %dma_start3A_250] : memref<10000x128xf32, #tpu.memory_space<vmem_shared>> -> memref<25x128xf32, #tpu.memory_space<vmem_shared>>
      %dma_start3A_252 = arith.constant 0 : i32
      %dma_start3A_253 = tpu.memref_slice %arg8[%add3A_27, %dma_start3A_252] : memref<10000x128xf32, #tpu.memory_space<vmem_shared>> -> memref<25x128xf32, #tpu.memory_space<vmem_shared>>
      tpu.enqueue_dma source(%arg13 : memref<25x128xf32, #tpu.memory_space<vmem>>) target(%dma_start3A_253 : memref<25x128xf32, #tpu.memory_space<vmem_shared>>) target_semaphore(%run_scoped3A_249 : memref<!tpu.dma_semaphore, #tpu.memory_space<semaphore_mem>>)
      %dma_wait3A_254 = arith.constant 0 : i32
      %dma_wait3A_255 = tpu.memref_slice %arg8[%add3A_27, %dma_wait3A_254] : memref<10000x128xf32, #tpu.memory_space<vmem_shared>> -> memref<25x128xf32, #tpu.memory_space<vmem_shared>>
      %dma_wait3A_256 = arith.constant 0 : i32
      %dma_wait3A_257 = tpu.memref_slice %arg8[%add3A_27, %dma_wait3A_256] : memref<10000x128xf32, #tpu.memory_space<vmem_shared>> -> memref<25x128xf32, #tpu.memory_space<vmem_shared>>
      tpu.wait_dma2 semaphore(%run_scoped3A_249 : memref<!tpu.dma_semaphore, #tpu.memory_space<semaphore_mem>>) src(%arg13 : memref<25x128xf32, #tpu.memory_space<vmem>>) dst(%dma_wait3A_257 : memref<25x128xf32, #tpu.memory_space<vmem_shared>>)
      tpu.yield
    }) : () -> ()
    %add3A_28 = arith.constant 225 : i32
    %add3A_29 = arith.addi %mul3A_0, %add3A_28 : i32
    "tpu.region"() ({
      %run_scoped3A_249 = tpu.sem_alloc : memref<!tpu.dma_semaphore, #tpu.memory_space<semaphore_mem>>
      %dma_start3A_250 = arith.constant 0 : i32
      %dma_start3A_251 = tpu.memref_slice %arg8[%add3A_29, %dma_start3A_250] : memref<10000x128xf32, #tpu.memory_space<vmem_shared>> -> memref<25x128xf32, #tpu.memory_space<vmem_shared>>
      %dma_start3A_252 = arith.constant 0 : i32
      %dma_start3A_253 = tpu.memref_slice %arg8[%add3A_29, %dma_start3A_252] : memref<10000x128xf32, #tpu.memory_space<vmem_shared>> -> memref<25x128xf32, #tpu.memory_space<vmem_shared>>
      tpu.enqueue_dma source(%arg13 : memref<25x128xf32, #tpu.memory_space<vmem>>) target(%dma_start3A_253 : memref<25x128xf32, #tpu.memory_space<vmem_shared>>) target_semaphore(%run_scoped3A_249 : memref<!tpu.dma_semaphore, #tpu.memory_space<semaphore_mem>>)
      %dma_wait3A_254 = arith.constant 0 : i32
      %dma_wait3A_255 = tpu.memref_slice %arg8[%add3A_29, %dma_wait3A_254] : memref<10000x128xf32, #tpu.memory_space<vmem_shared>> -> memref<25x128xf32, #tpu.memory_space<vmem_shared>>
      %dma_wait3A_256 = arith.constant 0 : i32
      %dma_wait3A_257 = tpu.memref_slice %arg8[%add3A_29, %dma_wait3A_256] : memref<10000x128xf32, #tpu.memory_space<vmem_shared>> -> memref<25x128xf32, #tpu.memory_space<vmem_shared>>
      tpu.wait_dma2 semaphore(%run_scoped3A_249 : memref<!tpu.dma_semaphore, #tpu.memory_space<semaphore_mem>>) src(%arg13 : memref<25x128xf32, #tpu.memory_space<vmem>>) dst(%dma_wait3A_257 : memref<25x128xf32, #tpu.memory_space<vmem_shared>>)
      tpu.yield
    }) : () -> ()
    %add3A_30 = arith.constant 250 : i32
    %add3A_31 = arith.addi %mul3A_0, %add3A_30 : i32
    "tpu.region"() ({
      %run_scoped3A_249 = tpu.sem_alloc : memref<!tpu.dma_semaphore, #tpu.memory_space<semaphore_mem>>
      %dma_start3A_250 = arith.constant 0 : i32
      %dma_start3A_251 = tpu.memref_slice %arg8[%add3A_31, %dma_start3A_250] : memref<10000x128xf32, #tpu.memory_space<vmem_shared>> -> memref<25x128xf32, #tpu.memory_space<vmem_shared>>
      %dma_start3A_252 = arith.constant 0 : i32
      %dma_start3A_253 = tpu.memref_slice %arg8[%add3A_31, %dma_start3A_252] : memref<10000x128xf32, #tpu.memory_space<vmem_shared>> -> memref<25x128xf32, #tpu.memory_space<vmem_shared>>
      tpu.enqueue_dma source(%arg13 : memref<25x128xf32, #tpu.memory_space<vmem>>) target(%dma_start3A_253 : memref<25x128xf32, #tpu.memory_space<vmem_shared>>) target_semaphore(%run_scoped3A_249 : memref<!tpu.dma_semaphore, #tpu.memory_space<semaphore_mem>>)
      %dma_wait3A_254 = arith.constant 0 : i32
      %dma_wait3A_255 = tpu.memref_slice %arg8[%add3A_31, %dma_wait3A_254] : memref<10000x128xf32, #tpu.memory_space<vmem_shared>> -> memref<25x128xf32, #tpu.memory_space<vmem_shared>>
      %dma_wait3A_256 = arith.constant 0 : i32
      %dma_wait3A_257 = tpu.memref_slice %arg8[%add3A_31, %dma_wait3A_256] : memref<10000x128xf32, #tpu.memory_space<vmem_shared>> -> memref<25x128xf32, #tpu.memory_space<vmem_shared>>
      tpu.wait_dma2 semaphore(%run_scoped3A_249 : memref<!tpu.dma_semaphore, #tpu.memory_space<semaphore_mem>>) src(%arg13 : memref<25x128xf32, #tpu.memory_space<vmem>>) dst(%dma_wait3A_257 : memref<25x128xf32, #tpu.memory_space<vmem_shared>>)
      tpu.yield
    }) : () -> ()
    %add3A_32 = arith.constant 275 : i32
    %add3A_33 = arith.addi %mul3A_0, %add3A_32 : i32
    "tpu.region"() ({
      %run_scoped3A_249 = tpu.sem_alloc : memref<!tpu.dma_semaphore, #tpu.memory_space<semaphore_mem>>
      %dma_start3A_250 = arith.constant 0 : i32
      %dma_start3A_251 = tpu.memref_slice %arg8[%add3A_33, %dma_start3A_250] : memref<10000x128xf32, #tpu.memory_space<vmem_shared>> -> memref<25x128xf32, #tpu.memory_space<vmem_shared>>
      %dma_start3A_252 = arith.constant 0 : i32
      %dma_start3A_253 = tpu.memref_slice %arg8[%add3A_33, %dma_start3A_252] : memref<10000x128xf32, #tpu.memory_space<vmem_shared>> -> memref<25x128xf32, #tpu.memory_space<vmem_shared>>
      tpu.enqueue_dma source(%arg13 : memref<25x128xf32, #tpu.memory_space<vmem>>) target(%dma_start3A_253 : memref<25x128xf32, #tpu.memory_space<vmem_shared>>) target_semaphore(%run_scoped3A_249 : memref<!tpu.dma_semaphore, #tpu.memory_space<semaphore_mem>>)
      %dma_wait3A_254 = arith.constant 0 : i32
      %dma_wait3A_255 = tpu.memref_slice %arg8[%add3A_33, %dma_wait3A_254] : memref<10000x128xf32, #tpu.memory_space<vmem_shared>> -> memref<25x128xf32, #tpu.memory_space<vmem_shared>>
      %dma_wait3A_256 = arith.constant 0 : i32
      %dma_wait3A_257 = tpu.memref_slice %arg8[%add3A_33, %dma_wait3A_256] : memref<10000x128xf32, #tpu.memory_space<vmem_shared>> -> memref<25x128xf32, #tpu.memory_space<vmem_shared>>
      tpu.wait_dma2 semaphore(%run_scoped3A_249 : memref<!tpu.dma_semaphore, #tpu.memory_space<semaphore_mem>>) src(%arg13 : memref<25x128xf32, #tpu.memory_space<vmem>>) dst(%dma_wait3A_257 : memref<25x128xf32, #tpu.memory_space<vmem_shared>>)
      tpu.yield
    }) : () -> ()
    %add3A_34 = arith.constant 300 : i32
    %add3A_35 = arith.addi %mul3A_0, %add3A_34 : i32
    "tpu.region"() ({
      %run_scoped3A_249 = tpu.sem_alloc : memref<!tpu.dma_semaphore, #tpu.memory_space<semaphore_mem>>
      %dma_start3A_250 = arith.constant 0 : i32
      %dma_start3A_251 = tpu.memref_slice %arg8[%add3A_35, %dma_start3A_250] : memref<10000x128xf32, #tpu.memory_space<vmem_shared>> -> memref<25x128xf32, #tpu.memory_space<vmem_shared>>
      %dma_start3A_252 = arith.constant 0 : i32
      %dma_start3A_253 = tpu.memref_slice %arg8[%add3A_35, %dma_start3A_252] : memref<10000x128xf32, #tpu.memory_space<vmem_shared>> -> memref<25x128xf32, #tpu.memory_space<vmem_shared>>
      tpu.enqueue_dma source(%arg13 : memref<25x128xf32, #tpu.memory_space<vmem>>) target(%dma_start3A_253 : memref<25x128xf32, #tpu.memory_space<vmem_shared>>) target_semaphore(%run_scoped3A_249 : memref<!tpu.dma_semaphore, #tpu.memory_space<semaphore_mem>>)
      %dma_wait3A_254 = arith.constant 0 : i32
      %dma_wait3A_255 = tpu.memref_slice %arg8[%add3A_35, %dma_wait3A_254] : memref<10000x128xf32, #tpu.memory_space<vmem_shared>> -> memref<25x128xf32, #tpu.memory_space<vmem_shared>>
      %dma_wait3A_256 = arith.constant 0 : i32
      %dma_wait3A_257 = tpu.memref_slice %arg8[%add3A_35, %dma_wait3A_256] : memref<10000x128xf32, #tpu.memory_space<vmem_shared>> -> memref<25x128xf32, #tpu.memory_space<vmem_shared>>
      tpu.wait_dma2 semaphore(%run_scoped3A_249 : memref<!tpu.dma_semaphore, #tpu.memory_space<semaphore_mem>>) src(%arg13 : memref<25x128xf32, #tpu.memory_space<vmem>>) dst(%dma_wait3A_257 : memref<25x128xf32, #tpu.memory_space<vmem_shared>>)
      tpu.yield
    }) : () -> ()
    %add3A_36 = arith.constant 325 : i32
    %add3A_37 = arith.addi %mul3A_0, %add3A_36 : i32
    "tpu.region"() ({
      %run_scoped3A_249 = tpu.sem_alloc : memref<!tpu.dma_semaphore, #tpu.memory_space<semaphore_mem>>
      %dma_start3A_250 = arith.constant 0 : i32
      %dma_start3A_251 = tpu.memref_slice %arg8[%add3A_37, %dma_start3A_250] : memref<10000x128xf32, #tpu.memory_space<vmem_shared>> -> memref<25x128xf32, #tpu.memory_space<vmem_shared>>
      %dma_start3A_252 = arith.constant 0 : i32
      %dma_start3A_253 = tpu.memref_slice %arg8[%add3A_37, %dma_start3A_252] : memref<10000x128xf32, #tpu.memory_space<vmem_shared>> -> memref<25x128xf32, #tpu.memory_space<vmem_shared>>
      tpu.enqueue_dma source(%arg13 : memref<25x128xf32, #tpu.memory_space<vmem>>) target(%dma_start3A_253 : memref<25x128xf32, #tpu.memory_space<vmem_shared>>) target_semaphore(%run_scoped3A_249 : memref<!tpu.dma_semaphore, #tpu.memory_space<semaphore_mem>>)
      %dma_wait3A_254 = arith.constant 0 : i32
      %dma_wait3A_255 = tpu.memref_slice %arg8[%add3A_37, %dma_wait3A_254] : memref<10000x128xf32, #tpu.memory_space<vmem_shared>> -> memref<25x128xf32, #tpu.memory_space<vmem_shared>>
      %dma_wait3A_256 = arith.constant 0 : i32
      %dma_wait3A_257 = tpu.memref_slice %arg8[%add3A_37, %dma_wait3A_256] : memref<10000x128xf32, #tpu.memory_space<vmem_shared>> -> memref<25x128xf32, #tpu.memory_space<vmem_shared>>
      tpu.wait_dma2 semaphore(%run_scoped3A_249 : memref<!tpu.dma_semaphore, #tpu.memory_space<semaphore_mem>>) src(%arg13 : memref<25x128xf32, #tpu.memory_space<vmem>>) dst(%dma_wait3A_257 : memref<25x128xf32, #tpu.memory_space<vmem_shared>>)
      tpu.yield
    }) : () -> ()
    %add3A_38 = arith.constant 350 : i32
    %add3A_39 = arith.addi %mul3A_0, %add3A_38 : i32
    "tpu.region"() ({
      %run_scoped3A_249 = tpu.sem_alloc : memref<!tpu.dma_semaphore, #tpu.memory_space<semaphore_mem>>
      %dma_start3A_250 = arith.constant 0 : i32
      %dma_start3A_251 = tpu.memref_slice %arg8[%add3A_39, %dma_start3A_250] : memref<10000x128xf32, #tpu.memory_space<vmem_shared>> -> memref<25x128xf32, #tpu.memory_space<vmem_shared>>
      %dma_start3A_252 = arith.constant 0 : i32
      %dma_start3A_253 = tpu.memref_slice %arg8[%add3A_39, %dma_start3A_252] : memref<10000x128xf32, #tpu.memory_space<vmem_shared>> -> memref<25x128xf32, #tpu.memory_space<vmem_shared>>
      tpu.enqueue_dma source(%arg13 : memref<25x128xf32, #tpu.memory_space<vmem>>) target(%dma_start3A_253 : memref<25x128xf32, #tpu.memory_space<vmem_shared>>) target_semaphore(%run_scoped3A_249 : memref<!tpu.dma_semaphore, #tpu.memory_space<semaphore_mem>>)
      %dma_wait3A_254 = arith.constant 0 : i32
      %dma_wait3A_255 = tpu.memref_slice %arg8[%add3A_39, %dma_wait3A_254] : memref<10000x128xf32, #tpu.memory_space<vmem_shared>> -> memref<25x128xf32, #tpu.memory_space<vmem_shared>>
      %dma_wait3A_256 = arith.constant 0 : i32
      %dma_wait3A_257 = tpu.memref_slice %arg8[%add3A_39, %dma_wait3A_256] : memref<10000x128xf32, #tpu.memory_space<vmem_shared>> -> memref<25x128xf32, #tpu.memory_space<vmem_shared>>
      tpu.wait_dma2 semaphore(%run_scoped3A_249 : memref<!tpu.dma_semaphore, #tpu.memory_space<semaphore_mem>>) src(%arg13 : memref<25x128xf32, #tpu.memory_space<vmem>>) dst(%dma_wait3A_257 : memref<25x128xf32, #tpu.memory_space<vmem_shared>>)
      tpu.yield
    }) : () -> ()
    %add3A_40 = arith.constant 375 : i32
    %add3A_41 = arith.addi %mul3A_0, %add3A_40 : i32
    "tpu.region"() ({
      %run_scoped3A_249 = tpu.sem_alloc : memref<!tpu.dma_semaphore, #tpu.memory_space<semaphore_mem>>
      %dma_start3A_250 = arith.constant 0 : i32
      %dma_start3A_251 = tpu.memref_slice %arg8[%add3A_41, %dma_start3A_250] : memref<10000x128xf32, #tpu.memory_space<vmem_shared>> -> memref<25x128xf32, #tpu.memory_space<vmem_shared>>
      %dma_start3A_252 = arith.constant 0 : i32
      %dma_start3A_253 = tpu.memref_slice %arg8[%add3A_41, %dma_start3A_252] : memref<10000x128xf32, #tpu.memory_space<vmem_shared>> -> memref<25x128xf32, #tpu.memory_space<vmem_shared>>
      tpu.enqueue_dma source(%arg13 : memref<25x128xf32, #tpu.memory_space<vmem>>) target(%dma_start3A_253 : memref<25x128xf32, #tpu.memory_space<vmem_shared>>) target_semaphore(%run_scoped3A_249 : memref<!tpu.dma_semaphore, #tpu.memory_space<semaphore_mem>>)
      %dma_wait3A_254 = arith.constant 0 : i32
      %dma_wait3A_255 = tpu.memref_slice %arg8[%add3A_41, %dma_wait3A_254] : memref<10000x128xf32, #tpu.memory_space<vmem_shared>> -> memref<25x128xf32, #tpu.memory_space<vmem_shared>>
      %dma_wait3A_256 = arith.constant 0 : i32
      %dma_wait3A_257 = tpu.memref_slice %arg8[%add3A_41, %dma_wait3A_256] : memref<10000x128xf32, #tpu.memory_space<vmem_shared>> -> memref<25x128xf32, #tpu.memory_space<vmem_shared>>
      tpu.wait_dma2 semaphore(%run_scoped3A_249 : memref<!tpu.dma_semaphore, #tpu.memory_space<semaphore_mem>>) src(%arg13 : memref<25x128xf32, #tpu.memory_space<vmem>>) dst(%dma_wait3A_257 : memref<25x128xf32, #tpu.memory_space<vmem_shared>>)
      tpu.yield
    }) : () -> ()
    %add3A_42 = arith.constant 400 : i32
    %add3A_43 = arith.addi %mul3A_0, %add3A_42 : i32
    "tpu.region"() ({
      %run_scoped3A_249 = tpu.sem_alloc : memref<!tpu.dma_semaphore, #tpu.memory_space<semaphore_mem>>
      %dma_start3A_250 = arith.constant 0 : i32
      %dma_start3A_251 = tpu.memref_slice %arg8[%add3A_43, %dma_start3A_250] : memref<10000x128xf32, #tpu.memory_space<vmem_shared>> -> memref<25x128xf32, #tpu.memory_space<vmem_shared>>
      %dma_start3A_252 = arith.constant 0 : i32
      %dma_start3A_253 = tpu.memref_slice %arg8[%add3A_43, %dma_start3A_252] : memref<10000x128xf32, #tpu.memory_space<vmem_shared>> -> memref<25x128xf32, #tpu.memory_space<vmem_shared>>
      tpu.enqueue_dma source(%arg13 : memref<25x128xf32, #tpu.memory_space<vmem>>) target(%dma_start3A_253 : memref<25x128xf32, #tpu.memory_space<vmem_shared>>) target_semaphore(%run_scoped3A_249 : memref<!tpu.dma_semaphore, #tpu.memory_space<semaphore_mem>>)
      %dma_wait3A_254 = arith.constant 0 : i32
      %dma_wait3A_255 = tpu.memref_slice %arg8[%add3A_43, %dma_wait3A_254] : memref<10000x128xf32, #tpu.memory_space<vmem_shared>> -> memref<25x128xf32, #tpu.memory_space<vmem_shared>>
      %dma_wait3A_256 = arith.constant 0 : i32
      %dma_wait3A_257 = tpu.memref_slice %arg8[%add3A_43, %dma_wait3A_256] : memref<10000x128xf32, #tpu.memory_space<vmem_shared>> -> memref<25x128xf32, #tpu.memory_space<vmem_shared>>
      tpu.wait_dma2 semaphore(%run_scoped3A_249 : memref<!tpu.dma_semaphore, #tpu.memory_space<semaphore_mem>>) src(%arg13 : memref<25x128xf32, #tpu.memory_space<vmem>>) dst(%dma_wait3A_257 : memref<25x128xf32, #tpu.memory_space<vmem_shared>>)
      tpu.yield
    }) : () -> ()
    %add3A_44 = arith.constant 425 : i32
    %add3A_45 = arith.addi %mul3A_0, %add3A_44 : i32
    "tpu.region"() ({
      %run_scoped3A_249 = tpu.sem_alloc : memref<!tpu.dma_semaphore, #tpu.memory_space<semaphore_mem>>
      %dma_start3A_250 = arith.constant 0 : i32
      %dma_start3A_251 = tpu.memref_slice %arg8[%add3A_45, %dma_start3A_250] : memref<10000x128xf32, #tpu.memory_space<vmem_shared>> -> memref<25x128xf32, #tpu.memory_space<vmem_shared>>
      %dma_start3A_252 = arith.constant 0 : i32
      %dma_start3A_253 = tpu.memref_slice %arg8[%add3A_45, %dma_start3A_252] : memref<10000x128xf32, #tpu.memory_space<vmem_shared>> -> memref<25x128xf32, #tpu.memory_space<vmem_shared>>
      tpu.enqueue_dma source(%arg13 : memref<25x128xf32, #tpu.memory_space<vmem>>) target(%dma_start3A_253 : memref<25x128xf32, #tpu.memory_space<vmem_shared>>) target_semaphore(%run_scoped3A_249 : memref<!tpu.dma_semaphore, #tpu.memory_space<semaphore_mem>>)
      %dma_wait3A_254 = arith.constant 0 : i32
      %dma_wait3A_255 = tpu.memref_slice %arg8[%add3A_45, %dma_wait3A_254] : memref<10000x128xf32, #tpu.memory_space<vmem_shared>> -> memref<25x128xf32, #tpu.memory_space<vmem_shared>>
      %dma_wait3A_256 = arith.constant 0 : i32
      %dma_wait3A_257 = tpu.memref_slice %arg8[%add3A_45, %dma_wait3A_256] : memref<10000x128xf32, #tpu.memory_space<vmem_shared>> -> memref<25x128xf32, #tpu.memory_space<vmem_shared>>
      tpu.wait_dma2 semaphore(%run_scoped3A_249 : memref<!tpu.dma_semaphore, #tpu.memory_space<semaphore_mem>>) src(%arg13 : memref<25x128xf32, #tpu.memory_space<vmem>>) dst(%dma_wait3A_257 : memref<25x128xf32, #tpu.memory_space<vmem_shared>>)
      tpu.yield
    }) : () -> ()
    %add3A_46 = arith.constant 450 : i32
    %add3A_47 = arith.addi %mul3A_0, %add3A_46 : i32
    "tpu.region"() ({
      %run_scoped3A_249 = tpu.sem_alloc : memref<!tpu.dma_semaphore, #tpu.memory_space<semaphore_mem>>
      %dma_start3A_250 = arith.constant 0 : i32
      %dma_start3A_251 = tpu.memref_slice %arg8[%add3A_47, %dma_start3A_250] : memref<10000x128xf32, #tpu.memory_space<vmem_shared>> -> memref<25x128xf32, #tpu.memory_space<vmem_shared>>
      %dma_start3A_252 = arith.constant 0 : i32
      %dma_start3A_253 = tpu.memref_slice %arg8[%add3A_47, %dma_start3A_252] : memref<10000x128xf32, #tpu.memory_space<vmem_shared>> -> memref<25x128xf32, #tpu.memory_space<vmem_shared>>
      tpu.enqueue_dma source(%arg13 : memref<25x128xf32, #tpu.memory_space<vmem>>) target(%dma_start3A_253 : memref<25x128xf32, #tpu.memory_space<vmem_shared>>) target_semaphore(%run_scoped3A_249 : memref<!tpu.dma_semaphore, #tpu.memory_space<semaphore_mem>>)
      %dma_wait3A_254 = arith.constant 0 : i32
      %dma_wait3A_255 = tpu.memref_slice %arg8[%add3A_47, %dma_wait3A_254] : memref<10000x128xf32, #tpu.memory_space<vmem_shared>> -> memref<25x128xf32, #tpu.memory_space<vmem_shared>>
      %dma_wait3A_256 = arith.constant 0 : i32
      %dma_wait3A_257 = tpu.memref_slice %arg8[%add3A_47, %dma_wait3A_256] : memref<10000x128xf32, #tpu.memory_space<vmem_shared>> -> memref<25x128xf32, #tpu.memory_space<vmem_shared>>
      tpu.wait_dma2 semaphore(%run_scoped3A_249 : memref<!tpu.dma_semaphore, #tpu.memory_space<semaphore_mem>>) src(%arg13 : memref<25x128xf32, #tpu.memory_space<vmem>>) dst(%dma_wait3A_257 : memref<25x128xf32, #tpu.memory_space<vmem_shared>>)
      tpu.yield
    }) : () -> ()
    %add3A_48 = arith.constant 475 : i32
    %add3A_49 = arith.addi %mul3A_0, %add3A_48 : i32
    "tpu.region"() ({
      %run_scoped3A_249 = tpu.sem_alloc : memref<!tpu.dma_semaphore, #tpu.memory_space<semaphore_mem>>
      %dma_start3A_250 = arith.constant 0 : i32
      %dma_start3A_251 = tpu.memref_slice %arg8[%add3A_49, %dma_start3A_250] : memref<10000x128xf32, #tpu.memory_space<vmem_shared>> -> memref<25x128xf32, #tpu.memory_space<vmem_shared>>
      %dma_start3A_252 = arith.constant 0 : i32
      %dma_start3A_253 = tpu.memref_slice %arg8[%add3A_49, %dma_start3A_252] : memref<10000x128xf32, #tpu.memory_space<vmem_shared>> -> memref<25x128xf32, #tpu.memory_space<vmem_shared>>
      tpu.enqueue_dma source(%arg13 : memref<25x128xf32, #tpu.memory_space<vmem>>) target(%dma_start3A_253 : memref<25x128xf32, #tpu.memory_space<vmem_shared>>) target_semaphore(%run_scoped3A_249 : memref<!tpu.dma_semaphore, #tpu.memory_space<semaphore_mem>>)
      %dma_wait3A_254 = arith.constant 0 : i32
      %dma_wait3A_255 = tpu.memref_slice %arg8[%add3A_49, %dma_wait3A_254] : memref<10000x128xf32, #tpu.memory_space<vmem_shared>> -> memref<25x128xf32, #tpu.memory_space<vmem_shared>>
      %dma_wait3A_256 = arith.constant 0 : i32
      %dma_wait3A_257 = tpu.memref_slice %arg8[%add3A_49, %dma_wait3A_256] : memref<10000x128xf32, #tpu.memory_space<vmem_shared>> -> memref<25x128xf32, #tpu.memory_space<vmem_shared>>
      tpu.wait_dma2 semaphore(%run_scoped3A_249 : memref<!tpu.dma_semaphore, #tpu.memory_space<semaphore_mem>>) src(%arg13 : memref<25x128xf32, #tpu.memory_space<vmem>>) dst(%dma_wait3A_257 : memref<25x128xf32, #tpu.memory_space<vmem_shared>>)
      tpu.yield
    }) : () -> ()
    %add3A_50 = arith.constant 500 : i32
    %add3A_51 = arith.addi %mul3A_0, %add3A_50 : i32
    "tpu.region"() ({
      %run_scoped3A_249 = tpu.sem_alloc : memref<!tpu.dma_semaphore, #tpu.memory_space<semaphore_mem>>
      %dma_start3A_250 = arith.constant 0 : i32
      %dma_start3A_251 = tpu.memref_slice %arg8[%add3A_51, %dma_start3A_250] : memref<10000x128xf32, #tpu.memory_space<vmem_shared>> -> memref<25x128xf32, #tpu.memory_space<vmem_shared>>
      %dma_start3A_252 = arith.constant 0 : i32
      %dma_start3A_253 = tpu.memref_slice %arg8[%add3A_51, %dma_start3A_252] : memref<10000x128xf32, #tpu.memory_space<vmem_shared>> -> memref<25x128xf32, #tpu.memory_space<vmem_shared>>
      tpu.enqueue_dma source(%arg13 : memref<25x128xf32, #tpu.memory_space<vmem>>) target(%dma_start3A_253 : memref<25x128xf32, #tpu.memory_space<vmem_shared>>) target_semaphore(%run_scoped3A_249 : memref<!tpu.dma_semaphore, #tpu.memory_space<semaphore_mem>>)
      %dma_wait3A_254 = arith.constant 0 : i32
      %dma_wait3A_255 = tpu.memref_slice %arg8[%add3A_51, %dma_wait3A_254] : memref<10000x128xf32, #tpu.memory_space<vmem_shared>> -> memref<25x128xf32, #tpu.memory_space<vmem_shared>>
      %dma_wait3A_256 = arith.constant 0 : i32
      %dma_wait3A_257 = tpu.memref_slice %arg8[%add3A_51, %dma_wait3A_256] : memref<10000x128xf32, #tpu.memory_space<vmem_shared>> -> memref<25x128xf32, #tpu.memory_space<vmem_shared>>
      tpu.wait_dma2 semaphore(%run_scoped3A_249 : memref<!tpu.dma_semaphore, #tpu.memory_space<semaphore_mem>>) src(%arg13 : memref<25x128xf32, #tpu.memory_space<vmem>>) dst(%dma_wait3A_257 : memref<25x128xf32, #tpu.memory_space<vmem_shared>>)
      tpu.yield
    }) : () -> ()
    %add3A_52 = arith.constant 525 : i32
    %add3A_53 = arith.addi %mul3A_0, %add3A_52 : i32
    "tpu.region"() ({
      %run_scoped3A_249 = tpu.sem_alloc : memref<!tpu.dma_semaphore, #tpu.memory_space<semaphore_mem>>
      %dma_start3A_250 = arith.constant 0 : i32
      %dma_start3A_251 = tpu.memref_slice %arg8[%add3A_53, %dma_start3A_250] : memref<10000x128xf32, #tpu.memory_space<vmem_shared>> -> memref<25x128xf32, #tpu.memory_space<vmem_shared>>
      %dma_start3A_252 = arith.constant 0 : i32
      %dma_start3A_253 = tpu.memref_slice %arg8[%add3A_53, %dma_start3A_252] : memref<10000x128xf32, #tpu.memory_space<vmem_shared>> -> memref<25x128xf32, #tpu.memory_space<vmem_shared>>
      tpu.enqueue_dma source(%arg13 : memref<25x128xf32, #tpu.memory_space<vmem>>) target(%dma_start3A_253 : memref<25x128xf32, #tpu.memory_space<vmem_shared>>) target_semaphore(%run_scoped3A_249 : memref<!tpu.dma_semaphore, #tpu.memory_space<semaphore_mem>>)
      %dma_wait3A_254 = arith.constant 0 : i32
      %dma_wait3A_255 = tpu.memref_slice %arg8[%add3A_53, %dma_wait3A_254] : memref<10000x128xf32, #tpu.memory_space<vmem_shared>> -> memref<25x128xf32, #tpu.memory_space<vmem_shared>>
      %dma_wait3A_256 = arith.constant 0 : i32
      %dma_wait3A_257 = tpu.memref_slice %arg8[%add3A_53, %dma_wait3A_256] : memref<10000x128xf32, #tpu.memory_space<vmem_shared>> -> memref<25x128xf32, #tpu.memory_space<vmem_shared>>
      tpu.wait_dma2 semaphore(%run_scoped3A_249 : memref<!tpu.dma_semaphore, #tpu.memory_space<semaphore_mem>>) src(%arg13 : memref<25x128xf32, #tpu.memory_space<vmem>>) dst(%dma_wait3A_257 : memref<25x128xf32, #tpu.memory_space<vmem_shared>>)
      tpu.yield
    }) : () -> ()
    %add3A_54 = arith.constant 550 : i32
    %add3A_55 = arith.addi %mul3A_0, %add3A_54 : i32
    "tpu.region"() ({
      %run_scoped3A_249 = tpu.sem_alloc : memref<!tpu.dma_semaphore, #tpu.memory_space<semaphore_mem>>
      %dma_start3A_250 = arith.constant 0 : i32
      %dma_start3A_251 = tpu.memref_slice %arg8[%add3A_55, %dma_start3A_250] : memref<10000x128xf32, #tpu.memory_space<vmem_shared>> -> memref<25x128xf32, #tpu.memory_space<vmem_shared>>
      %dma_start3A_252 = arith.constant 0 : i32
      %dma_start3A_253 = tpu.memref_slice %arg8[%add3A_55, %dma_start3A_252] : memref<10000x128xf32, #tpu.memory_space<vmem_shared>> -> memref<25x128xf32, #tpu.memory_space<vmem_shared>>
      tpu.enqueue_dma source(%arg13 : memref<25x128xf32, #tpu.memory_space<vmem>>) target(%dma_start3A_253 : memref<25x128xf32, #tpu.memory_space<vmem_shared>>) target_semaphore(%run_scoped3A_249 : memref<!tpu.dma_semaphore, #tpu.memory_space<semaphore_mem>>)
      %dma_wait3A_254 = arith.constant 0 : i32
      %dma_wait3A_255 = tpu.memref_slice %arg8[%add3A_55, %dma_wait3A_254] : memref<10000x128xf32, #tpu.memory_space<vmem_shared>> -> memref<25x128xf32, #tpu.memory_space<vmem_shared>>
      %dma_wait3A_256 = arith.constant 0 : i32
      %dma_wait3A_257 = tpu.memref_slice %arg8[%add3A_55, %dma_wait3A_256] : memref<10000x128xf32, #tpu.memory_space<vmem_shared>> -> memref<25x128xf32, #tpu.memory_space<vmem_shared>>
      tpu.wait_dma2 semaphore(%run_scoped3A_249 : memref<!tpu.dma_semaphore, #tpu.memory_space<semaphore_mem>>) src(%arg13 : memref<25x128xf32, #tpu.memory_space<vmem>>) dst(%dma_wait3A_257 : memref<25x128xf32, #tpu.memory_space<vmem_shared>>)
      tpu.yield
    }) : () -> ()
    %add3A_56 = arith.constant 575 : i32
    %add3A_57 = arith.addi %mul3A_0, %add3A_56 : i32
    "tpu.region"() ({
      %run_scoped3A_249 = tpu.sem_alloc : memref<!tpu.dma_semaphore, #tpu.memory_space<semaphore_mem>>
      %dma_start3A_250 = arith.constant 0 : i32
      %dma_start3A_251 = tpu.memref_slice %arg8[%add3A_57, %dma_start3A_250] : memref<10000x128xf32, #tpu.memory_space<vmem_shared>> -> memref<25x128xf32, #tpu.memory_space<vmem_shared>>
      %dma_start3A_252 = arith.constant 0 : i32
      %dma_start3A_253 = tpu.memref_slice %arg8[%add3A_57, %dma_start3A_252] : memref<10000x128xf32, #tpu.memory_space<vmem_shared>> -> memref<25x128xf32, #tpu.memory_space<vmem_shared>>
      tpu.enqueue_dma source(%arg13 : memref<25x128xf32, #tpu.memory_space<vmem>>) target(%dma_start3A_253 : memref<25x128xf32, #tpu.memory_space<vmem_shared>>) target_semaphore(%run_scoped3A_249 : memref<!tpu.dma_semaphore, #tpu.memory_space<semaphore_mem>>)
      %dma_wait3A_254 = arith.constant 0 : i32
      %dma_wait3A_255 = tpu.memref_slice %arg8[%add3A_57, %dma_wait3A_254] : memref<10000x128xf32, #tpu.memory_space<vmem_shared>> -> memref<25x128xf32, #tpu.memory_space<vmem_shared>>
      %dma_wait3A_256 = arith.constant 0 : i32
      %dma_wait3A_257 = tpu.memref_slice %arg8[%add3A_57, %dma_wait3A_256] : memref<10000x128xf32, #tpu.memory_space<vmem_shared>> -> memref<25x128xf32, #tpu.memory_space<vmem_shared>>
      tpu.wait_dma2 semaphore(%run_scoped3A_249 : memref<!tpu.dma_semaphore, #tpu.memory_space<semaphore_mem>>) src(%arg13 : memref<25x128xf32, #tpu.memory_space<vmem>>) dst(%dma_wait3A_257 : memref<25x128xf32, #tpu.memory_space<vmem_shared>>)
      tpu.yield
    }) : () -> ()
    %add3A_58 = arith.constant 600 : i32
    %add3A_59 = arith.addi %mul3A_0, %add3A_58 : i32
    "tpu.region"() ({
      %run_scoped3A_249 = tpu.sem_alloc : memref<!tpu.dma_semaphore, #tpu.memory_space<semaphore_mem>>
      %dma_start3A_250 = arith.constant 0 : i32
      %dma_start3A_251 = tpu.memref_slice %arg8[%add3A_59, %dma_start3A_250] : memref<10000x128xf32, #tpu.memory_space<vmem_shared>> -> memref<25x128xf32, #tpu.memory_space<vmem_shared>>
      %dma_start3A_252 = arith.constant 0 : i32
      %dma_start3A_253 = tpu.memref_slice %arg8[%add3A_59, %dma_start3A_252] : memref<10000x128xf32, #tpu.memory_space<vmem_shared>> -> memref<25x128xf32, #tpu.memory_space<vmem_shared>>
      tpu.enqueue_dma source(%arg13 : memref<25x128xf32, #tpu.memory_space<vmem>>) target(%dma_start3A_253 : memref<25x128xf32, #tpu.memory_space<vmem_shared>>) target_semaphore(%run_scoped3A_249 : memref<!tpu.dma_semaphore, #tpu.memory_space<semaphore_mem>>)
      %dma_wait3A_254 = arith.constant 0 : i32
      %dma_wait3A_255 = tpu.memref_slice %arg8[%add3A_59, %dma_wait3A_254] : memref<10000x128xf32, #tpu.memory_space<vmem_shared>> -> memref<25x128xf32, #tpu.memory_space<vmem_shared>>
      %dma_wait3A_256 = arith.constant 0 : i32
      %dma_wait3A_257 = tpu.memref_slice %arg8[%add3A_59, %dma_wait3A_256] : memref<10000x128xf32, #tpu.memory_space<vmem_shared>> -> memref<25x128xf32, #tpu.memory_space<vmem_shared>>
      tpu.wait_dma2 semaphore(%run_scoped3A_249 : memref<!tpu.dma_semaphore, #tpu.memory_space<semaphore_mem>>) src(%arg13 : memref<25x128xf32, #tpu.memory_space<vmem>>) dst(%dma_wait3A_257 : memref<25x128xf32, #tpu.memory_space<vmem_shared>>)
      tpu.yield
    }) : () -> ()
    %barrier3A = arith.constant 0 : index
    tpu.barrier barrier_id(%barrier3A)
    %add3A_60 = arith.constant 0 : i32
    %add3A_61 = arith.addi %add3A, %add3A_60 : i32
    %dma_start3A = arith.constant 0 : i32
    %dma_start3A_62 = arith.constant 0 : i32
    %dma_start3A_63 = arith.constant 0 : i32
    %dma_start3A_64 = tpu.memref_slice %arg9[%dma_start3A, %dma_start3A_63] : memref<2x80xi32, #tpu.memory_space<vmem>> -> memref<1x80xi32, #tpu.memory_space<vmem>>
    %dma_start3A_65 = tpu.memref_squeeze %dma_start3A_64 : memref<1x80xi32, #tpu.memory_space<vmem>> -> memref<80xi32, #tpu.memory_space<vmem>>
    %dma_start3A_66 = tpu.memref_slice %arg4[%add3A_61] : memref<320160xi32, #tpu.memory_space<hbm>> -> memref<80xi32, #tpu.memory_space<hbm>>
    %dma_start3A_67 = tpu.memref_slice %arg14[%dma_start3A_62] : memref<2x!tpu.dma_semaphore, #tpu.memory_space<semaphore_mem>> -> memref<1x!tpu.dma_semaphore, #tpu.memory_space<semaphore_mem>>
    %dma_start3A_68 = tpu.memref_squeeze %dma_start3A_67 : memref<1x!tpu.dma_semaphore, #tpu.memory_space<semaphore_mem>> -> memref<!tpu.dma_semaphore, #tpu.memory_space<semaphore_mem>>
    %dma_start3A_69 = arith.constant 0 : i32
    %dma_start3A_70 = tpu.memref_slice %arg9[%dma_start3A, %dma_start3A_69] : memref<2x80xi32, #tpu.memory_space<vmem>> -> memref<1x80xi32, #tpu.memory_space<vmem>>
    %dma_start3A_71 = tpu.memref_squeeze %dma_start3A_70 : memref<1x80xi32, #tpu.memory_space<vmem>> -> memref<80xi32, #tpu.memory_space<vmem>>
    %dma_start3A_72 = tpu.memref_slice %arg4[%add3A_61] : memref<320160xi32, #tpu.memory_space<hbm>> -> memref<80xi32, #tpu.memory_space<hbm>>
    tpu.enqueue_dma source(%dma_start3A_72 : memref<80xi32, #tpu.memory_space<hbm>>) target(%dma_start3A_71 : memref<80xi32, #tpu.memory_space<vmem>>) target_semaphore(%dma_start3A_68 : memref<!tpu.dma_semaphore, #tpu.memory_space<semaphore_mem>>)
    %dma_start3A_73 = arith.constant 0 : i32
    %dma_start3A_74 = arith.constant 0 : i32
    %dma_start3A_75 = arith.constant 0 : i32
    %dma_start3A_76 = tpu.memref_slice %arg10[%dma_start3A_73, %dma_start3A_75] : memref<2x80xi32, #tpu.memory_space<vmem>> -> memref<1x80xi32, #tpu.memory_space<vmem>>
    %dma_start3A_77 = tpu.memref_squeeze %dma_start3A_76 : memref<1x80xi32, #tpu.memory_space<vmem>> -> memref<80xi32, #tpu.memory_space<vmem>>
    %dma_start3A_78 = tpu.memref_slice %arg5[%add3A_61] : memref<320160xi32, #tpu.memory_space<hbm>> -> memref<80xi32, #tpu.memory_space<hbm>>
    %dma_start3A_79 = tpu.memref_slice %arg15[%dma_start3A_74] : memref<2x!tpu.dma_semaphore, #tpu.memory_space<semaphore_mem>> -> memref<1x!tpu.dma_semaphore, #tpu.memory_space<semaphore_mem>>
    %dma_start3A_80 = tpu.memref_squeeze %dma_start3A_79 : memref<1x!tpu.dma_semaphore, #tpu.memory_space<semaphore_mem>> -> memref<!tpu.dma_semaphore, #tpu.memory_space<semaphore_mem>>
    %dma_start3A_81 = arith.constant 0 : i32
    %dma_start3A_82 = tpu.memref_slice %arg10[%dma_start3A_73, %dma_start3A_81] : memref<2x80xi32, #tpu.memory_space<vmem>> -> memref<1x80xi32, #tpu.memory_space<vmem>>
    %dma_start3A_83 = tpu.memref_squeeze %dma_start3A_82 : memref<1x80xi32, #tpu.memory_space<vmem>> -> memref<80xi32, #tpu.memory_space<vmem>>
    %dma_start3A_84 = tpu.memref_slice %arg5[%add3A_61] : memref<320160xi32, #tpu.memory_space<hbm>> -> memref<80xi32, #tpu.memory_space<hbm>>
    tpu.enqueue_dma source(%dma_start3A_84 : memref<80xi32, #tpu.memory_space<hbm>>) target(%dma_start3A_83 : memref<80xi32, #tpu.memory_space<vmem>>) target_semaphore(%dma_start3A_80 : memref<!tpu.dma_semaphore, #tpu.memory_space<semaphore_mem>>)
    %add3A_85 = arith.constant 80 : i32
    %add3A_86 = arith.addi %add3A, %add3A_85 : i32
    %dma_start3A_87 = arith.constant 1 : i32
    %dma_start3A_88 = arith.constant 1 : i32
    %dma_start3A_89 = arith.constant 0 : i32
    %dma_start3A_90 = tpu.memref_slice %arg9[%dma_start3A_87, %dma_start3A_89] : memref<2x80xi32, #tpu.memory_space<vmem>> -> memref<1x80xi32, #tpu.memory_space<vmem>>
    %dma_start3A_91 = tpu.memref_squeeze %dma_start3A_90 : memref<1x80xi32, #tpu.memory_space<vmem>> -> memref<80xi32, #tpu.memory_space<vmem>>
    %dma_start3A_92 = tpu.memref_slice %arg4[%add3A_86] : memref<320160xi32, #tpu.memory_space<hbm>> -> memref<80xi32, #tpu.memory_space<hbm>>
    %dma_start3A_93 = tpu.memref_slice %arg14[%dma_start3A_88] : memref<2x!tpu.dma_semaphore, #tpu.memory_space<semaphore_mem>> -> memref<1x!tpu.dma_semaphore, #tpu.memory_space<semaphore_mem>>
    %dma_start3A_94 = tpu.memref_squeeze %dma_start3A_93 : memref<1x!tpu.dma_semaphore, #tpu.memory_space<semaphore_mem>> -> memref<!tpu.dma_semaphore, #tpu.memory_space<semaphore_mem>>
    %dma_start3A_95 = arith.constant 0 : i32
    %dma_start3A_96 = tpu.memref_slice %arg9[%dma_start3A_87, %dma_start3A_95] : memref<2x80xi32, #tpu.memory_space<vmem>> -> memref<1x80xi32, #tpu.memory_space<vmem>>
    %dma_start3A_97 = tpu.memref_squeeze %dma_start3A_96 : memref<1x80xi32, #tpu.memory_space<vmem>> -> memref<80xi32, #tpu.memory_space<vmem>>
    %dma_start3A_98 = tpu.memref_slice %arg4[%add3A_86] : memref<320160xi32, #tpu.memory_space<hbm>> -> memref<80xi32, #tpu.memory_space<hbm>>
    tpu.enqueue_dma source(%dma_start3A_98 : memref<80xi32, #tpu.memory_space<hbm>>) target(%dma_start3A_97 : memref<80xi32, #tpu.memory_space<vmem>>) target_semaphore(%dma_start3A_94 : memref<!tpu.dma_semaphore, #tpu.memory_space<semaphore_mem>>)
    %dma_start3A_99 = arith.constant 1 : i32
    %dma_start3A_100 = arith.constant 1 : i32
    %dma_start3A_101 = arith.constant 0 : i32
    %dma_start3A_102 = tpu.memref_slice %arg10[%dma_start3A_99, %dma_start3A_101] : memref<2x80xi32, #tpu.memory_space<vmem>> -> memref<1x80xi32, #tpu.memory_space<vmem>>
    %dma_start3A_103 = tpu.memref_squeeze %dma_start3A_102 : memref<1x80xi32, #tpu.memory_space<vmem>> -> memref<80xi32, #tpu.memory_space<vmem>>
    %dma_start3A_104 = tpu.memref_slice %arg5[%add3A_86] : memref<320160xi32, #tpu.memory_space<hbm>> -> memref<80xi32, #tpu.memory_space<hbm>>
    %dma_start3A_105 = tpu.memref_slice %arg15[%dma_start3A_100] : memref<2x!tpu.dma_semaphore, #tpu.memory_space<semaphore_mem>> -> memref<1x!tpu.dma_semaphore, #tpu.memory_space<semaphore_mem>>
    %dma_start3A_106 = tpu.memref_squeeze %dma_start3A_105 : memref<1x!tpu.dma_semaphore, #tpu.memory_space<semaphore_mem>> -> memref<!tpu.dma_semaphore, #tpu.memory_space<semaphore_mem>>
    %dma_start3A_107 = arith.constant 0 : i32
    %dma_start3A_108 = tpu.memref_slice %arg10[%dma_start3A_99, %dma_start3A_107] : memref<2x80xi32, #tpu.memory_space<vmem>> -> memref<1x80xi32, #tpu.memory_space<vmem>>
    %dma_start3A_109 = tpu.memref_squeeze %dma_start3A_108 : memref<1x80xi32, #tpu.memory_space<vmem>> -> memref<80xi32, #tpu.memory_space<vmem>>
    %dma_start3A_110 = tpu.memref_slice %arg5[%add3A_86] : memref<320160xi32, #tpu.memory_space<hbm>> -> memref<80xi32, #tpu.memory_space<hbm>>
    tpu.enqueue_dma source(%dma_start3A_110 : memref<80xi32, #tpu.memory_space<hbm>>) target(%dma_start3A_109 : memref<80xi32, #tpu.memory_space<vmem>>) target_semaphore(%dma_start3A_106 : memref<!tpu.dma_semaphore, #tpu.memory_space<semaphore_mem>>)
    %add3A_111 = arith.constant 0 : i32
    %add3A_112 = arith.addi %add3A, %add3A_111 : i32
    %dma_wait3A = arith.constant 0 : i32
    %dma_wait3A_113 = arith.constant 0 : i32
    %dma_wait3A_114 = arith.constant 0 : i32
    %dma_wait3A_115 = tpu.memref_slice %arg9[%dma_wait3A, %dma_wait3A_114] : memref<2x80xi32, #tpu.memory_space<vmem>> -> memref<1x80xi32, #tpu.memory_space<vmem>>
    %dma_wait3A_116 = tpu.memref_squeeze %dma_wait3A_115 : memref<1x80xi32, #tpu.memory_space<vmem>> -> memref<80xi32, #tpu.memory_space<vmem>>
    %dma_wait3A_117 = tpu.memref_slice %arg4[%add3A_112] : memref<320160xi32, #tpu.memory_space<hbm>> -> memref<80xi32, #tpu.memory_space<hbm>>
    %dma_wait3A_118 = tpu.memref_slice %arg14[%dma_wait3A_113] : memref<2x!tpu.dma_semaphore, #tpu.memory_space<semaphore_mem>> -> memref<1x!tpu.dma_semaphore, #tpu.memory_space<semaphore_mem>>
    %dma_wait3A_119 = tpu.memref_squeeze %dma_wait3A_118 : memref<1x!tpu.dma_semaphore, #tpu.memory_space<semaphore_mem>> -> memref<!tpu.dma_semaphore, #tpu.memory_space<semaphore_mem>>
    %dma_wait3A_120 = arith.constant 0 : i32
    %dma_wait3A_121 = tpu.memref_slice %arg9[%dma_wait3A, %dma_wait3A_120] : memref<2x80xi32, #tpu.memory_space<vmem>> -> memref<1x80xi32, #tpu.memory_space<vmem>>
    %dma_wait3A_122 = tpu.memref_squeeze %dma_wait3A_121 : memref<1x80xi32, #tpu.memory_space<vmem>> -> memref<80xi32, #tpu.memory_space<vmem>>
    %dma_wait3A_123 = tpu.memref_slice %arg4[%add3A_112] : memref<320160xi32, #tpu.memory_space<hbm>> -> memref<80xi32, #tpu.memory_space<hbm>>
    tpu.wait_dma2 semaphore(%dma_wait3A_119 : memref<!tpu.dma_semaphore, #tpu.memory_space<semaphore_mem>>) src(%dma_wait3A_123 : memref<80xi32, #tpu.memory_space<hbm>>) dst(%dma_wait3A_122 : memref<80xi32, #tpu.memory_space<vmem>>)
    %dma_wait3A_124 = arith.constant 0 : i32
    %dma_wait3A_125 = arith.constant 0 : i32
    %dma_wait3A_126 = arith.constant 0 : i32
    %dma_wait3A_127 = tpu.memref_slice %arg10[%dma_wait3A_124, %dma_wait3A_126] : memref<2x80xi32, #tpu.memory_space<vmem>> -> memref<1x80xi32, #tpu.memory_space<vmem>>
    %dma_wait3A_128 = tpu.memref_squeeze %dma_wait3A_127 : memref<1x80xi32, #tpu.memory_space<vmem>> -> memref<80xi32, #tpu.memory_space<vmem>>
    %dma_wait3A_129 = tpu.memref_slice %arg5[%add3A_112] : memref<320160xi32, #tpu.memory_space<hbm>> -> memref<80xi32, #tpu.memory_space<hbm>>
    %dma_wait3A_130 = tpu.memref_slice %arg15[%dma_wait3A_125] : memref<2x!tpu.dma_semaphore, #tpu.memory_space<semaphore_mem>> -> memref<1x!tpu.dma_semaphore, #tpu.memory_space<semaphore_mem>>
    %dma_wait3A_131 = tpu.memref_squeeze %dma_wait3A_130 : memref<1x!tpu.dma_semaphore, #tpu.memory_space<semaphore_mem>> -> memref<!tpu.dma_semaphore, #tpu.memory_space<semaphore_mem>>
    %dma_wait3A_132 = arith.constant 0 : i32
    %dma_wait3A_133 = tpu.memref_slice %arg10[%dma_wait3A_124, %dma_wait3A_132] : memref<2x80xi32, #tpu.memory_space<vmem>> -> memref<1x80xi32, #tpu.memory_space<vmem>>
    %dma_wait3A_134 = tpu.memref_squeeze %dma_wait3A_133 : memref<1x80xi32, #tpu.memory_space<vmem>> -> memref<80xi32, #tpu.memory_space<vmem>>
    %dma_wait3A_135 = tpu.memref_slice %arg5[%add3A_112] : memref<320160xi32, #tpu.memory_space<hbm>> -> memref<80xi32, #tpu.memory_space<hbm>>
    tpu.wait_dma2 semaphore(%dma_wait3A_131 : memref<!tpu.dma_semaphore, #tpu.memory_space<semaphore_mem>>) src(%dma_wait3A_135 : memref<80xi32, #tpu.memory_space<hbm>>) dst(%dma_wait3A_134 : memref<80xi32, #tpu.memory_space<vmem>>)
    %add3A_136 = arith.constant 0 : i32
    %add3A_137 = arith.addi %add3A, %add3A_136 : i32
    %dma_start3A_138 = arith.constant 0 : i32
    %dma_start3A_139 = arith.constant 0 : i32
    %dma_start3A_140 = arith.constant 0 : i32
    %dma_start3A_141 = arith.constant 0 : i32
    %dma_start3A_142 = arith.constant 0 : i32
    %dma_start3A_143 = tpu.memref_slice %arg11[%dma_start3A_139, %dma_start3A_141, %dma_start3A_142] : memref<2x80x128xf32, #tpu.memory_space<vmem>> -> memref<1x80x128xf32, #tpu.memory_space<vmem>>
    %dma_start3A_144 = tpu.memref_squeeze %dma_start3A_143 : memref<1x80x128xf32, #tpu.memory_space<vmem>> -> memref<80x128xf32, #tpu.memory_space<vmem>>
    %dma_start3A_145 = arith.constant 0 : i32
    %dma_start3A_146 = tpu.memref_slice %arg9[%dma_start3A_138, %dma_start3A_145] : memref<2x80xi32, #tpu.memory_space<vmem>> -> memref<1x80xi32, #tpu.memory_space<vmem>>
    %dma_start3A_147 = tpu.memref_squeeze %dma_start3A_146 : memref<1x80xi32, #tpu.memory_space<vmem>> -> memref<80xi32, #tpu.memory_space<vmem>>
    %dma_start3A_148 = arith.constant 0 : i32
    %dma_start3A_149 = arith.constant 0 : i32
    %dma_start3A_150 = tpu.memref_slice %arg2[%dma_start3A_148, %dma_start3A_149] : memref<10000x128xf32, #tpu.memory_space<hbm>> -> memref<10000x128xf32, #tpu.memory_space<hbm>>
    %dma_start3A_151 = tpu.memref_slice %arg16[%dma_start3A_140] : memref<2x!tpu.dma_semaphore, #tpu.memory_space<semaphore_mem>> -> memref<1x!tpu.dma_semaphore, #tpu.memory_space<semaphore_mem>>
    %dma_start3A_152 = tpu.memref_squeeze %dma_start3A_151 : memref<1x!tpu.dma_semaphore, #tpu.memory_space<semaphore_mem>> -> memref<!tpu.dma_semaphore, #tpu.memory_space<semaphore_mem>>
    tpu.enqueue_indirect_dma source(%dma_start3A_150 : memref<10000x128xf32, #tpu.memory_space<hbm>>) target(%dma_start3A_144 : memref<80x128xf32, #tpu.memory_space<vmem>>) offsets(%dma_start3A_147 : memref<80xi32, #tpu.memory_space<vmem>>) semaphore(%dma_start3A_152 : memref<!tpu.dma_semaphore, #tpu.memory_space<semaphore_mem>>)
    %dma_start3A_153 = arith.constant 0 : i32
    %dma_start3A_154 = arith.constant 0 : i32
    %dma_start3A_155 = arith.constant 0 : i32
    %dma_start3A_156 = arith.constant 0 : i32
    %dma_start3A_157 = tpu.memref_slice %arg12[%dma_start3A_153, %dma_start3A_155, %dma_start3A_156] : memref<2x80x128xf32, #tpu.memory_space<vmem>> -> memref<1x80x128xf32, #tpu.memory_space<vmem>>
    %dma_start3A_158 = tpu.memref_squeeze %dma_start3A_157 : memref<1x80x128xf32, #tpu.memory_space<vmem>> -> memref<80x128xf32, #tpu.memory_space<vmem>>
    %dma_start3A_159 = arith.constant 0 : i32
    %dma_start3A_160 = tpu.memref_slice %arg3[%add3A_137, %dma_start3A_159] : memref<327680x128xf32, #tpu.memory_space<hbm>> -> memref<80x128xf32, #tpu.memory_space<hbm>>
    %dma_start3A_161 = tpu.memref_slice %arg17[%dma_start3A_154] : memref<2x!tpu.dma_semaphore, #tpu.memory_space<semaphore_mem>> -> memref<1x!tpu.dma_semaphore, #tpu.memory_space<semaphore_mem>>
    %dma_start3A_162 = tpu.memref_squeeze %dma_start3A_161 : memref<1x!tpu.dma_semaphore, #tpu.memory_space<semaphore_mem>> -> memref<!tpu.dma_semaphore, #tpu.memory_space<semaphore_mem>>
    %dma_start3A_163 = arith.constant 0 : i32
    %dma_start3A_164 = arith.constant 0 : i32
    %dma_start3A_165 = tpu.memref_slice %arg12[%dma_start3A_153, %dma_start3A_163, %dma_start3A_164] : memref<2x80x128xf32, #tpu.memory_space<vmem>> -> memref<1x80x128xf32, #tpu.memory_space<vmem>>
    %dma_start3A_166 = tpu.memref_squeeze %dma_start3A_165 : memref<1x80x128xf32, #tpu.memory_space<vmem>> -> memref<80x128xf32, #tpu.memory_space<vmem>>
    %dma_start3A_167 = arith.constant 0 : i32
    %dma_start3A_168 = tpu.memref_slice %arg3[%add3A_137, %dma_start3A_167] : memref<327680x128xf32, #tpu.memory_space<hbm>> -> memref<80x128xf32, #tpu.memory_space<hbm>>
    tpu.enqueue_dma source(%dma_start3A_168 : memref<80x128xf32, #tpu.memory_space<hbm>>) target(%dma_start3A_166 : memref<80x128xf32, #tpu.memory_space<vmem>>) target_semaphore(%dma_start3A_162 : memref<!tpu.dma_semaphore, #tpu.memory_space<semaphore_mem>>)
    %scan3A_169 = arith.constant 0 : i32
    %scan3A_170 = arith.constant 0 : i32
    %scan3A_171 = arith.constant 62 : i32
    %scan3A_172 = arith.addi %scan3A_170, %scan3A_171 : i32
    %scan3A_173 = arith.constant 1 : i32
    scf.for %scan3A_249 = %scan3A_170 to %scan3A_172 step %scan3A_173  : i32 {
      %mul3A_250 = arith.constant 2 : i32
      %mul3A_251 = arith.muli %mul3A_250, %scan3A_249 : i32
      %add3A_252 = arith.constant 0 : i32
      %add3A_253 = arith.addi %mul3A_251, %add3A_252 : i32
      %add3A_254 = arith.constant 1 : i32
      %add3A_255 = arith.addi %add3A_253, %add3A_254 : i32
      %mul3A_256 = arith.constant 80 : i32
      %mul3A_257 = arith.muli %add3A_255, %mul3A_256 : i32
      %add3A_258 = arith.addi %add3A, %mul3A_257 : i32
      %dma_wait3A_259 = arith.constant 1 : i32
      %dma_wait3A_260 = arith.constant 1 : i32
      %dma_wait3A_261 = arith.constant 0 : i32
      %dma_wait3A_262 = tpu.memref_slice %arg9[%dma_wait3A_259, %dma_wait3A_261] : memref<2x80xi32, #tpu.memory_space<vmem>> -> memref<1x80xi32, #tpu.memory_space<vmem>>
      %dma_wait3A_263 = tpu.memref_squeeze %dma_wait3A_262 : memref<1x80xi32, #tpu.memory_space<vmem>> -> memref<80xi32, #tpu.memory_space<vmem>>
      %dma_wait3A_264 = tpu.memref_slice %arg4[%add3A_258] : memref<320160xi32, #tpu.memory_space<hbm>> -> memref<80xi32, #tpu.memory_space<hbm>>
      %dma_wait3A_265 = tpu.memref_slice %arg14[%dma_wait3A_260] : memref<2x!tpu.dma_semaphore, #tpu.memory_space<semaphore_mem>> -> memref<1x!tpu.dma_semaphore, #tpu.memory_space<semaphore_mem>>
      %dma_wait3A_266 = tpu.memref_squeeze %dma_wait3A_265 : memref<1x!tpu.dma_semaphore, #tpu.memory_space<semaphore_mem>> -> memref<!tpu.dma_semaphore, #tpu.memory_space<semaphore_mem>>
      %dma_wait3A_267 = arith.constant 0 : i32
      %dma_wait3A_268 = tpu.memref_slice %arg9[%dma_wait3A_259, %dma_wait3A_267] : memref<2x80xi32, #tpu.memory_space<vmem>> -> memref<1x80xi32, #tpu.memory_space<vmem>>
      %dma_wait3A_269 = tpu.memref_squeeze %dma_wait3A_268 : memref<1x80xi32, #tpu.memory_space<vmem>> -> memref<80xi32, #tpu.memory_space<vmem>>
      %dma_wait3A_270 = tpu.memref_slice %arg4[%add3A_258] : memref<320160xi32, #tpu.memory_space<hbm>> -> memref<80xi32, #tpu.memory_space<hbm>>
      tpu.wait_dma2 semaphore(%dma_wait3A_266 : memref<!tpu.dma_semaphore, #tpu.memory_space<semaphore_mem>>) src(%dma_wait3A_270 : memref<80xi32, #tpu.memory_space<hbm>>) dst(%dma_wait3A_269 : memref<80xi32, #tpu.memory_space<vmem>>)
      %dma_wait3A_271 = arith.constant 1 : i32
      %dma_wait3A_272 = arith.constant 1 : i32
      %dma_wait3A_273 = arith.constant 0 : i32
      %dma_wait3A_274 = tpu.memref_slice %arg10[%dma_wait3A_271, %dma_wait3A_273] : memref<2x80xi32, #tpu.memory_space<vmem>> -> memref<1x80xi32, #tpu.memory_space<vmem>>
      %dma_wait3A_275 = tpu.memref_squeeze %dma_wait3A_274 : memref<1x80xi32, #tpu.memory_space<vmem>> -> memref<80xi32, #tpu.memory_space<vmem>>
      %dma_wait3A_276 = tpu.memref_slice %arg5[%add3A_258] : memref<320160xi32, #tpu.memory_space<hbm>> -> memref<80xi32, #tpu.memory_space<hbm>>
      %dma_wait3A_277 = tpu.memref_slice %arg15[%dma_wait3A_272] : memref<2x!tpu.dma_semaphore, #tpu.memory_space<semaphore_mem>> -> memref<1x!tpu.dma_semaphore, #tpu.memory_space<semaphore_mem>>
      %dma_wait3A_278 = tpu.memref_squeeze %dma_wait3A_277 : memref<1x!tpu.dma_semaphore, #tpu.memory_space<semaphore_mem>> -> memref<!tpu.dma_semaphore, #tpu.memory_space<semaphore_mem>>
      %dma_wait3A_279 = arith.constant 0 : i32
      %dma_wait3A_280 = tpu.memref_slice %arg10[%dma_wait3A_271, %dma_wait3A_279] : memref<2x80xi32, #tpu.memory_space<vmem>> -> memref<1x80xi32, #tpu.memory_space<vmem>>
      %dma_wait3A_281 = tpu.memref_squeeze %dma_wait3A_280 : memref<1x80xi32, #tpu.memory_space<vmem>> -> memref<80xi32, #tpu.memory_space<vmem>>
      %dma_wait3A_282 = tpu.memref_slice %arg5[%add3A_258] : memref<320160xi32, #tpu.memory_space<hbm>> -> memref<80xi32, #tpu.memory_space<hbm>>
      tpu.wait_dma2 semaphore(%dma_wait3A_278 : memref<!tpu.dma_semaphore, #tpu.memory_space<semaphore_mem>>) src(%dma_wait3A_282 : memref<80xi32, #tpu.memory_space<hbm>>) dst(%dma_wait3A_281 : memref<80xi32, #tpu.memory_space<vmem>>)
      %add3A_283 = arith.constant 1 : i32
      %add3A_284 = arith.addi %add3A_253, %add3A_283 : i32
      %mul3A_285 = arith.constant 80 : i32
      %mul3A_286 = arith.muli %add3A_284, %mul3A_285 : i32
      %add3A_287 = arith.addi %add3A, %mul3A_286 : i32
      %dma_start3A_288 = arith.constant 1 : i32
      %dma_start3A_289 = arith.constant 1 : i32
      %dma_start3A_290 = arith.constant 1 : i32
      %dma_start3A_291 = arith.constant 0 : i32
      %dma_start3A_292 = arith.constant 0 : i32
      %dma_start3A_293 = tpu.memref_slice %arg11[%dma_start3A_289, %dma_start3A_291, %dma_start3A_292] : memref<2x80x128xf32, #tpu.memory_space<vmem>> -> memref<1x80x128xf32, #tpu.memory_space<vmem>>
      %dma_start3A_294 = tpu.memref_squeeze %dma_start3A_293 : memref<1x80x128xf32, #tpu.memory_space<vmem>> -> memref<80x128xf32, #tpu.memory_space<vmem>>
      %dma_start3A_295 = arith.constant 0 : i32
      %dma_start3A_296 = tpu.memref_slice %arg9[%dma_start3A_288, %dma_start3A_295] : memref<2x80xi32, #tpu.memory_space<vmem>> -> memref<1x80xi32, #tpu.memory_space<vmem>>
      %dma_start3A_297 = tpu.memref_squeeze %dma_start3A_296 : memref<1x80xi32, #tpu.memory_space<vmem>> -> memref<80xi32, #tpu.memory_space<vmem>>
      %dma_start3A_298 = arith.constant 0 : i32
      %dma_start3A_299 = arith.constant 0 : i32
      %dma_start3A_300 = tpu.memref_slice %arg2[%dma_start3A_298, %dma_start3A_299] : memref<10000x128xf32, #tpu.memory_space<hbm>> -> memref<10000x128xf32, #tpu.memory_space<hbm>>
      %dma_start3A_301 = tpu.memref_slice %arg16[%dma_start3A_290] : memref<2x!tpu.dma_semaphore, #tpu.memory_space<semaphore_mem>> -> memref<1x!tpu.dma_semaphore, #tpu.memory_space<semaphore_mem>>
      %dma_start3A_302 = tpu.memref_squeeze %dma_start3A_301 : memref<1x!tpu.dma_semaphore, #tpu.memory_space<semaphore_mem>> -> memref<!tpu.dma_semaphore, #tpu.memory_space<semaphore_mem>>
      tpu.enqueue_indirect_dma source(%dma_start3A_300 : memref<10000x128xf32, #tpu.memory_space<hbm>>) target(%dma_start3A_294 : memref<80x128xf32, #tpu.memory_space<vmem>>) offsets(%dma_start3A_297 : memref<80xi32, #tpu.memory_space<vmem>>) semaphore(%dma_start3A_302 : memref<!tpu.dma_semaphore, #tpu.memory_space<semaphore_mem>>)
      %dma_start3A_303 = arith.constant 1 : i32
      %dma_start3A_304 = arith.constant 1 : i32
      %dma_start3A_305 = arith.constant 0 : i32
      %dma_start3A_306 = arith.constant 0 : i32
      %dma_start3A_307 = tpu.memref_slice %arg12[%dma_start3A_303, %dma_start3A_305, %dma_start3A_306] : memref<2x80x128xf32, #tpu.memory_space<vmem>> -> memref<1x80x128xf32, #tpu.memory_space<vmem>>
      %dma_start3A_308 = tpu.memref_squeeze %dma_start3A_307 : memref<1x80x128xf32, #tpu.memory_space<vmem>> -> memref<80x128xf32, #tpu.memory_space<vmem>>
      %dma_start3A_309 = arith.constant 0 : i32
      %dma_start3A_310 = tpu.memref_slice %arg3[%add3A_287, %dma_start3A_309] : memref<327680x128xf32, #tpu.memory_space<hbm>> -> memref<80x128xf32, #tpu.memory_space<hbm>>
      %dma_start3A_311 = tpu.memref_slice %arg17[%dma_start3A_304] : memref<2x!tpu.dma_semaphore, #tpu.memory_space<semaphore_mem>> -> memref<1x!tpu.dma_semaphore, #tpu.memory_space<semaphore_mem>>
      %dma_start3A_312 = tpu.memref_squeeze %dma_start3A_311 : memref<1x!tpu.dma_semaphore, #tpu.memory_space<semaphore_mem>> -> memref<!tpu.dma_semaphore, #tpu.memory_space<semaphore_mem>>
      %dma_start3A_313 = arith.constant 0 : i32
      %dma_start3A_314 = arith.constant 0 : i32
      %dma_start3A_315 = tpu.memref_slice %arg12[%dma_start3A_303, %dma_start3A_313, %dma_start3A_314] : memref<2x80x128xf32, #tpu.memory_space<vmem>> -> memref<1x80x128xf32, #tpu.memory_space<vmem>>
      %dma_start3A_316 = tpu.memref_squeeze %dma_start3A_315 : memref<1x80x128xf32, #tpu.memory_space<vmem>> -> memref<80x128xf32, #tpu.memory_space<vmem>>
      %dma_start3A_317 = arith.constant 0 : i32
      %dma_start3A_318 = tpu.memref_slice %arg3[%add3A_287, %dma_start3A_317] : memref<327680x128xf32, #tpu.memory_space<hbm>> -> memref<80x128xf32, #tpu.memory_space<hbm>>
      tpu.enqueue_dma source(%dma_start3A_318 : memref<80x128xf32, #tpu.memory_space<hbm>>) target(%dma_start3A_316 : memref<80x128xf32, #tpu.memory_space<vmem>>) target_semaphore(%dma_start3A_312 : memref<!tpu.dma_semaphore, #tpu.memory_space<semaphore_mem>>)
      %mul3A_319 = arith.constant 80 : i32
      %mul3A_320 = arith.muli %add3A_253, %mul3A_319 : i32
      %add3A_321 = arith.addi %add3A, %mul3A_320 : i32
      %dma_wait3A_322 = arith.constant 0 : i32
      %dma_wait3A_323 = arith.constant 0 : i32
      %dma_wait3A_324 = arith.constant 0 : i32
      %dma_wait3A_325 = arith.constant 0 : i32
      %dma_wait3A_326 = arith.constant 0 : i32
      %dma_wait3A_327 = tpu.memref_slice %arg11[%dma_wait3A_323, %dma_wait3A_325, %dma_wait3A_326] : memref<2x80x128xf32, #tpu.memory_space<vmem>> -> memref<1x80x128xf32, #tpu.memory_space<vmem>>
      %dma_wait3A_328 = tpu.memref_squeeze %dma_wait3A_327 : memref<1x80x128xf32, #tpu.memory_space<vmem>> -> memref<80x128xf32, #tpu.memory_space<vmem>>
      %dma_wait3A_329 = arith.constant 0 : i32
      %dma_wait3A_330 = tpu.memref_slice %arg9[%dma_wait3A_322, %dma_wait3A_329] : memref<2x80xi32, #tpu.memory_space<vmem>> -> memref<1x80xi32, #tpu.memory_space<vmem>>
      %dma_wait3A_331 = tpu.memref_squeeze %dma_wait3A_330 : memref<1x80xi32, #tpu.memory_space<vmem>> -> memref<80xi32, #tpu.memory_space<vmem>>
      %dma_wait3A_332 = arith.constant 0 : i32
      %dma_wait3A_333 = arith.constant 0 : i32
      %dma_wait3A_334 = tpu.memref_slice %arg2[%dma_wait3A_332, %dma_wait3A_333] : memref<10000x128xf32, #tpu.memory_space<hbm>> -> memref<10000x128xf32, #tpu.memory_space<hbm>>
      %dma_wait3A_335 = tpu.memref_slice %arg16[%dma_wait3A_324] : memref<2x!tpu.dma_semaphore, #tpu.memory_space<semaphore_mem>> -> memref<1x!tpu.dma_semaphore, #tpu.memory_space<semaphore_mem>>
      %dma_wait3A_336 = tpu.memref_squeeze %dma_wait3A_335 : memref<1x!tpu.dma_semaphore, #tpu.memory_space<semaphore_mem>> -> memref<!tpu.dma_semaphore, #tpu.memory_space<semaphore_mem>>
      tpu.wait_indirect_dma semaphore(%dma_wait3A_336 : memref<!tpu.dma_semaphore, #tpu.memory_space<semaphore_mem>>) src(%dma_wait3A_334 : memref<10000x128xf32, #tpu.memory_space<hbm>>) dst(%dma_wait3A_328 : memref<80x128xf32, #tpu.memory_space<vmem>>)
      %dma_wait3A_337 = arith.constant 0 : i32
      %dma_wait3A_338 = arith.constant 0 : i32
      %dma_wait3A_339 = arith.constant 0 : i32
      %dma_wait3A_340 = arith.constant 0 : i32
      %dma_wait3A_341 = tpu.memref_slice %arg12[%dma_wait3A_337, %dma_wait3A_339, %dma_wait3A_340] : memref<2x80x128xf32, #tpu.memory_space<vmem>> -> memref<1x80x128xf32, #tpu.memory_space<vmem>>
      %dma_wait3A_342 = tpu.memref_squeeze %dma_wait3A_341 : memref<1x80x128xf32, #tpu.memory_space<vmem>> -> memref<80x128xf32, #tpu.memory_space<vmem>>
      %dma_wait3A_343 = arith.constant 0 : i32
      %dma_wait3A_344 = tpu.memref_slice %arg3[%add3A_321, %dma_wait3A_343] : memref<327680x128xf32, #tpu.memory_space<hbm>> -> memref<80x128xf32, #tpu.memory_space<hbm>>
      %dma_wait3A_345 = tpu.memref_slice %arg17[%dma_wait3A_338] : memref<2x!tpu.dma_semaphore, #tpu.memory_space<semaphore_mem>> -> memref<1x!tpu.dma_semaphore, #tpu.memory_space<semaphore_mem>>
      %dma_wait3A_346 = tpu.memref_squeeze %dma_wait3A_345 : memref<1x!tpu.dma_semaphore, #tpu.memory_space<semaphore_mem>> -> memref<!tpu.dma_semaphore, #tpu.memory_space<semaphore_mem>>
      %dma_wait3A_347 = arith.constant 0 : i32
      %dma_wait3A_348 = arith.constant 0 : i32
      %dma_wait3A_349 = tpu.memref_slice %arg12[%dma_wait3A_337, %dma_wait3A_347, %dma_wait3A_348] : memref<2x80x128xf32, #tpu.memory_space<vmem>> -> memref<1x80x128xf32, #tpu.memory_space<vmem>>
      %dma_wait3A_350 = tpu.memref_squeeze %dma_wait3A_349 : memref<1x80x128xf32, #tpu.memory_space<vmem>> -> memref<80x128xf32, #tpu.memory_space<vmem>>
      %dma_wait3A_351 = arith.constant 0 : i32
      %dma_wait3A_352 = tpu.memref_slice %arg3[%add3A_321, %dma_wait3A_351] : memref<327680x128xf32, #tpu.memory_space<hbm>> -> memref<80x128xf32, #tpu.memory_space<hbm>>
      tpu.wait_dma2 semaphore(%dma_wait3A_346 : memref<!tpu.dma_semaphore, #tpu.memory_space<semaphore_mem>>) src(%dma_wait3A_352 : memref<80x128xf32, #tpu.memory_space<hbm>>) dst(%dma_wait3A_350 : memref<80x128xf32, #tpu.memory_space<vmem>>)
      %scan3A_353 = arith.constant 0 : i32
      %scan3A_354 = arith.constant 0 : i32
      %scan3A_355 = arith.constant 80 : i32
      %scan3A_356 = arith.addi %scan3A_354, %scan3A_355 : i32
      %scan3A_357 = arith.constant 1 : i32
      scf.for %scan3A_530 = %scan3A_354 to %scan3A_356 step %scan3A_357  : i32 {
        %get3A = arith.constant 0 : i32
        %get3A_531 = arith.index_cast %get3A : i32 to index
        %get3A_532 = arith.index_cast %scan3A_530 : i32 to index
        %get3A_533 = arith.constant 0 : index
        %get3A_534 = tpu.vector_load %arg11[%get3A_531, %get3A_532, %get3A_533] {strides = array<i32>} : memref<2x80x128xf32, #tpu.memory_space<vmem>>, vector<16xf32>,
        %get3A_535 = arith.constant 0 : i32
        %get3A_536 = arith.index_cast %get3A_535 : i32 to index
        %get3A_537 = arith.index_cast %scan3A_530 : i32 to index
        %get3A_538 = arith.constant 0 : index
        %get3A_539 = tpu.vector_load %arg12[%get3A_536, %get3A_537, %get3A_538] {strides = array<i32>} : memref<2x80x128xf32, #tpu.memory_space<vmem>>, vector<16xf32>,
        %mul3A_540 = arith.mulf %get3A_534, %get3A_539 : vector<16xf32>
        %swap3A = arith.constant 0 : i32
        %swap3A_541 = arith.index_cast %swap3A : i32 to index
        %swap3A_542 = arith.index_cast %scan3A_530 : i32 to index
        %swap3A_543 = arith.constant 0 : index
        %swap3A_544 = tpu.vector_load %arg11[%swap3A_541, %swap3A_542, %swap3A_543] {strides = array<i32>} : memref<2x80x128xf32, #tpu.memory_space<vmem>>, vector<16xf32>,
        tpu.vector_store %arg11[%swap3A_541, %swap3A_542, %swap3A_543], %mul3A_540 {strides = array<i32>} : memref<2x80x128xf32, #tpu.memory_space<vmem>>, vector<16xf32>,
        %get3A_545 = arith.constant 0 : i32
        %get3A_546 = arith.index_cast %get3A_545 : i32 to index
        %get3A_547 = arith.index_cast %scan3A_530 : i32 to index
        %get3A_548 = arith.constant 16 : index
        %get3A_549 = tpu.vector_load %arg11[%get3A_546, %get3A_547, %get3A_548] {strides = array<i32>} : memref<2x80x128xf32, #tpu.memory_space<vmem>>, vector<16xf32>,
        %get3A_550 = arith.constant 0 : i32
        %get3A_551 = arith.index_cast %get3A_550 : i32 to index
        %get3A_552 = arith.index_cast %scan3A_530 : i32 to index
        %get3A_553 = arith.constant 16 : index
        %get3A_554 = tpu.vector_load %arg12[%get3A_551, %get3A_552, %get3A_553] {strides = array<i32>} : memref<2x80x128xf32, #tpu.memory_space<vmem>>, vector<16xf32>,
        %mul3A_555 = arith.mulf %get3A_549, %get3A_554 : vector<16xf32>
        %swap3A_556 = arith.constant 0 : i32
        %swap3A_557 = arith.index_cast %swap3A_556 : i32 to index
        %swap3A_558 = arith.index_cast %scan3A_530 : i32 to index
        %swap3A_559 = arith.constant 16 : index
        %swap3A_560 = tpu.vector_load %arg11[%swap3A_557, %swap3A_558, %swap3A_559] {strides = array<i32>} : memref<2x80x128xf32, #tpu.memory_space<vmem>>, vector<16xf32>,
        tpu.vector_store %arg11[%swap3A_557, %swap3A_558, %swap3A_559], %mul3A_555 {strides = array<i32>} : memref<2x80x128xf32, #tpu.memory_space<vmem>>, vector<16xf32>,
        %get3A_561 = arith.constant 0 : i32
        %get3A_562 = arith.index_cast %get3A_561 : i32 to index
        %get3A_563 = arith.index_cast %scan3A_530 : i32 to index
        %get3A_564 = arith.constant 32 : index
        %get3A_565 = tpu.vector_load %arg11[%get3A_562, %get3A_563, %get3A_564] {strides = array<i32>} : memref<2x80x128xf32, #tpu.memory_space<vmem>>, vector<16xf32>,
        %get3A_566 = arith.constant 0 : i32
        %get3A_567 = arith.index_cast %get3A_566 : i32 to index
        %get3A_568 = arith.index_cast %scan3A_530 : i32 to index
        %get3A_569 = arith.constant 32 : index
        %get3A_570 = tpu.vector_load %arg12[%get3A_567, %get3A_568, %get3A_569] {strides = array<i32>} : memref<2x80x128xf32, #tpu.memory_space<vmem>>, vector<16xf32>,
        %mul3A_571 = arith.mulf %get3A_565, %get3A_570 : vector<16xf32>
        %swap3A_572 = arith.constant 0 : i32
        %swap3A_573 = arith.index_cast %swap3A_572 : i32 to index
        %swap3A_574 = arith.index_cast %scan3A_530 : i32 to index
        %swap3A_575 = arith.constant 32 : index
        %swap3A_576 = tpu.vector_load %arg11[%swap3A_573, %swap3A_574, %swap3A_575] {strides = array<i32>} : memref<2x80x128xf32, #tpu.memory_space<vmem>>, vector<16xf32>,
        tpu.vector_store %arg11[%swap3A_573, %swap3A_574, %swap3A_575], %mul3A_571 {strides = array<i32>} : memref<2x80x128xf32, #tpu.memory_space<vmem>>, vector<16xf32>,
        %get3A_577 = arith.constant 0 : i32
        %get3A_578 = arith.index_cast %get3A_577 : i32 to index
        %get3A_579 = arith.index_cast %scan3A_530 : i32 to index
        %get3A_580 = arith.constant 48 : index
        %get3A_581 = tpu.vector_load %arg11[%get3A_578, %get3A_579, %get3A_580] {strides = array<i32>} : memref<2x80x128xf32, #tpu.memory_space<vmem>>, vector<16xf32>,
        %get3A_582 = arith.constant 0 : i32
        %get3A_583 = arith.index_cast %get3A_582 : i32 to index
        %get3A_584 = arith.index_cast %scan3A_530 : i32 to index
        %get3A_585 = arith.constant 48 : index
        %get3A_586 = tpu.vector_load %arg12[%get3A_583, %get3A_584, %get3A_585] {strides = array<i32>} : memref<2x80x128xf32, #tpu.memory_space<vmem>>, vector<16xf32>,
        %mul3A_587 = arith.mulf %get3A_581, %get3A_586 : vector<16xf32>
        %swap3A_588 = arith.constant 0 : i32
        %swap3A_589 = arith.index_cast %swap3A_588 : i32 to index
        %swap3A_590 = arith.index_cast %scan3A_530 : i32 to index
        %swap3A_591 = arith.constant 48 : index
        %swap3A_592 = tpu.vector_load %arg11[%swap3A_589, %swap3A_590, %swap3A_591] {strides = array<i32>} : memref<2x80x128xf32, #tpu.memory_space<vmem>>, vector<16xf32>,
        tpu.vector_store %arg11[%swap3A_589, %swap3A_590, %swap3A_591], %mul3A_587 {strides = array<i32>} : memref<2x80x128xf32, #tpu.memory_space<vmem>>, vector<16xf32>,
        %get3A_593 = arith.constant 0 : i32
        %get3A_594 = arith.index_cast %get3A_593 : i32 to index
        %get3A_595 = arith.index_cast %scan3A_530 : i32 to index
        %get3A_596 = arith.constant 64 : index
        %get3A_597 = tpu.vector_load %arg11[%get3A_594, %get3A_595, %get3A_596] {strides = array<i32>} : memref<2x80x128xf32, #tpu.memory_space<vmem>>, vector<16xf32>,
        %get3A_598 = arith.constant 0 : i32
        %get3A_599 = arith.index_cast %get3A_598 : i32 to index
        %get3A_600 = arith.index_cast %scan3A_530 : i32 to index
        %get3A_601 = arith.constant 64 : index
        %get3A_602 = tpu.vector_load %arg12[%get3A_599, %get3A_600, %get3A_601] {strides = array<i32>} : memref<2x80x128xf32, #tpu.memory_space<vmem>>, vector<16xf32>,
        %mul3A_603 = arith.mulf %get3A_597, %get3A_602 : vector<16xf32>
        %swap3A_604 = arith.constant 0 : i32
        %swap3A_605 = arith.index_cast %swap3A_604 : i32 to index
        %swap3A_606 = arith.index_cast %scan3A_530 : i32 to index
        %swap3A_607 = arith.constant 64 : index
        %swap3A_608 = tpu.vector_load %arg11[%swap3A_605, %swap3A_606, %swap3A_607] {strides = array<i32>} : memref<2x80x128xf32, #tpu.memory_space<vmem>>, vector<16xf32>,
        tpu.vector_store %arg11[%swap3A_605, %swap3A_606, %swap3A_607], %mul3A_603 {strides = array<i32>} : memref<2x80x128xf32, #tpu.memory_space<vmem>>, vector<16xf32>,
        %get3A_609 = arith.constant 0 : i32
        %get3A_610 = arith.index_cast %get3A_609 : i32 to index
        %get3A_611 = arith.index_cast %scan3A_530 : i32 to index
        %get3A_612 = arith.constant 80 : index
        %get3A_613 = tpu.vector_load %arg11[%get3A_610, %get3A_611, %get3A_612] {strides = array<i32>} : memref<2x80x128xf32, #tpu.memory_space<vmem>>, vector<16xf32>,
        %get3A_614 = arith.constant 0 : i32
        %get3A_615 = arith.index_cast %get3A_614 : i32 to index
        %get3A_616 = arith.index_cast %scan3A_530 : i32 to index
        %get3A_617 = arith.constant 80 : index
        %get3A_618 = tpu.vector_load %arg12[%get3A_615, %get3A_616, %get3A_617] {strides = array<i32>} : memref<2x80x128xf32, #tpu.memory_space<vmem>>, vector<16xf32>,
        %mul3A_619 = arith.mulf %get3A_613, %get3A_618 : vector<16xf32>
        %swap3A_620 = arith.constant 0 : i32
        %swap3A_621 = arith.index_cast %swap3A_620 : i32 to index
        %swap3A_622 = arith.index_cast %scan3A_530 : i32 to index
        %swap3A_623 = arith.constant 80 : index
        %swap3A_624 = tpu.vector_load %arg11[%swap3A_621, %swap3A_622, %swap3A_623] {strides = array<i32>} : memref<2x80x128xf32, #tpu.memory_space<vmem>>, vector<16xf32>,
        tpu.vector_store %arg11[%swap3A_621, %swap3A_622, %swap3A_623], %mul3A_619 {strides = array<i32>} : memref<2x80x128xf32, #tpu.memory_space<vmem>>, vector<16xf32>,
        %get3A_625 = arith.constant 0 : i32
        %get3A_626 = arith.index_cast %get3A_625 : i32 to index
        %get3A_627 = arith.index_cast %scan3A_530 : i32 to index
        %get3A_628 = arith.constant 96 : index
        %get3A_629 = tpu.vector_load %arg11[%get3A_626, %get3A_627, %get3A_628] {strides = array<i32>} : memref<2x80x128xf32, #tpu.memory_space<vmem>>, vector<16xf32>,
        %get3A_630 = arith.constant 0 : i32
        %get3A_631 = arith.index_cast %get3A_630 : i32 to index
        %get3A_632 = arith.index_cast %scan3A_530 : i32 to index
        %get3A_633 = arith.constant 96 : index
        %get3A_634 = tpu.vector_load %arg12[%get3A_631, %get3A_632, %get3A_633] {strides = array<i32>} : memref<2x80x128xf32, #tpu.memory_space<vmem>>, vector<16xf32>,
        %mul3A_635 = arith.mulf %get3A_629, %get3A_634 : vector<16xf32>
        %swap3A_636 = arith.constant 0 : i32
        %swap3A_637 = arith.index_cast %swap3A_636 : i32 to index
        %swap3A_638 = arith.index_cast %scan3A_530 : i32 to index
        %swap3A_639 = arith.constant 96 : index
        %swap3A_640 = tpu.vector_load %arg11[%swap3A_637, %swap3A_638, %swap3A_639] {strides = array<i32>} : memref<2x80x128xf32, #tpu.memory_space<vmem>>, vector<16xf32>,
        tpu.vector_store %arg11[%swap3A_637, %swap3A_638, %swap3A_639], %mul3A_635 {strides = array<i32>} : memref<2x80x128xf32, #tpu.memory_space<vmem>>, vector<16xf32>,
        %get3A_641 = arith.constant 0 : i32
        %get3A_642 = arith.index_cast %get3A_641 : i32 to index
        %get3A_643 = arith.index_cast %scan3A_530 : i32 to index
        %get3A_644 = arith.constant 112 : index
        %get3A_645 = tpu.vector_load %arg11[%get3A_642, %get3A_643, %get3A_644] {strides = array<i32>} : memref<2x80x128xf32, #tpu.memory_space<vmem>>, vector<16xf32>,
        %get3A_646 = arith.constant 0 : i32
        %get3A_647 = arith.index_cast %get3A_646 : i32 to index
        %get3A_648 = arith.index_cast %scan3A_530 : i32 to index
        %get3A_649 = arith.constant 112 : index
        %get3A_650 = tpu.vector_load %arg12[%get3A_647, %get3A_648, %get3A_649] {strides = array<i32>} : memref<2x80x128xf32, #tpu.memory_space<vmem>>, vector<16xf32>,
        %mul3A_651 = arith.mulf %get3A_645, %get3A_650 : vector<16xf32>
        %swap3A_652 = arith.constant 0 : i32
        %swap3A_653 = arith.index_cast %swap3A_652 : i32 to index
        %swap3A_654 = arith.index_cast %scan3A_530 : i32 to index
        %swap3A_655 = arith.constant 112 : index
        %swap3A_656 = tpu.vector_load %arg11[%swap3A_653, %swap3A_654, %swap3A_655] {strides = array<i32>} : memref<2x80x128xf32, #tpu.memory_space<vmem>>, vector<16xf32>,
        tpu.vector_store %arg11[%swap3A_653, %swap3A_654, %swap3A_655], %mul3A_651 {strides = array<i32>} : memref<2x80x128xf32, #tpu.memory_space<vmem>>, vector<16xf32>,
      }
      %scan3A_358 = arith.constant 80 : i32
      %run_scoped3A_359 = arith.constant 0 : i32
      %run_scoped3A_360 = arith.constant 0 : i32
      "tpu.region"() ({
        %run_scoped3A_530 = tpu.sem_alloc : memref<!tpu.dma_semaphore, #tpu.memory_space<semaphore_mem>>
        %dma_start3A_531 = arith.constant 0 : i32
        %dma_start3A_532 = arith.constant 0 : i32
        %dma_start3A_533 = tpu.memref_slice %arg11[%run_scoped3A_359, %dma_start3A_531, %dma_start3A_532] : memref<2x80x128xf32, #tpu.memory_space<vmem>> -> memref<1x80x128xf32, #tpu.memory_space<vmem>>
        %dma_start3A_534 = tpu.memref_squeeze %dma_start3A_533 : memref<1x80x128xf32, #tpu.memory_space<vmem>> -> memref<80x128xf32, #tpu.memory_space<vmem>>
        %dma_start3A_535 = arith.constant 0 : i32
        %dma_start3A_536 = tpu.memref_slice %arg10[%run_scoped3A_360, %dma_start3A_535] : memref<2x80xi32, #tpu.memory_space<vmem>> -> memref<1x80xi32, #tpu.memory_space<vmem>>
        %dma_start3A_537 = tpu.memref_squeeze %dma_start3A_536 : memref<1x80xi32, #tpu.memory_space<vmem>> -> memref<80xi32, #tpu.memory_space<vmem>>
        %dma_start3A_538 = arith.constant 0 : i32
        %dma_start3A_539 = arith.constant 0 : i32
        %dma_start3A_540 = tpu.memref_slice %arg8[%dma_start3A_538, %dma_start3A_539] : memref<10000x128xf32, #tpu.memory_space<vmem_shared>> -> memref<10000x128xf32, #tpu.memory_space<vmem_shared>>
        tpu.enqueue_indirect_dma source(%dma_start3A_534 : memref<80x128xf32, #tpu.memory_space<vmem>>) target(%dma_start3A_540 : memref<10000x128xf32, #tpu.memory_space<vmem_shared>>) offsets(%dma_start3A_537 : memref<80xi32, #tpu.memory_space<vmem>>) semaphore(%run_scoped3A_530 : memref<!tpu.dma_semaphore, #tpu.memory_space<semaphore_mem>>) {add = true}
        %dma_wait3A_541 = arith.constant 0 : i32
        %dma_wait3A_542 = arith.constant 0 : i32
        %dma_wait3A_543 = tpu.memref_slice %arg11[%run_scoped3A_359, %dma_wait3A_541, %dma_wait3A_542] : memref<2x80x128xf32, #tpu.memory_space<vmem>> -> memref<1x80x128xf32, #tpu.memory_space<vmem>>
        %dma_wait3A_544 = tpu.memref_squeeze %dma_wait3A_543 : memref<1x80x128xf32, #tpu.memory_space<vmem>> -> memref<80x128xf32, #tpu.memory_space<vmem>>
        %dma_wait3A_545 = arith.constant 0 : i32
        %dma_wait3A_546 = tpu.memref_slice %arg10[%run_scoped3A_360, %dma_wait3A_545] : memref<2x80xi32, #tpu.memory_space<vmem>> -> memref<1x80xi32, #tpu.memory_space<vmem>>
        %dma_wait3A_547 = tpu.memref_squeeze %dma_wait3A_546 : memref<1x80xi32, #tpu.memory_space<vmem>> -> memref<80xi32, #tpu.memory_space<vmem>>
        %dma_wait3A_548 = arith.constant 0 : i32
        %dma_wait3A_549 = arith.constant 0 : i32
        %dma_wait3A_550 = tpu.memref_slice %arg8[%dma_wait3A_548, %dma_wait3A_549] : memref<10000x128xf32, #tpu.memory_space<vmem_shared>> -> memref<10000x128xf32, #tpu.memory_space<vmem_shared>>
        tpu.wait_indirect_dma semaphore(%run_scoped3A_530 : memref<!tpu.dma_semaphore, #tpu.memory_space<semaphore_mem>>) src(%dma_wait3A_544 : memref<80x128xf32, #tpu.memory_space<vmem>>) dst(%dma_wait3A_550 : memref<10000x128xf32, #tpu.memory_space<vmem_shared>>)
        tpu.yield
      }) : () -> ()
      %add3A_361 = arith.constant 2 : i32
      %add3A_362 = arith.addi %add3A_253, %add3A_361 : i32
      %mul3A_363 = arith.constant 80 : i32
      %mul3A_364 = arith.muli %add3A_362, %mul3A_363 : i32
      %add3A_365 = arith.addi %add3A, %mul3A_364 : i32
      %dma_start3A_366 = arith.constant 0 : i32
      %dma_start3A_367 = arith.constant 0 : i32
      %dma_start3A_368 = arith.constant 0 : i32
      %dma_start3A_369 = tpu.memref_slice %arg9[%dma_start3A_366, %dma_start3A_368] : memref<2x80xi32, #tpu.memory_space<vmem>> -> memref<1x80xi32, #tpu.memory_space<vmem>>
      %dma_start3A_370 = tpu.memref_squeeze %dma_start3A_369 : memref<1x80xi32, #tpu.memory_space<vmem>> -> memref<80xi32, #tpu.memory_space<vmem>>
      %dma_start3A_371 = tpu.memref_slice %arg4[%add3A_365] : memref<320160xi32, #tpu.memory_space<hbm>> -> memref<80xi32, #tpu.memory_space<hbm>>
      %dma_start3A_372 = tpu.memref_slice %arg14[%dma_start3A_367] : memref<2x!tpu.dma_semaphore, #tpu.memory_space<semaphore_mem>> -> memref<1x!tpu.dma_semaphore, #tpu.memory_space<semaphore_mem>>
      %dma_start3A_373 = tpu.memref_squeeze %dma_start3A_372 : memref<1x!tpu.dma_semaphore, #tpu.memory_space<semaphore_mem>> -> memref<!tpu.dma_semaphore, #tpu.memory_space<semaphore_mem>>
      %dma_start3A_374 = arith.constant 0 : i32
      %dma_start3A_375 = tpu.memref_slice %arg9[%dma_start3A_366, %dma_start3A_374] : memref<2x80xi32, #tpu.memory_space<vmem>> -> memref<1x80xi32, #tpu.memory_space<vmem>>
      %dma_start3A_376 = tpu.memref_squeeze %dma_start3A_375 : memref<1x80xi32, #tpu.memory_space<vmem>> -> memref<80xi32, #tpu.memory_space<vmem>>
      %dma_start3A_377 = tpu.memref_slice %arg4[%add3A_365] : memref<320160xi32, #tpu.memory_space<hbm>> -> memref<80xi32, #tpu.memory_space<hbm>>
      tpu.enqueue_dma source(%dma_start3A_377 : memref<80xi32, #tpu.memory_space<hbm>>) target(%dma_start3A_376 : memref<80xi32, #tpu.memory_space<vmem>>) target_semaphore(%dma_start3A_373 : memref<!tpu.dma_semaphore, #tpu.memory_space<semaphore_mem>>)
      %dma_start3A_378 = arith.constant 0 : i32
      %dma_start3A_379 = arith.constant 0 : i32
      %dma_start3A_380 = arith.constant 0 : i32
      %dma_start3A_381 = tpu.memref_slice %arg10[%dma_start3A_378, %dma_start3A_380] : memref<2x80xi32, #tpu.memory_space<vmem>> -> memref<1x80xi32, #tpu.memory_space<vmem>>
      %dma_start3A_382 = tpu.memref_squeeze %dma_start3A_381 : memref<1x80xi32, #tpu.memory_space<vmem>> -> memref<80xi32, #tpu.memory_space<vmem>>
      %dma_start3A_383 = tpu.memref_slice %arg5[%add3A_365] : memref<320160xi32, #tpu.memory_space<hbm>> -> memref<80xi32, #tpu.memory_space<hbm>>
      %dma_start3A_384 = tpu.memref_slice %arg15[%dma_start3A_379] : memref<2x!tpu.dma_semaphore, #tpu.memory_space<semaphore_mem>> -> memref<1x!tpu.dma_semaphore, #tpu.memory_space<semaphore_mem>>
      %dma_start3A_385 = tpu.memref_squeeze %dma_start3A_384 : memref<1x!tpu.dma_semaphore, #tpu.memory_space<semaphore_mem>> -> memref<!tpu.dma_semaphore, #tpu.memory_space<semaphore_mem>>
      %dma_start3A_386 = arith.constant 0 : i32
      %dma_start3A_387 = tpu.memref_slice %arg10[%dma_start3A_378, %dma_start3A_386] : memref<2x80xi32, #tpu.memory_space<vmem>> -> memref<1x80xi32, #tpu.memory_space<vmem>>
      %dma_start3A_388 = tpu.memref_squeeze %dma_start3A_387 : memref<1x80xi32, #tpu.memory_space<vmem>> -> memref<80xi32, #tpu.memory_space<vmem>>
      %dma_start3A_389 = tpu.memref_slice %arg5[%add3A_365] : memref<320160xi32, #tpu.memory_space<hbm>> -> memref<80xi32, #tpu.memory_space<hbm>>
      tpu.enqueue_dma source(%dma_start3A_389 : memref<80xi32, #tpu.memory_space<hbm>>) target(%dma_start3A_388 : memref<80xi32, #tpu.memory_space<vmem>>) target_semaphore(%dma_start3A_385 : memref<!tpu.dma_semaphore, #tpu.memory_space<semaphore_mem>>)
      %mul3A_390 = arith.constant 2 : i32
      %mul3A_391 = arith.muli %mul3A_390, %scan3A_249 : i32
      %add3A_392 = arith.constant 1 : i32
      %add3A_393 = arith.addi %mul3A_391, %add3A_392 : i32
      %add3A_394 = arith.constant 1 : i32
      %add3A_395 = arith.addi %add3A_393, %add3A_394 : i32
      %mul3A_396 = arith.constant 80 : i32
      %mul3A_397 = arith.muli %add3A_395, %mul3A_396 : i32
      %add3A_398 = arith.addi %add3A, %mul3A_397 : i32
      %dma_wait3A_399 = arith.constant 0 : i32
      %dma_wait3A_400 = arith.constant 0 : i32
      %dma_wait3A_401 = arith.constant 0 : i32
      %dma_wait3A_402 = tpu.memref_slice %arg9[%dma_wait3A_399, %dma_wait3A_401] : memref<2x80xi32, #tpu.memory_space<vmem>> -> memref<1x80xi32, #tpu.memory_space<vmem>>
      %dma_wait3A_403 = tpu.memref_squeeze %dma_wait3A_402 : memref<1x80xi32, #tpu.memory_space<vmem>> -> memref<80xi32, #tpu.memory_space<vmem>>
      %dma_wait3A_404 = tpu.memref_slice %arg4[%add3A_398] : memref<320160xi32, #tpu.memory_space<hbm>> -> memref<80xi32, #tpu.memory_space<hbm>>
      %dma_wait3A_405 = tpu.memref_slice %arg14[%dma_wait3A_400] : memref<2x!tpu.dma_semaphore, #tpu.memory_space<semaphore_mem>> -> memref<1x!tpu.dma_semaphore, #tpu.memory_space<semaphore_mem>>
      %dma_wait3A_406 = tpu.memref_squeeze %dma_wait3A_405 : memref<1x!tpu.dma_semaphore, #tpu.memory_space<semaphore_mem>> -> memref<!tpu.dma_semaphore, #tpu.memory_space<semaphore_mem>>
      %dma_wait3A_407 = arith.constant 0 : i32
      %dma_wait3A_408 = tpu.memref_slice %arg9[%dma_wait3A_399, %dma_wait3A_407] : memref<2x80xi32, #tpu.memory_space<vmem>> -> memref<1x80xi32, #tpu.memory_space<vmem>>
      %dma_wait3A_409 = tpu.memref_squeeze %dma_wait3A_408 : memref<1x80xi32, #tpu.memory_space<vmem>> -> memref<80xi32, #tpu.memory_space<vmem>>
      %dma_wait3A_410 = tpu.memref_slice %arg4[%add3A_398] : memref<320160xi32, #tpu.memory_space<hbm>> -> memref<80xi32, #tpu.memory_space<hbm>>
      tpu.wait_dma2 semaphore(%dma_wait3A_406 : memref<!tpu.dma_semaphore, #tpu.memory_space<semaphore_mem>>) src(%dma_wait3A_410 : memref<80xi32, #tpu.memory_space<hbm>>) dst(%dma_wait3A_409 : memref<80xi32, #tpu.memory_space<vmem>>)
      %dma_wait3A_411 = arith.constant 0 : i32
      %dma_wait3A_412 = arith.constant 0 : i32
      %dma_wait3A_413 = arith.constant 0 : i32
      %dma_wait3A_414 = tpu.memref_slice %arg10[%dma_wait3A_411, %dma_wait3A_413] : memref<2x80xi32, #tpu.memory_space<vmem>> -> memref<1x80xi32, #tpu.memory_space<vmem>>
      %dma_wait3A_415 = tpu.memref_squeeze %dma_wait3A_414 : memref<1x80xi32, #tpu.memory_space<vmem>> -> memref<80xi32, #tpu.memory_space<vmem>>
      %dma_wait3A_416 = tpu.memref_slice %arg5[%add3A_398] : memref<320160xi32, #tpu.memory_space<hbm>> -> memref<80xi32, #tpu.memory_space<hbm>>
      %dma_wait3A_417 = tpu.memref_slice %arg15[%dma_wait3A_412] : memref<2x!tpu.dma_semaphore, #tpu.memory_space<semaphore_mem>> -> memref<1x!tpu.dma_semaphore, #tpu.memory_space<semaphore_mem>>
      %dma_wait3A_418 = tpu.memref_squeeze %dma_wait3A_417 : memref<1x!tpu.dma_semaphore, #tpu.memory_space<semaphore_mem>> -> memref<!tpu.dma_semaphore, #tpu.memory_space<semaphore_mem>>
      %dma_wait3A_419 = arith.constant 0 : i32
      %dma_wait3A_420 = tpu.memref_slice %arg10[%dma_wait3A_411, %dma_wait3A_419] : memref<2x80xi32, #tpu.memory_space<vmem>> -> memref<1x80xi32, #tpu.memory_space<vmem>>
      %dma_wait3A_421 = tpu.memref_squeeze %dma_wait3A_420 : memref<1x80xi32, #tpu.memory_space<vmem>> -> memref<80xi32, #tpu.memory_space<vmem>>
      %dma_wait3A_422 = tpu.memref_slice %arg5[%add3A_398] : memref<320160xi32, #tpu.memory_space<hbm>> -> memref<80xi32, #tpu.memory_space<hbm>>
      tpu.wait_dma2 semaphore(%dma_wait3A_418 : memref<!tpu.dma_semaphore, #tpu.memory_space<semaphore_mem>>) src(%dma_wait3A_422 : memref<80xi32, #tpu.memory_space<hbm>>) dst(%dma_wait3A_421 : memref<80xi32, #tpu.memory_space<vmem>>)
      %add3A_423 = arith.constant 1 : i32
      %add3A_424 = arith.addi %add3A_393, %add3A_423 : i32
      %mul3A_425 = arith.constant 80 : i32
      %mul3A_426 = arith.muli %add3A_424, %mul3A_425 : i32
      %add3A_427 = arith.addi %add3A, %mul3A_426 : i32
      %dma_start3A_428 = arith.constant 0 : i32
      %dma_start3A_429 = arith.constant 0 : i32
      %dma_start3A_430 = arith.constant 0 : i32
      %dma_start3A_431 = arith.constant 0 : i32
      %dma_start3A_432 = arith.constant 0 : i32
      %dma_start3A_433 = tpu.memref_slice %arg11[%dma_start3A_429, %dma_start3A_431, %dma_start3A_432] : memref<2x80x128xf32, #tpu.memory_space<vmem>> -> memref<1x80x128xf32, #tpu.memory_space<vmem>>
      %dma_start3A_434 = tpu.memref_squeeze %dma_start3A_433 : memref<1x80x128xf32, #tpu.memory_space<vmem>> -> memref<80x128xf32, #tpu.memory_space<vmem>>
      %dma_start3A_435 = arith.constant 0 : i32
      %dma_start3A_436 = tpu.memref_slice %arg9[%dma_start3A_428, %dma_start3A_435] : memref<2x80xi32, #tpu.memory_space<vmem>> -> memref<1x80xi32, #tpu.memory_space<vmem>>
      %dma_start3A_437 = tpu.memref_squeeze %dma_start3A_436 : memref<1x80xi32, #tpu.memory_space<vmem>> -> memref<80xi32, #tpu.memory_space<vmem>>
      %dma_start3A_438 = arith.constant 0 : i32
      %dma_start3A_439 = arith.constant 0 : i32
      %dma_start3A_440 = tpu.memref_slice %arg2[%dma_start3A_438, %dma_start3A_439] : memref<10000x128xf32, #tpu.memory_space<hbm>> -> memref<10000x128xf32, #tpu.memory_space<hbm>>
      %dma_start3A_441 = tpu.memref_slice %arg16[%dma_start3A_430] : memref<2x!tpu.dma_semaphore, #tpu.memory_space<semaphore_mem>> -> memref<1x!tpu.dma_semaphore, #tpu.memory_space<semaphore_mem>>
      %dma_start3A_442 = tpu.memref_squeeze %dma_start3A_441 : memref<1x!tpu.dma_semaphore, #tpu.memory_space<semaphore_mem>> -> memref<!tpu.dma_semaphore, #tpu.memory_space<semaphore_mem>>
      tpu.enqueue_indirect_dma source(%dma_start3A_440 : memref<10000x128xf32, #tpu.memory_space<hbm>>) target(%dma_start3A_434 : memref<80x128xf32, #tpu.memory_space<vmem>>) offsets(%dma_start3A_437 : memref<80xi32, #tpu.memory_space<vmem>>) semaphore(%dma_start3A_442 : memref<!tpu.dma_semaphore, #tpu.memory_space<semaphore_mem>>)
      %dma_start3A_443 = arith.constant 0 : i32
      %dma_start3A_444 = arith.constant 0 : i32
      %dma_start3A_445 = arith.constant 0 : i32
      %dma_start3A_446 = arith.constant 0 : i32
      %dma_start3A_447 = tpu.memref_slice %arg12[%dma_start3A_443, %dma_start3A_445, %dma_start3A_446] : memref<2x80x128xf32, #tpu.memory_space<vmem>> -> memref<1x80x128xf32, #tpu.memory_space<vmem>>
      %dma_start3A_448 = tpu.memref_squeeze %dma_start3A_447 : memref<1x80x128xf32, #tpu.memory_space<vmem>> -> memref<80x128xf32, #tpu.memory_space<vmem>>
      %dma_start3A_449 = arith.constant 0 : i32
      %dma_start3A_450 = tpu.memref_slice %arg3[%add3A_427, %dma_start3A_449] : memref<327680x128xf32, #tpu.memory_space<hbm>> -> memref<80x128xf32, #tpu.memory_space<hbm>>
      %dma_start3A_451 = tpu.memref_slice %arg17[%dma_start3A_444] : memref<2x!tpu.dma_semaphore, #tpu.memory_space<semaphore_mem>> -> memref<1x!tpu.dma_semaphore, #tpu.memory_space<semaphore_mem>>
      %dma_start3A_452 = tpu.memref_squeeze %dma_start3A_451 : memref<1x!tpu.dma_semaphore, #tpu.memory_space<semaphore_mem>> -> memref<!tpu.dma_semaphore, #tpu.memory_space<semaphore_mem>>
      %dma_start3A_453 = arith.constant 0 : i32
      %dma_start3A_454 = arith.constant 0 : i32
      %dma_start3A_455 = tpu.memref_slice %arg12[%dma_start3A_443, %dma_start3A_453, %dma_start3A_454] : memref<2x80x128xf32, #tpu.memory_space<vmem>> -> memref<1x80x128xf32, #tpu.memory_space<vmem>>
      %dma_start3A_456 = tpu.memref_squeeze %dma_start3A_455 : memref<1x80x128xf32, #tpu.memory_space<vmem>> -> memref<80x128xf32, #tpu.memory_space<vmem>>
      %dma_start3A_457 = arith.constant 0 : i32
      %dma_start3A_458 = tpu.memref_slice %arg3[%add3A_427, %dma_start3A_457] : memref<327680x128xf32, #tpu.memory_space<hbm>> -> memref<80x128xf32, #tpu.memory_space<hbm>>
      tpu.enqueue_dma source(%dma_start3A_458 : memref<80x128xf32, #tpu.memory_space<hbm>>) target(%dma_start3A_456 : memref<80x128xf32, #tpu.memory_space<vmem>>) target_semaphore(%dma_start3A_452 : memref<!tpu.dma_semaphore, #tpu.memory_space<semaphore_mem>>)
      %mul3A_459 = arith.constant 80 : i32
      %mul3A_460 = arith.muli %add3A_393, %mul3A_459 : i32
      %add3A_461 = arith.addi %add3A, %mul3A_460 : i32
      %dma_wait3A_462 = arith.constant 1 : i32
      %dma_wait3A_463 = arith.constant 1 : i32
      %dma_wait3A_464 = arith.constant 1 : i32
      %dma_wait3A_465 = arith.constant 0 : i32
      %dma_wait3A_466 = arith.constant 0 : i32
      %dma_wait3A_467 = tpu.memref_slice %arg11[%dma_wait3A_463, %dma_wait3A_465, %dma_wait3A_466] : memref<2x80x128xf32, #tpu.memory_space<vmem>> -> memref<1x80x128xf32, #tpu.memory_space<vmem>>
      %dma_wait3A_468 = tpu.memref_squeeze %dma_wait3A_467 : memref<1x80x128xf32, #tpu.memory_space<vmem>> -> memref<80x128xf32, #tpu.memory_space<vmem>>
      %dma_wait3A_469 = arith.constant 0 : i32
      %dma_wait3A_470 = tpu.memref_slice %arg9[%dma_wait3A_462, %dma_wait3A_469] : memref<2x80xi32, #tpu.memory_space<vmem>> -> memref<1x80xi32, #tpu.memory_space<vmem>>
      %dma_wait3A_471 = tpu.memref_squeeze %dma_wait3A_470 : memref<1x80xi32, #tpu.memory_space<vmem>> -> memref<80xi32, #tpu.memory_space<vmem>>
      %dma_wait3A_472 = arith.constant 0 : i32
      %dma_wait3A_473 = arith.constant 0 : i32
      %dma_wait3A_474 = tpu.memref_slice %arg2[%dma_wait3A_472, %dma_wait3A_473] : memref<10000x128xf32, #tpu.memory_space<hbm>> -> memref<10000x128xf32, #tpu.memory_space<hbm>>
      %dma_wait3A_475 = tpu.memref_slice %arg16[%dma_wait3A_464] : memref<2x!tpu.dma_semaphore, #tpu.memory_space<semaphore_mem>> -> memref<1x!tpu.dma_semaphore, #tpu.memory_space<semaphore_mem>>
      %dma_wait3A_476 = tpu.memref_squeeze %dma_wait3A_475 : memref<1x!tpu.dma_semaphore, #tpu.memory_space<semaphore_mem>> -> memref<!tpu.dma_semaphore, #tpu.memory_space<semaphore_mem>>
      tpu.wait_indirect_dma semaphore(%dma_wait3A_476 : memref<!tpu.dma_semaphore, #tpu.memory_space<semaphore_mem>>) src(%dma_wait3A_474 : memref<10000x128xf32, #tpu.memory_space<hbm>>) dst(%dma_wait3A_468 : memref<80x128xf32, #tpu.memory_space<vmem>>)
      %dma_wait3A_477 = arith.constant 1 : i32
      %dma_wait3A_478 = arith.constant 1 : i32
      %dma_wait3A_479 = arith.constant 0 : i32
      %dma_wait3A_480 = arith.constant 0 : i32
      %dma_wait3A_481 = tpu.memref_slice %arg12[%dma_wait3A_477, %dma_wait3A_479, %dma_wait3A_480] : memref<2x80x128xf32, #tpu.memory_space<vmem>> -> memref<1x80x128xf32, #tpu.memory_space<vmem>>
      %dma_wait3A_482 = tpu.memref_squeeze %dma_wait3A_481 : memref<1x80x128xf32, #tpu.memory_space<vmem>> -> memref<80x128xf32, #tpu.memory_space<vmem>>
      %dma_wait3A_483 = arith.constant 0 : i32
      %dma_wait3A_484 = tpu.memref_slice %arg3[%add3A_461, %dma_wait3A_483] : memref<327680x128xf32, #tpu.memory_space<hbm>> -> memref<80x128xf32, #tpu.memory_space<hbm>>
      %dma_wait3A_485 = tpu.memref_slice %arg17[%dma_wait3A_478] : memref<2x!tpu.dma_semaphore, #tpu.memory_space<semaphore_mem>> -> memref<1x!tpu.dma_semaphore, #tpu.memory_space<semaphore_mem>>
      %dma_wait3A_486 = tpu.memref_squeeze %dma_wait3A_485 : memref<1x!tpu.dma_semaphore, #tpu.memory_space<semaphore_mem>> -> memref<!tpu.dma_semaphore, #tpu.memory_space<semaphore_mem>>
      %dma_wait3A_487 = arith.constant 0 : i32
      %dma_wait3A_488 = arith.constant 0 : i32
      %dma_wait3A_489 = tpu.memref_slice %arg12[%dma_wait3A_477, %dma_wait3A_487, %dma_wait3A_488] : memref<2x80x128xf32, #tpu.memory_space<vmem>> -> memref<1x80x128xf32, #tpu.memory_space<vmem>>
      %dma_wait3A_490 = tpu.memref_squeeze %dma_wait3A_489 : memref<1x80x128xf32, #tpu.memory_space<vmem>> -> memref<80x128xf32, #tpu.memory_space<vmem>>
      %dma_wait3A_491 = arith.constant 0 : i32
      %dma_wait3A_492 = tpu.memref_slice %arg3[%add3A_461, %dma_wait3A_491] : memref<327680x128xf32, #tpu.memory_space<hbm>> -> memref<80x128xf32, #tpu.memory_space<hbm>>
      tpu.wait_dma2 semaphore(%dma_wait3A_486 : memref<!tpu.dma_semaphore, #tpu.memory_space<semaphore_mem>>) src(%dma_wait3A_492 : memref<80x128xf32, #tpu.memory_space<hbm>>) dst(%dma_wait3A_490 : memref<80x128xf32, #tpu.memory_space<vmem>>)
      %scan3A_493 = arith.constant 0 : i32
      %scan3A_494 = arith.constant 0 : i32
      %scan3A_495 = arith.constant 80 : i32
      %scan3A_496 = arith.addi %scan3A_494, %scan3A_495 : i32
      %scan3A_497 = arith.constant 1 : i32
      scf.for %scan3A_530 = %scan3A_494 to %scan3A_496 step %scan3A_497  : i32 {
        %get3A = arith.constant 1 : i32
        %get3A_531 = arith.index_cast %get3A : i32 to index
        %get3A_532 = arith.index_cast %scan3A_530 : i32 to index
        %get3A_533 = arith.constant 0 : index
        %get3A_534 = tpu.vector_load %arg11[%get3A_531, %get3A_532, %get3A_533] {strides = array<i32>} : memref<2x80x128xf32, #tpu.memory_space<vmem>>, vector<16xf32>,
        %get3A_535 = arith.constant 1 : i32
        %get3A_536 = arith.index_cast %get3A_535 : i32 to index
        %get3A_537 = arith.index_cast %scan3A_530 : i32 to index
        %get3A_538 = arith.constant 0 : index
        %get3A_539 = tpu.vector_load %arg12[%get3A_536, %get3A_537, %get3A_538] {strides = array<i32>} : memref<2x80x128xf32, #tpu.memory_space<vmem>>, vector<16xf32>,
        %mul3A_540 = arith.mulf %get3A_534, %get3A_539 : vector<16xf32>
        %swap3A = arith.constant 1 : i32
        %swap3A_541 = arith.index_cast %swap3A : i32 to index
        %swap3A_542 = arith.index_cast %scan3A_530 : i32 to index
        %swap3A_543 = arith.constant 0 : index
        %swap3A_544 = tpu.vector_load %arg11[%swap3A_541, %swap3A_542, %swap3A_543] {strides = array<i32>} : memref<2x80x128xf32, #tpu.memory_space<vmem>>, vector<16xf32>,
        tpu.vector_store %arg11[%swap3A_541, %swap3A_542, %swap3A_543], %mul3A_540 {strides = array<i32>} : memref<2x80x128xf32, #tpu.memory_space<vmem>>, vector<16xf32>,
        %get3A_545 = arith.constant 1 : i32
        %get3A_546 = arith.index_cast %get3A_545 : i32 to index
        %get3A_547 = arith.index_cast %scan3A_530 : i32 to index
        %get3A_548 = arith.constant 16 : index
        %get3A_549 = tpu.vector_load %arg11[%get3A_546, %get3A_547, %get3A_548] {strides = array<i32>} : memref<2x80x128xf32, #tpu.memory_space<vmem>>, vector<16xf32>,
        %get3A_550 = arith.constant 1 : i32
        %get3A_551 = arith.index_cast %get3A_550 : i32 to index
        %get3A_552 = arith.index_cast %scan3A_530 : i32 to index
        %get3A_553 = arith.constant 16 : index
        %get3A_554 = tpu.vector_load %arg12[%get3A_551, %get3A_552, %get3A_553] {strides = array<i32>} : memref<2x80x128xf32, #tpu.memory_space<vmem>>, vector<16xf32>,
        %mul3A_555 = arith.mulf %get3A_549, %get3A_554 : vector<16xf32>
        %swap3A_556 = arith.constant 1 : i32
        %swap3A_557 = arith.index_cast %swap3A_556 : i32 to index
        %swap3A_558 = arith.index_cast %scan3A_530 : i32 to index
        %swap3A_559 = arith.constant 16 : index
        %swap3A_560 = tpu.vector_load %arg11[%swap3A_557, %swap3A_558, %swap3A_559] {strides = array<i32>} : memref<2x80x128xf32, #tpu.memory_space<vmem>>, vector<16xf32>,
        tpu.vector_store %arg11[%swap3A_557, %swap3A_558, %swap3A_559], %mul3A_555 {strides = array<i32>} : memref<2x80x128xf32, #tpu.memory_space<vmem>>, vector<16xf32>,
        %get3A_561 = arith.constant 1 : i32
        %get3A_562 = arith.index_cast %get3A_561 : i32 to index
        %get3A_563 = arith.index_cast %scan3A_530 : i32 to index
        %get3A_564 = arith.constant 32 : index
        %get3A_565 = tpu.vector_load %arg11[%get3A_562, %get3A_563, %get3A_564] {strides = array<i32>} : memref<2x80x128xf32, #tpu.memory_space<vmem>>, vector<16xf32>,
        %get3A_566 = arith.constant 1 : i32
        %get3A_567 = arith.index_cast %get3A_566 : i32 to index
        %get3A_568 = arith.index_cast %scan3A_530 : i32 to index
        %get3A_569 = arith.constant 32 : index
        %get3A_570 = tpu.vector_load %arg12[%get3A_567, %get3A_568, %get3A_569] {strides = array<i32>} : memref<2x80x128xf32, #tpu.memory_space<vmem>>, vector<16xf32>,
        %mul3A_571 = arith.mulf %get3A_565, %get3A_570 : vector<16xf32>
        %swap3A_572 = arith.constant 1 : i32
        %swap3A_573 = arith.index_cast %swap3A_572 : i32 to index
        %swap3A_574 = arith.index_cast %scan3A_530 : i32 to index
        %swap3A_575 = arith.constant 32 : index
        %swap3A_576 = tpu.vector_load %arg11[%swap3A_573, %swap3A_574, %swap3A_575] {strides = array<i32>} : memref<2x80x128xf32, #tpu.memory_space<vmem>>, vector<16xf32>,
        tpu.vector_store %arg11[%swap3A_573, %swap3A_574, %swap3A_575], %mul3A_571 {strides = array<i32>} : memref<2x80x128xf32, #tpu.memory_space<vmem>>, vector<16xf32>,
        %get3A_577 = arith.constant 1 : i32
        %get3A_578 = arith.index_cast %get3A_577 : i32 to index
        %get3A_579 = arith.index_cast %scan3A_530 : i32 to index
        %get3A_580 = arith.constant 48 : index
        %get3A_581 = tpu.vector_load %arg11[%get3A_578, %get3A_579, %get3A_580] {strides = array<i32>} : memref<2x80x128xf32, #tpu.memory_space<vmem>>, vector<16xf32>,
        %get3A_582 = arith.constant 1 : i32
        %get3A_583 = arith.index_cast %get3A_582 : i32 to index
        %get3A_584 = arith.index_cast %scan3A_530 : i32 to index
        %get3A_585 = arith.constant 48 : index
        %get3A_586 = tpu.vector_load %arg12[%get3A_583, %get3A_584, %get3A_585] {strides = array<i32>} : memref<2x80x128xf32, #tpu.memory_space<vmem>>, vector<16xf32>,
        %mul3A_587 = arith.mulf %get3A_581, %get3A_586 : vector<16xf32>
        %swap3A_588 = arith.constant 1 : i32
        %swap3A_589 = arith.index_cast %swap3A_588 : i32 to index
        %swap3A_590 = arith.index_cast %scan3A_530 : i32 to index
        %swap3A_591 = arith.constant 48 : index
        %swap3A_592 = tpu.vector_load %arg11[%swap3A_589, %swap3A_590, %swap3A_591] {strides = array<i32>} : memref<2x80x128xf32, #tpu.memory_space<vmem>>, vector<16xf32>,
        tpu.vector_store %arg11[%swap3A_589, %swap3A_590, %swap3A_591], %mul3A_587 {strides = array<i32>} : memref<2x80x128xf32, #tpu.memory_space<vmem>>, vector<16xf32>,
        %get3A_593 = arith.constant 1 : i32
        %get3A_594 = arith.index_cast %get3A_593 : i32 to index
        %get3A_595 = arith.index_cast %scan3A_530 : i32 to index
        %get3A_596 = arith.constant 64 : index
        %get3A_597 = tpu.vector_load %arg11[%get3A_594, %get3A_595, %get3A_596] {strides = array<i32>} : memref<2x80x128xf32, #tpu.memory_space<vmem>>, vector<16xf32>,
        %get3A_598 = arith.constant 1 : i32
        %get3A_599 = arith.index_cast %get3A_598 : i32 to index
        %get3A_600 = arith.index_cast %scan3A_530 : i32 to index
        %get3A_601 = arith.constant 64 : index
        %get3A_602 = tpu.vector_load %arg12[%get3A_599, %get3A_600, %get3A_601] {strides = array<i32>} : memref<2x80x128xf32, #tpu.memory_space<vmem>>, vector<16xf32>,
        %mul3A_603 = arith.mulf %get3A_597, %get3A_602 : vector<16xf32>
        %swap3A_604 = arith.constant 1 : i32
        %swap3A_605 = arith.index_cast %swap3A_604 : i32 to index
        %swap3A_606 = arith.index_cast %scan3A_530 : i32 to index
        %swap3A_607 = arith.constant 64 : index
        %swap3A_608 = tpu.vector_load %arg11[%swap3A_605, %swap3A_606, %swap3A_607] {strides = array<i32>} : memref<2x80x128xf32, #tpu.memory_space<vmem>>, vector<16xf32>,
        tpu.vector_store %arg11[%swap3A_605, %swap3A_606, %swap3A_607], %mul3A_603 {strides = array<i32>} : memref<2x80x128xf32, #tpu.memory_space<vmem>>, vector<16xf32>,
        %get3A_609 = arith.constant 1 : i32
        %get3A_610 = arith.index_cast %get3A_609 : i32 to index
        %get3A_611 = arith.index_cast %scan3A_530 : i32 to index
        %get3A_612 = arith.constant 80 : index
        %get3A_613 = tpu.vector_load %arg11[%get3A_610, %get3A_611, %get3A_612] {strides = array<i32>} : memref<2x80x128xf32, #tpu.memory_space<vmem>>, vector<16xf32>,
        %get3A_614 = arith.constant 1 : i32
        %get3A_615 = arith.index_cast %get3A_614 : i32 to index
        %get3A_616 = arith.index_cast %scan3A_530 : i32 to index
        %get3A_617 = arith.constant 80 : index
        %get3A_618 = tpu.vector_load %arg12[%get3A_615, %get3A_616, %get3A_617] {strides = array<i32>} : memref<2x80x128xf32, #tpu.memory_space<vmem>>, vector<16xf32>,
        %mul3A_619 = arith.mulf %get3A_613, %get3A_618 : vector<16xf32>
        %swap3A_620 = arith.constant 1 : i32
        %swap3A_621 = arith.index_cast %swap3A_620 : i32 to index
        %swap3A_622 = arith.index_cast %scan3A_530 : i32 to index
        %swap3A_623 = arith.constant 80 : index
        %swap3A_624 = tpu.vector_load %arg11[%swap3A_621, %swap3A_622, %swap3A_623] {strides = array<i32>} : memref<2x80x128xf32, #tpu.memory_space<vmem>>, vector<16xf32>,
        tpu.vector_store %arg11[%swap3A_621, %swap3A_622, %swap3A_623], %mul3A_619 {strides = array<i32>} : memref<2x80x128xf32, #tpu.memory_space<vmem>>, vector<16xf32>,
        %get3A_625 = arith.constant 1 : i32
        %get3A_626 = arith.index_cast %get3A_625 : i32 to index
        %get3A_627 = arith.index_cast %scan3A_530 : i32 to index
        %get3A_628 = arith.constant 96 : index
        %get3A_629 = tpu.vector_load %arg11[%get3A_626, %get3A_627, %get3A_628] {strides = array<i32>} : memref<2x80x128xf32, #tpu.memory_space<vmem>>, vector<16xf32>,
        %get3A_630 = arith.constant 1 : i32
        %get3A_631 = arith.index_cast %get3A_630 : i32 to index
        %get3A_632 = arith.index_cast %scan3A_530 : i32 to index
        %get3A_633 = arith.constant 96 : index
        %get3A_634 = tpu.vector_load %arg12[%get3A_631, %get3A_632, %get3A_633] {strides = array<i32>} : memref<2x80x128xf32, #tpu.memory_space<vmem>>, vector<16xf32>,
        %mul3A_635 = arith.mulf %get3A_629, %get3A_634 : vector<16xf32>
        %swap3A_636 = arith.constant 1 : i32
        %swap3A_637 = arith.index_cast %swap3A_636 : i32 to index
        %swap3A_638 = arith.index_cast %scan3A_530 : i32 to index
        %swap3A_639 = arith.constant 96 : index
        %swap3A_640 = tpu.vector_load %arg11[%swap3A_637, %swap3A_638, %swap3A_639] {strides = array<i32>} : memref<2x80x128xf32, #tpu.memory_space<vmem>>, vector<16xf32>,
        tpu.vector_store %arg11[%swap3A_637, %swap3A_638, %swap3A_639], %mul3A_635 {strides = array<i32>} : memref<2x80x128xf32, #tpu.memory_space<vmem>>, vector<16xf32>,
        %get3A_641 = arith.constant 1 : i32
        %get3A_642 = arith.index_cast %get3A_641 : i32 to index
        %get3A_643 = arith.index_cast %scan3A_530 : i32 to index
        %get3A_644 = arith.constant 112 : index
        %get3A_645 = tpu.vector_load %arg11[%get3A_642, %get3A_643, %get3A_644] {strides = array<i32>} : memref<2x80x128xf32, #tpu.memory_space<vmem>>, vector<16xf32>,
        %get3A_646 = arith.constant 1 : i32
        %get3A_647 = arith.index_cast %get3A_646 : i32 to index
        %get3A_648 = arith.index_cast %scan3A_530 : i32 to index
        %get3A_649 = arith.constant 112 : index
        %get3A_650 = tpu.vector_load %arg12[%get3A_647, %get3A_648, %get3A_649] {strides = array<i32>} : memref<2x80x128xf32, #tpu.memory_space<vmem>>, vector<16xf32>,
        %mul3A_651 = arith.mulf %get3A_645, %get3A_650 : vector<16xf32>
        %swap3A_652 = arith.constant 1 : i32
        %swap3A_653 = arith.index_cast %swap3A_652 : i32 to index
        %swap3A_654 = arith.index_cast %scan3A_530 : i32 to index
        %swap3A_655 = arith.constant 112 : index
        %swap3A_656 = tpu.vector_load %arg11[%swap3A_653, %swap3A_654, %swap3A_655] {strides = array<i32>} : memref<2x80x128xf32, #tpu.memory_space<vmem>>, vector<16xf32>,
        tpu.vector_store %arg11[%swap3A_653, %swap3A_654, %swap3A_655], %mul3A_651 {strides = array<i32>} : memref<2x80x128xf32, #tpu.memory_space<vmem>>, vector<16xf32>,
      }
      %scan3A_498 = arith.constant 80 : i32
      %run_scoped3A_499 = arith.constant 1 : i32
      %run_scoped3A_500 = arith.constant 1 : i32
      "tpu.region"() ({
        %run_scoped3A_530 = tpu.sem_alloc : memref<!tpu.dma_semaphore, #tpu.memory_space<semaphore_mem>>
        %dma_start3A_531 = arith.constant 0 : i32
        %dma_start3A_532 = arith.constant 0 : i32
        %dma_start3A_533 = tpu.memref_slice %arg11[%run_scoped3A_499, %dma_start3A_531, %dma_start3A_532] : memref<2x80x128xf32, #tpu.memory_space<vmem>> -> memref<1x80x128xf32, #tpu.memory_space<vmem>>
        %dma_start3A_534 = tpu.memref_squeeze %dma_start3A_533 : memref<1x80x128xf32, #tpu.memory_space<vmem>> -> memref<80x128xf32, #tpu.memory_space<vmem>>
        %dma_start3A_535 = arith.constant 0 : i32
        %dma_start3A_536 = tpu.memref_slice %arg10[%run_scoped3A_500, %dma_start3A_535] : memref<2x80xi32, #tpu.memory_space<vmem>> -> memref<1x80xi32, #tpu.memory_space<vmem>>
        %dma_start3A_537 = tpu.memref_squeeze %dma_start3A_536 : memref<1x80xi32, #tpu.memory_space<vmem>> -> memref<80xi32, #tpu.memory_space<vmem>>
        %dma_start3A_538 = arith.constant 0 : i32
        %dma_start3A_539 = arith.constant 0 : i32
        %dma_start3A_540 = tpu.memref_slice %arg8[%dma_start3A_538, %dma_start3A_539] : memref<10000x128xf32, #tpu.memory_space<vmem_shared>> -> memref<10000x128xf32, #tpu.memory_space<vmem_shared>>
        tpu.enqueue_indirect_dma source(%dma_start3A_534 : memref<80x128xf32, #tpu.memory_space<vmem>>) target(%dma_start3A_540 : memref<10000x128xf32, #tpu.memory_space<vmem_shared>>) offsets(%dma_start3A_537 : memref<80xi32, #tpu.memory_space<vmem>>) semaphore(%run_scoped3A_530 : memref<!tpu.dma_semaphore, #tpu.memory_space<semaphore_mem>>) {add = true}
        %dma_wait3A_541 = arith.constant 0 : i32
        %dma_wait3A_542 = arith.constant 0 : i32
        %dma_wait3A_543 = tpu.memref_slice %arg11[%run_scoped3A_499, %dma_wait3A_541, %dma_wait3A_542] : memref<2x80x128xf32, #tpu.memory_space<vmem>> -> memref<1x80x128xf32, #tpu.memory_space<vmem>>
        %dma_wait3A_544 = tpu.memref_squeeze %dma_wait3A_543 : memref<1x80x128xf32, #tpu.memory_space<vmem>> -> memref<80x128xf32, #tpu.memory_space<vmem>>
        %dma_wait3A_545 = arith.constant 0 : i32
        %dma_wait3A_546 = tpu.memref_slice %arg10[%run_scoped3A_500, %dma_wait3A_545] : memref<2x80xi32, #tpu.memory_space<vmem>> -> memref<1x80xi32, #tpu.memory_space<vmem>>
        %dma_wait3A_547 = tpu.memref_squeeze %dma_wait3A_546 : memref<1x80xi32, #tpu.memory_space<vmem>> -> memref<80xi32, #tpu.memory_space<vmem>>
        %dma_wait3A_548 = arith.constant 0 : i32
        %dma_wait3A_549 = arith.constant 0 : i32
        %dma_wait3A_550 = tpu.memref_slice %arg8[%dma_wait3A_548, %dma_wait3A_549] : memref<10000x128xf32, #tpu.memory_space<vmem_shared>> -> memref<10000x128xf32, #tpu.memory_space<vmem_shared>>
        tpu.wait_indirect_dma semaphore(%run_scoped3A_530 : memref<!tpu.dma_semaphore, #tpu.memory_space<semaphore_mem>>) src(%dma_wait3A_544 : memref<80x128xf32, #tpu.memory_space<vmem>>) dst(%dma_wait3A_550 : memref<10000x128xf32, #tpu.memory_space<vmem_shared>>)
        tpu.yield
      }) : () -> ()
      %add3A_501 = arith.constant 2 : i32
      %add3A_502 = arith.addi %add3A_393, %add3A_501 : i32
      %mul3A_503 = arith.constant 80 : i32
      %mul3A_504 = arith.muli %add3A_502, %mul3A_503 : i32
      %add3A_505 = arith.addi %add3A, %mul3A_504 : i32
      %dma_start3A_506 = arith.constant 1 : i32
      %dma_start3A_507 = arith.constant 1 : i32
      %dma_start3A_508 = arith.constant 0 : i32
      %dma_start3A_509 = tpu.memref_slice %arg9[%dma_start3A_506, %dma_start3A_508] : memref<2x80xi32, #tpu.memory_space<vmem>> -> memref<1x80xi32, #tpu.memory_space<vmem>>
      %dma_start3A_510 = tpu.memref_squeeze %dma_start3A_509 : memref<1x80xi32, #tpu.memory_space<vmem>> -> memref<80xi32, #tpu.memory_space<vmem>>
      %dma_start3A_511 = tpu.memref_slice %arg4[%add3A_505] : memref<320160xi32, #tpu.memory_space<hbm>> -> memref<80xi32, #tpu.memory_space<hbm>>
      %dma_start3A_512 = tpu.memref_slice %arg14[%dma_start3A_507] : memref<2x!tpu.dma_semaphore, #tpu.memory_space<semaphore_mem>> -> memref<1x!tpu.dma_semaphore, #tpu.memory_space<semaphore_mem>>
      %dma_start3A_513 = tpu.memref_squeeze %dma_start3A_512 : memref<1x!tpu.dma_semaphore, #tpu.memory_space<semaphore_mem>> -> memref<!tpu.dma_semaphore, #tpu.memory_space<semaphore_mem>>
      %dma_start3A_514 = arith.constant 0 : i32
      %dma_start3A_515 = tpu.memref_slice %arg9[%dma_start3A_506, %dma_start3A_514] : memref<2x80xi32, #tpu.memory_space<vmem>> -> memref<1x80xi32, #tpu.memory_space<vmem>>
      %dma_start3A_516 = tpu.memref_squeeze %dma_start3A_515 : memref<1x80xi32, #tpu.memory_space<vmem>> -> memref<80xi32, #tpu.memory_space<vmem>>
      %dma_start3A_517 = tpu.memref_slice %arg4[%add3A_505] : memref<320160xi32, #tpu.memory_space<hbm>> -> memref<80xi32, #tpu.memory_space<hbm>>
      tpu.enqueue_dma source(%dma_start3A_517 : memref<80xi32, #tpu.memory_space<hbm>>) target(%dma_start3A_516 : memref<80xi32, #tpu.memory_space<vmem>>) target_semaphore(%dma_start3A_513 : memref<!tpu.dma_semaphore, #tpu.memory_space<semaphore_mem>>)
      %dma_start3A_518 = arith.constant 1 : i32
      %dma_start3A_519 = arith.constant 1 : i32
      %dma_start3A_520 = arith.constant 0 : i32
      %dma_start3A_521 = tpu.memref_slice %arg10[%dma_start3A_518, %dma_start3A_520] : memref<2x80xi32, #tpu.memory_space<vmem>> -> memref<1x80xi32, #tpu.memory_space<vmem>>
      %dma_start3A_522 = tpu.memref_squeeze %dma_start3A_521 : memref<1x80xi32, #tpu.memory_space<vmem>> -> memref<80xi32, #tpu.memory_space<vmem>>
      %dma_start3A_523 = tpu.memref_slice %arg5[%add3A_505] : memref<320160xi32, #tpu.memory_space<hbm>> -> memref<80xi32, #tpu.memory_space<hbm>>
      %dma_start3A_524 = tpu.memref_slice %arg15[%dma_start3A_519] : memref<2x!tpu.dma_semaphore, #tpu.memory_space<semaphore_mem>> -> memref<1x!tpu.dma_semaphore, #tpu.memory_space<semaphore_mem>>
      %dma_start3A_525 = tpu.memref_squeeze %dma_start3A_524 : memref<1x!tpu.dma_semaphore, #tpu.memory_space<semaphore_mem>> -> memref<!tpu.dma_semaphore, #tpu.memory_space<semaphore_mem>>
      %dma_start3A_526 = arith.constant 0 : i32
      %dma_start3A_527 = tpu.memref_slice %arg10[%dma_start3A_518, %dma_start3A_526] : memref<2x80xi32, #tpu.memory_space<vmem>> -> memref<1x80xi32, #tpu.memory_space<vmem>>
      %dma_start3A_528 = tpu.memref_squeeze %dma_start3A_527 : memref<1x80xi32, #tpu.memory_space<vmem>> -> memref<80xi32, #tpu.memory_space<vmem>>
      %dma_start3A_529 = tpu.memref_slice %arg5[%add3A_505] : memref<320160xi32, #tpu.memory_space<hbm>> -> memref<80xi32, #tpu.memory_space<hbm>>
      tpu.enqueue_dma source(%dma_start3A_529 : memref<80xi32, #tpu.memory_space<hbm>>) target(%dma_start3A_528 : memref<80xi32, #tpu.memory_space<vmem>>) target_semaphore(%dma_start3A_525 : memref<!tpu.dma_semaphore, #tpu.memory_space<semaphore_mem>>)
    }
    %scan3A_174 = arith.constant 62 : i32
    %add3A_175 = arith.constant 9920 : i32
    %add3A_176 = arith.addi %add3A, %add3A_175 : i32
    %dma_wait3A_177 = arith.constant 0 : i32
    %dma_wait3A_178 = arith.constant 0 : i32
    %dma_wait3A_179 = arith.constant 0 : i32
    %dma_wait3A_180 = arith.constant 0 : i32
    %dma_wait3A_181 = arith.constant 0 : i32
    %dma_wait3A_182 = tpu.memref_slice %arg11[%dma_wait3A_178, %dma_wait3A_180, %dma_wait3A_181] : memref<2x80x128xf32, #tpu.memory_space<vmem>> -> memref<1x80x128xf32, #tpu.memory_space<vmem>>
    %dma_wait3A_183 = tpu.memref_squeeze %dma_wait3A_182 : memref<1x80x128xf32, #tpu.memory_space<vmem>> -> memref<80x128xf32, #tpu.memory_space<vmem>>
    %dma_wait3A_184 = arith.constant 0 : i32
    %dma_wait3A_185 = tpu.memref_slice %arg9[%dma_wait3A_177, %dma_wait3A_184] : memref<2x80xi32, #tpu.memory_space<vmem>> -> memref<1x80xi32, #tpu.memory_space<vmem>>
    %dma_wait3A_186 = tpu.memref_squeeze %dma_wait3A_185 : memref<1x80xi32, #tpu.memory_space<vmem>> -> memref<80xi32, #tpu.memory_space<vmem>>
    %dma_wait3A_187 = arith.constant 0 : i32
    %dma_wait3A_188 = arith.constant 0 : i32
    %dma_wait3A_189 = tpu.memref_slice %arg2[%dma_wait3A_187, %dma_wait3A_188] : memref<10000x128xf32, #tpu.memory_space<hbm>> -> memref<10000x128xf32, #tpu.memory_space<hbm>>
    %dma_wait3A_190 = tpu.memref_slice %arg16[%dma_wait3A_179] : memref<2x!tpu.dma_semaphore, #tpu.memory_space<semaphore_mem>> -> memref<1x!tpu.dma_semaphore, #tpu.memory_space<semaphore_mem>>
    %dma_wait3A_191 = tpu.memref_squeeze %dma_wait3A_190 : memref<1x!tpu.dma_semaphore, #tpu.memory_space<semaphore_mem>> -> memref<!tpu.dma_semaphore, #tpu.memory_space<semaphore_mem>>
    tpu.wait_indirect_dma semaphore(%dma_wait3A_191 : memref<!tpu.dma_semaphore, #tpu.memory_space<semaphore_mem>>) src(%dma_wait3A_189 : memref<10000x128xf32, #tpu.memory_space<hbm>>) dst(%dma_wait3A_183 : memref<80x128xf32, #tpu.memory_space<vmem>>)
    %dma_wait3A_192 = arith.constant 0 : i32
    %dma_wait3A_193 = arith.constant 0 : i32
    %dma_wait3A_194 = arith.constant 0 : i32
    %dma_wait3A_195 = arith.constant 0 : i32
    %dma_wait3A_196 = tpu.memref_slice %arg12[%dma_wait3A_192, %dma_wait3A_194, %dma_wait3A_195] : memref<2x80x128xf32, #tpu.memory_space<vmem>> -> memref<1x80x128xf32, #tpu.memory_space<vmem>>
    %dma_wait3A_197 = tpu.memref_squeeze %dma_wait3A_196 : memref<1x80x128xf32, #tpu.memory_space<vmem>> -> memref<80x128xf32, #tpu.memory_space<vmem>>
    %dma_wait3A_198 = arith.constant 0 : i32
    %dma_wait3A_199 = tpu.memref_slice %arg3[%add3A_176, %dma_wait3A_198] : memref<327680x128xf32, #tpu.memory_space<hbm>> -> memref<80x128xf32, #tpu.memory_space<hbm>>
    %dma_wait3A_200 = tpu.memref_slice %arg17[%dma_wait3A_193] : memref<2x!tpu.dma_semaphore, #tpu.memory_space<semaphore_mem>> -> memref<1x!tpu.dma_semaphore, #tpu.memory_space<semaphore_mem>>
    %dma_wait3A_201 = tpu.memref_squeeze %dma_wait3A_200 : memref<1x!tpu.dma_semaphore, #tpu.memory_space<semaphore_mem>> -> memref<!tpu.dma_semaphore, #tpu.memory_space<semaphore_mem>>
    %dma_wait3A_202 = arith.constant 0 : i32
    %dma_wait3A_203 = arith.constant 0 : i32
    %dma_wait3A_204 = tpu.memref_slice %arg12[%dma_wait3A_192, %dma_wait3A_202, %dma_wait3A_203] : memref<2x80x128xf32, #tpu.memory_space<vmem>> -> memref<1x80x128xf32, #tpu.memory_space<vmem>>
    %dma_wait3A_205 = tpu.memref_squeeze %dma_wait3A_204 : memref<1x80x128xf32, #tpu.memory_space<vmem>> -> memref<80x128xf32, #tpu.memory_space<vmem>>
    %dma_wait3A_206 = arith.constant 0 : i32
    %dma_wait3A_207 = tpu.memref_slice %arg3[%add3A_176, %dma_wait3A_206] : memref<327680x128xf32, #tpu.memory_space<hbm>> -> memref<80x128xf32, #tpu.memory_space<hbm>>
    tpu.wait_dma2 semaphore(%dma_wait3A_201 : memref<!tpu.dma_semaphore, #tpu.memory_space<semaphore_mem>>) src(%dma_wait3A_207 : memref<80x128xf32, #tpu.memory_space<hbm>>) dst(%dma_wait3A_205 : memref<80x128xf32, #tpu.memory_space<vmem>>)
    %scan3A_208 = arith.constant 0 : i32
    %scan3A_209 = arith.constant 0 : i32
    %scan3A_210 = arith.constant 80 : i32
    %scan3A_211 = arith.addi %scan3A_209, %scan3A_210 : i32
    %scan3A_212 = arith.constant 1 : i32
    scf.for %scan3A_249 = %scan3A_209 to %scan3A_211 step %scan3A_212  : i32 {
      %get3A = arith.constant 0 : i32
      %get3A_250 = arith.index_cast %get3A : i32 to index
      %get3A_251 = arith.index_cast %scan3A_249 : i32 to index
      %get3A_252 = arith.constant 0 : index
      %get3A_253 = tpu.vector_load %arg11[%get3A_250, %get3A_251, %get3A_252] {strides = array<i32>} : memref<2x80x128xf32, #tpu.memory_space<vmem>>, vector<16xf32>,
      %get3A_254 = arith.constant 0 : i32
      %get3A_255 = arith.index_cast %get3A_254 : i32 to index
      %get3A_256 = arith.index_cast %scan3A_249 : i32 to index
      %get3A_257 = arith.constant 0 : index
      %get3A_258 = tpu.vector_load %arg12[%get3A_255, %get3A_256, %get3A_257] {strides = array<i32>} : memref<2x80x128xf32, #tpu.memory_space<vmem>>, vector<16xf32>,
      %mul3A_259 = arith.mulf %get3A_253, %get3A_258 : vector<16xf32>
      %swap3A = arith.constant 0 : i32
      %swap3A_260 = arith.index_cast %swap3A : i32 to index
      %swap3A_261 = arith.index_cast %scan3A_249 : i32 to index
      %swap3A_262 = arith.constant 0 : index
      %swap3A_263 = tpu.vector_load %arg11[%swap3A_260, %swap3A_261, %swap3A_262] {strides = array<i32>} : memref<2x80x128xf32, #tpu.memory_space<vmem>>, vector<16xf32>,
      tpu.vector_store %arg11[%swap3A_260, %swap3A_261, %swap3A_262], %mul3A_259 {strides = array<i32>} : memref<2x80x128xf32, #tpu.memory_space<vmem>>, vector<16xf32>,
      %get3A_264 = arith.constant 0 : i32
      %get3A_265 = arith.index_cast %get3A_264 : i32 to index
      %get3A_266 = arith.index_cast %scan3A_249 : i32 to index
      %get3A_267 = arith.constant 16 : index
      %get3A_268 = tpu.vector_load %arg11[%get3A_265, %get3A_266, %get3A_267] {strides = array<i32>} : memref<2x80x128xf32, #tpu.memory_space<vmem>>, vector<16xf32>,
      %get3A_269 = arith.constant 0 : i32
      %get3A_270 = arith.index_cast %get3A_269 : i32 to index
      %get3A_271 = arith.index_cast %scan3A_249 : i32 to index
      %get3A_272 = arith.constant 16 : index
      %get3A_273 = tpu.vector_load %arg12[%get3A_270, %get3A_271, %get3A_272] {strides = array<i32>} : memref<2x80x128xf32, #tpu.memory_space<vmem>>, vector<16xf32>,
      %mul3A_274 = arith.mulf %get3A_268, %get3A_273 : vector<16xf32>
      %swap3A_275 = arith.constant 0 : i32
      %swap3A_276 = arith.index_cast %swap3A_275 : i32 to index
      %swap3A_277 = arith.index_cast %scan3A_249 : i32 to index
      %swap3A_278 = arith.constant 16 : index
      %swap3A_279 = tpu.vector_load %arg11[%swap3A_276, %swap3A_277, %swap3A_278] {strides = array<i32>} : memref<2x80x128xf32, #tpu.memory_space<vmem>>, vector<16xf32>,
      tpu.vector_store %arg11[%swap3A_276, %swap3A_277, %swap3A_278], %mul3A_274 {strides = array<i32>} : memref<2x80x128xf32, #tpu.memory_space<vmem>>, vector<16xf32>,
      %get3A_280 = arith.constant 0 : i32
      %get3A_281 = arith.index_cast %get3A_280 : i32 to index
      %get3A_282 = arith.index_cast %scan3A_249 : i32 to index
      %get3A_283 = arith.constant 32 : index
      %get3A_284 = tpu.vector_load %arg11[%get3A_281, %get3A_282, %get3A_283] {strides = array<i32>} : memref<2x80x128xf32, #tpu.memory_space<vmem>>, vector<16xf32>,
      %get3A_285 = arith.constant 0 : i32
      %get3A_286 = arith.index_cast %get3A_285 : i32 to index
      %get3A_287 = arith.index_cast %scan3A_249 : i32 to index
      %get3A_288 = arith.constant 32 : index
      %get3A_289 = tpu.vector_load %arg12[%get3A_286, %get3A_287, %get3A_288] {strides = array<i32>} : memref<2x80x128xf32, #tpu.memory_space<vmem>>, vector<16xf32>,
      %mul3A_290 = arith.mulf %get3A_284, %get3A_289 : vector<16xf32>
      %swap3A_291 = arith.constant 0 : i32
      %swap3A_292 = arith.index_cast %swap3A_291 : i32 to index
      %swap3A_293 = arith.index_cast %scan3A_249 : i32 to index
      %swap3A_294 = arith.constant 32 : index
      %swap3A_295 = tpu.vector_load %arg11[%swap3A_292, %swap3A_293, %swap3A_294] {strides = array<i32>} : memref<2x80x128xf32, #tpu.memory_space<vmem>>, vector<16xf32>,
      tpu.vector_store %arg11[%swap3A_292, %swap3A_293, %swap3A_294], %mul3A_290 {strides = array<i32>} : memref<2x80x128xf32, #tpu.memory_space<vmem>>, vector<16xf32>,
      %get3A_296 = arith.constant 0 : i32
      %get3A_297 = arith.index_cast %get3A_296 : i32 to index
      %get3A_298 = arith.index_cast %scan3A_249 : i32 to index
      %get3A_299 = arith.constant 48 : index
      %get3A_300 = tpu.vector_load %arg11[%get3A_297, %get3A_298, %get3A_299] {strides = array<i32>} : memref<2x80x128xf32, #tpu.memory_space<vmem>>, vector<16xf32>,
      %get3A_301 = arith.constant 0 : i32
      %get3A_302 = arith.index_cast %get3A_301 : i32 to index
      %get3A_303 = arith.index_cast %scan3A_249 : i32 to index
      %get3A_304 = arith.constant 48 : index
      %get3A_305 = tpu.vector_load %arg12[%get3A_302, %get3A_303, %get3A_304] {strides = array<i32>} : memref<2x80x128xf32, #tpu.memory_space<vmem>>, vector<16xf32>,
      %mul3A_306 = arith.mulf %get3A_300, %get3A_305 : vector<16xf32>
      %swap3A_307 = arith.constant 0 : i32
      %swap3A_308 = arith.index_cast %swap3A_307 : i32 to index
      %swap3A_309 = arith.index_cast %scan3A_249 : i32 to index
      %swap3A_310 = arith.constant 48 : index
      %swap3A_311 = tpu.vector_load %arg11[%swap3A_308, %swap3A_309, %swap3A_310] {strides = array<i32>} : memref<2x80x128xf32, #tpu.memory_space<vmem>>, vector<16xf32>,
      tpu.vector_store %arg11[%swap3A_308, %swap3A_309, %swap3A_310], %mul3A_306 {strides = array<i32>} : memref<2x80x128xf32, #tpu.memory_space<vmem>>, vector<16xf32>,
      %get3A_312 = arith.constant 0 : i32
      %get3A_313 = arith.index_cast %get3A_312 : i32 to index
      %get3A_314 = arith.index_cast %scan3A_249 : i32 to index
      %get3A_315 = arith.constant 64 : index
      %get3A_316 = tpu.vector_load %arg11[%get3A_313, %get3A_314, %get3A_315] {strides = array<i32>} : memref<2x80x128xf32, #tpu.memory_space<vmem>>, vector<16xf32>,
      %get3A_317 = arith.constant 0 : i32
      %get3A_318 = arith.index_cast %get3A_317 : i32 to index
      %get3A_319 = arith.index_cast %scan3A_249 : i32 to index
      %get3A_320 = arith.constant 64 : index
      %get3A_321 = tpu.vector_load %arg12[%get3A_318, %get3A_319, %get3A_320] {strides = array<i32>} : memref<2x80x128xf32, #tpu.memory_space<vmem>>, vector<16xf32>,
      %mul3A_322 = arith.mulf %get3A_316, %get3A_321 : vector<16xf32>
      %swap3A_323 = arith.constant 0 : i32
      %swap3A_324 = arith.index_cast %swap3A_323 : i32 to index
      %swap3A_325 = arith.index_cast %scan3A_249 : i32 to index
      %swap3A_326 = arith.constant 64 : index
      %swap3A_327 = tpu.vector_load %arg11[%swap3A_324, %swap3A_325, %swap3A_326] {strides = array<i32>} : memref<2x80x128xf32, #tpu.memory_space<vmem>>, vector<16xf32>,
      tpu.vector_store %arg11[%swap3A_324, %swap3A_325, %swap3A_326], %mul3A_322 {strides = array<i32>} : memref<2x80x128xf32, #tpu.memory_space<vmem>>, vector<16xf32>,
      %get3A_328 = arith.constant 0 : i32
      %get3A_329 = arith.index_cast %get3A_328 : i32 to index
      %get3A_330 = arith.index_cast %scan3A_249 : i32 to index
      %get3A_331 = arith.constant 80 : index
      %get3A_332 = tpu.vector_load %arg11[%get3A_329, %get3A_330, %get3A_331] {strides = array<i32>} : memref<2x80x128xf32, #tpu.memory_space<vmem>>, vector<16xf32>,
      %get3A_333 = arith.constant 0 : i32
      %get3A_334 = arith.index_cast %get3A_333 : i32 to index
      %get3A_335 = arith.index_cast %scan3A_249 : i32 to index
      %get3A_336 = arith.constant 80 : index
      %get3A_337 = tpu.vector_load %arg12[%get3A_334, %get3A_335, %get3A_336] {strides = array<i32>} : memref<2x80x128xf32, #tpu.memory_space<vmem>>, vector<16xf32>,
      %mul3A_338 = arith.mulf %get3A_332, %get3A_337 : vector<16xf32>
      %swap3A_339 = arith.constant 0 : i32
      %swap3A_340 = arith.index_cast %swap3A_339 : i32 to index
      %swap3A_341 = arith.index_cast %scan3A_249 : i32 to index
      %swap3A_342 = arith.constant 80 : index
      %swap3A_343 = tpu.vector_load %arg11[%swap3A_340, %swap3A_341, %swap3A_342] {strides = array<i32>} : memref<2x80x128xf32, #tpu.memory_space<vmem>>, vector<16xf32>,
      tpu.vector_store %arg11[%swap3A_340, %swap3A_341, %swap3A_342], %mul3A_338 {strides = array<i32>} : memref<2x80x128xf32, #tpu.memory_space<vmem>>, vector<16xf32>,
      %get3A_344 = arith.constant 0 : i32
      %get3A_345 = arith.index_cast %get3A_344 : i32 to index
      %get3A_346 = arith.index_cast %scan3A_249 : i32 to index
      %get3A_347 = arith.constant 96 : index
      %get3A_348 = tpu.vector_load %arg11[%get3A_345, %get3A_346, %get3A_347] {strides = array<i32>} : memref<2x80x128xf32, #tpu.memory_space<vmem>>, vector<16xf32>,
      %get3A_349 = arith.constant 0 : i32
      %get3A_350 = arith.index_cast %get3A_349 : i32 to index
      %get3A_351 = arith.index_cast %scan3A_249 : i32 to index
      %get3A_352 = arith.constant 96 : index
      %get3A_353 = tpu.vector_load %arg12[%get3A_350, %get3A_351, %get3A_352] {strides = array<i32>} : memref<2x80x128xf32, #tpu.memory_space<vmem>>, vector<16xf32>,
      %mul3A_354 = arith.mulf %get3A_348, %get3A_353 : vector<16xf32>
      %swap3A_355 = arith.constant 0 : i32
      %swap3A_356 = arith.index_cast %swap3A_355 : i32 to index
      %swap3A_357 = arith.index_cast %scan3A_249 : i32 to index
      %swap3A_358 = arith.constant 96 : index
      %swap3A_359 = tpu.vector_load %arg11[%swap3A_356, %swap3A_357, %swap3A_358] {strides = array<i32>} : memref<2x80x128xf32, #tpu.memory_space<vmem>>, vector<16xf32>,
      tpu.vector_store %arg11[%swap3A_356, %swap3A_357, %swap3A_358], %mul3A_354 {strides = array<i32>} : memref<2x80x128xf32, #tpu.memory_space<vmem>>, vector<16xf32>,
      %get3A_360 = arith.constant 0 : i32
      %get3A_361 = arith.index_cast %get3A_360 : i32 to index
      %get3A_362 = arith.index_cast %scan3A_249 : i32 to index
      %get3A_363 = arith.constant 112 : index
      %get3A_364 = tpu.vector_load %arg11[%get3A_361, %get3A_362, %get3A_363] {strides = array<i32>} : memref<2x80x128xf32, #tpu.memory_space<vmem>>, vector<16xf32>,
      %get3A_365 = arith.constant 0 : i32
      %get3A_366 = arith.index_cast %get3A_365 : i32 to index
      %get3A_367 = arith.index_cast %scan3A_249 : i32 to index
      %get3A_368 = arith.constant 112 : index
      %get3A_369 = tpu.vector_load %arg12[%get3A_366, %get3A_367, %get3A_368] {strides = array<i32>} : memref<2x80x128xf32, #tpu.memory_space<vmem>>, vector<16xf32>,
      %mul3A_370 = arith.mulf %get3A_364, %get3A_369 : vector<16xf32>
      %swap3A_371 = arith.constant 0 : i32
      %swap3A_372 = arith.index_cast %swap3A_371 : i32 to index
      %swap3A_373 = arith.index_cast %scan3A_249 : i32 to index
      %swap3A_374 = arith.constant 112 : index
      %swap3A_375 = tpu.vector_load %arg11[%swap3A_372, %swap3A_373, %swap3A_374] {strides = array<i32>} : memref<2x80x128xf32, #tpu.memory_space<vmem>>, vector<16xf32>,
      tpu.vector_store %arg11[%swap3A_372, %swap3A_373, %swap3A_374], %mul3A_370 {strides = array<i32>} : memref<2x80x128xf32, #tpu.memory_space<vmem>>, vector<16xf32>,
    }
    %scan3A_213 = arith.constant 80 : i32
    %run_scoped3A = arith.constant 0 : i32
    %run_scoped3A_214 = arith.constant 0 : i32
    "tpu.region"() ({
      %run_scoped3A_249 = tpu.sem_alloc : memref<!tpu.dma_semaphore, #tpu.memory_space<semaphore_mem>>
      %dma_start3A_250 = arith.constant 0 : i32
      %dma_start3A_251 = arith.constant 0 : i32
      %dma_start3A_252 = tpu.memref_slice %arg11[%run_scoped3A, %dma_start3A_250, %dma_start3A_251] : memref<2x80x128xf32, #tpu.memory_space<vmem>> -> memref<1x80x128xf32, #tpu.memory_space<vmem>>
      %dma_start3A_253 = tpu.memref_squeeze %dma_start3A_252 : memref<1x80x128xf32, #tpu.memory_space<vmem>> -> memref<80x128xf32, #tpu.memory_space<vmem>>
      %dma_start3A_254 = arith.constant 0 : i32
      %dma_start3A_255 = tpu.memref_slice %arg10[%run_scoped3A_214, %dma_start3A_254] : memref<2x80xi32, #tpu.memory_space<vmem>> -> memref<1x80xi32, #tpu.memory_space<vmem>>
      %dma_start3A_256 = tpu.memref_squeeze %dma_start3A_255 : memref<1x80xi32, #tpu.memory_space<vmem>> -> memref<80xi32, #tpu.memory_space<vmem>>
      %dma_start3A_257 = arith.constant 0 : i32
      %dma_start3A_258 = arith.constant 0 : i32
      %dma_start3A_259 = tpu.memref_slice %arg8[%dma_start3A_257, %dma_start3A_258] : memref<10000x128xf32, #tpu.memory_space<vmem_shared>> -> memref<10000x128xf32, #tpu.memory_space<vmem_shared>>
      tpu.enqueue_indirect_dma source(%dma_start3A_253 : memref<80x128xf32, #tpu.memory_space<vmem>>) target(%dma_start3A_259 : memref<10000x128xf32, #tpu.memory_space<vmem_shared>>) offsets(%dma_start3A_256 : memref<80xi32, #tpu.memory_space<vmem>>) semaphore(%run_scoped3A_249 : memref<!tpu.dma_semaphore, #tpu.memory_space<semaphore_mem>>) {add = true}
      %dma_wait3A_260 = arith.constant 0 : i32
      %dma_wait3A_261 = arith.constant 0 : i32
      %dma_wait3A_262 = tpu.memref_slice %arg11[%run_scoped3A, %dma_wait3A_260, %dma_wait3A_261] : memref<2x80x128xf32, #tpu.memory_space<vmem>> -> memref<1x80x128xf32, #tpu.memory_space<vmem>>
      %dma_wait3A_263 = tpu.memref_squeeze %dma_wait3A_262 : memref<1x80x128xf32, #tpu.memory_space<vmem>> -> memref<80x128xf32, #tpu.memory_space<vmem>>
      %dma_wait3A_264 = arith.constant 0 : i32
      %dma_wait3A_265 = tpu.memref_slice %arg10[%run_scoped3A_214, %dma_wait3A_264] : memref<2x80xi32, #tpu.memory_space<vmem>> -> memref<1x80xi32, #tpu.memory_space<vmem>>
      %dma_wait3A_266 = tpu.memref_squeeze %dma_wait3A_265 : memref<1x80xi32, #tpu.memory_space<vmem>> -> memref<80xi32, #tpu.memory_space<vmem>>
      %dma_wait3A_267 = arith.constant 0 : i32
      %dma_wait3A_268 = arith.constant 0 : i32
      %dma_wait3A_269 = tpu.memref_slice %arg8[%dma_wait3A_267, %dma_wait3A_268] : memref<10000x128xf32, #tpu.memory_space<vmem_shared>> -> memref<10000x128xf32, #tpu.memory_space<vmem_shared>>
      tpu.wait_indirect_dma semaphore(%run_scoped3A_249 : memref<!tpu.dma_semaphore, #tpu.memory_space<semaphore_mem>>) src(%dma_wait3A_263 : memref<80x128xf32, #tpu.memory_space<vmem>>) dst(%dma_wait3A_269 : memref<10000x128xf32, #tpu.memory_space<vmem_shared>>)
      tpu.yield
    }) : () -> ()
    %add3A_215 = arith.constant 10000 : i32
    %add3A_216 = arith.addi %add3A, %add3A_215 : i32
    %dma_wait3A_217 = arith.constant 1 : i32
    %dma_wait3A_218 = arith.constant 1 : i32
    %dma_wait3A_219 = arith.constant 0 : i32
    %dma_wait3A_220 = tpu.memref_slice %arg9[%dma_wait3A_217, %dma_wait3A_219] : memref<2x80xi32, #tpu.memory_space<vmem>> -> memref<1x80xi32, #tpu.memory_space<vmem>>
    %dma_wait3A_221 = tpu.memref_squeeze %dma_wait3A_220 : memref<1x80xi32, #tpu.memory_space<vmem>> -> memref<80xi32, #tpu.memory_space<vmem>>
    %dma_wait3A_222 = tpu.memref_slice %arg4[%add3A_216] : memref<320160xi32, #tpu.memory_space<hbm>> -> memref<80xi32, #tpu.memory_space<hbm>>
    %dma_wait3A_223 = tpu.memref_slice %arg14[%dma_wait3A_218] : memref<2x!tpu.dma_semaphore, #tpu.memory_space<semaphore_mem>> -> memref<1x!tpu.dma_semaphore, #tpu.memory_space<semaphore_mem>>
    %dma_wait3A_224 = tpu.memref_squeeze %dma_wait3A_223 : memref<1x!tpu.dma_semaphore, #tpu.memory_space<semaphore_mem>> -> memref<!tpu.dma_semaphore, #tpu.memory_space<semaphore_mem>>
    %dma_wait3A_225 = arith.constant 0 : i32
    %dma_wait3A_226 = tpu.memref_slice %arg9[%dma_wait3A_217, %dma_wait3A_225] : memref<2x80xi32, #tpu.memory_space<vmem>> -> memref<1x80xi32, #tpu.memory_space<vmem>>
    %dma_wait3A_227 = tpu.memref_squeeze %dma_wait3A_226 : memref<1x80xi32, #tpu.memory_space<vmem>> -> memref<80xi32, #tpu.memory_space<vmem>>
    %dma_wait3A_228 = tpu.memref_slice %arg4[%add3A_216] : memref<320160xi32, #tpu.memory_space<hbm>> -> memref<80xi32, #tpu.memory_space<hbm>>
    tpu.wait_dma2 semaphore(%dma_wait3A_224 : memref<!tpu.dma_semaphore, #tpu.memory_space<semaphore_mem>>) src(%dma_wait3A_228 : memref<80xi32, #tpu.memory_space<hbm>>) dst(%dma_wait3A_227 : memref<80xi32, #tpu.memory_space<vmem>>)
    %dma_wait3A_229 = arith.constant 1 : i32
    %dma_wait3A_230 = arith.constant 1 : i32
    %dma_wait3A_231 = arith.constant 0 : i32
    %dma_wait3A_232 = tpu.memref_slice %arg10[%dma_wait3A_229, %dma_wait3A_231] : memref<2x80xi32, #tpu.memory_space<vmem>> -> memref<1x80xi32, #tpu.memory_space<vmem>>
    %dma_wait3A_233 = tpu.memref_squeeze %dma_wait3A_232 : memref<1x80xi32, #tpu.memory_space<vmem>> -> memref<80xi32, #tpu.memory_space<vmem>>
    %dma_wait3A_234 = tpu.memref_slice %arg5[%add3A_216] : memref<320160xi32, #tpu.memory_space<hbm>> -> memref<80xi32, #tpu.memory_space<hbm>>
    %dma_wait3A_235 = tpu.memref_slice %arg15[%dma_wait3A_230] : memref<2x!tpu.dma_semaphore, #tpu.memory_space<semaphore_mem>> -> memref<1x!tpu.dma_semaphore, #tpu.memory_space<semaphore_mem>>
    %dma_wait3A_236 = tpu.memref_squeeze %dma_wait3A_235 : memref<1x!tpu.dma_semaphore, #tpu.memory_space<semaphore_mem>> -> memref<!tpu.dma_semaphore, #tpu.memory_space<semaphore_mem>>
    %dma_wait3A_237 = arith.constant 0 : i32
    %dma_wait3A_238 = tpu.memref_slice %arg10[%dma_wait3A_229, %dma_wait3A_237] : memref<2x80xi32, #tpu.memory_space<vmem>> -> memref<1x80xi32, #tpu.memory_space<vmem>>
    %dma_wait3A_239 = tpu.memref_squeeze %dma_wait3A_238 : memref<1x80xi32, #tpu.memory_space<vmem>> -> memref<80xi32, #tpu.memory_space<vmem>>
    %dma_wait3A_240 = tpu.memref_slice %arg5[%add3A_216] : memref<320160xi32, #tpu.memory_space<hbm>> -> memref<80xi32, #tpu.memory_space<hbm>>
    tpu.wait_dma2 semaphore(%dma_wait3A_236 : memref<!tpu.dma_semaphore, #tpu.memory_space<semaphore_mem>>) src(%dma_wait3A_240 : memref<80xi32, #tpu.memory_space<hbm>>) dst(%dma_wait3A_239 : memref<80xi32, #tpu.memory_space<vmem>>)
    %barrier3A_241 = arith.constant 0 : index
    tpu.barrier barrier_id(%barrier3A_241)
    %eq3A = arith.constant 0 : i32
    %eq3A_242 = arith.cmpi eq, %arg0, %eq3A : i32
    %convert_element_type3A = arith.extui %eq3A_242 : i1 to i32
    %cond3A = arith.constant 0 : i32
    %cond3A_243 = arith.cmpi ne, %convert_element_type3A, %cond3A : i32
    scf.if %cond3A_243 {
      "tpu.region"() ({
        %run_scoped3A_249 = tpu.sem_alloc : memref<!tpu.dma_semaphore, #tpu.memory_space<semaphore_mem>>
        %dma_start3A_250 = arith.constant 0 : i32
        %dma_start3A_251 = tpu.memref_slice %arg6[%mul3A_0, %dma_start3A_250] : memref<10000x128xf32, #tpu.memory_space<hbm>> -> memref<625x128xf32, #tpu.memory_space<hbm>>
        %dma_start3A_252 = arith.constant 0 : i32
        %dma_start3A_253 = tpu.memref_slice %arg8[%mul3A_0, %dma_start3A_252] : memref<10000x128xf32, #tpu.memory_space<vmem_shared>> -> memref<625x128xf32, #tpu.memory_space<vmem_shared>>
        tpu.enqueue_dma source(%dma_start3A_253 : memref<625x128xf32, #tpu.memory_space<vmem_shared>>) target(%dma_start3A_251 : memref<625x128xf32, #tpu.memory_space<hbm>>) target_semaphore(%run_scoped3A_249 : memref<!tpu.dma_semaphore, #tpu.memory_space<semaphore_mem>>)
        %dma_wait3A_254 = arith.constant 0 : i32
        %dma_wait3A_255 = tpu.memref_slice %arg6[%mul3A_0, %dma_wait3A_254] : memref<10000x128xf32, #tpu.memory_space<hbm>> -> memref<625x128xf32, #tpu.memory_space<hbm>>
        %dma_wait3A_256 = arith.constant 0 : i32
        %dma_wait3A_257 = tpu.memref_slice %arg8[%mul3A_0, %dma_wait3A_256] : memref<10000x128xf32, #tpu.memory_space<vmem_shared>> -> memref<625x128xf32, #tpu.memory_space<vmem_shared>>
        tpu.wait_dma2 semaphore(%run_scoped3A_249 : memref<!tpu.dma_semaphore, #tpu.memory_space<semaphore_mem>>) src(%dma_wait3A_257 : memref<625x128xf32, #tpu.memory_space<vmem_shared>>) dst(%dma_wait3A_255 : memref<625x128xf32, #tpu.memory_space<hbm>>)
        tpu.yield
      }) : () -> ()
    } else {
    }
    %eq3A_244 = arith.constant 1 : i32
    %eq3A_245 = arith.cmpi eq, %arg0, %eq3A_244 : i32
    %convert_element_type3A_246 = arith.extui %eq3A_245 : i1 to i32
    %cond3A_247 = arith.constant 0 : i32
    %cond3A_248 = arith.cmpi ne, %convert_element_type3A_246, %cond3A_247 : i32
    scf.if %cond3A_248 {
      "tpu.region"() ({
        %run_scoped3A_249 = tpu.sem_alloc : memref<!tpu.dma_semaphore, #tpu.memory_space<semaphore_mem>>
        %dma_start3A_250 = arith.constant 0 : i32
        %dma_start3A_251 = tpu.memref_slice %arg7[%mul3A_0, %dma_start3A_250] : memref<10000x128xf32, #tpu.memory_space<hbm>> -> memref<625x128xf32, #tpu.memory_space<hbm>>
        %dma_start3A_252 = arith.constant 0 : i32
        %dma_start3A_253 = tpu.memref_slice %arg8[%mul3A_0, %dma_start3A_252] : memref<10000x128xf32, #tpu.memory_space<vmem_shared>> -> memref<625x128xf32, #tpu.memory_space<vmem_shared>>
        tpu.enqueue_dma source(%dma_start3A_253 : memref<625x128xf32, #tpu.memory_space<vmem_shared>>) target(%dma_start3A_251 : memref<625x128xf32, #tpu.memory_space<hbm>>) target_semaphore(%run_scoped3A_249 : memref<!tpu.dma_semaphore, #tpu.memory_space<semaphore_mem>>)
        %dma_wait3A_254 = arith.constant 0 : i32
        %dma_wait3A_255 = tpu.memref_slice %arg7[%mul3A_0, %dma_wait3A_254] : memref<10000x128xf32, #tpu.memory_space<hbm>> -> memref<625x128xf32, #tpu.memory_space<hbm>>
        %dma_wait3A_256 = arith.constant 0 : i32
        %dma_wait3A_257 = tpu.memref_slice %arg8[%mul3A_0, %dma_wait3A_256] : memref<10000x128xf32, #tpu.memory_space<vmem_shared>> -> memref<625x128xf32, #tpu.memory_space<vmem_shared>>
        tpu.wait_dma2 semaphore(%run_scoped3A_249 : memref<!tpu.dma_semaphore, #tpu.memory_space<semaphore_mem>>) src(%dma_wait3A_257 : memref<625x128xf32, #tpu.memory_space<vmem_shared>>) dst(%dma_wait3A_255 : memref<625x128xf32, #tpu.memory_space<hbm>>)
        tpu.yield
      }) : () -> ()
    } else {
    }
    return
  }
}

module attributes {stable_mosaic.version = 14 : i64} {
  func.func @_embed_body(%arg0: i32, %arg1: memref<2000x1xi32, #tpu.memory_space<vmem>>, %arg2: memref<100x128xf32, #tpu.memory_space<vmem>>, %arg3: memref<128x128xf32, #tpu.memory_space<vmem>>, %arg4: memref<2000x128xf32, #tpu.memory_space<vmem>>, %arg5: memref<2000x128xf32, #tpu.memory_space<vmem>>) attributes {dimension_semantics = [#tpu.dimension_semantics<arbitrary>], iteration_bounds = array<i64: 5>, scalar_prefetch = 0 : i64, scratch_operands = 0 : i64, tpu.core_type = #tpu.core_type<tc>, window_params = [{transform_indices = @transform_0, window_bounds = array<i64: 2000, 1>}, {pipeline_mode = #tpu.pipeline_mode<synchronous>, transform_indices = @transform_1, window_bounds = array<i64: 100, 128>}, {pipeline_mode = #tpu.pipeline_mode<synchronous>, transform_indices = @transform_2, window_bounds = array<i64: 128, 128>}, {transform_indices = @transform_3, window_bounds = array<i64: 2000, 128>}, {transform_indices = @transform_4, window_bounds = array<i64: 2000, 128>}]} {
    %get3A = arith.constant 0 : index
    %get3A_0 = arith.constant 0 : index
    %get3A_1 = vector.load %arg1[%get3A, %get3A_0] : memref<2000x1xi32, #tpu.memory_space<vmem>>, vector<2000x1xi32>
    %iota3A = tpu.iota {dimensions = array<i32: 1>} : vector<2000x100xi32>
    %eq3A = vector.broadcast %get3A_1 : vector<2000x1xi32> to vector<2000x100xi32>
    %eq3A_2 = arith.cmpi eq, %eq3A, %iota3A : vector<2000x100xi32>
    %convert_element_type3A = arith.extui %eq3A_2 : vector<2000x100xi1> to vector<2000x100xi32>
    %convert_element_type3A_3 = arith.sitofp %convert_element_type3A : vector<2000x100xi32> to vector<2000x100xf32>
    %get3A_4 = arith.constant 0 : index
    %get3A_5 = arith.constant 0 : index
    %get3A_6 = vector.load %arg2[%get3A_4, %get3A_5] : memref<100x128xf32, #tpu.memory_space<vmem>>, vector<100x128xf32>
    %dot_general3A = arith.constant dense<0.000000e+00> : vector<2000x128xf32>
    %dot_general3A_7 = tpu.matmul %convert_element_type3A_3, %get3A_6, %dot_general3A {dimension_numbers = #tpu.dot_dimension_numbers<[1], [0], [0], [1], [0, 0, 1, 1], [], []>, transpose_lhs_hint = false} : vector<2000x100xf32>, vector<100x128xf32>, vector<2000x128xf32> -> vector<2000x128xf32>
    %get3A_8 = arith.constant 0 : index
    %get3A_9 = arith.constant 0 : index
    %get3A_10 = vector.load %arg3[%get3A_8, %get3A_9] : memref<128x128xf32, #tpu.memory_space<vmem>>, vector<128x128xf32>
    %dot_general3A_11 = arith.constant dense<0.000000e+00> : vector<2000x128xf32>
    %dot_general3A_12 = tpu.matmul %dot_general3A_7, %get3A_10, %dot_general3A_11 {dimension_numbers = #tpu.dot_dimension_numbers<[1], [0], [0], [1], [0, 0, 1, 1], [], []>, transpose_lhs_hint = false} : vector<2000x128xf32>, vector<128x128xf32>, vector<2000x128xf32> -> vector<2000x128xf32>
    %swap3A = arith.constant 0 : index
    %swap3A_13 = arith.constant 0 : index
    %swap3A_14 = vector.load %arg4[%swap3A, %swap3A_13] : memref<2000x128xf32, #tpu.memory_space<vmem>>, vector<2000x128xf32>
    tpu.vector_store %arg4[%swap3A, %swap3A_13], %dot_general3A_7 {strides = array<i32>} : memref<2000x128xf32, #tpu.memory_space<vmem>>, vector<2000x128xf32>,
    %swap3A_15 = arith.constant 0 : index
    %swap3A_16 = arith.constant 0 : index
    %swap3A_17 = vector.load %arg5[%swap3A_15, %swap3A_16] : memref<2000x128xf32, #tpu.memory_space<vmem>>, vector<2000x128xf32>
    tpu.vector_store %arg5[%swap3A_15, %swap3A_16], %dot_general3A_12 {strides = array<i32>} : memref<2000x128xf32, #tpu.memory_space<vmem>>, vector<2000x128xf32>,
    return
  }
  func.func @transform_0(%arg0: i32) -> (i32, i32) {
    %c0_i32 = arith.constant 0 : i32
    %c0_i32_0 = arith.constant 0 : i32
    return %arg0, %c0_i32 : i32, i32
  }
  func.func @transform_1(%arg0: i32) -> (i32, i32) {
    %c0_i32 = arith.constant 0 : i32
    %c0_i32_0 = arith.constant 0 : i32
    %c0_i32_1 = arith.constant 0 : i32
    return %c0_i32, %c0_i32_0 : i32, i32
  }
  func.func @transform_2(%arg0: i32) -> (i32, i32) {
    %c0_i32 = arith.constant 0 : i32
    %c0_i32_0 = arith.constant 0 : i32
    %c0_i32_1 = arith.constant 0 : i32
    return %c0_i32, %c0_i32_0 : i32, i32
  }
  func.func @transform_3(%arg0: i32) -> (i32, i32) {
    %c0_i32 = arith.constant 0 : i32
    %c0_i32_0 = arith.constant 0 : i32
    return %arg0, %c0_i32 : i32, i32
  }
  func.func @transform_4(%arg0: i32) -> (i32, i32) {
    %c0_i32 = arith.constant 0 : i32
    %c0_i32_0 = arith.constant 0 : i32
    return %arg0, %c0_i32 : i32, i32
  }
}

module attributes {stable_mosaic.version = 14 : i64} {
  func.func @_filter_body(%arg0: i32, %arg1: memref<16x128xf32, #tpu.memory_space<vmem>>, %arg2: memref<10x128xf32, #tpu.memory_space<vmem>>, %arg3: memref<1x128xf32, #tpu.memory_space<vmem>>, %arg4: memref<128x128xf32, #tpu.memory_space<vmem>>, %arg5: memref<1x128xf32, #tpu.memory_space<vmem>>, %arg6: memref<2048x128xf32, #tpu.memory_space<vmem>>) attributes {dimension_semantics = [#tpu.dimension_semantics<arbitrary>], iteration_bounds = array<i64: 160>, scalar_prefetch = 0 : i64, scratch_operands = 0 : i64, tpu.core_type = #tpu.core_type<tc>, window_params = [{transform_indices = @transform_0, window_bounds = array<i64: 16, 128>}, {pipeline_mode = #tpu.pipeline_mode<synchronous>, transform_indices = @transform_1, window_bounds = array<i64: 10, 128>}, {pipeline_mode = #tpu.pipeline_mode<synchronous>, transform_indices = @transform_2, window_bounds = array<i64: 1, 128>}, {pipeline_mode = #tpu.pipeline_mode<synchronous>, transform_indices = @transform_3, window_bounds = array<i64: 128, 128>}, {pipeline_mode = #tpu.pipeline_mode<synchronous>, transform_indices = @transform_4, window_bounds = array<i64: 1, 128>}, {transform_indices = @transform_5, window_bounds = array<i64: 2048, 128>}]} {
    %get3A = arith.constant 0 : index
    %get3A_0 = arith.constant 0 : index
    %get3A_1 = vector.load %arg1[%get3A, %get3A_0] : memref<16x128xf32, #tpu.memory_space<vmem>>, vector<16x128xf32>
    %add3A = arith.constant 9.99999996E-13 : f32
    %add3A_2 = vector.broadcast %add3A : f32 to vector<16x128xf32>
    %add3A_3 = arith.addf %get3A_1, %add3A_2 : vector<16x128xf32>
    %sqrt3A = math.sqrt %add3A_3 : vector<16x128xf32>
    %mul3A = arith.constant 3.14159274 : f32
    %mul3A_4 = vector.broadcast %mul3A : f32 to vector<16x128xf32>
    %mul3A_5 = arith.mulf %sqrt3A, %mul3A_4 : vector<16x128xf32>
    %div3A = arith.constant 1.000000e+01 : f32
    %div3A_6 = vector.broadcast %div3A : f32 to vector<16x128xf32>
    %div3A_7 = arith.divf %mul3A_5, %div3A_6 : vector<16x128xf32>
    %cos3A = math.cos %div3A_7 : vector<16x128xf32>
    %add3A_8 = arith.constant 1.000000e+00 : f32
    %add3A_9 = vector.broadcast %add3A_8 : f32 to vector<16x128xf32>
    %add3A_10 = arith.addf %cos3A, %add3A_9 : vector<16x128xf32>
    %mul3A_11 = arith.constant 5.000000e-01 : f32
    %mul3A_12 = vector.broadcast %mul3A_11 : f32 to vector<16x128xf32>
    %mul3A_13 = arith.mulf %mul3A_12, %add3A_10 : vector<16x128xf32>
    %iota3A = tpu.iota {dimensions = array<i32: 0>} : vector<10x128xi32>
    %convert_element_type3A = arith.sitofp %iota3A : vector<10x128xi32> to vector<10x128xf32>
    %mul3A_14 = arith.constant 1.11111116 : f32
    %mul3A_15 = vector.broadcast %mul3A_14 : f32 to vector<10x128xf32>
    %mul3A_16 = arith.mulf %convert_element_type3A, %mul3A_15 : vector<10x128xf32>
    %get3A_17 = arith.constant 0 : index
    %get3A_18 = arith.constant 0 : index
    %get3A_19 = vector.load %arg2[%get3A_17, %get3A_18] : memref<10x128xf32, #tpu.memory_space<vmem>>, vector<10x128xf32>
    %slice3A = vector.extract_strided_slice %sqrt3A {offsets = [0, 0], sizes = [1, 128], strides = [1, 1]} : vector<16x128xf32> to vector<1x128xf32>
    %broadcast_in_dim3A = vector.shape_cast %slice3A : vector<1x128xf32> to vector<1x128xf32>
    %broadcast_in_dim3A_20 = vector.broadcast %broadcast_in_dim3A : vector<1x128xf32> to vector<10x128xf32>
    %sub3A = arith.subf %broadcast_in_dim3A_20, %mul3A_16 : vector<10x128xf32>
    %integer_pow3A = arith.mulf %sub3A, %sub3A : vector<10x128xf32>
    %mul3A_21 = arith.constant -0.404999971 : f32
    %mul3A_22 = vector.broadcast %mul3A_21 : f32 to vector<10x128xf32>
    %mul3A_23 = arith.mulf %mul3A_22, %integer_pow3A : vector<10x128xf32>
    %exp3A = math.exp %mul3A_23 : vector<10x128xf32>
    %dot_general3A = arith.constant dense<0.000000e+00> : vector<128x128xf32>
    %dot_general3A_24 = tpu.matmul %exp3A, %get3A_19, %dot_general3A {dimension_numbers = #tpu.dot_dimension_numbers<[0], [0], [1], [1], [0, 1, 1, 1], [], []>, transpose_lhs_hint = false} : vector<10x128xf32>, vector<10x128xf32>, vector<128x128xf32> -> vector<128x128xf32>
    %broadcast_in_dim3A_25 = vector.shape_cast %dot_general3A_24 : vector<128x128xf32> to vector<1x128x128xf32>
    %slice3A_26 = vector.extract_strided_slice %sqrt3A {offsets = [1, 0], sizes = [1, 128], strides = [1, 1]} : vector<16x128xf32> to vector<1x128xf32>
    %broadcast_in_dim3A_27 = vector.shape_cast %slice3A_26 : vector<1x128xf32> to vector<1x128xf32>
    %broadcast_in_dim3A_28 = vector.broadcast %broadcast_in_dim3A_27 : vector<1x128xf32> to vector<10x128xf32>
    %sub3A_29 = arith.subf %broadcast_in_dim3A_28, %mul3A_16 : vector<10x128xf32>
    %integer_pow3A_30 = arith.mulf %sub3A_29, %sub3A_29 : vector<10x128xf32>
    %mul3A_31 = arith.constant -0.404999971 : f32
    %mul3A_32 = vector.broadcast %mul3A_31 : f32 to vector<10x128xf32>
    %mul3A_33 = arith.mulf %mul3A_32, %integer_pow3A_30 : vector<10x128xf32>
    %exp3A_34 = math.exp %mul3A_33 : vector<10x128xf32>
    %dot_general3A_35 = arith.constant dense<0.000000e+00> : vector<128x128xf32>
    %dot_general3A_36 = tpu.matmul %exp3A_34, %get3A_19, %dot_general3A_35 {dimension_numbers = #tpu.dot_dimension_numbers<[0], [0], [1], [1], [0, 1, 1, 1], [], []>, transpose_lhs_hint = false} : vector<10x128xf32>, vector<10x128xf32>, vector<128x128xf32> -> vector<128x128xf32>
    %broadcast_in_dim3A_37 = vector.shape_cast %dot_general3A_36 : vector<128x128xf32> to vector<1x128x128xf32>
    %slice3A_38 = vector.extract_strided_slice %sqrt3A {offsets = [2, 0], sizes = [1, 128], strides = [1, 1]} : vector<16x128xf32> to vector<1x128xf32>
    %broadcast_in_dim3A_39 = vector.shape_cast %slice3A_38 : vector<1x128xf32> to vector<1x128xf32>
    %broadcast_in_dim3A_40 = vector.broadcast %broadcast_in_dim3A_39 : vector<1x128xf32> to vector<10x128xf32>
    %sub3A_41 = arith.subf %broadcast_in_dim3A_40, %mul3A_16 : vector<10x128xf32>
    %integer_pow3A_42 = arith.mulf %sub3A_41, %sub3A_41 : vector<10x128xf32>
    %mul3A_43 = arith.constant -0.404999971 : f32
    %mul3A_44 = vector.broadcast %mul3A_43 : f32 to vector<10x128xf32>
    %mul3A_45 = arith.mulf %mul3A_44, %integer_pow3A_42 : vector<10x128xf32>
    %exp3A_46 = math.exp %mul3A_45 : vector<10x128xf32>
    %dot_general3A_47 = arith.constant dense<0.000000e+00> : vector<128x128xf32>
    %dot_general3A_48 = tpu.matmul %exp3A_46, %get3A_19, %dot_general3A_47 {dimension_numbers = #tpu.dot_dimension_numbers<[0], [0], [1], [1], [0, 1, 1, 1], [], []>, transpose_lhs_hint = false} : vector<10x128xf32>, vector<10x128xf32>, vector<128x128xf32> -> vector<128x128xf32>
    %broadcast_in_dim3A_49 = vector.shape_cast %dot_general3A_48 : vector<128x128xf32> to vector<1x128x128xf32>
    %slice3A_50 = vector.extract_strided_slice %sqrt3A {offsets = [3, 0], sizes = [1, 128], strides = [1, 1]} : vector<16x128xf32> to vector<1x128xf32>
    %broadcast_in_dim3A_51 = vector.shape_cast %slice3A_50 : vector<1x128xf32> to vector<1x128xf32>
    %broadcast_in_dim3A_52 = vector.broadcast %broadcast_in_dim3A_51 : vector<1x128xf32> to vector<10x128xf32>
    %sub3A_53 = arith.subf %broadcast_in_dim3A_52, %mul3A_16 : vector<10x128xf32>
    %integer_pow3A_54 = arith.mulf %sub3A_53, %sub3A_53 : vector<10x128xf32>
    %mul3A_55 = arith.constant -0.404999971 : f32
    %mul3A_56 = vector.broadcast %mul3A_55 : f32 to vector<10x128xf32>
    %mul3A_57 = arith.mulf %mul3A_56, %integer_pow3A_54 : vector<10x128xf32>
    %exp3A_58 = math.exp %mul3A_57 : vector<10x128xf32>
    %dot_general3A_59 = arith.constant dense<0.000000e+00> : vector<128x128xf32>
    %dot_general3A_60 = tpu.matmul %exp3A_58, %get3A_19, %dot_general3A_59 {dimension_numbers = #tpu.dot_dimension_numbers<[0], [0], [1], [1], [0, 1, 1, 1], [], []>, transpose_lhs_hint = false} : vector<10x128xf32>, vector<10x128xf32>, vector<128x128xf32> -> vector<128x128xf32>
    %broadcast_in_dim3A_61 = vector.shape_cast %dot_general3A_60 : vector<128x128xf32> to vector<1x128x128xf32>
    %slice3A_62 = vector.extract_strided_slice %sqrt3A {offsets = [4, 0], sizes = [1, 128], strides = [1, 1]} : vector<16x128xf32> to vector<1x128xf32>
    %broadcast_in_dim3A_63 = vector.shape_cast %slice3A_62 : vector<1x128xf32> to vector<1x128xf32>
    %broadcast_in_dim3A_64 = vector.broadcast %broadcast_in_dim3A_63 : vector<1x128xf32> to vector<10x128xf32>
    %sub3A_65 = arith.subf %broadcast_in_dim3A_64, %mul3A_16 : vector<10x128xf32>
    %integer_pow3A_66 = arith.mulf %sub3A_65, %sub3A_65 : vector<10x128xf32>
    %mul3A_67 = arith.constant -0.404999971 : f32
    %mul3A_68 = vector.broadcast %mul3A_67 : f32 to vector<10x128xf32>
    %mul3A_69 = arith.mulf %mul3A_68, %integer_pow3A_66 : vector<10x128xf32>
    %exp3A_70 = math.exp %mul3A_69 : vector<10x128xf32>
    %dot_general3A_71 = arith.constant dense<0.000000e+00> : vector<128x128xf32>
    %dot_general3A_72 = tpu.matmul %exp3A_70, %get3A_19, %dot_general3A_71 {dimension_numbers = #tpu.dot_dimension_numbers<[0], [0], [1], [1], [0, 1, 1, 1], [], []>, transpose_lhs_hint = false} : vector<10x128xf32>, vector<10x128xf32>, vector<128x128xf32> -> vector<128x128xf32>
    %broadcast_in_dim3A_73 = vector.shape_cast %dot_general3A_72 : vector<128x128xf32> to vector<1x128x128xf32>
    %slice3A_74 = vector.extract_strided_slice %sqrt3A {offsets = [5, 0], sizes = [1, 128], strides = [1, 1]} : vector<16x128xf32> to vector<1x128xf32>
    %broadcast_in_dim3A_75 = vector.shape_cast %slice3A_74 : vector<1x128xf32> to vector<1x128xf32>
    %broadcast_in_dim3A_76 = vector.broadcast %broadcast_in_dim3A_75 : vector<1x128xf32> to vector<10x128xf32>
    %sub3A_77 = arith.subf %broadcast_in_dim3A_76, %mul3A_16 : vector<10x128xf32>
    %integer_pow3A_78 = arith.mulf %sub3A_77, %sub3A_77 : vector<10x128xf32>
    %mul3A_79 = arith.constant -0.404999971 : f32
    %mul3A_80 = vector.broadcast %mul3A_79 : f32 to vector<10x128xf32>
    %mul3A_81 = arith.mulf %mul3A_80, %integer_pow3A_78 : vector<10x128xf32>
    %exp3A_82 = math.exp %mul3A_81 : vector<10x128xf32>
    %dot_general3A_83 = arith.constant dense<0.000000e+00> : vector<128x128xf32>
    %dot_general3A_84 = tpu.matmul %exp3A_82, %get3A_19, %dot_general3A_83 {dimension_numbers = #tpu.dot_dimension_numbers<[0], [0], [1], [1], [0, 1, 1, 1], [], []>, transpose_lhs_hint = false} : vector<10x128xf32>, vector<10x128xf32>, vector<128x128xf32> -> vector<128x128xf32>
    %broadcast_in_dim3A_85 = vector.shape_cast %dot_general3A_84 : vector<128x128xf32> to vector<1x128x128xf32>
    %slice3A_86 = vector.extract_strided_slice %sqrt3A {offsets = [6, 0], sizes = [1, 128], strides = [1, 1]} : vector<16x128xf32> to vector<1x128xf32>
    %broadcast_in_dim3A_87 = vector.shape_cast %slice3A_86 : vector<1x128xf32> to vector<1x128xf32>
    %broadcast_in_dim3A_88 = vector.broadcast %broadcast_in_dim3A_87 : vector<1x128xf32> to vector<10x128xf32>
    %sub3A_89 = arith.subf %broadcast_in_dim3A_88, %mul3A_16 : vector<10x128xf32>
    %integer_pow3A_90 = arith.mulf %sub3A_89, %sub3A_89 : vector<10x128xf32>
    %mul3A_91 = arith.constant -0.404999971 : f32
    %mul3A_92 = vector.broadcast %mul3A_91 : f32 to vector<10x128xf32>
    %mul3A_93 = arith.mulf %mul3A_92, %integer_pow3A_90 : vector<10x128xf32>
    %exp3A_94 = math.exp %mul3A_93 : vector<10x128xf32>
    %dot_general3A_95 = arith.constant dense<0.000000e+00> : vector<128x128xf32>
    %dot_general3A_96 = tpu.matmul %exp3A_94, %get3A_19, %dot_general3A_95 {dimension_numbers = #tpu.dot_dimension_numbers<[0], [0], [1], [1], [0, 1, 1, 1], [], []>, transpose_lhs_hint = false} : vector<10x128xf32>, vector<10x128xf32>, vector<128x128xf32> -> vector<128x128xf32>
    %broadcast_in_dim3A_97 = vector.shape_cast %dot_general3A_96 : vector<128x128xf32> to vector<1x128x128xf32>
    %slice3A_98 = vector.extract_strided_slice %sqrt3A {offsets = [7, 0], sizes = [1, 128], strides = [1, 1]} : vector<16x128xf32> to vector<1x128xf32>
    %broadcast_in_dim3A_99 = vector.shape_cast %slice3A_98 : vector<1x128xf32> to vector<1x128xf32>
    %broadcast_in_dim3A_100 = vector.broadcast %broadcast_in_dim3A_99 : vector<1x128xf32> to vector<10x128xf32>
    %sub3A_101 = arith.subf %broadcast_in_dim3A_100, %mul3A_16 : vector<10x128xf32>
    %integer_pow3A_102 = arith.mulf %sub3A_101, %sub3A_101 : vector<10x128xf32>
    %mul3A_103 = arith.constant -0.404999971 : f32
    %mul3A_104 = vector.broadcast %mul3A_103 : f32 to vector<10x128xf32>
    %mul3A_105 = arith.mulf %mul3A_104, %integer_pow3A_102 : vector<10x128xf32>
    %exp3A_106 = math.exp %mul3A_105 : vector<10x128xf32>
    %dot_general3A_107 = arith.constant dense<0.000000e+00> : vector<128x128xf32>
    %dot_general3A_108 = tpu.matmul %exp3A_106, %get3A_19, %dot_general3A_107 {dimension_numbers = #tpu.dot_dimension_numbers<[0], [0], [1], [1], [0, 1, 1, 1], [], []>, transpose_lhs_hint = false} : vector<10x128xf32>, vector<10x128xf32>, vector<128x128xf32> -> vector<128x128xf32>
    %broadcast_in_dim3A_109 = vector.shape_cast %dot_general3A_108 : vector<128x128xf32> to vector<1x128x128xf32>
    %slice3A_110 = vector.extract_strided_slice %sqrt3A {offsets = [8, 0], sizes = [1, 128], strides = [1, 1]} : vector<16x128xf32> to vector<1x128xf32>
    %broadcast_in_dim3A_111 = vector.shape_cast %slice3A_110 : vector<1x128xf32> to vector<1x128xf32>
    %broadcast_in_dim3A_112 = vector.broadcast %broadcast_in_dim3A_111 : vector<1x128xf32> to vector<10x128xf32>
    %sub3A_113 = arith.subf %broadcast_in_dim3A_112, %mul3A_16 : vector<10x128xf32>
    %integer_pow3A_114 = arith.mulf %sub3A_113, %sub3A_113 : vector<10x128xf32>
    %mul3A_115 = arith.constant -0.404999971 : f32
    %mul3A_116 = vector.broadcast %mul3A_115 : f32 to vector<10x128xf32>
    %mul3A_117 = arith.mulf %mul3A_116, %integer_pow3A_114 : vector<10x128xf32>
    %exp3A_118 = math.exp %mul3A_117 : vector<10x128xf32>
    %dot_general3A_119 = arith.constant dense<0.000000e+00> : vector<128x128xf32>
    %dot_general3A_120 = tpu.matmul %exp3A_118, %get3A_19, %dot_general3A_119 {dimension_numbers = #tpu.dot_dimension_numbers<[0], [0], [1], [1], [0, 1, 1, 1], [], []>, transpose_lhs_hint = false} : vector<10x128xf32>, vector<10x128xf32>, vector<128x128xf32> -> vector<128x128xf32>
    %broadcast_in_dim3A_121 = vector.shape_cast %dot_general3A_120 : vector<128x128xf32> to vector<1x128x128xf32>
    %slice3A_122 = vector.extract_strided_slice %sqrt3A {offsets = [9, 0], sizes = [1, 128], strides = [1, 1]} : vector<16x128xf32> to vector<1x128xf32>
    %broadcast_in_dim3A_123 = vector.shape_cast %slice3A_122 : vector<1x128xf32> to vector<1x128xf32>
    %broadcast_in_dim3A_124 = vector.broadcast %broadcast_in_dim3A_123 : vector<1x128xf32> to vector<10x128xf32>
    %sub3A_125 = arith.subf %broadcast_in_dim3A_124, %mul3A_16 : vector<10x128xf32>
    %integer_pow3A_126 = arith.mulf %sub3A_125, %sub3A_125 : vector<10x128xf32>
    %mul3A_127 = arith.constant -0.404999971 : f32
    %mul3A_128 = vector.broadcast %mul3A_127 : f32 to vector<10x128xf32>
    %mul3A_129 = arith.mulf %mul3A_128, %integer_pow3A_126 : vector<10x128xf32>
    %exp3A_130 = math.exp %mul3A_129 : vector<10x128xf32>
    %dot_general3A_131 = arith.constant dense<0.000000e+00> : vector<128x128xf32>
    %dot_general3A_132 = tpu.matmul %exp3A_130, %get3A_19, %dot_general3A_131 {dimension_numbers = #tpu.dot_dimension_numbers<[0], [0], [1], [1], [0, 1, 1, 1], [], []>, transpose_lhs_hint = false} : vector<10x128xf32>, vector<10x128xf32>, vector<128x128xf32> -> vector<128x128xf32>
    %broadcast_in_dim3A_133 = vector.shape_cast %dot_general3A_132 : vector<128x128xf32> to vector<1x128x128xf32>
    %slice3A_134 = vector.extract_strided_slice %sqrt3A {offsets = [10, 0], sizes = [1, 128], strides = [1, 1]} : vector<16x128xf32> to vector<1x128xf32>
    %broadcast_in_dim3A_135 = vector.shape_cast %slice3A_134 : vector<1x128xf32> to vector<1x128xf32>
    %broadcast_in_dim3A_136 = vector.broadcast %broadcast_in_dim3A_135 : vector<1x128xf32> to vector<10x128xf32>
    %sub3A_137 = arith.subf %broadcast_in_dim3A_136, %mul3A_16 : vector<10x128xf32>
    %integer_pow3A_138 = arith.mulf %sub3A_137, %sub3A_137 : vector<10x128xf32>
    %mul3A_139 = arith.constant -0.404999971 : f32
    %mul3A_140 = vector.broadcast %mul3A_139 : f32 to vector<10x128xf32>
    %mul3A_141 = arith.mulf %mul3A_140, %integer_pow3A_138 : vector<10x128xf32>
    %exp3A_142 = math.exp %mul3A_141 : vector<10x128xf32>
    %dot_general3A_143 = arith.constant dense<0.000000e+00> : vector<128x128xf32>
    %dot_general3A_144 = tpu.matmul %exp3A_142, %get3A_19, %dot_general3A_143 {dimension_numbers = #tpu.dot_dimension_numbers<[0], [0], [1], [1], [0, 1, 1, 1], [], []>, transpose_lhs_hint = false} : vector<10x128xf32>, vector<10x128xf32>, vector<128x128xf32> -> vector<128x128xf32>
    %broadcast_in_dim3A_145 = vector.shape_cast %dot_general3A_144 : vector<128x128xf32> to vector<1x128x128xf32>
    %slice3A_146 = vector.extract_strided_slice %sqrt3A {offsets = [11, 0], sizes = [1, 128], strides = [1, 1]} : vector<16x128xf32> to vector<1x128xf32>
    %broadcast_in_dim3A_147 = vector.shape_cast %slice3A_146 : vector<1x128xf32> to vector<1x128xf32>
    %broadcast_in_dim3A_148 = vector.broadcast %broadcast_in_dim3A_147 : vector<1x128xf32> to vector<10x128xf32>
    %sub3A_149 = arith.subf %broadcast_in_dim3A_148, %mul3A_16 : vector<10x128xf32>
    %integer_pow3A_150 = arith.mulf %sub3A_149, %sub3A_149 : vector<10x128xf32>
    %mul3A_151 = arith.constant -0.404999971 : f32
    %mul3A_152 = vector.broadcast %mul3A_151 : f32 to vector<10x128xf32>
    %mul3A_153 = arith.mulf %mul3A_152, %integer_pow3A_150 : vector<10x128xf32>
    %exp3A_154 = math.exp %mul3A_153 : vector<10x128xf32>
    %dot_general3A_155 = arith.constant dense<0.000000e+00> : vector<128x128xf32>
    %dot_general3A_156 = tpu.matmul %exp3A_154, %get3A_19, %dot_general3A_155 {dimension_numbers = #tpu.dot_dimension_numbers<[0], [0], [1], [1], [0, 1, 1, 1], [], []>, transpose_lhs_hint = false} : vector<10x128xf32>, vector<10x128xf32>, vector<128x128xf32> -> vector<128x128xf32>
    %broadcast_in_dim3A_157 = vector.shape_cast %dot_general3A_156 : vector<128x128xf32> to vector<1x128x128xf32>
    %slice3A_158 = vector.extract_strided_slice %sqrt3A {offsets = [12, 0], sizes = [1, 128], strides = [1, 1]} : vector<16x128xf32> to vector<1x128xf32>
    %broadcast_in_dim3A_159 = vector.shape_cast %slice3A_158 : vector<1x128xf32> to vector<1x128xf32>
    %broadcast_in_dim3A_160 = vector.broadcast %broadcast_in_dim3A_159 : vector<1x128xf32> to vector<10x128xf32>
    %sub3A_161 = arith.subf %broadcast_in_dim3A_160, %mul3A_16 : vector<10x128xf32>
    %integer_pow3A_162 = arith.mulf %sub3A_161, %sub3A_161 : vector<10x128xf32>
    %mul3A_163 = arith.constant -0.404999971 : f32
    %mul3A_164 = vector.broadcast %mul3A_163 : f32 to vector<10x128xf32>
    %mul3A_165 = arith.mulf %mul3A_164, %integer_pow3A_162 : vector<10x128xf32>
    %exp3A_166 = math.exp %mul3A_165 : vector<10x128xf32>
    %dot_general3A_167 = arith.constant dense<0.000000e+00> : vector<128x128xf32>
    %dot_general3A_168 = tpu.matmul %exp3A_166, %get3A_19, %dot_general3A_167 {dimension_numbers = #tpu.dot_dimension_numbers<[0], [0], [1], [1], [0, 1, 1, 1], [], []>, transpose_lhs_hint = false} : vector<10x128xf32>, vector<10x128xf32>, vector<128x128xf32> -> vector<128x128xf32>
    %broadcast_in_dim3A_169 = vector.shape_cast %dot_general3A_168 : vector<128x128xf32> to vector<1x128x128xf32>
    %slice3A_170 = vector.extract_strided_slice %sqrt3A {offsets = [13, 0], sizes = [1, 128], strides = [1, 1]} : vector<16x128xf32> to vector<1x128xf32>
    %broadcast_in_dim3A_171 = vector.shape_cast %slice3A_170 : vector<1x128xf32> to vector<1x128xf32>
    %broadcast_in_dim3A_172 = vector.broadcast %broadcast_in_dim3A_171 : vector<1x128xf32> to vector<10x128xf32>
    %sub3A_173 = arith.subf %broadcast_in_dim3A_172, %mul3A_16 : vector<10x128xf32>
    %integer_pow3A_174 = arith.mulf %sub3A_173, %sub3A_173 : vector<10x128xf32>
    %mul3A_175 = arith.constant -0.404999971 : f32
    %mul3A_176 = vector.broadcast %mul3A_175 : f32 to vector<10x128xf32>
    %mul3A_177 = arith.mulf %mul3A_176, %integer_pow3A_174 : vector<10x128xf32>
    %exp3A_178 = math.exp %mul3A_177 : vector<10x128xf32>
    %dot_general3A_179 = arith.constant dense<0.000000e+00> : vector<128x128xf32>
    %dot_general3A_180 = tpu.matmul %exp3A_178, %get3A_19, %dot_general3A_179 {dimension_numbers = #tpu.dot_dimension_numbers<[0], [0], [1], [1], [0, 1, 1, 1], [], []>, transpose_lhs_hint = false} : vector<10x128xf32>, vector<10x128xf32>, vector<128x128xf32> -> vector<128x128xf32>
    %broadcast_in_dim3A_181 = vector.shape_cast %dot_general3A_180 : vector<128x128xf32> to vector<1x128x128xf32>
    %slice3A_182 = vector.extract_strided_slice %sqrt3A {offsets = [14, 0], sizes = [1, 128], strides = [1, 1]} : vector<16x128xf32> to vector<1x128xf32>
    %broadcast_in_dim3A_183 = vector.shape_cast %slice3A_182 : vector<1x128xf32> to vector<1x128xf32>
    %broadcast_in_dim3A_184 = vector.broadcast %broadcast_in_dim3A_183 : vector<1x128xf32> to vector<10x128xf32>
    %sub3A_185 = arith.subf %broadcast_in_dim3A_184, %mul3A_16 : vector<10x128xf32>
    %integer_pow3A_186 = arith.mulf %sub3A_185, %sub3A_185 : vector<10x128xf32>
    %mul3A_187 = arith.constant -0.404999971 : f32
    %mul3A_188 = vector.broadcast %mul3A_187 : f32 to vector<10x128xf32>
    %mul3A_189 = arith.mulf %mul3A_188, %integer_pow3A_186 : vector<10x128xf32>
    %exp3A_190 = math.exp %mul3A_189 : vector<10x128xf32>
    %dot_general3A_191 = arith.constant dense<0.000000e+00> : vector<128x128xf32>
    %dot_general3A_192 = tpu.matmul %exp3A_190, %get3A_19, %dot_general3A_191 {dimension_numbers = #tpu.dot_dimension_numbers<[0], [0], [1], [1], [0, 1, 1, 1], [], []>, transpose_lhs_hint = false} : vector<10x128xf32>, vector<10x128xf32>, vector<128x128xf32> -> vector<128x128xf32>
    %broadcast_in_dim3A_193 = vector.shape_cast %dot_general3A_192 : vector<128x128xf32> to vector<1x128x128xf32>
    %slice3A_194 = vector.extract_strided_slice %sqrt3A {offsets = [15, 0], sizes = [1, 128], strides = [1, 1]} : vector<16x128xf32> to vector<1x128xf32>
    %broadcast_in_dim3A_195 = vector.shape_cast %slice3A_194 : vector<1x128xf32> to vector<1x128xf32>
    %broadcast_in_dim3A_196 = vector.broadcast %broadcast_in_dim3A_195 : vector<1x128xf32> to vector<10x128xf32>
    %sub3A_197 = arith.subf %broadcast_in_dim3A_196, %mul3A_16 : vector<10x128xf32>
    %integer_pow3A_198 = arith.mulf %sub3A_197, %sub3A_197 : vector<10x128xf32>
    %mul3A_199 = arith.constant -0.404999971 : f32
    %mul3A_200 = vector.broadcast %mul3A_199 : f32 to vector<10x128xf32>
    %mul3A_201 = arith.mulf %mul3A_200, %integer_pow3A_198 : vector<10x128xf32>
    %exp3A_202 = math.exp %mul3A_201 : vector<10x128xf32>
    %dot_general3A_203 = arith.constant dense<0.000000e+00> : vector<128x128xf32>
    %dot_general3A_204 = tpu.matmul %exp3A_202, %get3A_19, %dot_general3A_203 {dimension_numbers = #tpu.dot_dimension_numbers<[0], [0], [1], [1], [0, 1, 1, 1], [], []>, transpose_lhs_hint = false} : vector<10x128xf32>, vector<10x128xf32>, vector<128x128xf32> -> vector<128x128xf32>
    %broadcast_in_dim3A_205 = vector.shape_cast %dot_general3A_204 : vector<128x128xf32> to vector<1x128x128xf32>
    %concatenate3A = tpu.concatenate %broadcast_in_dim3A_25, %broadcast_in_dim3A_37, %broadcast_in_dim3A_49, %broadcast_in_dim3A_61, %broadcast_in_dim3A_73, %broadcast_in_dim3A_85, %broadcast_in_dim3A_97, %broadcast_in_dim3A_109, %broadcast_in_dim3A_121, %broadcast_in_dim3A_133, %broadcast_in_dim3A_145, %broadcast_in_dim3A_157, %broadcast_in_dim3A_169, %broadcast_in_dim3A_181, %broadcast_in_dim3A_193, %broadcast_in_dim3A_205 in 0 : vector<1x128x128xf32>, vector<1x128x128xf32>, vector<1x128x128xf32>, vector<1x128x128xf32>, vector<1x128x128xf32>, vector<1x128x128xf32>, vector<1x128x128xf32>, vector<1x128x128xf32>, vector<1x128x128xf32>, vector<1x128x128xf32>, vector<1x128x128xf32>, vector<1x128x128xf32>, vector<1x128x128xf32>, vector<1x128x128xf32>, vector<1x128x128xf32>, vector<1x128x128xf32> -> vector<16x128x128xf32>
    %broadcast_in_dim3A_206 = vector.shape_cast %mul3A_13 : vector<16x128xf32> to vector<16x128x1xf32>
    %broadcast_in_dim3A_207 = vector.shape_cast %broadcast_in_dim3A_206 : vector<16x128x1xf32> to vector<16x128x1xf32>
    %broadcast_in_dim3A_208 = vector.broadcast %broadcast_in_dim3A_207 : vector<16x128x1xf32> to vector<16x128x128xf32>
    %get3A_209 = arith.constant 0 : index
    %get3A_210 = arith.constant 0 : index
    %get3A_211 = vector.load %arg3[%get3A_209, %get3A_210] : memref<1x128xf32, #tpu.memory_space<vmem>>, vector<1x128xf32>
    %reshape3A = vector.shape_cast %get3A_211 : vector<1x128xf32> to vector<1x1x128xf32>
    %add3A_212 = vector.broadcast %reshape3A : vector<1x1x128xf32> to vector<16x128x128xf32>
    %add3A_213 = arith.addf %concatenate3A, %add3A_212 : vector<16x128x128xf32>
    %max3A = arith.constant 0.000000e+00 : f32
    %max3A_214 = vector.broadcast %max3A : f32 to vector<16x128x128xf32>
    %max3A_215 = arith.maximumf %add3A_213, %max3A_214 : vector<16x128x128xf32>
    %abs3A = math.absf %add3A_213 : vector<16x128x128xf32>
    %neg3A = arith.constant 0.000000e+00 : f32
    %neg3A_216 = vector.broadcast %neg3A : f32 to vector<16x128x128xf32>
    %neg3A_217 = arith.subf %neg3A_216, %abs3A : vector<16x128x128xf32>
    %exp3A_218 = math.exp %neg3A_217 : vector<16x128x128xf32>
    %log1p3A = math.log1p %exp3A_218 : vector<16x128x128xf32>
    %add3A_219 = arith.addf %max3A_215, %log1p3A : vector<16x128x128xf32>
    %sub3A_220 = arith.constant 0.693147182 : f32
    %sub3A_221 = vector.broadcast %sub3A_220 : f32 to vector<16x128x128xf32>
    %sub3A_222 = arith.subf %add3A_219, %sub3A_221 : vector<16x128x128xf32>
    %mul3A_223 = arith.mulf %sub3A_222, %broadcast_in_dim3A_208 : vector<16x128x128xf32>
    %reshape3A_224 = vector.shape_cast %mul3A_223 : vector<16x128x128xf32> to vector<2048x128xf32>
    %get3A_225 = arith.constant 0 : index
    %get3A_226 = arith.constant 0 : index
    %get3A_227 = vector.load %arg4[%get3A_225, %get3A_226] : memref<128x128xf32, #tpu.memory_space<vmem>>, vector<128x128xf32>
    %dot_general3A_228 = arith.constant dense<0.000000e+00> : vector<2048x128xf32>
    %dot_general3A_229 = tpu.matmul %reshape3A_224, %get3A_227, %dot_general3A_228 {dimension_numbers = #tpu.dot_dimension_numbers<[1], [0], [0], [1], [0, 0, 1, 1], [], []>, transpose_lhs_hint = false} : vector<2048x128xf32>, vector<128x128xf32>, vector<2048x128xf32> -> vector<2048x128xf32>
    %get3A_230 = arith.constant 0 : index
    %get3A_231 = arith.constant 0 : index
    %get3A_232 = vector.load %arg5[%get3A_230, %get3A_231] : memref<1x128xf32, #tpu.memory_space<vmem>>, vector<1x128xf32>
    %reshape3A_233 = vector.shape_cast %get3A_232 : vector<1x128xf32> to vector<1x1x128xf32>
    %mul3A_234 = vector.broadcast %reshape3A_233 : vector<1x1x128xf32> to vector<16x128x128xf32>
    %mul3A_235 = arith.mulf %broadcast_in_dim3A_208, %mul3A_234 : vector<16x128x128xf32>
    %reshape3A_236 = vector.shape_cast %mul3A_235 : vector<16x128x128xf32> to vector<2048x128xf32>
    %add3A_237 = arith.addf %dot_general3A_229, %reshape3A_236 : vector<2048x128xf32>
    %swap3A = arith.constant 0 : index
    %swap3A_238 = arith.constant 0 : index
    %swap3A_239 = vector.load %arg6[%swap3A, %swap3A_238] : memref<2048x128xf32, #tpu.memory_space<vmem>>, vector<2048x128xf32>
    tpu.vector_store %arg6[%swap3A, %swap3A_238], %add3A_237 {strides = array<i32>} : memref<2048x128xf32, #tpu.memory_space<vmem>>, vector<2048x128xf32>,
    return
  }
  func.func @transform_0(%arg0: i32) -> (i32, i32) {
    %c0_i32 = arith.constant 0 : i32
    %c0_i32_0 = arith.constant 0 : i32
    return %arg0, %c0_i32 : i32, i32
  }
  func.func @transform_1(%arg0: i32) -> (i32, i32) {
    %c0_i32 = arith.constant 0 : i32
    %c0_i32_0 = arith.constant 0 : i32
    %c0_i32_1 = arith.constant 0 : i32
    return %c0_i32, %c0_i32_0 : i32, i32
  }
  func.func @transform_2(%arg0: i32) -> (i32, i32) {
    %c0_i32 = arith.constant 0 : i32
    %c0_i32_0 = arith.constant 0 : i32
    %c0_i32_1 = arith.constant 0 : i32
    return %c0_i32, %c0_i32_0 : i32, i32
  }
  func.func @transform_3(%arg0: i32) -> (i32, i32) {
    %c0_i32 = arith.constant 0 : i32
    %c0_i32_0 = arith.constant 0 : i32
    %c0_i32_1 = arith.constant 0 : i32
    return %c0_i32, %c0_i32_0 : i32, i32
  }
  func.func @transform_4(%arg0: i32) -> (i32, i32) {
    %c0_i32 = arith.constant 0 : i32
    %c0_i32_0 = arith.constant 0 : i32
    %c0_i32_1 = arith.constant 0 : i32
    return %c0_i32, %c0_i32_0 : i32, i32
  }
  func.func @transform_5(%arg0: i32) -> (i32, i32) {
    %c0_i32 = arith.constant 0 : i32
    %c0_i32_0 = arith.constant 0 : i32
    return %arg0, %c0_i32 : i32, i32
  }
}

module attributes {stable_mosaic.version = 14 : i64} {
  func.func @_update_body(%arg0: i32, %arg1: memref<2000x128xf32, #tpu.memory_space<vmem>>, %arg2: memref<2000x128xf32, #tpu.memory_space<vmem>>, %arg3: memref<2000x128xf32, #tpu.memory_space<vmem>>, %arg4: memref<128x128xf32, #tpu.memory_space<vmem>>, %arg5: memref<1x128xf32, #tpu.memory_space<vmem>>, %arg6: memref<128x128xf32, #tpu.memory_space<vmem>>, %arg7: memref<1x128xf32, #tpu.memory_space<vmem>>, %arg8: memref<128x128xf32, #tpu.memory_space<vmem>>, %arg9: memref<2000x128xf32, #tpu.memory_space<vmem>>, %arg10: memref<2000x128xf32, #tpu.memory_space<vmem>>) attributes {dimension_semantics = [#tpu.dimension_semantics<arbitrary>], iteration_bounds = array<i64: 5>, scalar_prefetch = 0 : i64, scratch_operands = 0 : i64, tpu.core_type = #tpu.core_type<tc>, window_params = [{transform_indices = @transform_0, window_bounds = array<i64: 2000, 128>}, {transform_indices = @transform_1, window_bounds = array<i64: 2000, 128>}, {transform_indices = @transform_2, window_bounds = array<i64: 2000, 128>}, {pipeline_mode = #tpu.pipeline_mode<synchronous>, transform_indices = @transform_3, window_bounds = array<i64: 128, 128>}, {pipeline_mode = #tpu.pipeline_mode<synchronous>, transform_indices = @transform_4, window_bounds = array<i64: 1, 128>}, {pipeline_mode = #tpu.pipeline_mode<synchronous>, transform_indices = @transform_5, window_bounds = array<i64: 128, 128>}, {pipeline_mode = #tpu.pipeline_mode<synchronous>, transform_indices = @transform_6, window_bounds = array<i64: 1, 128>}, {pipeline_mode = #tpu.pipeline_mode<synchronous>, transform_indices = @transform_7, window_bounds = array<i64: 128, 128>}, {transform_indices = @transform_8, window_bounds = array<i64: 2000, 128>}, {transform_indices = @transform_9, window_bounds = array<i64: 2000, 128>}]} {
    %get3A = arith.constant 0 : index
    %get3A_0 = arith.constant 0 : index
    %get3A_1 = vector.load %arg1[%get3A, %get3A_0] : memref<2000x128xf32, #tpu.memory_space<vmem>>, vector<2000x128xf32>
    %get3A_2 = arith.constant 0 : index
    %get3A_3 = arith.constant 0 : index
    %get3A_4 = vector.load %arg2[%get3A_2, %get3A_3] : memref<2000x128xf32, #tpu.memory_space<vmem>>, vector<2000x128xf32>
    %add3A = arith.addf %get3A_1, %get3A_4 : vector<2000x128xf32>
    %get3A_5 = arith.constant 0 : index
    %get3A_6 = arith.constant 0 : index
    %get3A_7 = vector.load %arg4[%get3A_5, %get3A_6] : memref<128x128xf32, #tpu.memory_space<vmem>>, vector<128x128xf32>
    %dot_general3A = arith.constant dense<0.000000e+00> : vector<2000x128xf32>
    %dot_general3A_8 = tpu.matmul %add3A, %get3A_7, %dot_general3A {dimension_numbers = #tpu.dot_dimension_numbers<[1], [0], [0], [1], [0, 0, 1, 1], [], []>, transpose_lhs_hint = false} : vector<2000x128xf32>, vector<128x128xf32>, vector<2000x128xf32> -> vector<2000x128xf32>
    %get3A_9 = arith.constant 0 : index
    %get3A_10 = arith.constant 0 : index
    %get3A_11 = vector.load %arg5[%get3A_9, %get3A_10] : memref<1x128xf32, #tpu.memory_space<vmem>>, vector<1x128xf32>
    %add3A_12 = vector.broadcast %get3A_11 : vector<1x128xf32> to vector<2000x128xf32>
    %add3A_13 = arith.addf %dot_general3A_8, %add3A_12 : vector<2000x128xf32>
    %max3A = arith.constant 0.000000e+00 : f32
    %max3A_14 = vector.broadcast %max3A : f32 to vector<2000x128xf32>
    %max3A_15 = arith.maximumf %add3A_13, %max3A_14 : vector<2000x128xf32>
    %abs3A = math.absf %add3A_13 : vector<2000x128xf32>
    %neg3A = arith.constant 0.000000e+00 : f32
    %neg3A_16 = vector.broadcast %neg3A : f32 to vector<2000x128xf32>
    %neg3A_17 = arith.subf %neg3A_16, %abs3A : vector<2000x128xf32>
    %exp3A = math.exp %neg3A_17 : vector<2000x128xf32>
    %log1p3A = math.log1p %exp3A : vector<2000x128xf32>
    %add3A_18 = arith.addf %max3A_15, %log1p3A : vector<2000x128xf32>
    %sub3A = arith.constant 0.693147182 : f32
    %sub3A_19 = vector.broadcast %sub3A : f32 to vector<2000x128xf32>
    %sub3A_20 = arith.subf %add3A_18, %sub3A_19 : vector<2000x128xf32>
    %get3A_21 = arith.constant 0 : index
    %get3A_22 = arith.constant 0 : index
    %get3A_23 = vector.load %arg6[%get3A_21, %get3A_22] : memref<128x128xf32, #tpu.memory_space<vmem>>, vector<128x128xf32>
    %dot_general3A_24 = arith.constant dense<0.000000e+00> : vector<2000x128xf32>
    %dot_general3A_25 = tpu.matmul %sub3A_20, %get3A_23, %dot_general3A_24 {dimension_numbers = #tpu.dot_dimension_numbers<[1], [0], [0], [1], [0, 0, 1, 1], [], []>, transpose_lhs_hint = false} : vector<2000x128xf32>, vector<128x128xf32>, vector<2000x128xf32> -> vector<2000x128xf32>
    %get3A_26 = arith.constant 0 : index
    %get3A_27 = arith.constant 0 : index
    %get3A_28 = vector.load %arg7[%get3A_26, %get3A_27] : memref<1x128xf32, #tpu.memory_space<vmem>>, vector<1x128xf32>
    %add3A_29 = vector.broadcast %get3A_28 : vector<1x128xf32> to vector<2000x128xf32>
    %add3A_30 = arith.addf %dot_general3A_25, %add3A_29 : vector<2000x128xf32>
    %get3A_31 = arith.constant 0 : index
    %get3A_32 = arith.constant 0 : index
    %get3A_33 = vector.load %arg3[%get3A_31, %get3A_32] : memref<2000x128xf32, #tpu.memory_space<vmem>>, vector<2000x128xf32>
    %add3A_34 = arith.addf %get3A_33, %add3A_30 : vector<2000x128xf32>
    %get3A_35 = arith.constant 0 : index
    %get3A_36 = arith.constant 0 : index
    %get3A_37 = vector.load %arg8[%get3A_35, %get3A_36] : memref<128x128xf32, #tpu.memory_space<vmem>>, vector<128x128xf32>
    %dot_general3A_38 = arith.constant dense<0.000000e+00> : vector<2000x128xf32>
    %dot_general3A_39 = tpu.matmul %add3A_34, %get3A_37, %dot_general3A_38 {dimension_numbers = #tpu.dot_dimension_numbers<[1], [0], [0], [1], [0, 0, 1, 1], [], []>, transpose_lhs_hint = false} : vector<2000x128xf32>, vector<128x128xf32>, vector<2000x128xf32> -> vector<2000x128xf32>
    %swap3A = arith.constant 0 : index
    %swap3A_40 = arith.constant 0 : index
    %swap3A_41 = vector.load %arg9[%swap3A, %swap3A_40] : memref<2000x128xf32, #tpu.memory_space<vmem>>, vector<2000x128xf32>
    tpu.vector_store %arg9[%swap3A, %swap3A_40], %add3A_34 {strides = array<i32>} : memref<2000x128xf32, #tpu.memory_space<vmem>>, vector<2000x128xf32>,
    %swap3A_42 = arith.constant 0 : index
    %swap3A_43 = arith.constant 0 : index
    %swap3A_44 = vector.load %arg10[%swap3A_42, %swap3A_43] : memref<2000x128xf32, #tpu.memory_space<vmem>>, vector<2000x128xf32>
    tpu.vector_store %arg10[%swap3A_42, %swap3A_43], %dot_general3A_39 {strides = array<i32>} : memref<2000x128xf32, #tpu.memory_space<vmem>>, vector<2000x128xf32>,
    return
  }
  func.func @transform_0(%arg0: i32) -> (i32, i32) {
    %c0_i32 = arith.constant 0 : i32
    %c0_i32_0 = arith.constant 0 : i32
    return %arg0, %c0_i32 : i32, i32
  }
  func.func @transform_1(%arg0: i32) -> (i32, i32) {
    %c0_i32 = arith.constant 0 : i32
    %c0_i32_0 = arith.constant 0 : i32
    return %arg0, %c0_i32 : i32, i32
  }
  func.func @transform_2(%arg0: i32) -> (i32, i32) {
    %c0_i32 = arith.constant 0 : i32
    %c0_i32_0 = arith.constant 0 : i32
    return %arg0, %c0_i32 : i32, i32
  }
  func.func @transform_3(%arg0: i32) -> (i32, i32) {
    %c0_i32 = arith.constant 0 : i32
    %c0_i32_0 = arith.constant 0 : i32
    %c0_i32_1 = arith.constant 0 : i32
    return %c0_i32, %c0_i32_0 : i32, i32
  }
  func.func @transform_4(%arg0: i32) -> (i32, i32) {
    %c0_i32 = arith.constant 0 : i32
    %c0_i32_0 = arith.constant 0 : i32
    %c0_i32_1 = arith.constant 0 : i32
    return %c0_i32, %c0_i32_0 : i32, i32
  }
  func.func @transform_5(%arg0: i32) -> (i32, i32) {
    %c0_i32 = arith.constant 0 : i32
    %c0_i32_0 = arith.constant 0 : i32
    %c0_i32_1 = arith.constant 0 : i32
    return %c0_i32, %c0_i32_0 : i32, i32
  }
  func.func @transform_6(%arg0: i32) -> (i32, i32) {
    %c0_i32 = arith.constant 0 : i32
    %c0_i32_0 = arith.constant 0 : i32
    %c0_i32_1 = arith.constant 0 : i32
    return %c0_i32, %c0_i32_0 : i32, i32
  }
  func.func @transform_7(%arg0: i32) -> (i32, i32) {
    %c0_i32 = arith.constant 0 : i32
    %c0_i32_0 = arith.constant 0 : i32
    %c0_i32_1 = arith.constant 0 : i32
    return %c0_i32, %c0_i32_0 : i32, i32
  }
  func.func @transform_8(%arg0: i32) -> (i32, i32) {
    %c0_i32 = arith.constant 0 : i32
    %c0_i32_0 = arith.constant 0 : i32
    return %arg0, %c0_i32 : i32, i32
  }
  func.func @transform_9(%arg0: i32) -> (i32, i32) {
    %c0_i32 = arith.constant 0 : i32
    %c0_i32_0 = arith.constant 0 : i32
    return %arg0, %c0_i32 : i32, i32
  }
}

module attributes {stable_mosaic.version = 14 : i64} {
  func.func @_final_body(%arg0: i32, %arg1: memref<2000x128xf32, #tpu.memory_space<vmem>>, %arg2: memref<2000x128xf32, #tpu.memory_space<vmem>>, %arg3: memref<2000x128xf32, #tpu.memory_space<vmem>>, %arg4: memref<2000x1xi32, #tpu.memory_space<vmem>>, %arg5: memref<128x128xf32, #tpu.memory_space<vmem>>, %arg6: memref<1x128xf32, #tpu.memory_space<vmem>>, %arg7: memref<128x128xf32, #tpu.memory_space<vmem>>, %arg8: memref<1x128xf32, #tpu.memory_space<vmem>>, %arg9: memref<128x64xf32, #tpu.memory_space<vmem>>, %arg10: memref<1x64xf32, #tpu.memory_space<vmem>>, %arg11: memref<64x128xf32, #tpu.memory_space<vmem>>, %arg12: memref<1x128xf32, #tpu.memory_space<vmem>>, %arg13: memref<128x1xf32, #tpu.memory_space<vmem>>, %arg14: memref<1x1xf32, #tpu.memory_space<vmem>>, %arg15: memref<64x1xf32, #tpu.memory_space<vmem>>) attributes {dimension_semantics = [#tpu.dimension_semantics<arbitrary>], iteration_bounds = array<i64: 5>, scalar_prefetch = 0 : i64, scratch_operands = 0 : i64, tpu.core_type = #tpu.core_type<tc>, window_params = [{transform_indices = @transform_0, window_bounds = array<i64: 2000, 128>}, {transform_indices = @transform_1, window_bounds = array<i64: 2000, 128>}, {transform_indices = @transform_2, window_bounds = array<i64: 2000, 128>}, {transform_indices = @transform_3, window_bounds = array<i64: 2000, 1>}, {pipeline_mode = #tpu.pipeline_mode<synchronous>, transform_indices = @transform_4, window_bounds = array<i64: 128, 128>}, {pipeline_mode = #tpu.pipeline_mode<synchronous>, transform_indices = @transform_5, window_bounds = array<i64: 1, 128>}, {pipeline_mode = #tpu.pipeline_mode<synchronous>, transform_indices = @transform_6, window_bounds = array<i64: 128, 128>}, {pipeline_mode = #tpu.pipeline_mode<synchronous>, transform_indices = @transform_7, window_bounds = array<i64: 1, 128>}, {pipeline_mode = #tpu.pipeline_mode<synchronous>, transform_indices = @transform_8, window_bounds = array<i64: 128, 64>}, {pipeline_mode = #tpu.pipeline_mode<synchronous>, transform_indices = @transform_9, window_bounds = array<i64: 1, 64>}, {pipeline_mode = #tpu.pipeline_mode<synchronous>, transform_indices = @transform_10, window_bounds = array<i64: 64, 128>}, {pipeline_mode = #tpu.pipeline_mode<synchronous>, transform_indices = @transform_11, window_bounds = array<i64: 1, 128>}, {pipeline_mode = #tpu.pipeline_mode<synchronous>, transform_indices = @transform_12, window_bounds = array<i64: 128, 1>}, {pipeline_mode = #tpu.pipeline_mode<synchronous>, transform_indices = @transform_13, window_bounds = array<i64: 1, 1>}, {pipeline_mode = #tpu.pipeline_mode<synchronous>, transform_indices = @transform_14, window_bounds = array<i64: 64, 1>}]} {
    %get3A = arith.constant 0 : index
    %get3A_0 = arith.constant 0 : index
    %get3A_1 = vector.load %arg1[%get3A, %get3A_0] : memref<2000x128xf32, #tpu.memory_space<vmem>>, vector<2000x128xf32>
    %get3A_2 = arith.constant 0 : index
    %get3A_3 = arith.constant 0 : index
    %get3A_4 = vector.load %arg2[%get3A_2, %get3A_3] : memref<2000x128xf32, #tpu.memory_space<vmem>>, vector<2000x128xf32>
    %add3A = arith.addf %get3A_1, %get3A_4 : vector<2000x128xf32>
    %get3A_5 = arith.constant 0 : index
    %get3A_6 = arith.constant 0 : index
    %get3A_7 = vector.load %arg5[%get3A_5, %get3A_6] : memref<128x128xf32, #tpu.memory_space<vmem>>, vector<128x128xf32>
    %dot_general3A = arith.constant dense<0.000000e+00> : vector<2000x128xf32>
    %dot_general3A_8 = tpu.matmul %add3A, %get3A_7, %dot_general3A {dimension_numbers = #tpu.dot_dimension_numbers<[1], [0], [0], [1], [0, 0, 1, 1], [], []>, transpose_lhs_hint = false} : vector<2000x128xf32>, vector<128x128xf32>, vector<2000x128xf32> -> vector<2000x128xf32>
    %get3A_9 = arith.constant 0 : index
    %get3A_10 = arith.constant 0 : index
    %get3A_11 = vector.load %arg6[%get3A_9, %get3A_10] : memref<1x128xf32, #tpu.memory_space<vmem>>, vector<1x128xf32>
    %add3A_12 = vector.broadcast %get3A_11 : vector<1x128xf32> to vector<2000x128xf32>
    %add3A_13 = arith.addf %dot_general3A_8, %add3A_12 : vector<2000x128xf32>
    %max3A = arith.constant 0.000000e+00 : f32
    %max3A_14 = vector.broadcast %max3A : f32 to vector<2000x128xf32>
    %max3A_15 = arith.maximumf %add3A_13, %max3A_14 : vector<2000x128xf32>
    %abs3A = math.absf %add3A_13 : vector<2000x128xf32>
    %neg3A = arith.constant 0.000000e+00 : f32
    %neg3A_16 = vector.broadcast %neg3A : f32 to vector<2000x128xf32>
    %neg3A_17 = arith.subf %neg3A_16, %abs3A : vector<2000x128xf32>
    %exp3A = math.exp %neg3A_17 : vector<2000x128xf32>
    %log1p3A = math.log1p %exp3A : vector<2000x128xf32>
    %add3A_18 = arith.addf %max3A_15, %log1p3A : vector<2000x128xf32>
    %sub3A = arith.constant 0.693147182 : f32
    %sub3A_19 = vector.broadcast %sub3A : f32 to vector<2000x128xf32>
    %sub3A_20 = arith.subf %add3A_18, %sub3A_19 : vector<2000x128xf32>
    %get3A_21 = arith.constant 0 : index
    %get3A_22 = arith.constant 0 : index
    %get3A_23 = vector.load %arg7[%get3A_21, %get3A_22] : memref<128x128xf32, #tpu.memory_space<vmem>>, vector<128x128xf32>
    %dot_general3A_24 = arith.constant dense<0.000000e+00> : vector<2000x128xf32>
    %dot_general3A_25 = tpu.matmul %sub3A_20, %get3A_23, %dot_general3A_24 {dimension_numbers = #tpu.dot_dimension_numbers<[1], [0], [0], [1], [0, 0, 1, 1], [], []>, transpose_lhs_hint = false} : vector<2000x128xf32>, vector<128x128xf32>, vector<2000x128xf32> -> vector<2000x128xf32>
    %get3A_26 = arith.constant 0 : index
    %get3A_27 = arith.constant 0 : index
    %get3A_28 = vector.load %arg8[%get3A_26, %get3A_27] : memref<1x128xf32, #tpu.memory_space<vmem>>, vector<1x128xf32>
    %add3A_29 = vector.broadcast %get3A_28 : vector<1x128xf32> to vector<2000x128xf32>
    %add3A_30 = arith.addf %dot_general3A_25, %add3A_29 : vector<2000x128xf32>
    %get3A_31 = arith.constant 0 : index
    %get3A_32 = arith.constant 0 : index
    %get3A_33 = vector.load %arg3[%get3A_31, %get3A_32] : memref<2000x128xf32, #tpu.memory_space<vmem>>, vector<2000x128xf32>
    %add3A_34 = arith.addf %get3A_33, %add3A_30 : vector<2000x128xf32>
    %get3A_35 = arith.constant 0 : index
    %get3A_36 = arith.constant 0 : index
    %get3A_37 = vector.load %arg9[%get3A_35, %get3A_36] : memref<128x64xf32, #tpu.memory_space<vmem>>, vector<128x64xf32>
    %dot_general3A_38 = arith.constant dense<0.000000e+00> : vector<2000x64xf32>
    %dot_general3A_39 = tpu.matmul %add3A_34, %get3A_37, %dot_general3A_38 {dimension_numbers = #tpu.dot_dimension_numbers<[1], [0], [0], [1], [0, 0, 1, 1], [], []>, transpose_lhs_hint = false} : vector<2000x128xf32>, vector<128x64xf32>, vector<2000x64xf32> -> vector<2000x64xf32>
    %get3A_40 = arith.constant 0 : index
    %get3A_41 = arith.constant 0 : index
    %get3A_42 = vector.load %arg10[%get3A_40, %get3A_41] : memref<1x64xf32, #tpu.memory_space<vmem>>, vector<1x64xf32>
    %add3A_43 = vector.broadcast %get3A_42 : vector<1x64xf32> to vector<2000x64xf32>
    %add3A_44 = arith.addf %dot_general3A_39, %add3A_43 : vector<2000x64xf32>
    %max3A_45 = arith.constant 0.000000e+00 : f32
    %max3A_46 = vector.broadcast %max3A_45 : f32 to vector<2000x64xf32>
    %max3A_47 = arith.maximumf %add3A_44, %max3A_46 : vector<2000x64xf32>
    %abs3A_48 = math.absf %add3A_44 : vector<2000x64xf32>
    %neg3A_49 = arith.constant 0.000000e+00 : f32
    %neg3A_50 = vector.broadcast %neg3A_49 : f32 to vector<2000x64xf32>
    %neg3A_51 = arith.subf %neg3A_50, %abs3A_48 : vector<2000x64xf32>
    %exp3A_52 = math.exp %neg3A_51 : vector<2000x64xf32>
    %log1p3A_53 = math.log1p %exp3A_52 : vector<2000x64xf32>
    %add3A_54 = arith.addf %max3A_47, %log1p3A_53 : vector<2000x64xf32>
    %sub3A_55 = arith.constant 0.693147182 : f32
    %sub3A_56 = vector.broadcast %sub3A_55 : f32 to vector<2000x64xf32>
    %sub3A_57 = arith.subf %add3A_54, %sub3A_56 : vector<2000x64xf32>
    %get3A_58 = arith.constant 0 : index
    %get3A_59 = arith.constant 0 : index
    %get3A_60 = vector.load %arg11[%get3A_58, %get3A_59] : memref<64x128xf32, #tpu.memory_space<vmem>>, vector<64x128xf32>
    %dot_general3A_61 = arith.constant dense<0.000000e+00> : vector<2000x128xf32>
    %dot_general3A_62 = tpu.matmul %sub3A_57, %get3A_60, %dot_general3A_61 {dimension_numbers = #tpu.dot_dimension_numbers<[1], [0], [0], [1], [0, 0, 1, 1], [], []>, transpose_lhs_hint = false} : vector<2000x64xf32>, vector<64x128xf32>, vector<2000x128xf32> -> vector<2000x128xf32>
    %get3A_63 = arith.constant 0 : index
    %get3A_64 = arith.constant 0 : index
    %get3A_65 = vector.load %arg12[%get3A_63, %get3A_64] : memref<1x128xf32, #tpu.memory_space<vmem>>, vector<1x128xf32>
    %add3A_66 = vector.broadcast %get3A_65 : vector<1x128xf32> to vector<2000x128xf32>
    %add3A_67 = arith.addf %dot_general3A_62, %add3A_66 : vector<2000x128xf32>
    %get3A_68 = arith.constant 0 : index
    %get3A_69 = arith.constant 0 : index
    %get3A_70 = vector.load %arg13[%get3A_68, %get3A_69] : memref<128x1xf32, #tpu.memory_space<vmem>>, vector<128x1xf32>
    %dot_general3A_71 = arith.constant dense<0.000000e+00> : vector<2000x1xf32>
    %dot_general3A_72 = tpu.matmul %add3A_67, %get3A_70, %dot_general3A_71 {dimension_numbers = #tpu.dot_dimension_numbers<[1], [0], [0], [1], [0, 0, 1, 1], [], []>, transpose_lhs_hint = false} : vector<2000x128xf32>, vector<128x1xf32>, vector<2000x1xf32> -> vector<2000x1xf32>
    %get3A_73 = arith.constant 0 : index
    %get3A_74 = arith.constant 0 : index
    %get3A_75 = vector.load %arg4[%get3A_73, %get3A_74] : memref<2000x1xi32, #tpu.memory_space<vmem>>, vector<2000x1xi32>
    %iota3A = tpu.iota {dimensions = array<i32: 1>} : vector<2000x64xi32>
    %eq3A = vector.broadcast %get3A_75 : vector<2000x1xi32> to vector<2000x64xi32>
    %eq3A_76 = arith.cmpi eq, %eq3A, %iota3A : vector<2000x64xi32>
    %convert_element_type3A = arith.extui %eq3A_76 : vector<2000x64xi1> to vector<2000x64xi32>
    %convert_element_type3A_77 = arith.sitofp %convert_element_type3A : vector<2000x64xi32> to vector<2000x64xf32>
    %dot_general3A_78 = arith.constant dense<0.000000e+00> : vector<64x1xf32>
    %dot_general3A_79 = tpu.matmul %convert_element_type3A_77, %dot_general3A_72, %dot_general3A_78 {dimension_numbers = #tpu.dot_dimension_numbers<[0], [0], [1], [1], [0, 1, 1, 1], [], []>, transpose_lhs_hint = false} : vector<2000x64xf32>, vector<2000x1xf32>, vector<64x1xf32> -> vector<64x1xf32>
    %eq3A_80 = arith.constant 0 : i32
    %eq3A_81 = arith.cmpi eq, %arg0, %eq3A_80 : i32
    %convert_element_type3A_82 = arith.extui %eq3A_81 : i1 to i32
    %cond3A = arith.constant 0 : i32
    %cond3A_83 = arith.cmpi ne, %convert_element_type3A_82, %cond3A : i32
    scf.if %cond3A_83 {
      %get3A_88 = arith.constant 0 : index
      %get3A_89 = arith.constant 0 : index
      %get3A_90 = vector.load %arg14[%get3A_88, %get3A_89] : memref<1x1xf32, #tpu.memory_space<vmem>>, vector<1x1xf32>
      %add3A_91 = vector.broadcast %get3A_90 : vector<1x1xf32> to vector<64x1xf32>
      %add3A_92 = arith.addf %dot_general3A_79, %add3A_91 : vector<64x1xf32>
      %swap3A = arith.constant 0 : index
      %swap3A_93 = arith.constant 0 : index
      %swap3A_94 = vector.load %arg15[%swap3A, %swap3A_93] : memref<64x1xf32, #tpu.memory_space<vmem>>, vector<64x1xf32>
      tpu.vector_store %arg15[%swap3A, %swap3A_93], %add3A_92 {strides = array<i32>} : memref<64x1xf32, #tpu.memory_space<vmem>>, vector<64x1xf32>,
    } else {
    }
    %gt3A = arith.constant 0 : i32
    %gt3A_84 = arith.cmpi sgt, %arg0, %gt3A : i32
    %convert_element_type3A_85 = arith.extui %gt3A_84 : i1 to i32
    %cond3A_86 = arith.constant 0 : i32
    %cond3A_87 = arith.cmpi ne, %convert_element_type3A_85, %cond3A_86 : i32
    scf.if %cond3A_87 {
      %get3A_88 = arith.constant 0 : index
      %get3A_89 = arith.constant 0 : index
      %get3A_90 = vector.load %arg15[%get3A_88, %get3A_89] : memref<64x1xf32, #tpu.memory_space<vmem>>, vector<64x1xf32>
      %add3A_91 = arith.addf %get3A_90, %dot_general3A_79 : vector<64x1xf32>
      %swap3A = arith.constant 0 : index
      %swap3A_92 = arith.constant 0 : index
      %swap3A_93 = vector.load %arg15[%swap3A, %swap3A_92] : memref<64x1xf32, #tpu.memory_space<vmem>>, vector<64x1xf32>
      tpu.vector_store %arg15[%swap3A, %swap3A_92], %add3A_91 {strides = array<i32>} : memref<64x1xf32, #tpu.memory_space<vmem>>, vector<64x1xf32>,
    } else {
    }
    return
  }
  func.func @transform_0(%arg0: i32) -> (i32, i32) {
    %c0_i32 = arith.constant 0 : i32
    %c0_i32_0 = arith.constant 0 : i32
    return %arg0, %c0_i32 : i32, i32
  }
  func.func @transform_1(%arg0: i32) -> (i32, i32) {
    %c0_i32 = arith.constant 0 : i32
    %c0_i32_0 = arith.constant 0 : i32
    return %arg0, %c0_i32 : i32, i32
  }
  func.func @transform_2(%arg0: i32) -> (i32, i32) {
    %c0_i32 = arith.constant 0 : i32
    %c0_i32_0 = arith.constant 0 : i32
    return %arg0, %c0_i32 : i32, i32
  }
  func.func @transform_3(%arg0: i32) -> (i32, i32) {
    %c0_i32 = arith.constant 0 : i32
    %c0_i32_0 = arith.constant 0 : i32
    return %arg0, %c0_i32 : i32, i32
  }
  func.func @transform_4(%arg0: i32) -> (i32, i32) {
    %c0_i32 = arith.constant 0 : i32
    %c0_i32_0 = arith.constant 0 : i32
    %c0_i32_1 = arith.constant 0 : i32
    return %c0_i32, %c0_i32_0 : i32, i32
  }
  func.func @transform_5(%arg0: i32) -> (i32, i32) {
    %c0_i32 = arith.constant 0 : i32
    %c0_i32_0 = arith.constant 0 : i32
    %c0_i32_1 = arith.constant 0 : i32
    return %c0_i32, %c0_i32_0 : i32, i32
  }
  func.func @transform_6(%arg0: i32) -> (i32, i32) {
    %c0_i32 = arith.constant 0 : i32
    %c0_i32_0 = arith.constant 0 : i32
    %c0_i32_1 = arith.constant 0 : i32
    return %c0_i32, %c0_i32_0 : i32, i32
  }
  func.func @transform_7(%arg0: i32) -> (i32, i32) {
    %c0_i32 = arith.constant 0 : i32
    %c0_i32_0 = arith.constant 0 : i32
    %c0_i32_1 = arith.constant 0 : i32
    return %c0_i32, %c0_i32_0 : i32, i32
  }
  func.func @transform_8(%arg0: i32) -> (i32, i32) {
    %c0_i32 = arith.constant 0 : i32
    %c0_i32_0 = arith.constant 0 : i32
    %c0_i32_1 = arith.constant 0 : i32
    return %c0_i32, %c0_i32_0 : i32, i32
  }
  func.func @transform_9(%arg0: i32) -> (i32, i32) {
    %c0_i32 = arith.constant 0 : i32
    %c0_i32_0 = arith.constant 0 : i32
    %c0_i32_1 = arith.constant 0 : i32
    return %c0_i32, %c0_i32_0 : i32, i32
  }
  func.func @transform_10(%arg0: i32) -> (i32, i32) {
    %c0_i32 = arith.constant 0 : i32
    %c0_i32_0 = arith.constant 0 : i32
    %c0_i32_1 = arith.constant 0 : i32
    return %c0_i32, %c0_i32_0 : i32, i32
  }
  func.func @transform_11(%arg0: i32) -> (i32, i32) {
    %c0_i32 = arith.constant 0 : i32
    %c0_i32_0 = arith.constant 0 : i32
    %c0_i32_1 = arith.constant 0 : i32
    return %c0_i32, %c0_i32_0 : i32, i32
  }
  func.func @transform_12(%arg0: i32) -> (i32, i32) {
    %c0_i32 = arith.constant 0 : i32
    %c0_i32_0 = arith.constant 0 : i32
    %c0_i32_1 = arith.constant 0 : i32
    return %c0_i32, %c0_i32_0 : i32, i32
  }
  func.func @transform_13(%arg0: i32) -> (i32, i32) {
    %c0_i32 = arith.constant 0 : i32
    %c0_i32_0 = arith.constant 0 : i32
    %c0_i32_1 = arith.constant 0 : i32
    return %c0_i32, %c0_i32_0 : i32, i32
  }
  func.func @transform_14(%arg0: i32) -> (i32, i32) {
    %c0_i32 = arith.constant 0 : i32
    %c0_i32_0 = arith.constant 0 : i32
    %c0_i32_1 = arith.constant 0 : i32
    return %c0_i32, %c0_i32_0 : i32, i32
  }
}

</mosaic_0001>

<sc_bundles>
// kernel: kernel.10.cloned.1.call-start
scs
__scs_entry_jumppad:
0x0: {  	(pc) =	sbr.rel $0x88, $3  }
0x1: {  	(tag) =	ssettag $0x0;
	lr =	simm.s32 $0x1  }
0x2: {  	[smem:$0x3F84] =	sst lr;
	_ =	strace $0xD0000000  }
0x3: {  	_ = 	snop  }
0x4: {  	_ = 	snop  }
0x5: {  	_ = 	snop  }
0x6: {  	_ = 	snop  }
0x7: {  	_ = 	snop  }
__scs_overlays_trampoline_lowered:
0x8: {  	[smem:$0x3F93] =	sst s0  }
0x9: {  	[smem:$0x3F94] =	sst s1  }
0xa: {  	[smem:$0x3F95] =	sst s2  }
0xb: {  	[smem:$0x3F96] =	sst s3  }
0xc: {  	[smem:$0x3F97] =	sst s4  }
0xd: {  	[smem:$0x3F98] =	sst s5  }
0xe: {  	[smem:$0x3F99] =	sst s6  }
0xf: {  	[smem:$0x3F9A] =	sst s7  }
0x10: {  	[smem:$0x3F9B] =	sst s8  }
0x11: {  	[smem:$0x3F9C] =	sst s9;
	s0 =	simm.s32 @!p0 $0x0  }
0x12: {  	s1 =	sld [smem:$0x3F82];
	s0 =	simm.s32 @p0 $0x1  }
0x13: {  	[smem:$0x3F9D] =	sst s0;
	s0 =	simm.s32 @!p1 $0x0  }
0x14: {  	s2 =	sld [smem:$0x3F81];
	s0 =	simm.s32 @p1 $0x1  }
0x15: {  	[smem:$0x3F9E] =	sst s0;
	s0 =	simm.s32 @!p2 $0x0  }
0x16: {  	s3 =	sld [smem:$0x3FDB];
	s0 =	simm.s32 @p2 $0x1  }
0x17: {  	s4 =	simm.s32 $0x1BF5;
	[smem:$0x3FA0] =	sst s0  }
0x18: {  	s0 =	sld [smem:$0x3F83];
	_ =	swait.ge [sflag:s4], $0x0  }
0x19: {  	s7 =	sld [smem:$0x3F84]  }
0x1a: {  	s8 =	sadd.s32 $0xFFFFE003, lr  }
0x1b: {  	s9 =	sadd.s32 $0xFFFFFEF7, lr;
	s5 =	simm.s32 $0xFFFFFFFF;
	p2 =	slt.u32 s8, $0xFFFFF086  }
0x1c: {  	p1 =	slt.u32 s9, $0xF7A;
	s5 =	simm.s32 @!p2 $0x0  }
0x1d: {  	s5 =	simm.s32 @p1 $0x1;
	p0 =	seq.s32 s7, s2  }
0x1e: {  	s7 =	smul.u32 @!p0 $0xF7A, s2;
	p2 =	seq.s32 @!p0 s5, $0x0  }
0x1f: {  	s9 =	smul.u32 $0xF7A, s1;
	s8 =	simm.s32 @!p0 $0x1BF5;
	p2 =	por !p2, p0  }
0x20: {  	[sflag:s8] =	ssyncset.s32 @!p0 $0xFFFFF086;
	s6 =	sadd.s32 @!p0 s3, s7;
	s7 =	simm.s32 @!p0 $0x108  }
0x21: {  	s3 =	sadd.s32 s3, s9;
	s6 =	sadd.s32 @!p0 $0x88, s6;
	s7 =	simm.s32 @p2 $0x1082  }
0x22: {  	[simem:s7], [sflag:s8] =	dma.local @!p0 [hbm:s6], $0xF7A  }
0x23: {  	s9 =	sor.u32 $0xD0000000, s2;
	s6 =	simm.s32 $0x108;
	_ =	swait.ge @!p0 [sflag:s8], $0x0  }
0x24: {  	s3 =	sadd.s32 $0x88, s3;
	s6 =	simm.s32 @!p1 $0x1082;
	[sflag:s4] =	ssyncset.s32 $0xFFFFF086  }
0x25: {  	[simem:s6], [sflag:s4] =	dma.local [hbm:s3], $0xF7A  }
0x26: {  	[smem:$0x3F84] =	sst s1;
	(tag) =	ssettag s2;
	_ =	strace s9  }
0x27: {  	s1 =	sld [smem:$0x3F94]  }
0x28: {  	s2 =	sld [smem:$0x3F95]  }
0x29: {  	s4 =	sld [smem:$0x3F97]  }
0x2a: {  	p0 =	seq.s32 s5, $0x0;
	s5 =	sld [smem:$0x3F98]  }
0x2b: {  	s6 =	sld [smem:$0x3F99]  }
0x2c: {  	s7 =	sld [smem:$0x3F9A]  }
0x2d: {  	s3 =	simm.s32 $0x108;
	s8 =	sld [smem:$0x3F9B]  }
0x2e: {  	s3 =	simm.s32 @!p0 $0x1082;
	s9 =	sld [smem:$0x3F9C]  }
0x2f: {  	lr =	sadd.s32 s0, s3;
	s0 =	sld [smem:$0x3F93]  }
0x30: {  	s3 =	sld [smem:$0x3F96]  }
0x31: {  	[smem:$0x3F9F] =	sst s10  }
0x32: {  	s10 =	sld [smem:$0x3F9D];
	_ =	sdelay $0x3  }
0x33: {  	p0 =	seq.s32 s10, $0x1;
	s10 =	sld [smem:$0x3F9F];
	_ =	sdelay $0x3  }
0x34: {  	[smem:$0x3F9F] =	sst s10  }
0x35: {  	s10 =	sld [smem:$0x3F9E];
	_ =	sdelay $0x3  }
0x36: {  	p1 =	seq.s32 s10, $0x1;
	s10 =	sld [smem:$0x3F9F];
	_ =	sdelay $0x3  }
0x37: {  	[smem:$0x3F9F] =	sst s10  }
0x38: {  	s10 =	sld [smem:$0x3FA0]  }
0x39: {  	_ = 	snop;
	(pc) =	sbr.ind lr, $3  }
0x3a: {  	_ = 	snop  }
0x3b: {  	_ = 	snop  }
0x3c: {  	p2 =	seq.s32 s10, $0x1;
	s10 =	sld [smem:$0x3F9F]  }
0x3d: {  	_ =	shalt  }
0x3e: {  	_ =	shalt  }
0x3f: {  	_ =	shalt  }
0x40: {  	_ =	shalt  }
0x41: {  	_ =	shalt  }
0x42: {  	_ =	shalt  }
0x43: {  	_ =	shalt  }
0x44: {  	_ =	shalt  }
0x45: {  	_ =	shalt  }
0x46: {  	_ =	shalt  }
0x47: {  	_ =	shalt  }
0x48: {  	_ =	shalt  }
0x49: {  	_ =	shalt  }
0x4a: {  	_ =	shalt  }
0x4b: {  	_ =	shalt  }
0x4c: {  	_ =	shalt  }
0x4d: {  	_ =	shalt  }
0x4e: {  	_ =	shalt  }
0x4f: {  	_ =	shalt  }
0x50: {  	_ =	shalt  }
0x51: {  	_ =	shalt  }
0x52: {  	_ =	shalt  }
0x53: {  	_ =	shalt  }
0x54: {  	_ =	shalt  }
0x55: {  	_ =	shalt  }
0x56: {  	_ =	shalt  }
0x57: {  	_ =	shalt  }
0x58: {  	_ =	shalt  }
0x59: {  	_ =	shalt  }
0x5a: {  	_ =	shalt  }
0x5b: {  	_ =	shalt  }
0x5c: {  	_ =	shalt  }
0x5d: {  	_ =	shalt  }
0x5e: {  	_ =	shalt  }
0x5f: {  	_ =	shalt  }
0x60: {  	_ =	shalt  }
0x61: {  	_ =	shalt  }
0x62: {  	_ =	shalt  }
0x63: {  	_ =	shalt  }
0x64: {  	_ =	shalt  }
0x65: {  	_ =	shalt  }
0x66: {  	_ =	shalt  }
0x67: {  	_ =	shalt  }
0x68: {  	_ =	shalt  }
0x69: {  	_ =	shalt  }
0x6a: {  	_ =	shalt  }
0x6b: {  	_ =	shalt  }
0x6c: {  	_ =	shalt  }
0x6d: {  	_ =	shalt  }
0x6e: {  	_ =	shalt  }
0x6f: {  	_ =	shalt  }
0x70: {  	_ =	shalt  }
0x71: {  	_ =	shalt  }
0x72: {  	_ =	shalt  }
0x73: {  	_ =	shalt  }
0x74: {  	_ =	shalt  }
0x75: {  	_ =	shalt  }
0x76: {  	_ =	shalt  }
0x77: {  	_ =	shalt  }
0x78: {  	_ =	shalt  }
0x79: {  	_ =	shalt  }
0x7a: {  	_ =	shalt  }
0x7b: {  	_ =	shalt  }
0x7c: {  	_ =	shalt  }
0x7d: {  	_ =	shalt  }
0x7e: {  	_ =	shalt  }
0x7f: {  	_ =	shalt  }
0x80: {  	_ =	shalt  }
0x81: {  	_ =	shalt  }
0x82: {  	_ =	shalt  }
0x83: {  	_ =	shalt  }
0x84: {  	_ =	shalt  }
0x85: {  	_ =	shalt  }
0x86: {  	_ =	shalt  }
0x87: {  	_ =	shalt  }
.Lfunc_end0:
.L_simem_size_0:
called_computation_lowered:
.L_overlay_start_0:
0x88: {  	s2 =	sld [smem:$0x3FD9]  }
0x89: {  	s3 =	sld [smem:$0x3FFE];
	_ =	sdelay $0x1  }
0x8a: {  	s1 =	srdreg.scid  }
0x8b: {  	s0 =	sand.u32 $0x1, s1  }
0x8c: {  	s16 =	sshll.u32 s0, $0xA;
	s2 =	sadd.s32 s3, s2  }
0x8d: {  	s2 =	sadd.s32 s2, s16  }
0x8e: {  	[smem:$0x3FAB] =	sst s2  }
0x8f: {  	_ = 	snop  }
0x90: {  	(tm) =	ssettm $0x1  }
0x91: {  	s17 =	sld [smem:$0x3FFB];
	_ =	sdelay $0x3  }
0x92: {  	_ =	strace s17  }
0x93: {  	s2 =	sld [smem:$0x3FFC];
	_ =	sdelay $0x3  }
0x94: {  	_ =	strace s2  }
0x95: {  	s2 =	sld [smem:$0x3FFD];
	_ =	sdelay $0x3  }
0x96: {  	_ =	strace s2  }
0x97: {  	_ =	strace $0x8FFFFFFF  }
0x98: {  	s18 =	sld [smem:$0x3FDB];
	_ =	sdelay $0x1  }
0x99: {  	s19 =	simm.s32 $_scs_section_size  }
0x9a: {  	s4 =	simm.s32 $_size__tile_overlayer_lowered;
	s5 =	simm.s32 $_tile_overlayer_lowered  }
0x9b: {  	s22 =	simm.s32 $0x1BFF;
	s21 =	sshll.u32 s5, $0x1;
	s2 =	sadd.s32 s19, s18  }
0x9c: {  	s6 =	simm.s32 $0x0;
	s20 =	sshll.u32 s4, $0x1;
	s4 =	sadd.s32 s21, s2  }
0x9d: {  	[timem:s6], [sflag:s22] =	dma.local [hbm:s4], s20  }
0x9e: {  	_ =	swait.ge [sflag:s22], s20  }
0x9f: {  	s3 =	ssub.s32 $0x0, s20;
	[sflag:s22] =	ssyncset.done $0x0  }
0xa0: {  	[sflag:s22] =	ssyncadd.s32 s3;
	_ =	sdelay $0x1  }
0xa1: {  	s23 =	simm.s32 $0x1B8B  }
0xa2: {  	_ =	swait.ge [sflag:s23], $0x1  }
0xa3: {  	[sflag:s23] =	ssyncset.done $0x0  }
0xa4: {  	s25 =	simm.s32 $0x1B8E;
	s24 =	sld [smem:$0x3FFE];
	[sflag:s23] =	ssyncadd.s32 $0xFFFFFFFF  }
0xa5: {  	s26 =	simm.s32 $execute0_lowered;
	[smem:$0x3FD2] =	sst s25  }
0xa6: {  	s4 =	sshll.u32 s26, $0x1;
	_ =	strace $0x80000046;
	[dreg:$0x1] =	wrdreg $0xFFFFFFFF  }
0xa7: {  	s28 =	simm.s32 $_size_execute0_lowered;
	s2 =	sadd.s32 s2, s4;
	[dreg:$0x0] =	wrdreg $0x0  }
0xa8: {  	s4 =	sshll.u32 s28, $0x1;
	[dreg:$0x2] =	wrdreg s2  }
0xa9: {  	[dreg:$0x3] =	wrdreg s4  }
0xaa: {  	[dreg:$0x4] =	wrdreg $0xC0  }
0xab: {  	_ =	task [dreg:s6], $0x5FFFF  }
0xac: {  	[dreg:$0x1] =	wrdreg $0xFFFFFFFF  }
0xad: {  	[dreg:$0x0] =	wrdreg $0x60  }
0xae: {  	[dreg:$0x2] =	wrdreg s24  }
0xaf: {  	[dreg:$0x3] =	wrdreg $0x9  }
0xb0: {  	_ =	task.clear_ibuf [dreg:s6], $0x4FFFF;
	_ =	strace $0x90000046  }
0xb1: {  	s29 =	simm.s32 $0x9;
	_ =	strace $0x80000048  }
0xb2: {  	_ =	swait.ge [sflag:s29], $0x1  }
0xb3: {  	[sflag:s29] =	ssyncadd.s32 $0xFFFFFFFF  }
0xb4: {  	_ =	strace $0x90000048  }
0xb5: {  	_ =	sfence  }
0xb6: {  	s30 =	sld [smem:$0x0];
	_ =	sdelay $0x2  }
0xb7: {  	s31 =	sshll.u32 s1, $0xD;
	s1 =	sshrl.u32 s1, $0x2  }
0xb8: {  	s3 =	sand.u32 $0x4000, s31;
	s1 =	sadd.s32 s1, s30  }
0xb9: {  	s0 =	sor.u32 s3, s0;
	s1 =	sshll.u32 s1, $0x11  }
0xba: {  	s0 =	sor.u32 s1, s0  }
0xbb: {  	s0 =	sadd.s32 $0x8F2B, s0  }
0xbc: {  	[sflag:s0] =	ssyncadd.remote.s32 $0x1  }
0xbd: {  	_ =	sfence.sel $0xFFFF  }
0xbe: {  	[dreg:$0x0] =	wrdreg $0xFFFFFFFF;
	(pc) =	sbr.abs _section_cstart, $3  }
0xbf: {  	[dreg:$0x1] =	wrdreg $0xFFFFFFFF  }
0xc0: {  	_ =	task.clear_ibuf [dreg:s6], $0x2FFFF;
	_ =	strace $0x9FFFFFFF  }
0xc1: {  	(tm) =	ssettm $0x7FFFFFFF  }
tec
execute0_lowered:
.L_overlay_start_1:
0x0: {  	(tag) =	ssettag $0x1  }
0x1: {  	s6 =	rddreg [dreg:$0x0]  }
0x2: {  	s0 =	rddreg [dreg:$0x1]  }
0x3: {  	s3 =	srdreg.scid;
	s1 =	stileid.u32;
	s2 =	simm.s32 $0x0  }
0x4: {  	s11 =	simm.s32 $0x2710;
	s12 =	simm.s32 $0x4E20;
	s13 =	simm.s32 $0x7530  }
0x5: {  	s14 =	simm.s32 $0x9C40;
	s5 =	sand.u32 $0x1, s3;
	s30 =	sshll.u32 s1, $0x1  }
0x6: {  	s15 =	simm.s32 $0xC350;
	s16 =	simm.s32 $0x0;
	s3 =	sor.u32 s5, s30  }
0x7: {  	[smem:$0x7FF] =	sst s2;
	s4 =	sadd.s32 $0x18A00, s6;
	s7 =	smul.u32 $0x4E2, s3  }
0x8: {  	_ =	strace $0x80000047;
	s8 =	ssub.s32 $0x2, s5;
	s5 =	sadd.s32 $0x18400, s6  }
0x9: {  	s3 =	sadd.s32 $0x19000, s6;
	s31 =	sshrl.u32 s8, $0x1;
	s9 =	sadd.s32 s7, s6  }
0xa: {  	s10 =	ssub.s32 s8, s31;
	s6 =	sadd.s32 $0xE600, s9;
	s7 =	sadd.s32 $0x4800, s9  }
0xb: {  	s8 =	sadd.s32 $0x19600, s9;
	s9 =	smax.u32 s10, $0x1;
	s10 =	simm.s32 $0x1  }
.LBB2_1:
0xc: {  	[tilespmem:s2], [sflag:$0x1] =	stream.linear.gather [hbm4b:s3+s2], $0x2710, $0x38;
	[tilespmem:$0xEA60] =	vst v63  }
0xd: {  	_ =	swait.ge [sflag:s10], $0x2710  }
0xe: {  	[sflag:s10] =	ssyncset.done $0x0  }
0xf: {  	[sflag:s10] =	ssyncadd.s32 $0xFFFFD8F0  }
0x10: {  	[tilespmem:s11], [sflag:$0x1] =	stream.linear.gather [hbm4b:s4+s2], $0x2710, $0x38;
	[tilespmem:$0xEA60] =	vst v63  }
0x11: {  	_ =	swait.ge [sflag:s10], $0x2710  }
0x12: {  	[sflag:s10] =	ssyncset.done $0x0  }
0x13: {  	[sflag:s10] =	ssyncadd.s32 $0xFFFFD8F0  }
0x14: {  	[tilespmem:s12], [sflag:$0x1] =	stream.linear.gather [hbm4b:s5+s2], $0x2710, $0x38;
	[tilespmem:$0xEA60] =	vst v63  }
0x15: {  	_ =	swait.ge [sflag:s10], $0x2710  }
0x16: {  	[sflag:s10] =	ssyncset.done $0x0  }
0x17: {  	[sflag:s10] =	ssyncadd.s32 $0xFFFFD8F0  }
0x18: {  	[tilespmem:s13], [sflag:$0x1] =	stream.linear.gather [hbm4b:s6+s2], $0x2710, $0x38;
	[tilespmem:$0xEA60] =	vst v63  }
0x19: {  	_ =	swait.ge [sflag:s10], $0x2710  }
0x1a: {  	[sflag:s10] =	ssyncset.done $0x0  }
0x1b: {  	[sflag:s10] =	ssyncadd.s32 $0xFFFFD8F0  }
0x1c: {  	[tilespmem:s14], [sflag:$0x1] =	stream.linear.gather [hbm4b:s7+s2], $0x2710, $0x38;
	[tilespmem:$0xEA60] =	vst v63  }
0x1d: {  	_ =	swait.ge [sflag:s10], $0x2710  }
0x1e: {  	[sflag:s10] =	ssyncset.done $0x0  }
0x1f: {  	s17 =	simm.s32 $0x0;
	[sflag:s10] =	ssyncadd.s32 $0xFFFFD8F0  }
0x20: {  	v0 =	vld [tilespmem:s17+$0x9C40]  }
0x21: {  	v1 =	vld [tilespmem:s17+$0x7530];
	_ =	sdelay $0x6  }
0x22: {  	v2 =	vld.idx.msk [tilespmem:v0+s2+$0x0], $0xffff  }
0x23: {  	v3 =	vld.idx.msk [tilespmem:v1+s2+$0x0], $0xffff  }
0x24: {  	v4 =	vld.idx.msk [tilespmem:v1+s11+$0x0], $0xffff  }
0x25: {  	v5 =	vld.idx.msk [tilespmem:v0+s11+$0x0], $0xffff  }
0x26: {  	v6 =	vld.idx.msk [tilespmem:v1+s12+$0x0], $0xffff  }
0x27: {  	v7 =	vld.idx.msk [tilespmem:v0+s12+$0x0], $0xffff;
	_ =	sdelay $0x2  }
0x28: {  	s18 =	simm.s32 $0x10;
	v3 =	vsub.f32 v3, v2;
	v4 =	vsub.f32 v4, v5  }
0x29: {  	v0 =	vld [tilespmem:s18+$0x9C40]  }
0x2a: {  	v1 =	vld [tilespmem:s18+$0x7530];
	v2 =	vsub.f32 v6, v7;
	v3 =	vmul.f32 v3, v3;
	v4 =	vmul.f32 v4, v4  }
0x2b: {  	s19 =	simm.s32 $0x80  }
.LBB2_2:
0x2c: {  	p0 =	sne.s32 s19, $0x9C00;
	v3 =	vadd.f32 v4, v3;
	v2 =	vmul.f32 v2, v2;
	_ =	sdelay $0x1  }
0x2d: {  	v2 =	vadd.f32 v2, v3;
	_ =	sdelay $0x1  }
0x2e: {  	[tilespmem:s17+$0xC350] =	vst v2;
	s17 =	smov.u32 s18  }
0x2f: {  	v2 =	vld.idx.msk [tilespmem:v0+s2+$0x0], $0xffff  }
0x30: {  	v3 =	vld.idx.msk [tilespmem:v1+s2+$0x0], $0xffff  }
0x31: {  	v4 =	vld.idx.msk [tilespmem:v1+s11+$0x0], $0xffff  }
0x32: {  	v5 =	vld.idx.msk [tilespmem:v0+s11+$0x0], $0xffff  }
0x33: {  	v6 =	vld.idx.msk [tilespmem:v1+s12+$0x0], $0xffff  }
0x34: {  	v7 =	vld.idx.msk [tilespmem:v0+s12+$0x0], $0xffff;
	_ =	sdelay $0x2  }
.Ltmp0:
0x35: {  	(pc) =	sbr.rel @p0 .LBB2_2-.Ltmp0, $4  }
0x36: {  	s18 =	sshra.s32 s19, $0x2;
	v3 =	vsub.f32 v3, v2;
	v4 =	vsub.f32 v4, v5  }
0x37: {  	v0 =	vld [tilespmem:s18+$0x9C40]  }
0x38: {  	v3 =	vmul.f32 v3, v3;
	v2 =	vsub.f32 v6, v7;
	v4 =	vmul.f32 v4, v4;
	v1 =	vld [tilespmem:s18+$0x7530]  }
0x39: {  	s19 =	sadd.s32 $0x40, s19  }
0x3a: {  	_ = 	snop  }
0x3b: {  	v3 =	vadd.f32 v4, v3;
	v2 =	vmul.f32 v2, v2;
	_ =	sdelay $0x1  }
0x3c: {  	v2 =	vadd.f32 v2, v3;
	_ =	sdelay $0x1  }
0x3d: {  	[tilespmem:s17+$0xC350] =	vst v2  }
0x3e: {  	v2 =	vld.idx.msk [tilespmem:v0+s2+$0x0], $0xffff  }
0x3f: {  	v57 =	vld.idx.msk [tilespmem:v1+s2+$0x0], $0xffff  }
0x40: {  	v58 =	vld.idx.msk [tilespmem:v1+s11+$0x0], $0xffff  }
0x41: {  	v5 =	vld.idx.msk [tilespmem:v0+s11+$0x0], $0xffff  }
0x42: {  	v59 =	vld.idx.msk [tilespmem:v1+s12+$0x0], $0xffff  }
0x43: {  	v60 =	vld.idx.msk [tilespmem:v0+s12+$0x0], $0xffff;
	_ =	sdelay $0x2  }
0x44: {  	v2 =	vsub.f32 v57, v2;
	v61 =	vsub.f32 v58, v5;
	_ =	sdelay $0x1  }
0x45: {  	v0 =	vsub.f32 v59, v60;
	v62 =	vmul.f32 v2, v2;
	v63 =	vmul.f32 v61, v61;
	_ =	sdelay $0x1  }
0x46: {  	v0 =	vmul.f32 v0, v0;
	v1 =	vadd.f32 v63, v62;
	_ =	sdelay $0x1  }
0x47: {  	s16 =	sadd.s32 $0x1, s16;
	v0 =	vadd.f32 v0, v1  }
0x48: {  	p0 =	sne.s32 s16, s9  }
.Ltmp1:
0x49: {  	[tilespmem:s18+$0xC350] =	vst v0;
	(pc) =	sbr.rel @p0 .LBB2_1-.Ltmp1, $4  }
0x4a: {  	[hbm4b:s8+s2] =	stream.linear.scatter [tilespmem:s15], [sflag:$0x1], $0x2710, $0x38;
	[tilespmem:$0xEA60] =	vst v63  }
0x4b: {  	_ =	swait.ge [sflag:s10], $0x2710  }
0x4c: {  	[sflag:s10] =	ssyncset.done $0x0  }
0x4d: {  	[sflag:s10] =	ssyncadd.s32 $0xFFFFD8F0  }
0x4e: {  	_ =	sfence.sel $0x180000  }
0x4f: {  	[bflag:$0x0] =	sbarrier.arrive $0xFFFF  }
0x50: {  	p0 =	sne.s32 s1, $0x0;
	_ =	strace $0x90000047  }
0x51: {  	s0 =	sadd.s32 @!p0 $0x100000, s0;
	[bflag:$0x2] =	sbarrier.arrive $0xFFFF  }
0x52: {  	[sflag:s0] =	ssyncadd.tile.s32 @!p0 $0x1;
	_ =	shalt  }
.Lfunc_end2:
_tile_overlayer_lowered:
.L_overlay_start_2:
0x53: {  	(tag) =	ssettag $0x2  }
0x54: {  	s0 =	rddreg [dreg:$0x0];
	s2 =	stileid.u32  }
0x55: {  	s1 =	rddreg [dreg:$0x1];
	p0 =	sne.s32 s2, $0x0  }
0x56: {  	s3 =	rddreg [dreg:$0x2];
	[bflag:$0x3] =	sbarrier.arrive $0xFFFF;
	s2 =	simm.s32 @!p0 $0x1C01  }
0x57: {  	[timem:s3], [sflag:s2] =	dma.local @!p0 [hbm:s0], s1  }
0x58: {  	s0 =	simm.s32 @!p0 $0x1  }
0x59: {  	_ =	swait.ge @!p0 [sflag:s0], s1  }
0x5a: {  	s1 =	ssub.s32 @!p0 $0x0, s1;
	[sflag:s0] =	ssyncset.done @!p0 $0x0  }
0x5b: {  	[sflag:s0] =	ssyncadd.s32 @!p0 s1  }
0x5c: {  	[bflag:$0x3] =	sbarrier.arrive $0xFFFF  }
0x5d: {  	_ =	shalt  }

// kernel: kernel.13.cloned.1.call-start
scs
__scs_entry_jumppad:
0x0: {  	(pc) =	sbr.rel $0x88, $3  }
0x1: {  	(tag) =	ssettag $0x0;
	lr =	simm.s32 $0x1  }
0x2: {  	[smem:$0x3F84] =	sst lr;
	_ =	strace $0xD0000000  }
0x3: {  	_ = 	snop  }
0x4: {  	_ = 	snop  }
0x5: {  	_ = 	snop  }
0x6: {  	_ = 	snop  }
0x7: {  	_ = 	snop  }
__scs_overlays_trampoline_lowered:
0x8: {  	[smem:$0x3F93] =	sst s0  }
0x9: {  	[smem:$0x3F94] =	sst s1  }
0xa: {  	[smem:$0x3F95] =	sst s2  }
0xb: {  	[smem:$0x3F96] =	sst s3  }
0xc: {  	[smem:$0x3F97] =	sst s4  }
0xd: {  	[smem:$0x3F98] =	sst s5  }
0xe: {  	[smem:$0x3F99] =	sst s6  }
0xf: {  	[smem:$0x3F9A] =	sst s7  }
0x10: {  	[smem:$0x3F9B] =	sst s8  }
0x11: {  	[smem:$0x3F9C] =	sst s9;
	s0 =	simm.s32 @!p0 $0x0  }
0x12: {  	s1 =	sld [smem:$0x3F82];
	s0 =	simm.s32 @p0 $0x1  }
0x13: {  	[smem:$0x3F9D] =	sst s0;
	s0 =	simm.s32 @!p1 $0x0  }
0x14: {  	s2 =	sld [smem:$0x3F81];
	s0 =	simm.s32 @p1 $0x1  }
0x15: {  	[smem:$0x3F9E] =	sst s0;
	s0 =	simm.s32 @!p2 $0x0  }
0x16: {  	s3 =	sld [smem:$0x3FDB];
	s0 =	simm.s32 @p2 $0x1  }
0x17: {  	s4 =	simm.s32 $0x1BF5;
	[smem:$0x3FA0] =	sst s0  }
0x18: {  	s0 =	sld [smem:$0x3F83];
	_ =	swait.ge [sflag:s4], $0x0  }
0x19: {  	s7 =	sld [smem:$0x3F84]  }
0x1a: {  	s8 =	sadd.s32 $0xFFFFE003, lr  }
0x1b: {  	s9 =	sadd.s32 $0xFFFFFEF7, lr;
	s5 =	simm.s32 $0xFFFFFFFF;
	p2 =	slt.u32 s8, $0xFFFFF086  }
0x1c: {  	p1 =	slt.u32 s9, $0xF7A;
	s5 =	simm.s32 @!p2 $0x0  }
0x1d: {  	s5 =	simm.s32 @p1 $0x1;
	p0 =	seq.s32 s7, s2  }
0x1e: {  	s7 =	smul.u32 @!p0 $0xF7A, s2;
	p2 =	seq.s32 @!p0 s5, $0x0  }
0x1f: {  	s9 =	smul.u32 $0xF7A, s1;
	s8 =	simm.s32 @!p0 $0x1BF5;
	p2 =	por !p2, p0  }
0x20: {  	[sflag:s8] =	ssyncset.s32 @!p0 $0xFFFFF086;
	s6 =	sadd.s32 @!p0 s3, s7;
	s7 =	simm.s32 @!p0 $0x108  }
0x21: {  	s3 =	sadd.s32 s3, s9;
	s6 =	sadd.s32 @!p0 $0x88, s6;
	s7 =	simm.s32 @p2 $0x1082  }
0x22: {  	[simem:s7], [sflag:s8] =	dma.local @!p0 [hbm:s6], $0xF7A  }
0x23: {  	s9 =	sor.u32 $0xD0000000, s2;
	s6 =	simm.s32 $0x108;
	_ =	swait.ge @!p0 [sflag:s8], $0x0  }
0x24: {  	s3 =	sadd.s32 $0x88, s3;
	s6 =	simm.s32 @!p1 $0x1082;
	[sflag:s4] =	ssyncset.s32 $0xFFFFF086  }
0x25: {  	[simem:s6], [sflag:s4] =	dma.local [hbm:s3], $0xF7A  }
0x26: {  	[smem:$0x3F84] =	sst s1;
	(tag) =	ssettag s2;
	_ =	strace s9  }
0x27: {  	s1 =	sld [smem:$0x3F94]  }
0x28: {  	s2 =	sld [smem:$0x3F95]  }
0x29: {  	s4 =	sld [smem:$0x3F97]  }
0x2a: {  	p0 =	seq.s32 s5, $0x0;
	s5 =	sld [smem:$0x3F98]  }
0x2b: {  	s6 =	sld [smem:$0x3F99]  }
0x2c: {  	s7 =	sld [smem:$0x3F9A]  }
0x2d: {  	s3 =	simm.s32 $0x108;
	s8 =	sld [smem:$0x3F9B]  }
0x2e: {  	s3 =	simm.s32 @!p0 $0x1082;
	s9 =	sld [smem:$0x3F9C]  }
0x2f: {  	lr =	sadd.s32 s0, s3;
	s0 =	sld [smem:$0x3F93]  }
0x30: {  	s3 =	sld [smem:$0x3F96]  }
0x31: {  	[smem:$0x3F9F] =	sst s10  }
0x32: {  	s10 =	sld [smem:$0x3F9D];
	_ =	sdelay $0x3  }
0x33: {  	p0 =	seq.s32 s10, $0x1;
	s10 =	sld [smem:$0x3F9F];
	_ =	sdelay $0x3  }
0x34: {  	[smem:$0x3F9F] =	sst s10  }
0x35: {  	s10 =	sld [smem:$0x3F9E];
	_ =	sdelay $0x3  }
0x36: {  	p1 =	seq.s32 s10, $0x1;
	s10 =	sld [smem:$0x3F9F];
	_ =	sdelay $0x3  }
0x37: {  	[smem:$0x3F9F] =	sst s10  }
0x38: {  	s10 =	sld [smem:$0x3FA0]  }
0x39: {  	_ = 	snop;
	(pc) =	sbr.ind lr, $3  }
0x3a: {  	_ = 	snop  }
0x3b: {  	_ = 	snop  }
0x3c: {  	p2 =	seq.s32 s10, $0x1;
	s10 =	sld [smem:$0x3F9F]  }
0x3d: {  	_ =	shalt  }
0x3e: {  	_ =	shalt  }
0x3f: {  	_ =	shalt  }
0x40: {  	_ =	shalt  }
0x41: {  	_ =	shalt  }
0x42: {  	_ =	shalt  }
0x43: {  	_ =	shalt  }
0x44: {  	_ =	shalt  }
0x45: {  	_ =	shalt  }
0x46: {  	_ =	shalt  }
0x47: {  	_ =	shalt  }
0x48: {  	_ =	shalt  }
0x49: {  	_ =	shalt  }
0x4a: {  	_ =	shalt  }
0x4b: {  	_ =	shalt  }
0x4c: {  	_ =	shalt  }
0x4d: {  	_ =	shalt  }
0x4e: {  	_ =	shalt  }
0x4f: {  	_ =	shalt  }
0x50: {  	_ =	shalt  }
0x51: {  	_ =	shalt  }
0x52: {  	_ =	shalt  }
0x53: {  	_ =	shalt  }
0x54: {  	_ =	shalt  }
0x55: {  	_ =	shalt  }
0x56: {  	_ =	shalt  }
0x57: {  	_ =	shalt  }
0x58: {  	_ =	shalt  }
0x59: {  	_ =	shalt  }
0x5a: {  	_ =	shalt  }
0x5b: {  	_ =	shalt  }
0x5c: {  	_ =	shalt  }
0x5d: {  	_ =	shalt  }
0x5e: {  	_ =	shalt  }
0x5f: {  	_ =	shalt  }
0x60: {  	_ =	shalt  }
0x61: {  	_ =	shalt  }
0x62: {  	_ =	shalt  }
0x63: {  	_ =	shalt  }
0x64: {  	_ =	shalt  }
0x65: {  	_ =	shalt  }
0x66: {  	_ =	shalt  }
0x67: {  	_ =	shalt  }
0x68: {  	_ =	shalt  }
0x69: {  	_ =	shalt  }
0x6a: {  	_ =	shalt  }
0x6b: {  	_ =	shalt  }
0x6c: {  	_ =	shalt  }
0x6d: {  	_ =	shalt  }
0x6e: {  	_ =	shalt  }
0x6f: {  	_ =	shalt  }
0x70: {  	_ =	shalt  }
0x71: {  	_ =	shalt  }
0x72: {  	_ =	shalt  }
0x73: {  	_ =	shalt  }
0x74: {  	_ =	shalt  }
0x75: {  	_ =	shalt  }
0x76: {  	_ =	shalt  }
0x77: {  	_ =	shalt  }
0x78: {  	_ =	shalt  }
0x79: {  	_ =	shalt  }
0x7a: {  	_ =	shalt  }
0x7b: {  	_ =	shalt  }
0x7c: {  	_ =	shalt  }
0x7d: {  	_ =	shalt  }
0x7e: {  	_ =	shalt  }
0x7f: {  	_ =	shalt  }
0x80: {  	_ =	shalt  }
0x81: {  	_ =	shalt  }
0x82: {  	_ =	shalt  }
0x83: {  	_ =	shalt  }
0x84: {  	_ =	shalt  }
0x85: {  	_ =	shalt  }
0x86: {  	_ =	shalt  }
0x87: {  	_ =	shalt  }
.Lfunc_end0:
.L_simem_size_0:
called_computation.1_lowered:
.L_overlay_start_0:
0x88: {  	s2 =	sld [smem:$0x3FD9]  }
0x89: {  	s3 =	sld [smem:$0x3FFE];
	_ =	sdelay $0x1  }
0x8a: {  	s1 =	srdreg.scid  }
0x8b: {  	s0 =	sand.u32 $0x1, s1  }
0x8c: {  	s16 =	sshll.u32 s0, $0xA;
	s2 =	sadd.s32 s3, s2  }
0x8d: {  	s2 =	sadd.s32 s2, s16  }
0x8e: {  	[smem:$0x3FAB] =	sst s2  }
0x8f: {  	_ = 	snop  }
0x90: {  	(tm) =	ssettm $0x1  }
0x91: {  	s17 =	sld [smem:$0x3FFB];
	_ =	sdelay $0x3  }
0x92: {  	_ =	strace s17  }
0x93: {  	s2 =	sld [smem:$0x3FFC];
	_ =	sdelay $0x3  }
0x94: {  	_ =	strace s2  }
0x95: {  	s2 =	sld [smem:$0x3FFD];
	_ =	sdelay $0x3  }
0x96: {  	_ =	strace s2  }
0x97: {  	_ =	strace $0x8FFFFFFF  }
0x98: {  	s18 =	sld [smem:$0x3FDB];
	_ =	sdelay $0x1  }
0x99: {  	s19 =	simm.s32 $_scs_section_size  }
0x9a: {  	s4 =	simm.s32 $_size__tile_overlayer_lowered;
	s5 =	simm.s32 $_tile_overlayer_lowered  }
0x9b: {  	s22 =	simm.s32 $0x1BFF;
	s21 =	sshll.u32 s5, $0x1;
	s2 =	sadd.s32 s19, s18  }
0x9c: {  	s6 =	simm.s32 $0x0;
	s20 =	sshll.u32 s4, $0x1;
	s4 =	sadd.s32 s21, s2  }
0x9d: {  	[timem:s6], [sflag:s22] =	dma.local [hbm:s4], s20  }
0x9e: {  	_ =	swait.ge [sflag:s22], s20  }
0x9f: {  	s3 =	ssub.s32 $0x0, s20;
	[sflag:s22] =	ssyncset.done $0x0  }
0xa0: {  	[sflag:s22] =	ssyncadd.s32 s3;
	_ =	sdelay $0x1  }
0xa1: {  	s23 =	simm.s32 $0x1B8B  }
0xa2: {  	_ =	swait.ge [sflag:s23], $0x1  }
0xa3: {  	[sflag:s23] =	ssyncset.done $0x0  }
0xa4: {  	s25 =	simm.s32 $0x1B8E;
	s24 =	sld [smem:$0x3FFE];
	[sflag:s23] =	ssyncadd.s32 $0xFFFFFFFF  }
0xa5: {  	s26 =	simm.s32 $execute0_lowered;
	[smem:$0x3FD2] =	sst s25  }
0xa6: {  	s4 =	sshll.u32 s26, $0x1;
	_ =	strace $0x80000049;
	[dreg:$0x1] =	wrdreg $0xFFFFFFFF  }
0xa7: {  	s28 =	simm.s32 $_size_execute0_lowered;
	s2 =	sadd.s32 s2, s4;
	[dreg:$0x0] =	wrdreg $0x0  }
0xa8: {  	s4 =	sshll.u32 s28, $0x1;
	[dreg:$0x2] =	wrdreg s2  }
0xa9: {  	[dreg:$0x3] =	wrdreg s4  }
0xaa: {  	[dreg:$0x4] =	wrdreg $0xC0  }
0xab: {  	_ =	task [dreg:s6], $0x5FFFF  }
0xac: {  	[dreg:$0x1] =	wrdreg $0xFFFFFFFF  }
0xad: {  	[dreg:$0x0] =	wrdreg $0x60  }
0xae: {  	[dreg:$0x2] =	wrdreg s24  }
0xaf: {  	[dreg:$0x3] =	wrdreg $0x0  }
0xb0: {  	[dreg:$0x4] =	wrdreg $0x9  }
0xb1: {  	_ =	task.clear_ibuf [dreg:s6], $0x5FFFF;
	_ =	strace $0x90000049  }
0xb2: {  	s29 =	simm.s32 $0x9;
	_ =	strace $0x8000004B  }
0xb3: {  	_ =	swait.ge [sflag:s29], $0x1  }
0xb4: {  	[sflag:s29] =	ssyncadd.s32 $0xFFFFFFFF  }
0xb5: {  	_ =	strace $0x9000004B  }
0xb6: {  	_ =	sfence  }
0xb7: {  	s30 =	sld [smem:$0x0];
	_ =	sdelay $0x2  }
0xb8: {  	s31 =	sshll.u32 s1, $0xD;
	s1 =	sshrl.u32 s1, $0x2  }
0xb9: {  	s3 =	sand.u32 $0x4000, s31;
	s1 =	sadd.s32 s1, s30  }
0xba: {  	s0 =	sor.u32 s3, s0;
	s1 =	sshll.u32 s1, $0x11  }
0xbb: {  	s0 =	sor.u32 s1, s0  }
0xbc: {  	s0 =	sadd.s32 $0x8F2B, s0  }
0xbd: {  	[sflag:s0] =	ssyncadd.remote.s32 $0x1  }
0xbe: {  	_ =	sfence.sel $0xFFFF  }
0xbf: {  	[dreg:$0x0] =	wrdreg $0xFFFFFFFF;
	(pc) =	sbr.abs _section_cstart, $3  }
0xc0: {  	[dreg:$0x1] =	wrdreg $0xFFFFFFFF  }
0xc1: {  	_ =	task.clear_ibuf [dreg:s6], $0x2FFFF;
	_ =	strace $0x9FFFFFFF  }
0xc2: {  	(tm) =	ssettm $0x7FFFFFFF  }
0xc3: {  	_ =	shalt  }
tec
execute0_lowered:
.L_overlay_start_1:
0x0: {  	(tag) =	ssettag $0x1  }
0x1: {  	s13 =	stileid.u32  }
0x2: {  	s9 =	smul.u32 $0x4E200, s13  }
0x3: {  	s0 =	rddreg [dreg:$0x0];
	s11 =	smul.u32 $0x2710, s13  }
0x4: {  	s1 =	rddreg [dreg:$0x1];
	s2 =	simm.s32 $0x0;
	s13 =	smul.u32 $0x13880, s13  }
0x5: {  	s3 =	srdreg.scid;
	[smem:$0x7FF] =	sst s2;
	s9 =	sshrl.u32 s9, $0x2  }
0x6: {  	s3 =	sand.u32 $0x1, s3;
	s15 =	sadd.s32 s13, s1;
	s9 =	sadd.s32 s9, s1  }
0x7: {  	_ =	strace $0x8000004A;
	[dreg:$0x3] =	wrdreg s15;
	s14 =	sadd.s32 $0xC80, s9  }
0x8: {  	s4 =	sadd.s32 $0x37000, s0;
	s16 =	sadd.s32 $0x1900, s9;
	[dreg:$0x4] =	wrdreg s14  }
0x9: {  	s5 =	sadd.s32 $0x85400, s0;
	s17 =	sadd.s32 $0x2580, s9;
	[dreg:$0x5] =	wrdreg s16  }
0xa: {  	s6 =	sadd.s32 $0x2D200, s0;
	s18 =	sadd.s32 $0x3200, s9;
	[dreg:$0x6] =	wrdreg s17  }
0xb: {  	s7 =	sadd.s32 $0x23400, s0;
	s19 =	sadd.s32 $0x3E80, s9;
	[dreg:$0x7] =	wrdreg s18  }
0xc: {  	s8 =	smul.u32 $0x27100, s3;
	s20 =	sadd.s32 $0x4B00, s9;
	[dreg:$0x8] =	wrdreg s19  }
0xd: {  	s10 =	ssub.s32 $0x2, s3;
	s21 =	sadd.s32 $0x5780, s9;
	[dreg:$0x9] =	wrdreg s20  }
0xe: {  	p0 =	seq.s32 s3, $0x1;
	s22 =	sadd.s32 $0x6400, s9;
	[dreg:$0xa] =	wrdreg s21  }
0xf: {  	s3 =	simm.s32 $0x5AC600;
	s23 =	sadd.s32 $0x7080, s9;
	[dreg:$0xb] =	wrdreg s22  }
0x10: {  	s3 =	simm.s32 @!p0 $0x585400;
	s24 =	sadd.s32 $0x7D00, s9;
	[dreg:$0xc] =	wrdreg s23  }
0x11: {  	s30 =	sshrl.u32 s13, $0x3;
	s25 =	sadd.s32 $0x8980, s9;
	[dreg:$0xd] =	wrdreg s24  }
0x12: {  	s0 =	sadd.s32 s3, s0;
	s26 =	sadd.s32 $0x9600, s9;
	[dreg:$0xe] =	wrdreg s25  }
0x13: {  	s0 =	sadd.s32 s0, s30;
	[dreg:$0xf] =	wrdreg s26  }
0x14: {  	s2 =	sadd.s32 $0xA280, s9;
	[dreg:$0x10] =	wrdreg s0  }
0x15: {  	s12 =	sshrl.u32 s10, $0x1;
	s3 =	sadd.s32 $0xAF00, s9;
	[dreg:$0x11] =	wrdreg s2  }
0x16: {  	s12 =	ssub.s32 s10, s12;
	s10 =	sadd.s32 $0xBB80, s9;
	[dreg:$0x12] =	wrdreg s3  }
0x17: {  	s8 =	sadd.s32 s11, s8;
	s11 =	sadd.s32 $0xC800, s9;
	[dreg:$0x13] =	wrdreg s10  }
0x18: {  	s13 =	sadd.s32 $0xD480, s9;
	[dreg:$0x14] =	wrdreg s11  }
0x19: {  	s28 =	simm.s32 $0x50;
	s30 =	smax.u32 s12, $0x1;
	[dreg:$0x15] =	wrdreg s13  }
0x1a: {  	s29 =	simm.s32 $0x139C0;
	s14 =	sadd.s32 $0xE100, s9;
	[smem:$0x7FD] =	sst s30  }
0x1b: {  	s31 =	simm.s32 $0x2;
	s16 =	sadd.s32 $0xED80, s9;
	[dreg:$0x16] =	wrdreg s14  }
0x1c: {  	s12 =	simm.s32 $0x7;
	s17 =	sadd.s32 $0xFA00, s9;
	[dreg:$0x17] =	wrdreg s16  }
0x1d: {  	s18 =	sadd.s32 $0x10680, s9;
	s19 =	sadd.s32 $0x11300, s9;
	[dreg:$0x18] =	wrdreg s17  }
0x1e: {  	s20 =	sadd.s32 $0x11F80, s9;
	s21 =	sadd.s32 $0x12C00, s9;
	[dreg:$0x19] =	wrdreg s18  }
0x1f: {  	s22 =	sshrl.u32 s8, $0x3;
	s10 =	sadd.s32 $0x50, s8;
	[dreg:$0x1a] =	wrdreg s19  }
0x20: {  	s26 =	sshll.u32 s8, $0x4;
	s3 =	simm.s32 $0x161C0;
	[dreg:$0x1b] =	wrdreg s20  }
0x21: {  	s11 =	simm.s32 $0x5;
	s13 =	simm.s32 $0x6;
	[dreg:$0x1c] =	wrdreg s21  }
0x22: {  	s23 =	sadd.s32 s6, s22;
	s0 =	sadd.s32 s7, s22;
	s24 =	sshrl.u32 s10, $0x3  }
0x23: {  	s16 =	sadd.s32 $0xA0, s8;
	s17 =	sadd.s32 $0xF0, s8;
	s20 =	simm.s32 $0x9  }
0x24: {  	s21 =	simm.s32 $0x13880;
	s22 =	simm.s32 $0x13920;
	s14 =	simm.s32 $0x8  }
0x25: {  	s8 =	simm.s32 $0x0;
	s18 =	simm.s32 $0x0;
	[dreg:$0x1d] =	wrdreg s23  }
0x26: {  	[dreg:$0x1e] =	wrdreg s0;
	s25 =	sadd.s32 s6, s24;
	s0 =	sadd.s32 s7, s24  }
0x27: {  	s23 =	simm.s32 $0x138D0;
	s24 =	simm.s32 $0x13970;
	[dreg:$0x1f] =	wrdreg s25  }
0x28: {  	[smem:$0x7FB] =	sst s0;
	s0 =	sadd.s32 s5, s26;
	s25 =	simm.s32 $0x1  }
0x29: {  	v0 =	vimm.f32 $0.0e+00;
	s26 =	simm.s32 $0x3;
	[smem:$0x7FC] =	sst s0;
	s0 =	simm.s32 $0x4  }
.LBB2_1:
0x2a: {  	[smem:$0x7FA] =	sst s8;
	s8 =	simm.s32 $0x0;
	s9 =	simm.s32 $0x200  }
.LBB2_2:
0x2b: {  	p0 =	sne.s32 s9, $0x3000;
	[tilespmem:s8+$0x1DA30] =	vst v0  }
0x2c: {  	[tilespmem:s8+$0x1D9C0] =	vst v0  }
0x2d: {  	[tilespmem:s8+$0x1D9D0] =	vst v0  }
.Ltmp0:
0x2e: {  	[tilespmem:s8+$0x1D9E0] =	vst v0;
	(pc) =	sbr.rel @p0 .LBB2_2-.Ltmp0, $4  }
0x2f: {  	[tilespmem:s8+$0x1D9F0] =	vst v0  }
0x30: {  	[tilespmem:s8+$0x1DA00] =	vst v0  }
0x31: {  	[tilespmem:s8+$0x1DA10] =	vst v0  }
0x32: {  	[tilespmem:s8+$0x1DA20] =	vst v0;
	s8 =	sshra.s32 s9, $0x2;
	s9 =	sadd.s32 $0x200, s9  }
0x33: {  	[tilespmem:s8+$0x1DA30] =	vst v0  }
0x34: {  	[tilespmem:s8+$0x1D9C0] =	vst v0  }
0x35: {  	[tilespmem:s8+$0x1D9D0] =	vst v0  }
0x36: {  	[tilespmem:s8+$0x1D9E0] =	vst v0  }
0x37: {  	[tilespmem:s8+$0x1D9F0] =	vst v0  }
0x38: {  	[tilespmem:s8+$0x1DA00] =	vst v0  }
0x39: {  	[tilespmem:s8+$0x1DA10] =	vst v0  }
0x3a: {  	[tilespmem:s8+$0x1DA20] =	vst v0;
	s8 =	simm.s32 $0x1D9C0  }
0x3b: {  	[spmem:s15] =	stream.linear.scatter [tilespmem:s8], [sflag:$0x9], $0xC80, $0x38;
	[tilespmem:$0x1E640] =	vst v63  }
0x3c: {  	_ =	swait.ge [sflag:s20], $0xC80  }
0x3d: {  	[sflag:s20] =	ssyncset.done $0x0  }
0x3e: {  	s2 =	rddreg [dreg:$0x4];
	[sflag:s20] =	ssyncadd.s32 $0xFFFFF380  }
0x3f: {  	[spmem:s2] =	stream.linear.scatter [tilespmem:s8], [sflag:$0x9], $0xC80, $0x38;
	[tilespmem:$0x1E640] =	vst v63  }
0x40: {  	_ =	swait.ge [sflag:s20], $0xC80  }
0x41: {  	[sflag:s20] =	ssyncset.done $0x0  }
0x42: {  	s9 =	rddreg [dreg:$0x5];
	[sflag:s20] =	ssyncadd.s32 $0xFFFFF380  }
0x43: {  	[spmem:s9] =	stream.linear.scatter [tilespmem:s8], [sflag:$0x9], $0xC80, $0x38;
	[tilespmem:$0x1E640] =	vst v63  }
0x44: {  	_ =	swait.ge [sflag:s20], $0xC80  }
0x45: {  	[sflag:s20] =	ssyncset.done $0x0  }
0x46: {  	s15 =	rddreg [dreg:$0x6];
	[sflag:s20] =	ssyncadd.s32 $0xFFFFF380  }
0x47: {  	[spmem:s15] =	stream.linear.scatter [tilespmem:s8], [sflag:$0x9], $0xC80, $0x38;
	[tilespmem:$0x1E640] =	vst v63  }
0x48: {  	_ =	swait.ge [sflag:s20], $0xC80  }
0x49: {  	[sflag:s20] =	ssyncset.done $0x0  }
0x4a: {  	s19 =	rddreg [dreg:$0x7];
	[sflag:s20] =	ssyncadd.s32 $0xFFFFF380  }
0x4b: {  	[spmem:s19] =	stream.linear.scatter [tilespmem:s8], [sflag:$0x9], $0xC80, $0x38;
	[tilespmem:$0x1E640] =	vst v63  }
0x4c: {  	_ =	swait.ge [sflag:s20], $0xC80  }
0x4d: {  	[sflag:s20] =	ssyncset.done $0x0  }
0x4e: {  	s30 =	rddreg [dreg:$0x8];
	[sflag:s20] =	ssyncadd.s32 $0xFFFFF380  }
0x4f: {  	[spmem:s30] =	stream.linear.scatter [tilespmem:s8], [sflag:$0x9], $0xC80, $0x38;
	[tilespmem:$0x1E640] =	vst v63  }
0x50: {  	_ =	swait.ge [sflag:s20], $0xC80  }
0x51: {  	[sflag:s20] =	ssyncset.done $0x0  }
0x52: {  	s9 =	rddreg [dreg:$0x9];
	[sflag:s20] =	ssyncadd.s32 $0xFFFFF380  }
0x53: {  	[spmem:s9] =	stream.linear.scatter [tilespmem:s8], [sflag:$0x9], $0xC80, $0x38;
	[tilespmem:$0x1E640] =	vst v63  }
0x54: {  	_ =	swait.ge [sflag:s20], $0xC80  }
0x55: {  	[sflag:s20] =	ssyncset.done $0x0  }
0x56: {  	s15 =	rddreg [dreg:$0xa];
	[sflag:s20] =	ssyncadd.s32 $0xFFFFF380  }
0x57: {  	[spmem:s15] =	stream.linear.scatter [tilespmem:s8], [sflag:$0x9], $0xC80, $0x38;
	[tilespmem:$0x1E640] =	vst v63  }
0x58: {  	_ =	swait.ge [sflag:s20], $0xC80  }
0x59: {  	[sflag:s20] =	ssyncset.done $0x0  }
0x5a: {  	s19 =	rddreg [dreg:$0xb];
	[sflag:s20] =	ssyncadd.s32 $0xFFFFF380  }
0x5b: {  	[spmem:s19] =	stream.linear.scatter [tilespmem:s8], [sflag:$0x9], $0xC80, $0x38;
	[tilespmem:$0x1E640] =	vst v63  }
0x5c: {  	_ =	swait.ge [sflag:s20], $0xC80  }
0x5d: {  	[sflag:s20] =	ssyncset.done $0x0  }
0x5e: {  	s30 =	rddreg [dreg:$0xc];
	[sflag:s20] =	ssyncadd.s32 $0xFFFFF380  }
0x5f: {  	[spmem:s30] =	stream.linear.scatter [tilespmem:s8], [sflag:$0x9], $0xC80, $0x38;
	[tilespmem:$0x1E640] =	vst v63  }
0x60: {  	_ =	swait.ge [sflag:s20], $0xC80  }
0x61: {  	[sflag:s20] =	ssyncset.done $0x0  }
0x62: {  	s9 =	rddreg [dreg:$0xd];
	[sflag:s20] =	ssyncadd.s32 $0xFFFFF380  }
0x63: {  	[spmem:s9] =	stream.linear.scatter [tilespmem:s8], [sflag:$0x9], $0xC80, $0x38;
	[tilespmem:$0x1E640] =	vst v63  }
0x64: {  	_ =	swait.ge [sflag:s20], $0xC80  }
0x65: {  	[sflag:s20] =	ssyncset.done $0x0  }
0x66: {  	s15 =	rddreg [dreg:$0xe];
	[sflag:s20] =	ssyncadd.s32 $0xFFFFF380  }
0x67: {  	[spmem:s15] =	stream.linear.scatter [tilespmem:s8], [sflag:$0x9], $0xC80, $0x38;
	[tilespmem:$0x1E640] =	vst v63  }
0x68: {  	_ =	swait.ge [sflag:s20], $0xC80  }
0x69: {  	[sflag:s20] =	ssyncset.done $0x0  }
0x6a: {  	s19 =	rddreg [dreg:$0xf];
	[sflag:s20] =	ssyncadd.s32 $0xFFFFF380  }
0x6b: {  	[spmem:s19] =	stream.linear.scatter [tilespmem:s8], [sflag:$0x9], $0xC80, $0x38;
	[tilespmem:$0x1E640] =	vst v63  }
0x6c: {  	_ =	swait.ge [sflag:s20], $0xC80  }
0x6d: {  	[sflag:s20] =	ssyncset.done $0x0  }
0x6e: {  	s30 =	rddreg [dreg:$0x11];
	[sflag:s20] =	ssyncadd.s32 $0xFFFFF380  }
0x6f: {  	[spmem:s30] =	stream.linear.scatter [tilespmem:s8], [sflag:$0x9], $0xC80, $0x38;
	[tilespmem:$0x1E640] =	vst v63  }
0x70: {  	_ =	swait.ge [sflag:s20], $0xC80  }
0x71: {  	[sflag:s20] =	ssyncset.done $0x0  }
0x72: {  	s9 =	rddreg [dreg:$0x12];
	[sflag:s20] =	ssyncadd.s32 $0xFFFFF380  }
0x73: {  	[spmem:s9] =	stream.linear.scatter [tilespmem:s8], [sflag:$0x9], $0xC80, $0x38;
	[tilespmem:$0x1E640] =	vst v63  }
0x74: {  	_ =	swait.ge [sflag:s20], $0xC80  }
0x75: {  	[sflag:s20] =	ssyncset.done $0x0  }
0x76: {  	s15 =	rddreg [dreg:$0x13];
	[sflag:s20] =	ssyncadd.s32 $0xFFFFF380  }
0x77: {  	[spmem:s15] =	stream.linear.scatter [tilespmem:s8], [sflag:$0x9], $0xC80, $0x38;
	[tilespmem:$0x1E640] =	vst v63  }
0x78: {  	_ =	swait.ge [sflag:s20], $0xC80  }
0x79: {  	[sflag:s20] =	ssyncset.done $0x0  }
0x7a: {  	s19 =	rddreg [dreg:$0x14];
	[sflag:s20] =	ssyncadd.s32 $0xFFFFF380  }
0x7b: {  	[spmem:s19] =	stream.linear.scatter [tilespmem:s8], [sflag:$0x9], $0xC80, $0x38;
	[tilespmem:$0x1E640] =	vst v63  }
0x7c: {  	_ =	swait.ge [sflag:s20], $0xC80  }
0x7d: {  	[sflag:s20] =	ssyncset.done $0x0  }
0x7e: {  	s30 =	rddreg [dreg:$0x15];
	[sflag:s20] =	ssyncadd.s32 $0xFFFFF380  }
0x7f: {  	[spmem:s30] =	stream.linear.scatter [tilespmem:s8], [sflag:$0x9], $0xC80, $0x38;
	[tilespmem:$0x1E640] =	vst v63  }
0x80: {  	_ =	swait.ge [sflag:s20], $0xC80  }
0x81: {  	[sflag:s20] =	ssyncset.done $0x0  }
0x82: {  	s9 =	rddreg [dreg:$0x16];
	[sflag:s20] =	ssyncadd.s32 $0xFFFFF380  }
0x83: {  	[spmem:s9] =	stream.linear.scatter [tilespmem:s8], [sflag:$0x9], $0xC80, $0x38;
	[tilespmem:$0x1E640] =	vst v63  }
0x84: {  	_ =	swait.ge [sflag:s20], $0xC80  }
0x85: {  	[sflag:s20] =	ssyncset.done $0x0  }
0x86: {  	s15 =	rddreg [dreg:$0x17];
	[sflag:s20] =	ssyncadd.s32 $0xFFFFF380  }
0x87: {  	[spmem:s15] =	stream.linear.scatter [tilespmem:s8], [sflag:$0x9], $0xC80, $0x38;
	[tilespmem:$0x1E640] =	vst v63  }
0x88: {  	_ =	swait.ge [sflag:s20], $0xC80  }
0x89: {  	[sflag:s20] =	ssyncset.done $0x0  }
0x8a: {  	s19 =	rddreg [dreg:$0x18];
	[sflag:s20] =	ssyncadd.s32 $0xFFFFF380  }
0x8b: {  	[spmem:s19] =	stream.linear.scatter [tilespmem:s8], [sflag:$0x9], $0xC80, $0x38;
	[tilespmem:$0x1E640] =	vst v63  }
0x8c: {  	_ =	swait.ge [sflag:s20], $0xC80  }
0x8d: {  	[sflag:s20] =	ssyncset.done $0x0  }
0x8e: {  	s30 =	rddreg [dreg:$0x19];
	[sflag:s20] =	ssyncadd.s32 $0xFFFFF380  }
0x8f: {  	[spmem:s30] =	stream.linear.scatter [tilespmem:s8], [sflag:$0x9], $0xC80, $0x38;
	[tilespmem:$0x1E640] =	vst v63  }
0x90: {  	_ =	swait.ge [sflag:s20], $0xC80  }
0x91: {  	[sflag:s20] =	ssyncset.done $0x0  }
0x92: {  	s9 =	rddreg [dreg:$0x1a];
	[sflag:s20] =	ssyncadd.s32 $0xFFFFF380  }
0x93: {  	[spmem:s9] =	stream.linear.scatter [tilespmem:s8], [sflag:$0x9], $0xC80, $0x38;
	[tilespmem:$0x1E640] =	vst v63  }
0x94: {  	_ =	swait.ge [sflag:s20], $0xC80  }
0x95: {  	[sflag:s20] =	ssyncset.done $0x0  }
0x96: {  	s15 =	rddreg [dreg:$0x1b];
	[sflag:s20] =	ssyncadd.s32 $0xFFFFF380  }
0x97: {  	[spmem:s15] =	stream.linear.scatter [tilespmem:s8], [sflag:$0x9], $0xC80, $0x38;
	[tilespmem:$0x1E640] =	vst v63  }
0x98: {  	_ =	swait.ge [sflag:s20], $0xC80  }
0x99: {  	[sflag:s20] =	ssyncset.done $0x0  }
0x9a: {  	s19 =	rddreg [dreg:$0x1c];
	[sflag:s20] =	ssyncadd.s32 $0xFFFFF380  }
0x9b: {  	[spmem:s19] =	stream.linear.scatter [tilespmem:s8], [sflag:$0x9], $0xC80, $0x38;
	[tilespmem:$0x1E640] =	vst v63  }
0x9c: {  	_ =	swait.ge [sflag:s20], $0xC80  }
0x9d: {  	[sflag:s20] =	ssyncset.done $0x0  }
0x9e: {  	[sflag:s20] =	ssyncadd.s32 $0xFFFFF380  }
0x9f: {  	[bflag:$0x0] =	sbarrier.arrive $0xFFFF  }
0xa0: {  	s30 =	rddreg [dreg:$0x1d]  }
0xa1: {  	s8 =	rddreg [dreg:$0x1e]  }
0xa2: {  	[tilespmem:s21], [sflag:$0x1] =	stream.linear.gather [hbm4b:s30+s18], $0x50, $0x38;
	[tilespmem:$0x1E640] =	vst v63  }
0xa3: {  	s9 =	rddreg [dreg:$0x1f]  }
0xa4: {  	[tilespmem:s22], [sflag:$0x3] =	stream.linear.gather [hbm4b:s8+s18], $0x50, $0x38;
	[tilespmem:$0x1E640] =	vst v63  }
0xa5: {  	s15 =	sld [smem:$0x7FB]  }
0xa6: {  	[tilespmem:s23], [sflag:$0x2] =	stream.linear.gather [hbm4b:s9+s18], $0x50, $0x38;
	[tilespmem:$0x1E640] =	vst v63  }
0xa7: {  	_ = 	snop  }
0xa8: {  	[tilespmem:s24], [sflag:$0x4] =	stream.linear.gather [hbm4b:s15+s18], $0x50, $0x38;
	[tilespmem:$0x1E640] =	vst v63  }
0xa9: {  	_ =	swait.ge [sflag:s25], $0x50  }
0xaa: {  	[sflag:s25] =	ssyncset.done $0x0  }
0xab: {  	[sflag:s25] =	ssyncadd.s32 $0xFFFFFFB0  }
0xac: {  	_ =	swait.ge [sflag:s26], $0x50  }
0xad: {  	[sflag:s26] =	ssyncset.done $0x0  }
0xae: {  	s19 =	sld [smem:$0x7FC];
	[sflag:s26] =	ssyncadd.s32 $0xFFFFFFB0  }
0xaf: {  	[tilespmem:s29], [sflag:$0x5] =	stream.indirect.gather [hbm4b:s4+s28], $0x80, s21, s28, $0xb8;
	[tilespmem:$0x1E640] =	vst v63  }
0xb0: {  	s30 =	simm.s32 $0x189C0;
	s8 =	simm.s32 $0x0  }
0xb1: {  	[tilespmem:s30], [sflag:$0x7] =	stream.linear.gather [hbm4b:s19+s18], $0x2800, $0x38;
	[tilespmem:$0x1E640] =	vst v63  }
.LBB2_4:
0xb2: {  	_ =	swait.ge [sflag:s31], $0x50  }
0xb3: {  	[sflag:s31] =	ssyncset.done $0x0  }
0xb4: {  	s15 =	smul.u32 $0xA0, s8;
	[sflag:s31] =	ssyncadd.s32 $0xFFFFFFB0  }
0xb5: {  	_ =	swait.ge [sflag:s0], $0x50  }
0xb6: {  	s9 =	sadd.s32 s15, s10;
	[sflag:s0] =	ssyncset.done $0x0  }
0xb7: {  	s9 =	sshll.u32 s9, $0x4;
	[sflag:s0] =	ssyncadd.s32 $0xFFFFFFB0  }
0xb8: {  	[tilespmem:s3], [sflag:$0x6] =	stream.indirect.gather [hbm4b:s4+s28], $0x80, s23, s28, $0xb8;
	[tilespmem:$0x1E640] =	vst v63  }
0xb9: {  	s2 =	simm.s32 $0x1B1C0;
	s9 =	sadd.s32 s5, s9  }
0xba: {  	[tilespmem:s2], [sflag:$0x8] =	stream.linear.gather [hbm4b:s9+s18], $0x2800, $0x38;
	[tilespmem:$0x1E640] =	vst v63  }
0xbb: {  	_ =	swait.ge [sflag:s11], $0x2800  }
0xbc: {  	[sflag:s11] =	ssyncset.done $0x0  }
0xbd: {  	[sflag:s11] =	ssyncadd.s32 $0xFFFFD800  }
0xbe: {  	_ =	swait.ge [sflag:s12], $0x2800  }
0xbf: {  	[sflag:s12] =	ssyncset.done $0x0  }
0xc0: {  	s19 =	simm.s32 $0x0;
	[sflag:s12] =	ssyncadd.s32 $0xFFFFD800  }
0xc1: {  	v8 =	vld [tilespmem:s19+$0x189C0]  }
0xc2: {  	v12 =	vld [tilespmem:s19+$0x189D0]  }
0xc3: {  	v6 =	vld [tilespmem:s19+$0x189E0]  }
0xc4: {  	v5 =	vld [tilespmem:s19+$0x189F0]  }
0xc5: {  	v4 =	vld [tilespmem:s19+$0x18A00]  }
0xc6: {  	v3 =	vld [tilespmem:s19+$0x18A10]  }
0xc7: {  	v2 =	vld [tilespmem:s19+$0x18A20]  }
0xc8: {  	v1 =	vld [tilespmem:s19+$0x18A30]  }
0xc9: {  	v13 =	vld [tilespmem:s19+$0x139C0]  }
0xca: {  	v14 =	vld [tilespmem:s19+$0x139D0]  }
0xcb: {  	v11 =	vld [tilespmem:s19+$0x139E0]  }
0xcc: {  	v10 =	vld [tilespmem:s19+$0x139F0]  }
0xcd: {  	v9 =	vld [tilespmem:s19+$0x13A00]  }
0xce: {  	v7 =	vld [tilespmem:s19+$0x13A10];
	v13 =	vmul.f32 v8, v13  }
0xcf: {  	s9 =	simm.s32 $0x200;
	v12 =	vmul.f32 v12, v14;
	v8 =	vld [tilespmem:s19+$0x13A20]  }
.LBB2_5:
0xd0: {  	s30 =	sshra.s32 s9, $0x2;
	p0 =	sne.s32 s9, $0x9E00;
	[tilespmem:s19+$0x139C0] =	vst v13;
	v6 =	vmul.f32 v6, v11;
	v11 =	vld [tilespmem:s19+$0x13A30]  }
0xd1: {  	v13 =	vld [tilespmem:s30+$0x189C0];
	[tilespmem:s19+$0x139D0] =	vst v12;
	v5 =	vmul.f32 v5, v10  }
0xd2: {  	v12 =	vld [tilespmem:s30+$0x189D0];
	[tilespmem:s19+$0x139E0] =	vst v6;
	v4 =	vmul.f32 v4, v9  }
0xd3: {  	v6 =	vld [tilespmem:s30+$0x189E0];
	[tilespmem:s19+$0x139F0] =	vst v5;
	v3 =	vmul.f32 v3, v7  }
0xd4: {  	v5 =	vld [tilespmem:s30+$0x189F0];
	[tilespmem:s19+$0x13A00] =	vst v4;
	v2 =	vmul.f32 v2, v8  }
0xd5: {  	v4 =	vld [tilespmem:s30+$0x18A00];
	[tilespmem:s19+$0x13A10] =	vst v3;
	v1 =	vmul.f32 v1, v11  }
0xd6: {  	v3 =	vld [tilespmem:s30+$0x18A10];
	[tilespmem:s19+$0x13A20] =	vst v2  }
0xd7: {  	v2 =	vld [tilespmem:s30+$0x18A20];
	[tilespmem:s19+$0x13A30] =	vst v1;
	s19 =	smov.u32 s30  }
0xd8: {  	v1 =	vld [tilespmem:s19+$0x18A30]  }
0xd9: {  	v7 =	vld [tilespmem:s19+$0x139C0]  }
0xda: {  	v8 =	vld [tilespmem:s19+$0x139D0]  }
.Ltmp1:
0xdb: {  	v11 =	vld [tilespmem:s19+$0x139E0];
	(pc) =	sbr.rel @p0 .LBB2_5-.Ltmp1, $4  }
0xdc: {  	v10 =	vld [tilespmem:s19+$0x139F0]  }
0xdd: {  	v9 =	vld [tilespmem:s19+$0x13A00]  }
0xde: {  	v13 =	vmul.f32 v13, v7;
	v7 =	vld [tilespmem:s19+$0x13A10]  }
0xdf: {  	s9 =	sadd.s32 $0x200, s9;
	v12 =	vmul.f32 v12, v8;
	v8 =	vld [tilespmem:s19+$0x13A20]  }
0xe0: {  	[tilespmem:s19+$0x139C0] =	vst v13;
	v6 =	vmul.f32 v6, v11;
	v11 =	vld [tilespmem:s19+$0x13A30]  }
0xe1: {  	[tilespmem:s19+$0x139D0] =	vst v12;
	v5 =	vmul.f32 v5, v10  }
0xe2: {  	[tilespmem:s19+$0x139E0] =	vst v6;
	v4 =	vmul.f32 v4, v9  }
0xe3: {  	[tilespmem:s19+$0x139F0] =	vst v5;
	v3 =	vmul.f32 v3, v7  }
0xe4: {  	[tilespmem:s19+$0x13A00] =	vst v4;
	v2 =	vmul.f32 v2, v8  }
0xe5: {  	[tilespmem:s19+$0x13A10] =	vst v3;
	v1 =	vmul.f32 v1, v11  }
0xe6: {  	[tilespmem:s19+$0x13A20] =	vst v2  }
0xe7: {  	[tilespmem:s19+$0x13A30] =	vst v1  }
0xe8: {  	[spmem:s1] =	stream.indirect.scatter.add.f32 [tilespmem:s29], [sflag:$0x9], $0x80, s22, s28, $0xb8;
	[tilespmem:$0x1E640] =	vst v63  }
0xe9: {  	s9 =	sadd.s32 s15, s16;
	_ =	swait.ge [sflag:s20], $0x2800  }
0xea: {  	s19 =	sshrl.u32 s9, $0x3;
	[sflag:s20] =	ssyncset.done $0x0  }
0xeb: {  	s2 =	simm.s32 $0x0;
	s30 =	sadd.s32 s6, s19;
	[sflag:s20] =	ssyncadd.s32 $0xFFFFD800  }
0xec: {  	[tilespmem:s21], [sflag:$0x1] =	stream.linear.gather [hbm4b:s30+s2], $0x50, $0x38;
	[tilespmem:$0x1E640] =	vst v63  }
0xed: {  	s19 =	sadd.s32 s7, s19  }
0xee: {  	[tilespmem:s22], [sflag:$0x3] =	stream.linear.gather [hbm4b:s19+s2], $0x50, $0x38;
	[tilespmem:$0x1E640] =	vst v63  }
0xef: {  	_ =	swait.ge [sflag:s25], $0x50  }
0xf0: {  	[sflag:s25] =	ssyncset.done $0x0  }
0xf1: {  	[sflag:s25] =	ssyncadd.s32 $0xFFFFFFB0  }
0xf2: {  	_ =	swait.ge [sflag:s26], $0x50  }
0xf3: {  	[sflag:s26] =	ssyncset.done $0x0  }
0xf4: {  	s9 =	sshll.u32 s9, $0x4;
	[sflag:s26] =	ssyncadd.s32 $0xFFFFFFB0  }
0xf5: {  	[tilespmem:s29], [sflag:$0x5] =	stream.indirect.gather [hbm4b:s4+s28], $0x80, s21, s28, $0xb8;
	[tilespmem:$0x1E640] =	vst v63  }
0xf6: {  	s9 =	sadd.s32 s5, s9;
	s30 =	simm.s32 $0x189C0  }
0xf7: {  	[tilespmem:s30], [sflag:$0x7] =	stream.linear.gather [hbm4b:s9+s2], $0x2800, $0x38;
	[tilespmem:$0x1E640] =	vst v63  }
0xf8: {  	_ =	swait.ge [sflag:s13], $0x2800  }
0xf9: {  	[sflag:s13] =	ssyncset.done $0x0  }
0xfa: {  	[sflag:s13] =	ssyncadd.s32 $0xFFFFD800  }
0xfb: {  	_ =	swait.ge [sflag:s14], $0x2800  }
0xfc: {  	[sflag:s14] =	ssyncset.done $0x0  }
0xfd: {  	s19 =	simm.s32 $0x0;
	[sflag:s14] =	ssyncadd.s32 $0xFFFFD800  }
0xfe: {  	v8 =	vld [tilespmem:s19+$0x1B1C0]  }
0xff: {  	v12 =	vld [tilespmem:s19+$0x1B1D0]  }
0x100: {  	v6 =	vld [tilespmem:s19+$0x1B1E0]  }
0x101: {  	v5 =	vld [tilespmem:s19+$0x1B1F0]  }
0x102: {  	v4 =	vld [tilespmem:s19+$0x1B200]  }
0x103: {  	v3 =	vld [tilespmem:s19+$0x1B210]  }
0x104: {  	v2 =	vld [tilespmem:s19+$0x1B220]  }
0x105: {  	v1 =	vld [tilespmem:s19+$0x1B230]  }
0x106: {  	v13 =	vld [tilespmem:s19+$0x161C0]  }
0x107: {  	v14 =	vld [tilespmem:s19+$0x161D0]  }
0x108: {  	v11 =	vld [tilespmem:s19+$0x161E0]  }
0x109: {  	v10 =	vld [tilespmem:s19+$0x161F0]  }
0x10a: {  	v9 =	vld [tilespmem:s19+$0x16200]  }
0x10b: {  	v7 =	vld [tilespmem:s19+$0x16210];
	v13 =	vmul.f32 v8, v13  }
0x10c: {  	s9 =	simm.s32 $0x200;
	v12 =	vmul.f32 v12, v14;
	v8 =	vld [tilespmem:s19+$0x16220]  }
.LBB2_7:
0x10d: {  	s2 =	sshra.s32 s9, $0x2;
	p0 =	sne.s32 s9, $0x9E00;
	[tilespmem:s19+$0x161C0] =	vst v13;
	v6 =	vmul.f32 v6, v11;
	v11 =	vld [tilespmem:s19+$0x16230]  }
0x10e: {  	v13 =	vld [tilespmem:s2+$0x1B1C0];
	[tilespmem:s19+$0x161D0] =	vst v12;
	v5 =	vmul.f32 v5, v10  }
0x10f: {  	v12 =	vld [tilespmem:s2+$0x1B1D0];
	[tilespmem:s19+$0x161E0] =	vst v6;
	v4 =	vmul.f32 v4, v9  }
0x110: {  	v6 =	vld [tilespmem:s2+$0x1B1E0];
	[tilespmem:s19+$0x161F0] =	vst v5;
	v3 =	vmul.f32 v3, v7  }
0x111: {  	v5 =	vld [tilespmem:s2+$0x1B1F0];
	[tilespmem:s19+$0x16200] =	vst v4;
	v2 =	vmul.f32 v2, v8  }
0x112: {  	v4 =	vld [tilespmem:s2+$0x1B200];
	[tilespmem:s19+$0x16210] =	vst v3;
	v1 =	vmul.f32 v1, v11  }
0x113: {  	v3 =	vld [tilespmem:s2+$0x1B210];
	[tilespmem:s19+$0x16220] =	vst v2  }
0x114: {  	v2 =	vld [tilespmem:s2+$0x1B220];
	[tilespmem:s19+$0x16230] =	vst v1;
	s19 =	smov.u32 s2  }
0x115: {  	v1 =	vld [tilespmem:s19+$0x1B230]  }
0x116: {  	v7 =	vld [tilespmem:s19+$0x161C0]  }
0x117: {  	v8 =	vld [tilespmem:s19+$0x161D0]  }
.Ltmp2:
0x118: {  	v11 =	vld [tilespmem:s19+$0x161E0];
	(pc) =	sbr.rel @p0 .LBB2_7-.Ltmp2, $4  }
0x119: {  	v10 =	vld [tilespmem:s19+$0x161F0]  }
0x11a: {  	v9 =	vld [tilespmem:s19+$0x16200]  }
0x11b: {  	v13 =	vmul.f32 v13, v7;
	v7 =	vld [tilespmem:s19+$0x16210]  }
0x11c: {  	s9 =	sadd.s32 $0x200, s9;
	v12 =	vmul.f32 v12, v8;
	v8 =	vld [tilespmem:s19+$0x16220]  }
0x11d: {  	[tilespmem:s19+$0x161C0] =	vst v13;
	v6 =	vmul.f32 v6, v11;
	v63 =	vld [tilespmem:s19+$0x16230]  }
0x11e: {  	[tilespmem:s19+$0x161D0] =	vst v12;
	v5 =	vmul.f32 v5, v10  }
0x11f: {  	[tilespmem:s19+$0x161E0] =	vst v6;
	v4 =	vmul.f32 v4, v9  }
0x120: {  	[tilespmem:s19+$0x161F0] =	vst v5;
	v3 =	vmul.f32 v3, v7  }
0x121: {  	[tilespmem:s19+$0x16200] =	vst v4;
	v2 =	vmul.f32 v2, v8  }
0x122: {  	[tilespmem:s19+$0x16210] =	vst v3;
	v1 =	vmul.f32 v1, v63  }
0x123: {  	[tilespmem:s19+$0x16220] =	vst v2  }
0x124: {  	s8 =	sadd.s32 $0x1, s8;
	[tilespmem:s19+$0x16230] =	vst v1  }
0x125: {  	[spmem:s1] =	stream.indirect.scatter.add.f32 [tilespmem:s3], [sflag:$0x9], $0x80, s24, s28, $0xb8;
	[tilespmem:$0x1E640] =	vst v63  }
0x126: {  	s2 =	sadd.s32 s15, s17;
	p0 =	sne.s32 s8, $0x3E;
	_ =	swait.ge [sflag:s20], $0x2800  }
.Ltmp3:
0x127: {  	s2 =	sshrl.u32 s2, $0x3;
	[sflag:s20] =	ssyncset.done $0x0;
	(pc) =	sbr.rel @p0 .LBB2_4-.Ltmp3, $4  }
0x128: {  	s30 =	simm.s32 $0x0;
	s9 =	sadd.s32 s6, s2;
	[sflag:s20] =	ssyncadd.s32 $0xFFFFD800  }
0x129: {  	[tilespmem:s23], [sflag:$0x2] =	stream.linear.gather [hbm4b:s9+s30], $0x50, $0x38;
	[tilespmem:$0x1E640] =	vst v63  }
0x12a: {  	s2 =	sadd.s32 s7, s2  }
0x12b: {  	[tilespmem:s24], [sflag:$0x4] =	stream.linear.gather [hbm4b:s2+s30], $0x50, $0x38;
	[tilespmem:$0x1E640] =	vst v63  }
0x12c: {  	_ =	swait.ge [sflag:s11], $0x2800  }
0x12d: {  	[sflag:s11] =	ssyncset.done $0x0  }
0x12e: {  	[sflag:s11] =	ssyncadd.s32 $0xFFFFD800  }
0x12f: {  	_ =	swait.ge [sflag:s12], $0x2800  }
0x130: {  	[sflag:s12] =	ssyncset.done $0x0  }
0x131: {  	s8 =	simm.s32 $0x0;
	[sflag:s12] =	ssyncadd.s32 $0xFFFFD800  }
0x132: {  	v8 =	vld [tilespmem:s8+$0x189C0]  }
0x133: {  	v12 =	vld [tilespmem:s8+$0x189D0]  }
0x134: {  	v6 =	vld [tilespmem:s8+$0x189E0]  }
0x135: {  	v5 =	vld [tilespmem:s8+$0x189F0]  }
0x136: {  	v4 =	vld [tilespmem:s8+$0x18A00]  }
0x137: {  	v3 =	vld [tilespmem:s8+$0x18A10]  }
0x138: {  	v2 =	vld [tilespmem:s8+$0x18A20]  }
0x139: {  	v1 =	vld [tilespmem:s8+$0x18A30]  }
0x13a: {  	v13 =	vld [tilespmem:s8+$0x139C0]  }
0x13b: {  	v14 =	vld [tilespmem:s8+$0x139D0]  }
0x13c: {  	v11 =	vld [tilespmem:s8+$0x139E0]  }
0x13d: {  	v10 =	vld [tilespmem:s8+$0x139F0]  }
0x13e: {  	v9 =	vld [tilespmem:s8+$0x13A00]  }
0x13f: {  	v7 =	vld [tilespmem:s8+$0x13A10];
	v13 =	vmul.f32 v8, v13  }
0x140: {  	s9 =	simm.s32 $0x200;
	v12 =	vmul.f32 v12, v14;
	v8 =	vld [tilespmem:s8+$0x13A20]  }
.LBB2_10:
0x141: {  	s2 =	sshra.s32 s9, $0x2;
	p0 =	sne.s32 s9, $0x9E00;
	[tilespmem:s8+$0x139C0] =	vst v13;
	v6 =	vmul.f32 v6, v11;
	v11 =	vld [tilespmem:s8+$0x13A30]  }
0x142: {  	v13 =	vld [tilespmem:s2+$0x189C0];
	[tilespmem:s8+$0x139D0] =	vst v12;
	v5 =	vmul.f32 v5, v10  }
0x143: {  	v12 =	vld [tilespmem:s2+$0x189D0];
	[tilespmem:s8+$0x139E0] =	vst v6;
	v4 =	vmul.f32 v4, v9  }
0x144: {  	v6 =	vld [tilespmem:s2+$0x189E0];
	[tilespmem:s8+$0x139F0] =	vst v5;
	v3 =	vmul.f32 v3, v7  }
0x145: {  	v5 =	vld [tilespmem:s2+$0x189F0];
	[tilespmem:s8+$0x13A00] =	vst v4;
	v2 =	vmul.f32 v2, v8  }
0x146: {  	v4 =	vld [tilespmem:s2+$0x18A00];
	[tilespmem:s8+$0x13A10] =	vst v3;
	v1 =	vmul.f32 v1, v11  }
0x147: {  	v3 =	vld [tilespmem:s2+$0x18A10];
	[tilespmem:s8+$0x13A20] =	vst v2  }
0x148: {  	v2 =	vld [tilespmem:s2+$0x18A20];
	[tilespmem:s8+$0x13A30] =	vst v1;
	s8 =	smov.u32 s2  }
0x149: {  	v1 =	vld [tilespmem:s8+$0x18A30]  }
0x14a: {  	v7 =	vld [tilespmem:s8+$0x139C0]  }
0x14b: {  	v8 =	vld [tilespmem:s8+$0x139D0]  }
.Ltmp4:
0x14c: {  	v11 =	vld [tilespmem:s8+$0x139E0];
	(pc) =	sbr.rel @p0 .LBB2_10-.Ltmp4, $4  }
0x14d: {  	v10 =	vld [tilespmem:s8+$0x139F0]  }
0x14e: {  	v9 =	vld [tilespmem:s8+$0x13A00]  }
0x14f: {  	v13 =	vmul.f32 v13, v7;
	v7 =	vld [tilespmem:s8+$0x13A10]  }
0x150: {  	s9 =	sadd.s32 $0x200, s9;
	v12 =	vmul.f32 v12, v8;
	v8 =	vld [tilespmem:s8+$0x13A20]  }
0x151: {  	[tilespmem:s8+$0x139C0] =	vst v13;
	v6 =	vmul.f32 v6, v11;
	v63 =	vld [tilespmem:s8+$0x13A30]  }
0x152: {  	[tilespmem:s8+$0x139D0] =	vst v12;
	v5 =	vmul.f32 v5, v10  }
0x153: {  	[tilespmem:s8+$0x139E0] =	vst v6;
	v4 =	vmul.f32 v4, v9  }
0x154: {  	[tilespmem:s8+$0x139F0] =	vst v5;
	v3 =	vmul.f32 v3, v7  }
0x155: {  	[tilespmem:s8+$0x13A00] =	vst v4;
	v2 =	vmul.f32 v2, v8  }
0x156: {  	[tilespmem:s8+$0x13A10] =	vst v3;
	v1 =	vmul.f32 v1, v63  }
0x157: {  	[tilespmem:s8+$0x13A20] =	vst v2  }
0x158: {  	[tilespmem:s8+$0x13A30] =	vst v1  }
0x159: {  	[spmem:s1] =	stream.indirect.scatter.add.f32 [tilespmem:s29], [sflag:$0x9], $0x80, s22, s28, $0xb8;
	[tilespmem:$0x1E640] =	vst v63  }
0x15a: {  	_ =	swait.ge [sflag:s20], $0x2800  }
0x15b: {  	[sflag:s20] =	ssyncset.done $0x0  }
0x15c: {  	[sflag:s20] =	ssyncadd.s32 $0xFFFFD800  }
0x15d: {  	_ =	swait.ge [sflag:s31], $0x50  }
0x15e: {  	[sflag:s31] =	ssyncset.done $0x0  }
0x15f: {  	[sflag:s31] =	ssyncadd.s32 $0xFFFFFFB0  }
0x160: {  	_ =	swait.ge [sflag:s0], $0x50  }
0x161: {  	[sflag:s0] =	ssyncset.done $0x0  }
0x162: {  	[sflag:s0] =	ssyncadd.s32 $0xFFFFFFB0  }
0x163: {  	s2 =	stileid.u32;
	[bflag:$0x0] =	sbarrier.arrive $0xFFFF  }
0x164: {  	s2 =	sshll.u32 s2, $0x6;
	s15 =	rddreg [dreg:$0x3]  }
0x165: {  	s2 =	sor.u32 $0x1C09, s2;
	s9 =	rddreg [dreg:$0x10];
	s30 =	sshrl.u32 s15, $0x3  }
0x166: {  	[hbm:s9], [sflag:s2] =	dma.local [spmem:s30], $0x2710  }
0x167: {  	_ =	swait.ge [sflag:s20], $0x2710  }
0x168: {  	s19 =	sld [smem:$0x7FA]  }
0x169: {  	s30 =	sld [smem:$0x7FD];
	_ =	sdelay $0x1  }
0x16a: {  	s8 =	sadd.s32 $0x1, s19  }
0x16b: {  	p0 =	sne.s32 s8, s30  }
.Ltmp5:
0x16c: {  	_ = 	snop;
	(pc) =	sbr.rel @p0 .LBB2_1-.Ltmp5, $3  }
0x16d: {  	_ =	sdelay $0x1  }
0x16e: {  	[sflag:s20] =	ssyncset.done $0x0  }
0x16f: {  	[sflag:s20] =	ssyncadd.s32 $0xFFFFD8F0  }
0x170: {  	_ =	sfence.sel $0x180000  }
0x171: {  	[bflag:$0x0] =	sbarrier.arrive $0xFFFF  }
0x172: {  	_ =	strace $0x9000004A  }
0x173: {  	s0 =	stileid.u32;
	[bflag:$0x2] =	sbarrier.arrive $0xFFFF  }
0x174: {  	p0 =	sne.s32 s0, $0x0;
	s0 =	rddreg [dreg:$0x2]  }
0x175: {  	s0 =	sadd.s32 @!p0 $0x100000, s0  }
0x176: {  	[sflag:s0] =	ssyncadd.tile.s32 @!p0 $0x1;
	_ =	shalt  }
.Lfunc_end2:
_tile_overlayer_lowered:
.L_overlay_start_2:
0x177: {  	(tag) =	ssettag $0x2  }
0x178: {  	s0 =	rddreg [dreg:$0x0];
	s2 =	stileid.u32  }
0x179: {  	s1 =	rddreg [dreg:$0x1];
	p0 =	sne.s32 s2, $0x0  }
0x17a: {  	s3 =	rddreg [dreg:$0x2];
	[bflag:$0x3] =	sbarrier.arrive $0xFFFF;
	s2 =	simm.s32 @!p0 $0x1C09  }
0x17b: {  	[timem:s3], [sflag:s2] =	dma.local @!p0 [hbm:s0], s1  }
0x17c: {  	s0 =	simm.s32 @!p0 $0x9  }
0x17d: {  	_ =	swait.ge @!p0 [sflag:s0], s1  }
0x17e: {  	s1 =	ssub.s32 @!p0 $0x0, s1;
	[sflag:s0] =	ssyncset.done @!p0 $0x0  }
0x17f: {  	[sflag:s0] =	ssyncadd.s32 @!p0 s1  }
0x180: {  	[bflag:$0x3] =	sbarrier.arrive $0xFFFF  }
0x181: {  	_ =	shalt  }

// kernel: kernel.16.cloned.1.call-start
scs
__scs_entry_jumppad:
0x0: {  	(pc) =	sbr.rel $0x88, $3  }
0x1: {  	(tag) =	ssettag $0x0;
	lr =	simm.s32 $0x1  }
0x2: {  	[smem:$0x3F84] =	sst lr;
	_ =	strace $0xD0000000  }
0x3: {  	_ = 	snop  }
0x4: {  	_ = 	snop  }
0x5: {  	_ = 	snop  }
0x6: {  	_ = 	snop  }
0x7: {  	_ = 	snop  }
__scs_overlays_trampoline_lowered:
0x8: {  	[smem:$0x3F93] =	sst s0  }
0x9: {  	[smem:$0x3F94] =	sst s1  }
0xa: {  	[smem:$0x3F95] =	sst s2  }
0xb: {  	[smem:$0x3F96] =	sst s3  }
0xc: {  	[smem:$0x3F97] =	sst s4  }
0xd: {  	[smem:$0x3F98] =	sst s5  }
0xe: {  	[smem:$0x3F99] =	sst s6  }
0xf: {  	[smem:$0x3F9A] =	sst s7  }
0x10: {  	[smem:$0x3F9B] =	sst s8  }
0x11: {  	[smem:$0x3F9C] =	sst s9;
	s0 =	simm.s32 @!p0 $0x0  }
0x12: {  	s1 =	sld [smem:$0x3F82];
	s0 =	simm.s32 @p0 $0x1  }
0x13: {  	[smem:$0x3F9D] =	sst s0;
	s0 =	simm.s32 @!p1 $0x0  }
0x14: {  	s2 =	sld [smem:$0x3F81];
	s0 =	simm.s32 @p1 $0x1  }
0x15: {  	[smem:$0x3F9E] =	sst s0;
	s0 =	simm.s32 @!p2 $0x0  }
0x16: {  	s3 =	sld [smem:$0x3FDB];
	s0 =	simm.s32 @p2 $0x1  }
0x17: {  	s4 =	simm.s32 $0x1BF5;
	[smem:$0x3FA0] =	sst s0  }
0x18: {  	s0 =	sld [smem:$0x3F83];
	_ =	swait.ge [sflag:s4], $0x0  }
0x19: {  	s7 =	sld [smem:$0x3F84]  }
0x1a: {  	s8 =	sadd.s32 $0xFFFFE003, lr  }
0x1b: {  	s9 =	sadd.s32 $0xFFFFFEF7, lr;
	s5 =	simm.s32 $0xFFFFFFFF;
	p2 =	slt.u32 s8, $0xFFFFF086  }
0x1c: {  	p1 =	slt.u32 s9, $0xF7A;
	s5 =	simm.s32 @!p2 $0x0  }
0x1d: {  	s5 =	simm.s32 @p1 $0x1;
	p0 =	seq.s32 s7, s2  }
0x1e: {  	s7 =	smul.u32 @!p0 $0xF7A, s2;
	p2 =	seq.s32 @!p0 s5, $0x0  }
0x1f: {  	s9 =	smul.u32 $0xF7A, s1;
	s8 =	simm.s32 @!p0 $0x1BF5;
	p2 =	por !p2, p0  }
0x20: {  	[sflag:s8] =	ssyncset.s32 @!p0 $0xFFFFF086;
	s6 =	sadd.s32 @!p0 s3, s7;
	s7 =	simm.s32 @!p0 $0x108  }
0x21: {  	s3 =	sadd.s32 s3, s9;
	s6 =	sadd.s32 @!p0 $0x88, s6;
	s7 =	simm.s32 @p2 $0x1082  }
0x22: {  	[simem:s7], [sflag:s8] =	dma.local @!p0 [hbm:s6], $0xF7A  }
0x23: {  	s9 =	sor.u32 $0xD0000000, s2;
	s6 =	simm.s32 $0x108;
	_ =	swait.ge @!p0 [sflag:s8], $0x0  }
0x24: {  	s3 =	sadd.s32 $0x88, s3;
	s6 =	simm.s32 @!p1 $0x1082;
	[sflag:s4] =	ssyncset.s32 $0xFFFFF086  }
0x25: {  	[simem:s6], [sflag:s4] =	dma.local [hbm:s3], $0xF7A  }
0x26: {  	[smem:$0x3F84] =	sst s1;
	(tag) =	ssettag s2;
	_ =	strace s9  }
0x27: {  	s1 =	sld [smem:$0x3F94]  }
0x28: {  	s2 =	sld [smem:$0x3F95]  }
0x29: {  	s4 =	sld [smem:$0x3F97]  }
0x2a: {  	p0 =	seq.s32 s5, $0x0;
	s5 =	sld [smem:$0x3F98]  }
0x2b: {  	s6 =	sld [smem:$0x3F99]  }
0x2c: {  	s7 =	sld [smem:$0x3F9A]  }
0x2d: {  	s3 =	simm.s32 $0x108;
	s8 =	sld [smem:$0x3F9B]  }
0x2e: {  	s3 =	simm.s32 @!p0 $0x1082;
	s9 =	sld [smem:$0x3F9C]  }
0x2f: {  	lr =	sadd.s32 s0, s3;
	s0 =	sld [smem:$0x3F93]  }
0x30: {  	s3 =	sld [smem:$0x3F96]  }
0x31: {  	[smem:$0x3F9F] =	sst s10  }
0x32: {  	s10 =	sld [smem:$0x3F9D];
	_ =	sdelay $0x3  }
0x33: {  	p0 =	seq.s32 s10, $0x1;
	s10 =	sld [smem:$0x3F9F];
	_ =	sdelay $0x3  }
0x34: {  	[smem:$0x3F9F] =	sst s10  }
0x35: {  	s10 =	sld [smem:$0x3F9E];
	_ =	sdelay $0x3  }
0x36: {  	p1 =	seq.s32 s10, $0x1;
	s10 =	sld [smem:$0x3F9F];
	_ =	sdelay $0x3  }
0x37: {  	[smem:$0x3F9F] =	sst s10  }
0x38: {  	s10 =	sld [smem:$0x3FA0]  }
0x39: {  	_ = 	snop;
	(pc) =	sbr.ind lr, $3  }
0x3a: {  	_ = 	snop  }
0x3b: {  	_ = 	snop  }
0x3c: {  	p2 =	seq.s32 s10, $0x1;
	s10 =	sld [smem:$0x3F9F]  }
0x3d: {  	_ =	shalt  }
0x3e: {  	_ =	shalt  }
0x3f: {  	_ =	shalt  }
0x40: {  	_ =	shalt  }
0x41: {  	_ =	shalt  }
0x42: {  	_ =	shalt  }
0x43: {  	_ =	shalt  }
0x44: {  	_ =	shalt  }
0x45: {  	_ =	shalt  }
0x46: {  	_ =	shalt  }
0x47: {  	_ =	shalt  }
0x48: {  	_ =	shalt  }
0x49: {  	_ =	shalt  }
0x4a: {  	_ =	shalt  }
0x4b: {  	_ =	shalt  }
0x4c: {  	_ =	shalt  }
0x4d: {  	_ =	shalt  }
0x4e: {  	_ =	shalt  }
0x4f: {  	_ =	shalt  }
0x50: {  	_ =	shalt  }
0x51: {  	_ =	shalt  }
0x52: {  	_ =	shalt  }
0x53: {  	_ =	shalt  }
0x54: {  	_ =	shalt  }
0x55: {  	_ =	shalt  }
0x56: {  	_ =	shalt  }
0x57: {  	_ =	shalt  }
0x58: {  	_ =	shalt  }
0x59: {  	_ =	shalt  }
0x5a: {  	_ =	shalt  }
0x5b: {  	_ =	shalt  }
0x5c: {  	_ =	shalt  }
0x5d: {  	_ =	shalt  }
0x5e: {  	_ =	shalt  }
0x5f: {  	_ =	shalt  }
0x60: {  	_ =	shalt  }
0x61: {  	_ =	shalt  }
0x62: {  	_ =	shalt  }
0x63: {  	_ =	shalt  }
0x64: {  	_ =	shalt  }
0x65: {  	_ =	shalt  }
0x66: {  	_ =	shalt  }
0x67: {  	_ =	shalt  }
0x68: {  	_ =	shalt  }
0x69: {  	_ =	shalt  }
0x6a: {  	_ =	shalt  }
0x6b: {  	_ =	shalt  }
0x6c: {  	_ =	shalt  }
0x6d: {  	_ =	shalt  }
0x6e: {  	_ =	shalt  }
0x6f: {  	_ =	shalt  }
0x70: {  	_ =	shalt  }
0x71: {  	_ =	shalt  }
0x72: {  	_ =	shalt  }
0x73: {  	_ =	shalt  }
0x74: {  	_ =	shalt  }
0x75: {  	_ =	shalt  }
0x76: {  	_ =	shalt  }
0x77: {  	_ =	shalt  }
0x78: {  	_ =	shalt  }
0x79: {  	_ =	shalt  }
0x7a: {  	_ =	shalt  }
0x7b: {  	_ =	shalt  }
0x7c: {  	_ =	shalt  }
0x7d: {  	_ =	shalt  }
0x7e: {  	_ =	shalt  }
0x7f: {  	_ =	shalt  }
0x80: {  	_ =	shalt  }
0x81: {  	_ =	shalt  }
0x82: {  	_ =	shalt  }
0x83: {  	_ =	shalt  }
0x84: {  	_ =	shalt  }
0x85: {  	_ =	shalt  }
0x86: {  	_ =	shalt  }
0x87: {  	_ =	shalt  }
.Lfunc_end0:
.L_simem_size_0:
called_computation.2_lowered:
.L_overlay_start_0:
0x88: {  	s2 =	sld [smem:$0x3FD9]  }
0x89: {  	s3 =	sld [smem:$0x3FFE];
	_ =	sdelay $0x1  }
0x8a: {  	s1 =	srdreg.scid  }
0x8b: {  	s0 =	sand.u32 $0x1, s1  }
0x8c: {  	s16 =	sshll.u32 s0, $0xA;
	s2 =	sadd.s32 s3, s2  }
0x8d: {  	s2 =	sadd.s32 s2, s16  }
0x8e: {  	[smem:$0x3FAB] =	sst s2  }
0x8f: {  	_ = 	snop  }
0x90: {  	(tm) =	ssettm $0x1  }
0x91: {  	s17 =	sld [smem:$0x3FFB];
	_ =	sdelay $0x3  }
0x92: {  	_ =	strace s17  }
0x93: {  	s2 =	sld [smem:$0x3FFC];
	_ =	sdelay $0x3  }
0x94: {  	_ =	strace s2  }
0x95: {  	s2 =	sld [smem:$0x3FFD];
	_ =	sdelay $0x3  }
0x96: {  	_ =	strace s2  }
0x97: {  	_ =	strace $0x8FFFFFFF  }
0x98: {  	s18 =	sld [smem:$0x3FDB];
	_ =	sdelay $0x1  }
0x99: {  	s19 =	simm.s32 $_scs_section_size  }
0x9a: {  	s4 =	simm.s32 $_size__tile_overlayer_lowered;
	s5 =	simm.s32 $_tile_overlayer_lowered  }
0x9b: {  	s22 =	simm.s32 $0x1BFF;
	s21 =	sshll.u32 s5, $0x1;
	s2 =	sadd.s32 s19, s18  }
0x9c: {  	s6 =	simm.s32 $0x0;
	s20 =	sshll.u32 s4, $0x1;
	s4 =	sadd.s32 s21, s2  }
0x9d: {  	[timem:s6], [sflag:s22] =	dma.local [hbm:s4], s20  }
0x9e: {  	_ =	swait.ge [sflag:s22], s20  }
0x9f: {  	s3 =	ssub.s32 $0x0, s20;
	[sflag:s22] =	ssyncset.done $0x0  }
0xa0: {  	[sflag:s22] =	ssyncadd.s32 s3;
	_ =	sdelay $0x1  }
0xa1: {  	s23 =	simm.s32 $0x1B8B  }
0xa2: {  	_ =	swait.ge [sflag:s23], $0x1  }
0xa3: {  	[sflag:s23] =	ssyncset.done $0x0  }
0xa4: {  	s25 =	simm.s32 $0x1B8E;
	s24 =	sld [smem:$0x3FFE];
	[sflag:s23] =	ssyncadd.s32 $0xFFFFFFFF  }
0xa5: {  	s26 =	simm.s32 $execute0_lowered;
	[smem:$0x3FD2] =	sst s25  }
0xa6: {  	s4 =	sshll.u32 s26, $0x1;
	_ =	strace $0x8000004C;
	[dreg:$0x1] =	wrdreg $0xFFFFFFFF  }
0xa7: {  	s28 =	simm.s32 $_size_execute0_lowered;
	s2 =	sadd.s32 s2, s4;
	[dreg:$0x0] =	wrdreg $0x0  }
0xa8: {  	s4 =	sshll.u32 s28, $0x1;
	[dreg:$0x2] =	wrdreg s2  }
0xa9: {  	[dreg:$0x3] =	wrdreg s4  }
0xaa: {  	[dreg:$0x4] =	wrdreg $0xC0  }
0xab: {  	_ =	task [dreg:s6], $0x5FFFF  }
0xac: {  	[dreg:$0x1] =	wrdreg $0xFFFFFFFF  }
0xad: {  	[dreg:$0x0] =	wrdreg $0x60  }
0xae: {  	[dreg:$0x2] =	wrdreg s24  }
0xaf: {  	[dreg:$0x3] =	wrdreg $0x0  }
0xb0: {  	[dreg:$0x4] =	wrdreg $0x9  }
0xb1: {  	_ =	task.clear_ibuf [dreg:s6], $0x5FFFF;
	_ =	strace $0x9000004C  }
0xb2: {  	s29 =	simm.s32 $0x9;
	_ =	strace $0x8000004E  }
0xb3: {  	_ =	swait.ge [sflag:s29], $0x1  }
0xb4: {  	[sflag:s29] =	ssyncadd.s32 $0xFFFFFFFF  }
0xb5: {  	_ =	strace $0x9000004E  }
0xb6: {  	_ =	sfence  }
0xb7: {  	s30 =	sld [smem:$0x0];
	_ =	sdelay $0x2  }
0xb8: {  	s31 =	sshll.u32 s1, $0xD;
	s1 =	sshrl.u32 s1, $0x2  }
0xb9: {  	s3 =	sand.u32 $0x4000, s31;
	s1 =	sadd.s32 s1, s30  }
0xba: {  	s0 =	sor.u32 s3, s0;
	s1 =	sshll.u32 s1, $0x11  }
0xbb: {  	s0 =	sor.u32 s1, s0  }
0xbc: {  	s0 =	sadd.s32 $0x8F2B, s0  }
0xbd: {  	[sflag:s0] =	ssyncadd.remote.s32 $0x1  }
0xbe: {  	_ =	sfence.sel $0xFFFF  }
0xbf: {  	[dreg:$0x0] =	wrdreg $0xFFFFFFFF;
	(pc) =	sbr.abs _section_cstart, $3  }
0xc0: {  	[dreg:$0x1] =	wrdreg $0xFFFFFFFF  }
0xc1: {  	_ =	task.clear_ibuf [dreg:s6], $0x2FFFF;
	_ =	strace $0x9FFFFFFF  }
0xc2: {  	(tm) =	ssettm $0x7FFFFFFF  }
0xc3: {  	_ =	shalt  }
tec
execute0_lowered:
.L_overlay_start_1:
0x0: {  	(tag) =	ssettag $0x1  }
0x1: {  	s13 =	stileid.u32  }
0x2: {  	s9 =	smul.u32 $0x4E200, s13  }
0x3: {  	s0 =	rddreg [dreg:$0x0];
	s11 =	smul.u32 $0x2710, s13  }
0x4: {  	s1 =	rddreg [dreg:$0x1];
	s2 =	simm.s32 $0x0;
	s13 =	smul.u32 $0x13880, s13  }
0x5: {  	s3 =	srdreg.scid;
	[smem:$0x7FF] =	sst s2;
	s9 =	sshrl.u32 s9, $0x2  }
0x6: {  	s3 =	sand.u32 $0x1, s3;
	s15 =	sadd.s32 s13, s1;
	s9 =	sadd.s32 s9, s1  }
0x7: {  	_ =	strace $0x8000004D;
	[dreg:$0x3] =	wrdreg s15;
	s14 =	sadd.s32 $0xC80, s9  }
0x8: {  	s4 =	sadd.s32 $0x37000, s0;
	s16 =	sadd.s32 $0x1900, s9;
	[dreg:$0x4] =	wrdreg s14  }
0x9: {  	s5 =	sadd.s32 $0x5D3800, s0;
	s17 =	sadd.s32 $0x2580, s9;
	[dreg:$0x5] =	wrdreg s16  }
0xa: {  	s6 =	sadd.s32 $0x2D200, s0;
	s18 =	sadd.s32 $0x3200, s9;
	[dreg:$0x6] =	wrdreg s17  }
0xb: {  	s7 =	sadd.s32 $0x23400, s0;
	s19 =	sadd.s32 $0x3E80, s9;
	[dreg:$0x7] =	wrdreg s18  }
0xc: {  	s8 =	smul.u32 $0x27100, s3;
	s20 =	sadd.s32 $0x4B00, s9;
	[dreg:$0x8] =	wrdreg s19  }
0xd: {  	s10 =	ssub.s32 $0x2, s3;
	s21 =	sadd.s32 $0x5780, s9;
	[dreg:$0x9] =	wrdreg s20  }
0xe: {  	p0 =	seq.s32 s3, $0x1;
	s22 =	sadd.s32 $0x6400, s9;
	[dreg:$0xa] =	wrdreg s21  }
0xf: {  	s3 =	simm.s32 $0x85400;
	s23 =	sadd.s32 $0x7080, s9;
	[dreg:$0xb] =	wrdreg s22  }
0x10: {  	s3 =	simm.s32 @!p0 $0x5E200;
	s24 =	sadd.s32 $0x7D00, s9;
	[dreg:$0xc] =	wrdreg s23  }
0x11: {  	s30 =	sshrl.u32 s13, $0x3;
	s25 =	sadd.s32 $0x8980, s9;
	[dreg:$0xd] =	wrdreg s24  }
0x12: {  	s0 =	sadd.s32 s3, s0;
	s26 =	sadd.s32 $0x9600, s9;
	[dreg:$0xe] =	wrdreg s25  }
0x13: {  	s0 =	sadd.s32 s0, s30;
	[dreg:$0xf] =	wrdreg s26  }
0x14: {  	s2 =	sadd.s32 $0xA280, s9;
	[dreg:$0x10] =	wrdreg s0  }
0x15: {  	s12 =	sshrl.u32 s10, $0x1;
	s3 =	sadd.s32 $0xAF00, s9;
	[dreg:$0x11] =	wrdreg s2  }
0x16: {  	s12 =	ssub.s32 s10, s12;
	s10 =	sadd.s32 $0xBB80, s9;
	[dreg:$0x12] =	wrdreg s3  }
0x17: {  	s8 =	sadd.s32 s11, s8;
	s11 =	sadd.s32 $0xC800, s9;
	[dreg:$0x13] =	wrdreg s10  }
0x18: {  	s13 =	sadd.s32 $0xD480, s9;
	[dreg:$0x14] =	wrdreg s11  }
0x19: {  	s28 =	simm.s32 $0x50;
	s30 =	smax.u32 s12, $0x1;
	[dreg:$0x15] =	wrdreg s13  }
0x1a: {  	s29 =	simm.s32 $0x139C0;
	s14 =	sadd.s32 $0xE100, s9;
	[smem:$0x7FD] =	sst s30  }
0x1b: {  	s31 =	simm.s32 $0x2;
	s16 =	sadd.s32 $0xED80, s9;
	[dreg:$0x16] =	wrdreg s14  }
0x1c: {  	s12 =	simm.s32 $0x7;
	s17 =	sadd.s32 $0xFA00, s9;
	[dreg:$0x17] =	wrdreg s16  }
0x1d: {  	s18 =	sadd.s32 $0x10680, s9;
	s19 =	sadd.s32 $0x11300, s9;
	[dreg:$0x18] =	wrdreg s17  }
0x1e: {  	s20 =	sadd.s32 $0x11F80, s9;
	s21 =	sadd.s32 $0x12C00, s9;
	[dreg:$0x19] =	wrdreg s18  }
0x1f: {  	s22 =	sshrl.u32 s8, $0x3;
	s10 =	sadd.s32 $0x50, s8;
	[dreg:$0x1a] =	wrdreg s19  }
0x20: {  	s26 =	sshll.u32 s8, $0x4;
	s3 =	simm.s32 $0x161C0;
	[dreg:$0x1b] =	wrdreg s20  }
0x21: {  	s11 =	simm.s32 $0x5;
	s13 =	simm.s32 $0x6;
	[dreg:$0x1c] =	wrdreg s21  }
0x22: {  	s23 =	sadd.s32 s6, s22;
	s0 =	sadd.s32 s7, s22;
	s24 =	sshrl.u32 s10, $0x3  }
0x23: {  	s16 =	sadd.s32 $0xA0, s8;
	s17 =	sadd.s32 $0xF0, s8;
	s20 =	simm.s32 $0x9  }
0x24: {  	s21 =	simm.s32 $0x13880;
	s22 =	simm.s32 $0x13920;
	s14 =	simm.s32 $0x8  }
0x25: {  	s8 =	simm.s32 $0x0;
	s18 =	simm.s32 $0x0;
	[dreg:$0x1d] =	wrdreg s23  }
0x26: {  	[dreg:$0x1e] =	wrdreg s0;
	s25 =	sadd.s32 s6, s24;
	s0 =	sadd.s32 s7, s24  }
0x27: {  	s23 =	simm.s32 $0x138D0;
	s24 =	simm.s32 $0x13970;
	[dreg:$0x1f] =	wrdreg s25  }
0x28: {  	[smem:$0x7FB] =	sst s0;
	s0 =	sadd.s32 s5, s26;
	s25 =	simm.s32 $0x1  }
0x29: {  	v0 =	vimm.f32 $0.0e+00;
	s26 =	simm.s32 $0x3;
	[smem:$0x7FC] =	sst s0;
	s0 =	simm.s32 $0x4  }
.LBB2_1:
0x2a: {  	[smem:$0x7FA] =	sst s8;
	s8 =	simm.s32 $0x0;
	s9 =	simm.s32 $0x200  }
.LBB2_2:
0x2b: {  	p0 =	sne.s32 s9, $0x3000;
	[tilespmem:s8+$0x1DA30] =	vst v0  }
0x2c: {  	[tilespmem:s8+$0x1D9C0] =	vst v0  }
0x2d: {  	[tilespmem:s8+$0x1D9D0] =	vst v0  }
.Ltmp0:
0x2e: {  	[tilespmem:s8+$0x1D9E0] =	vst v0;
	(pc) =	sbr.rel @p0 .LBB2_2-.Ltmp0, $4  }
0x2f: {  	[tilespmem:s8+$0x1D9F0] =	vst v0  }
0x30: {  	[tilespmem:s8+$0x1DA00] =	vst v0  }
0x31: {  	[tilespmem:s8+$0x1DA10] =	vst v0  }
0x32: {  	[tilespmem:s8+$0x1DA20] =	vst v0;
	s8 =	sshra.s32 s9, $0x2;
	s9 =	sadd.s32 $0x200, s9  }
0x33: {  	[tilespmem:s8+$0x1DA30] =	vst v0  }
0x34: {  	[tilespmem:s8+$0x1D9C0] =	vst v0  }
0x35: {  	[tilespmem:s8+$0x1D9D0] =	vst v0  }
0x36: {  	[tilespmem:s8+$0x1D9E0] =	vst v0  }
0x37: {  	[tilespmem:s8+$0x1D9F0] =	vst v0  }
0x38: {  	[tilespmem:s8+$0x1DA00] =	vst v0  }
0x39: {  	[tilespmem:s8+$0x1DA10] =	vst v0  }
0x3a: {  	[tilespmem:s8+$0x1DA20] =	vst v0;
	s8 =	simm.s32 $0x1D9C0  }
0x3b: {  	[spmem:s15] =	stream.linear.scatter [tilespmem:s8], [sflag:$0x9], $0xC80, $0x38;
	[tilespmem:$0x1E640] =	vst v63  }
0x3c: {  	_ =	swait.ge [sflag:s20], $0xC80  }
0x3d: {  	[sflag:s20] =	ssyncset.done $0x0  }
0x3e: {  	s2 =	rddreg [dreg:$0x4];
	[sflag:s20] =	ssyncadd.s32 $0xFFFFF380  }
0x3f: {  	[spmem:s2] =	stream.linear.scatter [tilespmem:s8], [sflag:$0x9], $0xC80, $0x38;
	[tilespmem:$0x1E640] =	vst v63  }
0x40: {  	_ =	swait.ge [sflag:s20], $0xC80  }
0x41: {  	[sflag:s20] =	ssyncset.done $0x0  }
0x42: {  	s9 =	rddreg [dreg:$0x5];
	[sflag:s20] =	ssyncadd.s32 $0xFFFFF380  }
0x43: {  	[spmem:s9] =	stream.linear.scatter [tilespmem:s8], [sflag:$0x9], $0xC80, $0x38;
	[tilespmem:$0x1E640] =	vst v63  }
0x44: {  	_ =	swait.ge [sflag:s20], $0xC80  }
0x45: {  	[sflag:s20] =	ssyncset.done $0x0  }
0x46: {  	s15 =	rddreg [dreg:$0x6];
	[sflag:s20] =	ssyncadd.s32 $0xFFFFF380  }
0x47: {  	[spmem:s15] =	stream.linear.scatter [tilespmem:s8], [sflag:$0x9], $0xC80, $0x38;
	[tilespmem:$0x1E640] =	vst v63  }
0x48: {  	_ =	swait.ge [sflag:s20], $0xC80  }
0x49: {  	[sflag:s20] =	ssyncset.done $0x0  }
0x4a: {  	s19 =	rddreg [dreg:$0x7];
	[sflag:s20] =	ssyncadd.s32 $0xFFFFF380  }
0x4b: {  	[spmem:s19] =	stream.linear.scatter [tilespmem:s8], [sflag:$0x9], $0xC80, $0x38;
	[tilespmem:$0x1E640] =	vst v63  }
0x4c: {  	_ =	swait.ge [sflag:s20], $0xC80  }
0x4d: {  	[sflag:s20] =	ssyncset.done $0x0  }
0x4e: {  	s30 =	rddreg [dreg:$0x8];
	[sflag:s20] =	ssyncadd.s32 $0xFFFFF380  }
0x4f: {  	[spmem:s30] =	stream.linear.scatter [tilespmem:s8], [sflag:$0x9], $0xC80, $0x38;
	[tilespmem:$0x1E640] =	vst v63  }
0x50: {  	_ =	swait.ge [sflag:s20], $0xC80  }
0x51: {  	[sflag:s20] =	ssyncset.done $0x0  }
0x52: {  	s9 =	rddreg [dreg:$0x9];
	[sflag:s20] =	ssyncadd.s32 $0xFFFFF380  }
0x53: {  	[spmem:s9] =	stream.linear.scatter [tilespmem:s8], [sflag:$0x9], $0xC80, $0x38;
	[tilespmem:$0x1E640] =	vst v63  }
0x54: {  	_ =	swait.ge [sflag:s20], $0xC80  }
0x55: {  	[sflag:s20] =	ssyncset.done $0x0  }
0x56: {  	s15 =	rddreg [dreg:$0xa];
	[sflag:s20] =	ssyncadd.s32 $0xFFFFF380  }
0x57: {  	[spmem:s15] =	stream.linear.scatter [tilespmem:s8], [sflag:$0x9], $0xC80, $0x38;
	[tilespmem:$0x1E640] =	vst v63  }
0x58: {  	_ =	swait.ge [sflag:s20], $0xC80  }
0x59: {  	[sflag:s20] =	ssyncset.done $0x0  }
0x5a: {  	s19 =	rddreg [dreg:$0xb];
	[sflag:s20] =	ssyncadd.s32 $0xFFFFF380  }
0x5b: {  	[spmem:s19] =	stream.linear.scatter [tilespmem:s8], [sflag:$0x9], $0xC80, $0x38;
	[tilespmem:$0x1E640] =	vst v63  }
0x5c: {  	_ =	swait.ge [sflag:s20], $0xC80  }
0x5d: {  	[sflag:s20] =	ssyncset.done $0x0  }
0x5e: {  	s30 =	rddreg [dreg:$0xc];
	[sflag:s20] =	ssyncadd.s32 $0xFFFFF380  }
0x5f: {  	[spmem:s30] =	stream.linear.scatter [tilespmem:s8], [sflag:$0x9], $0xC80, $0x38;
	[tilespmem:$0x1E640] =	vst v63  }
0x60: {  	_ =	swait.ge [sflag:s20], $0xC80  }
0x61: {  	[sflag:s20] =	ssyncset.done $0x0  }
0x62: {  	s9 =	rddreg [dreg:$0xd];
	[sflag:s20] =	ssyncadd.s32 $0xFFFFF380  }
0x63: {  	[spmem:s9] =	stream.linear.scatter [tilespmem:s8], [sflag:$0x9], $0xC80, $0x38;
	[tilespmem:$0x1E640] =	vst v63  }
0x64: {  	_ =	swait.ge [sflag:s20], $0xC80  }
0x65: {  	[sflag:s20] =	ssyncset.done $0x0  }
0x66: {  	s15 =	rddreg [dreg:$0xe];
	[sflag:s20] =	ssyncadd.s32 $0xFFFFF380  }
0x67: {  	[spmem:s15] =	stream.linear.scatter [tilespmem:s8], [sflag:$0x9], $0xC80, $0x38;
	[tilespmem:$0x1E640] =	vst v63  }
0x68: {  	_ =	swait.ge [sflag:s20], $0xC80  }
0x69: {  	[sflag:s20] =	ssyncset.done $0x0  }
0x6a: {  	s19 =	rddreg [dreg:$0xf];
	[sflag:s20] =	ssyncadd.s32 $0xFFFFF380  }
0x6b: {  	[spmem:s19] =	stream.linear.scatter [tilespmem:s8], [sflag:$0x9], $0xC80, $0x38;
	[tilespmem:$0x1E640] =	vst v63  }
0x6c: {  	_ =	swait.ge [sflag:s20], $0xC80  }
0x6d: {  	[sflag:s20] =	ssyncset.done $0x0  }
0x6e: {  	s30 =	rddreg [dreg:$0x11];
	[sflag:s20] =	ssyncadd.s32 $0xFFFFF380  }
0x6f: {  	[spmem:s30] =	stream.linear.scatter [tilespmem:s8], [sflag:$0x9], $0xC80, $0x38;
	[tilespmem:$0x1E640] =	vst v63  }
0x70: {  	_ =	swait.ge [sflag:s20], $0xC80  }
0x71: {  	[sflag:s20] =	ssyncset.done $0x0  }
0x72: {  	s9 =	rddreg [dreg:$0x12];
	[sflag:s20] =	ssyncadd.s32 $0xFFFFF380  }
0x73: {  	[spmem:s9] =	stream.linear.scatter [tilespmem:s8], [sflag:$0x9], $0xC80, $0x38;
	[tilespmem:$0x1E640] =	vst v63  }
0x74: {  	_ =	swait.ge [sflag:s20], $0xC80  }
0x75: {  	[sflag:s20] =	ssyncset.done $0x0  }
0x76: {  	s15 =	rddreg [dreg:$0x13];
	[sflag:s20] =	ssyncadd.s32 $0xFFFFF380  }
0x77: {  	[spmem:s15] =	stream.linear.scatter [tilespmem:s8], [sflag:$0x9], $0xC80, $0x38;
	[tilespmem:$0x1E640] =	vst v63  }
0x78: {  	_ =	swait.ge [sflag:s20], $0xC80  }
0x79: {  	[sflag:s20] =	ssyncset.done $0x0  }
0x7a: {  	s19 =	rddreg [dreg:$0x14];
	[sflag:s20] =	ssyncadd.s32 $0xFFFFF380  }
0x7b: {  	[spmem:s19] =	stream.linear.scatter [tilespmem:s8], [sflag:$0x9], $0xC80, $0x38;
	[tilespmem:$0x1E640] =	vst v63  }
0x7c: {  	_ =	swait.ge [sflag:s20], $0xC80  }
0x7d: {  	[sflag:s20] =	ssyncset.done $0x0  }
0x7e: {  	s30 =	rddreg [dreg:$0x15];
	[sflag:s20] =	ssyncadd.s32 $0xFFFFF380  }
0x7f: {  	[spmem:s30] =	stream.linear.scatter [tilespmem:s8], [sflag:$0x9], $0xC80, $0x38;
	[tilespmem:$0x1E640] =	vst v63  }
0x80: {  	_ =	swait.ge [sflag:s20], $0xC80  }
0x81: {  	[sflag:s20] =	ssyncset.done $0x0  }
0x82: {  	s9 =	rddreg [dreg:$0x16];
	[sflag:s20] =	ssyncadd.s32 $0xFFFFF380  }
0x83: {  	[spmem:s9] =	stream.linear.scatter [tilespmem:s8], [sflag:$0x9], $0xC80, $0x38;
	[tilespmem:$0x1E640] =	vst v63  }
0x84: {  	_ =	swait.ge [sflag:s20], $0xC80  }
0x85: {  	[sflag:s20] =	ssyncset.done $0x0  }
0x86: {  	s15 =	rddreg [dreg:$0x17];
	[sflag:s20] =	ssyncadd.s32 $0xFFFFF380  }
0x87: {  	[spmem:s15] =	stream.linear.scatter [tilespmem:s8], [sflag:$0x9], $0xC80, $0x38;
	[tilespmem:$0x1E640] =	vst v63  }
0x88: {  	_ =	swait.ge [sflag:s20], $0xC80  }
0x89: {  	[sflag:s20] =	ssyncset.done $0x0  }
0x8a: {  	s19 =	rddreg [dreg:$0x18];
	[sflag:s20] =	ssyncadd.s32 $0xFFFFF380  }
0x8b: {  	[spmem:s19] =	stream.linear.scatter [tilespmem:s8], [sflag:$0x9], $0xC80, $0x38;
	[tilespmem:$0x1E640] =	vst v63  }
0x8c: {  	_ =	swait.ge [sflag:s20], $0xC80  }
0x8d: {  	[sflag:s20] =	ssyncset.done $0x0  }
0x8e: {  	s30 =	rddreg [dreg:$0x19];
	[sflag:s20] =	ssyncadd.s32 $0xFFFFF380  }
0x8f: {  	[spmem:s30] =	stream.linear.scatter [tilespmem:s8], [sflag:$0x9], $0xC80, $0x38;
	[tilespmem:$0x1E640] =	vst v63  }
0x90: {  	_ =	swait.ge [sflag:s20], $0xC80  }
0x91: {  	[sflag:s20] =	ssyncset.done $0x0  }
0x92: {  	s9 =	rddreg [dreg:$0x1a];
	[sflag:s20] =	ssyncadd.s32 $0xFFFFF380  }
0x93: {  	[spmem:s9] =	stream.linear.scatter [tilespmem:s8], [sflag:$0x9], $0xC80, $0x38;
	[tilespmem:$0x1E640] =	vst v63  }
0x94: {  	_ =	swait.ge [sflag:s20], $0xC80  }
0x95: {  	[sflag:s20] =	ssyncset.done $0x0  }
0x96: {  	s15 =	rddreg [dreg:$0x1b];
	[sflag:s20] =	ssyncadd.s32 $0xFFFFF380  }
0x97: {  	[spmem:s15] =	stream.linear.scatter [tilespmem:s8], [sflag:$0x9], $0xC80, $0x38;
	[tilespmem:$0x1E640] =	vst v63  }
0x98: {  	_ =	swait.ge [sflag:s20], $0xC80  }
0x99: {  	[sflag:s20] =	ssyncset.done $0x0  }
0x9a: {  	s19 =	rddreg [dreg:$0x1c];
	[sflag:s20] =	ssyncadd.s32 $0xFFFFF380  }
0x9b: {  	[spmem:s19] =	stream.linear.scatter [tilespmem:s8], [sflag:$0x9], $0xC80, $0x38;
	[tilespmem:$0x1E640] =	vst v63  }
0x9c: {  	_ =	swait.ge [sflag:s20], $0xC80  }
0x9d: {  	[sflag:s20] =	ssyncset.done $0x0  }
0x9e: {  	[sflag:s20] =	ssyncadd.s32 $0xFFFFF380  }
0x9f: {  	[bflag:$0x0] =	sbarrier.arrive $0xFFFF  }
0xa0: {  	s30 =	rddreg [dreg:$0x1d]  }
0xa1: {  	s8 =	rddreg [dreg:$0x1e]  }
0xa2: {  	[tilespmem:s21], [sflag:$0x1] =	stream.linear.gather [hbm4b:s30+s18], $0x50, $0x38;
	[tilespmem:$0x1E640] =	vst v63  }
0xa3: {  	s9 =	rddreg [dreg:$0x1f]  }
0xa4: {  	[tilespmem:s22], [sflag:$0x3] =	stream.linear.gather [hbm4b:s8+s18], $0x50, $0x38;
	[tilespmem:$0x1E640] =	vst v63  }
0xa5: {  	s15 =	sld [smem:$0x7FB]  }
0xa6: {  	[tilespmem:s23], [sflag:$0x2] =	stream.linear.gather [hbm4b:s9+s18], $0x50, $0x38;
	[tilespmem:$0x1E640] =	vst v63  }
0xa7: {  	_ = 	snop  }
0xa8: {  	[tilespmem:s24], [sflag:$0x4] =	stream.linear.gather [hbm4b:s15+s18], $0x50, $0x38;
	[tilespmem:$0x1E640] =	vst v63  }
0xa9: {  	_ =	swait.ge [sflag:s25], $0x50  }
0xaa: {  	[sflag:s25] =	ssyncset.done $0x0  }
0xab: {  	[sflag:s25] =	ssyncadd.s32 $0xFFFFFFB0  }
0xac: {  	_ =	swait.ge [sflag:s26], $0x50  }
0xad: {  	[sflag:s26] =	ssyncset.done $0x0  }
0xae: {  	s19 =	sld [smem:$0x7FC];
	[sflag:s26] =	ssyncadd.s32 $0xFFFFFFB0  }
0xaf: {  	[tilespmem:s29], [sflag:$0x5] =	stream.indirect.gather [hbm4b:s4+s28], $0x80, s21, s28, $0xb8;
	[tilespmem:$0x1E640] =	vst v63  }
0xb0: {  	s30 =	simm.s32 $0x189C0;
	s8 =	simm.s32 $0x0  }
0xb1: {  	[tilespmem:s30], [sflag:$0x7] =	stream.linear.gather [hbm4b:s19+s18], $0x2800, $0x38;
	[tilespmem:$0x1E640] =	vst v63  }
.LBB2_4:
0xb2: {  	_ =	swait.ge [sflag:s31], $0x50  }
0xb3: {  	[sflag:s31] =	ssyncset.done $0x0  }
0xb4: {  	s15 =	smul.u32 $0xA0, s8;
	[sflag:s31] =	ssyncadd.s32 $0xFFFFFFB0  }
0xb5: {  	_ =	swait.ge [sflag:s0], $0x50  }
0xb6: {  	s9 =	sadd.s32 s15, s10;
	[sflag:s0] =	ssyncset.done $0x0  }
0xb7: {  	s9 =	sshll.u32 s9, $0x4;
	[sflag:s0] =	ssyncadd.s32 $0xFFFFFFB0  }
0xb8: {  	[tilespmem:s3], [sflag:$0x6] =	stream.indirect.gather [hbm4b:s4+s28], $0x80, s23, s28, $0xb8;
	[tilespmem:$0x1E640] =	vst v63  }
0xb9: {  	s2 =	simm.s32 $0x1B1C0;
	s9 =	sadd.s32 s5, s9  }
0xba: {  	[tilespmem:s2], [sflag:$0x8] =	stream.linear.gather [hbm4b:s9+s18], $0x2800, $0x38;
	[tilespmem:$0x1E640] =	vst v63  }
0xbb: {  	_ =	swait.ge [sflag:s11], $0x2800  }
0xbc: {  	[sflag:s11] =	ssyncset.done $0x0  }
0xbd: {  	[sflag:s11] =	ssyncadd.s32 $0xFFFFD800  }
0xbe: {  	_ =	swait.ge [sflag:s12], $0x2800  }
0xbf: {  	[sflag:s12] =	ssyncset.done $0x0  }
0xc0: {  	s19 =	simm.s32 $0x0;
	[sflag:s12] =	ssyncadd.s32 $0xFFFFD800  }
0xc1: {  	v8 =	vld [tilespmem:s19+$0x189C0]  }
0xc2: {  	v12 =	vld [tilespmem:s19+$0x189D0]  }
0xc3: {  	v6 =	vld [tilespmem:s19+$0x189E0]  }
0xc4: {  	v5 =	vld [tilespmem:s19+$0x189F0]  }
0xc5: {  	v4 =	vld [tilespmem:s19+$0x18A00]  }
0xc6: {  	v3 =	vld [tilespmem:s19+$0x18A10]  }
0xc7: {  	v2 =	vld [tilespmem:s19+$0x18A20]  }
0xc8: {  	v1 =	vld [tilespmem:s19+$0x18A30]  }
0xc9: {  	v13 =	vld [tilespmem:s19+$0x139C0]  }
0xca: {  	v14 =	vld [tilespmem:s19+$0x139D0]  }
0xcb: {  	v11 =	vld [tilespmem:s19+$0x139E0]  }
0xcc: {  	v10 =	vld [tilespmem:s19+$0x139F0]  }
0xcd: {  	v9 =	vld [tilespmem:s19+$0x13A00]  }
0xce: {  	v7 =	vld [tilespmem:s19+$0x13A10];
	v13 =	vmul.f32 v8, v13  }
0xcf: {  	s9 =	simm.s32 $0x200;
	v12 =	vmul.f32 v12, v14;
	v8 =	vld [tilespmem:s19+$0x13A20]  }
.LBB2_5:
0xd0: {  	s30 =	sshra.s32 s9, $0x2;
	p0 =	sne.s32 s9, $0x9E00;
	[tilespmem:s19+$0x139C0] =	vst v13;
	v6 =	vmul.f32 v6, v11;
	v11 =	vld [tilespmem:s19+$0x13A30]  }
0xd1: {  	v13 =	vld [tilespmem:s30+$0x189C0];
	[tilespmem:s19+$0x139D0] =	vst v12;
	v5 =	vmul.f32 v5, v10  }
0xd2: {  	v12 =	vld [tilespmem:s30+$0x189D0];
	[tilespmem:s19+$0x139E0] =	vst v6;
	v4 =	vmul.f32 v4, v9  }
0xd3: {  	v6 =	vld [tilespmem:s30+$0x189E0];
	[tilespmem:s19+$0x139F0] =	vst v5;
	v3 =	vmul.f32 v3, v7  }
0xd4: {  	v5 =	vld [tilespmem:s30+$0x189F0];
	[tilespmem:s19+$0x13A00] =	vst v4;
	v2 =	vmul.f32 v2, v8  }
0xd5: {  	v4 =	vld [tilespmem:s30+$0x18A00];
	[tilespmem:s19+$0x13A10] =	vst v3;
	v1 =	vmul.f32 v1, v11  }
0xd6: {  	v3 =	vld [tilespmem:s30+$0x18A10];
	[tilespmem:s19+$0x13A20] =	vst v2  }
0xd7: {  	v2 =	vld [tilespmem:s30+$0x18A20];
	[tilespmem:s19+$0x13A30] =	vst v1;
	s19 =	smov.u32 s30  }
0xd8: {  	v1 =	vld [tilespmem:s19+$0x18A30]  }
0xd9: {  	v7 =	vld [tilespmem:s19+$0x139C0]  }
0xda: {  	v8 =	vld [tilespmem:s19+$0x139D0]  }
.Ltmp1:
0xdb: {  	v11 =	vld [tilespmem:s19+$0x139E0];
	(pc) =	sbr.rel @p0 .LBB2_5-.Ltmp1, $4  }
0xdc: {  	v10 =	vld [tilespmem:s19+$0x139F0]  }
0xdd: {  	v9 =	vld [tilespmem:s19+$0x13A00]  }
0xde: {  	v13 =	vmul.f32 v13, v7;
	v7 =	vld [tilespmem:s19+$0x13A10]  }
0xdf: {  	s9 =	sadd.s32 $0x200, s9;
	v12 =	vmul.f32 v12, v8;
	v8 =	vld [tilespmem:s19+$0x13A20]  }
0xe0: {  	[tilespmem:s19+$0x139C0] =	vst v13;
	v6 =	vmul.f32 v6, v11;
	v11 =	vld [tilespmem:s19+$0x13A30]  }
0xe1: {  	[tilespmem:s19+$0x139D0] =	vst v12;
	v5 =	vmul.f32 v5, v10  }
0xe2: {  	[tilespmem:s19+$0x139E0] =	vst v6;
	v4 =	vmul.f32 v4, v9  }
0xe3: {  	[tilespmem:s19+$0x139F0] =	vst v5;
	v3 =	vmul.f32 v3, v7  }
0xe4: {  	[tilespmem:s19+$0x13A00] =	vst v4;
	v2 =	vmul.f32 v2, v8  }
0xe5: {  	[tilespmem:s19+$0x13A10] =	vst v3;
	v1 =	vmul.f32 v1, v11  }
0xe6: {  	[tilespmem:s19+$0x13A20] =	vst v2  }
0xe7: {  	[tilespmem:s19+$0x13A30] =	vst v1  }
0xe8: {  	[spmem:s1] =	stream.indirect.scatter.add.f32 [tilespmem:s29], [sflag:$0x9], $0x80, s22, s28, $0xb8;
	[tilespmem:$0x1E640] =	vst v63  }
0xe9: {  	s9 =	sadd.s32 s15, s16;
	_ =	swait.ge [sflag:s20], $0x2800  }
0xea: {  	s19 =	sshrl.u32 s9, $0x3;
	[sflag:s20] =	ssyncset.done $0x0  }
0xeb: {  	s2 =	simm.s32 $0x0;
	s30 =	sadd.s32 s6, s19;
	[sflag:s20] =	ssyncadd.s32 $0xFFFFD800  }
0xec: {  	[tilespmem:s21], [sflag:$0x1] =	stream.linear.gather [hbm4b:s30+s2], $0x50, $0x38;
	[tilespmem:$0x1E640] =	vst v63  }
0xed: {  	s19 =	sadd.s32 s7, s19  }
0xee: {  	[tilespmem:s22], [sflag:$0x3] =	stream.linear.gather [hbm4b:s19+s2], $0x50, $0x38;
	[tilespmem:$0x1E640] =	vst v63  }
0xef: {  	_ =	swait.ge [sflag:s25], $0x50  }
0xf0: {  	[sflag:s25] =	ssyncset.done $0x0  }
0xf1: {  	[sflag:s25] =	ssyncadd.s32 $0xFFFFFFB0  }
0xf2: {  	_ =	swait.ge [sflag:s26], $0x50  }
0xf3: {  	[sflag:s26] =	ssyncset.done $0x0  }
0xf4: {  	s9 =	sshll.u32 s9, $0x4;
	[sflag:s26] =	ssyncadd.s32 $0xFFFFFFB0  }
0xf5: {  	[tilespmem:s29], [sflag:$0x5] =	stream.indirect.gather [hbm4b:s4+s28], $0x80, s21, s28, $0xb8;
	[tilespmem:$0x1E640] =	vst v63  }
0xf6: {  	s9 =	sadd.s32 s5, s9;
	s30 =	simm.s32 $0x189C0  }
0xf7: {  	[tilespmem:s30], [sflag:$0x7] =	stream.linear.gather [hbm4b:s9+s2], $0x2800, $0x38;
	[tilespmem:$0x1E640] =	vst v63  }
0xf8: {  	_ =	swait.ge [sflag:s13], $0x2800  }
0xf9: {  	[sflag:s13] =	ssyncset.done $0x0  }
0xfa: {  	[sflag:s13] =	ssyncadd.s32 $0xFFFFD800  }
0xfb: {  	_ =	swait.ge [sflag:s14], $0x2800  }
0xfc: {  	[sflag:s14] =	ssyncset.done $0x0  }
0xfd: {  	s19 =	simm.s32 $0x0;
	[sflag:s14] =	ssyncadd.s32 $0xFFFFD800  }
0xfe: {  	v8 =	vld [tilespmem:s19+$0x1B1C0]  }
0xff: {  	v12 =	vld [tilespmem:s19+$0x1B1D0]  }
0x100: {  	v6 =	vld [tilespmem:s19+$0x1B1E0]  }
0x101: {  	v5 =	vld [tilespmem:s19+$0x1B1F0]  }
0x102: {  	v4 =	vld [tilespmem:s19+$0x1B200]  }
0x103: {  	v3 =	vld [tilespmem:s19+$0x1B210]  }
0x104: {  	v2 =	vld [tilespmem:s19+$0x1B220]  }
0x105: {  	v1 =	vld [tilespmem:s19+$0x1B230]  }
0x106: {  	v13 =	vld [tilespmem:s19+$0x161C0]  }
0x107: {  	v14 =	vld [tilespmem:s19+$0x161D0]  }
0x108: {  	v11 =	vld [tilespmem:s19+$0x161E0]  }
0x109: {  	v10 =	vld [tilespmem:s19+$0x161F0]  }
0x10a: {  	v9 =	vld [tilespmem:s19+$0x16200]  }
0x10b: {  	v7 =	vld [tilespmem:s19+$0x16210];
	v13 =	vmul.f32 v8, v13  }
0x10c: {  	s9 =	simm.s32 $0x200;
	v12 =	vmul.f32 v12, v14;
	v8 =	vld [tilespmem:s19+$0x16220]  }
.LBB2_7:
0x10d: {  	s2 =	sshra.s32 s9, $0x2;
	p0 =	sne.s32 s9, $0x9E00;
	[tilespmem:s19+$0x161C0] =	vst v13;
	v6 =	vmul.f32 v6, v11;
	v11 =	vld [tilespmem:s19+$0x16230]  }
0x10e: {  	v13 =	vld [tilespmem:s2+$0x1B1C0];
	[tilespmem:s19+$0x161D0] =	vst v12;
	v5 =	vmul.f32 v5, v10  }
0x10f: {  	v12 =	vld [tilespmem:s2+$0x1B1D0];
	[tilespmem:s19+$0x161E0] =	vst v6;
	v4 =	vmul.f32 v4, v9  }
0x110: {  	v6 =	vld [tilespmem:s2+$0x1B1E0];
	[tilespmem:s19+$0x161F0] =	vst v5;
	v3 =	vmul.f32 v3, v7  }
0x111: {  	v5 =	vld [tilespmem:s2+$0x1B1F0];
	[tilespmem:s19+$0x16200] =	vst v4;
	v2 =	vmul.f32 v2, v8  }
0x112: {  	v4 =	vld [tilespmem:s2+$0x1B200];
	[tilespmem:s19+$0x16210] =	vst v3;
	v1 =	vmul.f32 v1, v11  }
0x113: {  	v3 =	vld [tilespmem:s2+$0x1B210];
	[tilespmem:s19+$0x16220] =	vst v2  }
0x114: {  	v2 =	vld [tilespmem:s2+$0x1B220];
	[tilespmem:s19+$0x16230] =	vst v1;
	s19 =	smov.u32 s2  }
0x115: {  	v1 =	vld [tilespmem:s19+$0x1B230]  }
0x116: {  	v7 =	vld [tilespmem:s19+$0x161C0]  }
0x117: {  	v8 =	vld [tilespmem:s19+$0x161D0]  }
.Ltmp2:
0x118: {  	v11 =	vld [tilespmem:s19+$0x161E0];
	(pc) =	sbr.rel @p0 .LBB2_7-.Ltmp2, $4  }
0x119: {  	v10 =	vld [tilespmem:s19+$0x161F0]  }
0x11a: {  	v9 =	vld [tilespmem:s19+$0x16200]  }
0x11b: {  	v13 =	vmul.f32 v13, v7;
	v7 =	vld [tilespmem:s19+$0x16210]  }
0x11c: {  	s9 =	sadd.s32 $0x200, s9;
	v12 =	vmul.f32 v12, v8;
	v8 =	vld [tilespmem:s19+$0x16220]  }
0x11d: {  	[tilespmem:s19+$0x161C0] =	vst v13;
	v6 =	vmul.f32 v6, v11;
	v63 =	vld [tilespmem:s19+$0x16230]  }
0x11e: {  	[tilespmem:s19+$0x161D0] =	vst v12;
	v5 =	vmul.f32 v5, v10  }
0x11f: {  	[tilespmem:s19+$0x161E0] =	vst v6;
	v4 =	vmul.f32 v4, v9  }
0x120: {  	[tilespmem:s19+$0x161F0] =	vst v5;
	v3 =	vmul.f32 v3, v7  }
0x121: {  	[tilespmem:s19+$0x16200] =	vst v4;
	v2 =	vmul.f32 v2, v8  }
0x122: {  	[tilespmem:s19+$0x16210] =	vst v3;
	v1 =	vmul.f32 v1, v63  }
0x123: {  	[tilespmem:s19+$0x16220] =	vst v2  }
0x124: {  	s8 =	sadd.s32 $0x1, s8;
	[tilespmem:s19+$0x16230] =	vst v1  }
0x125: {  	[spmem:s1] =	stream.indirect.scatter.add.f32 [tilespmem:s3], [sflag:$0x9], $0x80, s24, s28, $0xb8;
	[tilespmem:$0x1E640] =	vst v63  }
0x126: {  	s2 =	sadd.s32 s15, s17;
	p0 =	sne.s32 s8, $0x3E;
	_ =	swait.ge [sflag:s20], $0x2800  }
.Ltmp3:
0x127: {  	s2 =	sshrl.u32 s2, $0x3;
	[sflag:s20] =	ssyncset.done $0x0;
	(pc) =	sbr.rel @p0 .LBB2_4-.Ltmp3, $4  }
0x128: {  	s30 =	simm.s32 $0x0;
	s9 =	sadd.s32 s6, s2;
	[sflag:s20] =	ssyncadd.s32 $0xFFFFD800  }
0x129: {  	[tilespmem:s23], [sflag:$0x2] =	stream.linear.gather [hbm4b:s9+s30], $0x50, $0x38;
	[tilespmem:$0x1E640] =	vst v63  }
0x12a: {  	s2 =	sadd.s32 s7, s2  }
0x12b: {  	[tilespmem:s24], [sflag:$0x4] =	stream.linear.gather [hbm4b:s2+s30], $0x50, $0x38;
	[tilespmem:$0x1E640] =	vst v63  }
0x12c: {  	_ =	swait.ge [sflag:s11], $0x2800  }
0x12d: {  	[sflag:s11] =	ssyncset.done $0x0  }
0x12e: {  	[sflag:s11] =	ssyncadd.s32 $0xFFFFD800  }
0x12f: {  	_ =	swait.ge [sflag:s12], $0x2800  }
0x130: {  	[sflag:s12] =	ssyncset.done $0x0  }
0x131: {  	s8 =	simm.s32 $0x0;
	[sflag:s12] =	ssyncadd.s32 $0xFFFFD800  }
0x132: {  	v8 =	vld [tilespmem:s8+$0x189C0]  }
0x133: {  	v12 =	vld [tilespmem:s8+$0x189D0]  }
0x134: {  	v6 =	vld [tilespmem:s8+$0x189E0]  }
0x135: {  	v5 =	vld [tilespmem:s8+$0x189F0]  }
0x136: {  	v4 =	vld [tilespmem:s8+$0x18A00]  }
0x137: {  	v3 =	vld [tilespmem:s8+$0x18A10]  }
0x138: {  	v2 =	vld [tilespmem:s8+$0x18A20]  }
0x139: {  	v1 =	vld [tilespmem:s8+$0x18A30]  }
0x13a: {  	v13 =	vld [tilespmem:s8+$0x139C0]  }
0x13b: {  	v14 =	vld [tilespmem:s8+$0x139D0]  }
0x13c: {  	v11 =	vld [tilespmem:s8+$0x139E0]  }
0x13d: {  	v10 =	vld [tilespmem:s8+$0x139F0]  }
0x13e: {  	v9 =	vld [tilespmem:s8+$0x13A00]  }
0x13f: {  	v7 =	vld [tilespmem:s8+$0x13A10];
	v13 =	vmul.f32 v8, v13  }
0x140: {  	s9 =	simm.s32 $0x200;
	v12 =	vmul.f32 v12, v14;
	v8 =	vld [tilespmem:s8+$0x13A20]  }
.LBB2_10:
0x141: {  	s2 =	sshra.s32 s9, $0x2;
	p0 =	sne.s32 s9, $0x9E00;
	[tilespmem:s8+$0x139C0] =	vst v13;
	v6 =	vmul.f32 v6, v11;
	v11 =	vld [tilespmem:s8+$0x13A30]  }
0x142: {  	v13 =	vld [tilespmem:s2+$0x189C0];
	[tilespmem:s8+$0x139D0] =	vst v12;
	v5 =	vmul.f32 v5, v10  }
0x143: {  	v12 =	vld [tilespmem:s2+$0x189D0];
	[tilespmem:s8+$0x139E0] =	vst v6;
	v4 =	vmul.f32 v4, v9  }
0x144: {  	v6 =	vld [tilespmem:s2+$0x189E0];
	[tilespmem:s8+$0x139F0] =	vst v5;
	v3 =	vmul.f32 v3, v7  }
0x145: {  	v5 =	vld [tilespmem:s2+$0x189F0];
	[tilespmem:s8+$0x13A00] =	vst v4;
	v2 =	vmul.f32 v2, v8  }
0x146: {  	v4 =	vld [tilespmem:s2+$0x18A00];
	[tilespmem:s8+$0x13A10] =	vst v3;
	v1 =	vmul.f32 v1, v11  }
0x147: {  	v3 =	vld [tilespmem:s2+$0x18A10];
	[tilespmem:s8+$0x13A20] =	vst v2  }
0x148: {  	v2 =	vld [tilespmem:s2+$0x18A20];
	[tilespmem:s8+$0x13A30] =	vst v1;
	s8 =	smov.u32 s2  }
0x149: {  	v1 =	vld [tilespmem:s8+$0x18A30]  }
0x14a: {  	v7 =	vld [tilespmem:s8+$0x139C0]  }
0x14b: {  	v8 =	vld [tilespmem:s8+$0x139D0]  }
.Ltmp4:
0x14c: {  	v11 =	vld [tilespmem:s8+$0x139E0];
	(pc) =	sbr.rel @p0 .LBB2_10-.Ltmp4, $4  }
0x14d: {  	v10 =	vld [tilespmem:s8+$0x139F0]  }
0x14e: {  	v9 =	vld [tilespmem:s8+$0x13A00]  }
0x14f: {  	v13 =	vmul.f32 v13, v7;
	v7 =	vld [tilespmem:s8+$0x13A10]  }
0x150: {  	s9 =	sadd.s32 $0x200, s9;
	v12 =	vmul.f32 v12, v8;
	v8 =	vld [tilespmem:s8+$0x13A20]  }
0x151: {  	[tilespmem:s8+$0x139C0] =	vst v13;
	v6 =	vmul.f32 v6, v11;
	v63 =	vld [tilespmem:s8+$0x13A30]  }
0x152: {  	[tilespmem:s8+$0x139D0] =	vst v12;
	v5 =	vmul.f32 v5, v10  }
0x153: {  	[tilespmem:s8+$0x139E0] =	vst v6;
	v4 =	vmul.f32 v4, v9  }
0x154: {  	[tilespmem:s8+$0x139F0] =	vst v5;
	v3 =	vmul.f32 v3, v7  }
0x155: {  	[tilespmem:s8+$0x13A00] =	vst v4;
	v2 =	vmul.f32 v2, v8  }
0x156: {  	[tilespmem:s8+$0x13A10] =	vst v3;
	v1 =	vmul.f32 v1, v63  }
0x157: {  	[tilespmem:s8+$0x13A20] =	vst v2  }
0x158: {  	[tilespmem:s8+$0x13A30] =	vst v1  }
0x159: {  	[spmem:s1] =	stream.indirect.scatter.add.f32 [tilespmem:s29], [sflag:$0x9], $0x80, s22, s28, $0xb8;
	[tilespmem:$0x1E640] =	vst v63  }
0x15a: {  	_ =	swait.ge [sflag:s20], $0x2800  }
0x15b: {  	[sflag:s20] =	ssyncset.done $0x0  }
0x15c: {  	[sflag:s20] =	ssyncadd.s32 $0xFFFFD800  }
0x15d: {  	_ =	swait.ge [sflag:s31], $0x50  }
0x15e: {  	[sflag:s31] =	ssyncset.done $0x0  }
0x15f: {  	[sflag:s31] =	ssyncadd.s32 $0xFFFFFFB0  }
0x160: {  	_ =	swait.ge [sflag:s0], $0x50  }
0x161: {  	[sflag:s0] =	ssyncset.done $0x0  }
0x162: {  	[sflag:s0] =	ssyncadd.s32 $0xFFFFFFB0  }
0x163: {  	s2 =	stileid.u32;
	[bflag:$0x0] =	sbarrier.arrive $0xFFFF  }
0x164: {  	s2 =	sshll.u32 s2, $0x6;
	s15 =	rddreg [dreg:$0x3]  }
0x165: {  	s2 =	sor.u32 $0x1C09, s2;
	s9 =	rddreg [dreg:$0x10];
	s30 =	sshrl.u32 s15, $0x3  }
0x166: {  	[hbm:s9], [sflag:s2] =	dma.local [spmem:s30], $0x2710  }
0x167: {  	_ =	swait.ge [sflag:s20], $0x2710  }
0x168: {  	s19 =	sld [smem:$0x7FA]  }
0x169: {  	s30 =	sld [smem:$0x7FD];
	_ =	sdelay $0x1  }
0x16a: {  	s8 =	sadd.s32 $0x1, s19  }
0x16b: {  	p0 =	sne.s32 s8, s30  }
.Ltmp5:
0x16c: {  	_ = 	snop;
	(pc) =	sbr.rel @p0 .LBB2_1-.Ltmp5, $3  }
0x16d: {  	_ =	sdelay $0x1  }
0x16e: {  	[sflag:s20] =	ssyncset.done $0x0  }
0x16f: {  	[sflag:s20] =	ssyncadd.s32 $0xFFFFD8F0  }
0x170: {  	_ =	sfence.sel $0x180000  }
0x171: {  	[bflag:$0x0] =	sbarrier.arrive $0xFFFF  }
0x172: {  	_ =	strace $0x9000004D  }
0x173: {  	s0 =	stileid.u32;
	[bflag:$0x2] =	sbarrier.arrive $0xFFFF  }
0x174: {  	p0 =	sne.s32 s0, $0x0;
	s0 =	rddreg [dreg:$0x2]  }
0x175: {  	s0 =	sadd.s32 @!p0 $0x100000, s0  }
0x176: {  	[sflag:s0] =	ssyncadd.tile.s32 @!p0 $0x1;
	_ =	shalt  }
.Lfunc_end2:
_tile_overlayer_lowered:
.L_overlay_start_2:
0x177: {  	(tag) =	ssettag $0x2  }
0x178: {  	s0 =	rddreg [dreg:$0x0];
	s2 =	stileid.u32  }
0x179: {  	s1 =	rddreg [dreg:$0x1];
	p0 =	sne.s32 s2, $0x0  }
0x17a: {  	s3 =	rddreg [dreg:$0x2];
	[bflag:$0x3] =	sbarrier.arrive $0xFFFF;
	s2 =	simm.s32 @!p0 $0x1C09  }
0x17b: {  	[timem:s3], [sflag:s2] =	dma.local @!p0 [hbm:s0], s1  }
0x17c: {  	s0 =	simm.s32 @!p0 $0x9  }
0x17d: {  	_ =	swait.ge @!p0 [sflag:s0], s1  }
0x17e: {  	s1 =	ssub.s32 @!p0 $0x0, s1;
	[sflag:s0] =	ssyncset.done @!p0 $0x0  }
0x17f: {  	[sflag:s0] =	ssyncadd.s32 @!p0 s1  }
0x180: {  	[bflag:$0x3] =	sbarrier.arrive $0xFFFF  }
0x181: {  	_ =	shalt  }

</sc_bundles>
